<compile_context>
chip_gen: v7x
topology: tpu7x:2x2x1
jax: 0.10.2.dev20260603
libtpu: 0.0.44.dev20260713+nightly
codegen_flags: <defaults>
</compile_context>

<pallas_src>
import functools

import jax
import jax.numpy as jnp
from jax import lax
from jax.experimental import pallas as pl
from jax.experimental.pallas import tpu as pltpu
from jax.experimental.pallas import tpu_sc as plsc

K = 16


def _tc_body(pall_ref, msf_ref, gf_ref, w0gT_ref, w0mT_ref, w1T_ref, b0_ref,
             b1_ref, zT_ref, idx_ref):
    P = pall_ref[...]
    B, C, N = msf_ref.shape
    BN = P.shape[0]

    blocks = []
    for b in range(B):
        X = msf_ref[b]
        Pb = P[b * N:(b + 1) * N]
        G = lax.dot_general(Pb, X, (((1,), (0,)), ((), ())),
                            preferred_element_type=jnp.float32)
        sqc = jnp.sum(Pb * Pb, axis=1, keepdims=True)
        sqr = jnp.sum(X * X, axis=0, keepdims=True)
        blocks.append(sqc + sqr - 2.0 * G)
    d2 = jnp.concatenate(blocks, axis=0)

    acc0 = jnp.zeros((BN, K), dtype=jnp.int32)

    def step(t, carry):
        d2c, acc = carry
        iota = lax.broadcasted_iota(jnp.int32, (BN, N), 1)
        lane_k = lax.broadcasted_iota(jnp.int32, (BN, K), 1)
        m = jnp.min(d2c, axis=1, keepdims=True)
        am = jnp.min(jnp.where(d2c <= m, iota, N), axis=1,
                     keepdims=True)
        acc = jnp.where(lane_k == t, am, acc)
        d2c = jnp.where(iota == am, jnp.inf, d2c)
        return d2c, acc

    d2f, acc = lax.fori_loop(0, K - 1, step, (d2, acc0))
    iota = lax.broadcasted_iota(jnp.int32, (BN, N), 1)
    lane_k = lax.broadcasted_iota(jnp.int32, (BN, K), 1)
    mF = jnp.min(d2f, axis=1, keepdims=True)
    amF = jnp.min(jnp.where(d2f <= mF, iota, N), axis=1, keepdims=True)
    acc = jnp.where(lane_k == K - 1, amF, acc)
    roff = lax.broadcasted_iota(jnp.int32, (BN, K), 0) // N * N
    idx_ref[...] = acc + roff

    g0 = lax.dot_general(gf_ref[...], w0gT_ref[...], (((1,), (0,)), ((), ())),
                         preferred_element_type=jnp.float32)
    H = g0.shape[1]
    g0b = jnp.concatenate(
        [jnp.broadcast_to(g0[b:b + 1], (N, H)) for b in range(B)], axis=0)
    h = lax.dot_general(P, w0mT_ref[...], (((1,), (0,)), ((), ())),
                        preferred_element_type=jnp.float32)
    h = jnp.maximum(h + g0b + b0_ref[...], 0.0)
    z = lax.dot_general(h, w1T_ref[...], (((1,), (0,)), ((), ())),
                        preferred_element_type=jnp.float32)
    zT_ref[...] = jnp.maximum(z + b1_ref[...], 0.0)


def _tc_call(pall, msf, gf, w0gT, w0mT, w1T, b0r, b1r):
    BN, C = pall.shape
    B = msf.shape[0]
    H = w0mT.shape[1]
    O = w1T.shape[1]
    Cg = gf.shape[1]
    full = lambda shape: pl.BlockSpec(shape, lambda: (0,) * len(shape))
    return pl.pallas_call(
        _tc_body,
        in_specs=[
            full((BN, C)),
            full((B, C, BN // B)),
            full((B, Cg)),
            full((Cg, H)),
            full((C, H)),
            full((H, O)),
            full((1, H)),
            full((1, O)),
        ],
        out_specs=[
            full((BN, O)),
            full((BN, K)),
        ],
        out_shape=[
            jax.ShapeDtypeStruct((BN, O), jnp.float32),
            jax.ShapeDtypeStruct((BN, K), jnp.int32),
        ],
    )(pall, msf, gf, w0gT, w0mT, w1T, b0r, b1r)


_NC, _NS, _L = 2, 16, 16
_NW = _NC * _NS


def _sc_gather_max(idx_flat, z_packed, D):
    PTS, DW = z_packed.shape
    PPW = PTS // _NW
    CP = 8
    NCH = PPW // CP
    ROWS = CP * K
    mesh = plsc.VectorSubcoreMesh(core_axis_name="c", subcore_axis_name="s")

    @functools.partial(
        pl.kernel, mesh=mesh,
        out_type=jax.ShapeDtypeStruct((PTS, D), jnp.float32),
        scratch_types=[
            pltpu.VMEM((PPW * K,), jnp.int32),
            pltpu.VMEM((ROWS, DW), jnp.int32),
            pltpu.VMEM((ROWS, DW), jnp.int32),
            pltpu.VMEM((CP, D), jnp.float32),
            pltpu.SemaphoreType.DMA,
            pltpu.SemaphoreType.DMA,
        ],
    )
    def body(idx_hbm, z_hbm, out_hbm, idx_v, rows0, rows1, outc_v, sem0,
             sem1):
        wid = lax.axis_index("s") * _NC + lax.axis_index("c")
        pltpu.sync_copy(idx_hbm.at[pl.ds(wid * PPW * K, PPW * K)], idx_v)
        bufs = (rows0, rows1)
        sems = (sem0, sem1)
        pltpu.async_copy(z_hbm.at[idx_v.at[pl.ds(0, ROWS)]], rows0, sem0)

        def pair(i, _):
            for par in range(2):
                c = i * 2 + par
                rows_v = bufs[par]
                @pl.when(c + 1 < NCH)
                def _():
                    pltpu.async_copy(
                        z_hbm.at[idx_v.at[pl.ds((c + 1) * ROWS, ROWS)]],
                        bufs[1 - par], sems[1 - par])

                pltpu.make_async_copy(
                    z_hbm.at[idx_v.at[pl.ds(c * ROWS, ROWS)]], rows_v,
                    sems[par]).wait()

                def point(p, _):
                    for g in range(DW // _L):
                        ws = [rows_v[p * K + r, g * _L:(g + 1) * _L]
                              for r in range(K)]
                        los = [lax.bitcast_convert_type(w << 16, jnp.float32)
                               for w in ws]
                        his = [lax.bitcast_convert_type(
                                   w & jnp.int32(-65536), jnp.float32)
                               for w in ws]
                        for vs, half in ((los, 0), (his, 1)):
                            while len(vs) > 1:
                                vs = [jnp.maximum(vs[i], vs[i + 1])
                                      for i in range(0, len(vs), 2)]
                            outc_v[p, (g * 2 + half) * _L:
                                   (g * 2 + half + 1) * _L] = vs[0]
                    return 0

                lax.fori_loop(0, CP, point, 0)
                pltpu.sync_copy(outc_v,
                                out_hbm.at[pl.ds(wid * PPW + c * CP, CP)])
            return 0

        lax.fori_loop(0, NCH // 2, pair, 0)

    return body(idx_flat, z_packed)


def kernel(global_feature, msf, W0, b0, W1, b1):
    B, C, N = msf.shape
    Cg = global_feature.shape[1]
    pall = jnp.transpose(msf, (0, 2, 1)).reshape(B * N, C)
    w0gT = jnp.transpose(W0[:, :Cg])
    w0mT = jnp.transpose(W0[:, Cg:])
    w1T = jnp.transpose(W1)
    zT, idx = _tc_call(pall, msf, global_feature, w0gT, w0mT, w1T,
                       b0[None, :], b1[None, :])
    D = zT.shape[-1]
    zb = zT.astype(jnp.bfloat16)
    zp = zb.reshape(B * N, D // 32, 2, 16).transpose(0, 1, 3, 2)
    zp = jax.lax.bitcast_convert_type(zp, jnp.int32).reshape(B * N, D // 2)
    out = _sc_gather_max(idx.reshape(-1), zp, D)
    return jnp.transpose(out.reshape(B, N, D), (0, 2, 1))

# --- scband reference (transcript-rebuilt; emitter-appended) ---
"""Pipeline reference for scband-lfam-70952859730212 (READ-ONLY COPY).

The authoritative reference and input builder live on the scoring server;
editing this copy changes nothing except your own understanding.
"""

import jax, jax.numpy as jnp
import numpy as np

NSAMPLE = 16

def setup_inputs(seed: int = 0) -> dict:
    key = jax.random.key(seed)
    ks = jax.random.split(key, 4)
    B, Cg, Cm, N = 2, 1024, 256, 1024
    global_feature = jax.random.normal(ks[0], (B, Cg), dtype=jnp.float32)
    msf = jax.random.normal(ks[1], (B, Cm, N), dtype=jnp.float32)
    cin = Cg + Cm
    W0 = jax.random.normal(ks[2], (512, cin), dtype=jnp.float32) * 0.02
    b0 = jnp.zeros((512,), dtype=jnp.float32)
    W1 = jax.random.normal(ks[3], (256, 512), dtype=jnp.float32) * 0.02
    b1 = jnp.zeros((256,), dtype=jnp.float32)
    return {"global_feature": global_feature, "msf": msf, "W0": W0, "b0": b0, "W1": W1, "b1": b1}

def _knn_idx(msf, k):
    # msf: [B, C, N]; points are the N columns in C-dim space
    pts = jnp.transpose(msf, (0, 2, 1))  # [B, N, C]
    sq = jnp.sum(pts * pts, axis=-1)  # [B, N]
    d2 = sq[:, :, None] + sq[:, None, :] - 2.0 * jnp.einsum('bic,bjc->bij', pts, pts)
    _, idx = jax.lax.top_k(-d2, k)  # nearest k (self included)
    return idx  # [B, N, k]

def reference(global_feature, msf, W0, b0, W1, b1):
    B, Cm, N = msf.shape
    k = NSAMPLE
    idx = _knn_idx(msf, k)
    # grouped_points[b, c, i, j] = msf[b, c, idx[b, i, j]]
    grouped = jax.vmap(lambda m, ix: m[:, ix])(msf, idx)  # [B, Cm, N, k]
    Cg = global_feature.shape[1]
    grep = jnp.broadcast_to(global_feature[:, :, None, None], (B, Cg, N, k))
    cat = jnp.concatenate([grep, grouped], axis=1)  # [B, Cg+Cm, N, k]
    # mlp_2d: two 1x1 Conv2d layers, each followed by ReLU
    h = jax.nn.relu(jnp.einsum('oc,bcnk->bonk', W0, cat) + b0[None, :, None, None])
    h = jax.nn.relu(jnp.einsum('oc,bcnk->bonk', W1, h) + b1[None, :, None, None])
    return jnp.max(h, axis=-1)  # [B, 256, N]

if __name__ == "__main__":
    import jax
    _d = setup_inputs()
    print(jax.jit(kernel)(*tuple(_d.values())))

</pallas_src>

<mosaic_0001>
#map = affine_map<(d0, d1) -> (0)>
#map1 = affine_map<(d0, d1) -> (0, 0)>
module attributes {stable_mosaic.version = 14 : i64} {
  func.func @body(%arg0: i32, %arg1: i32, %arg2: memref<32768xi32, #tpu.memory_space<hbm>>, %arg3: memref<2048x128xi32, #tpu.memory_space<hbm>>, %arg4: memref<2048x256xf32, #tpu.memory_space<hbm>>, %arg5: memref<1024xi32, #tpu.memory_space<vmem>>, %arg6: memref<128x128xi32, #tpu.memory_space<vmem>>, %arg7: memref<128x128xi32, #tpu.memory_space<vmem>>, %arg8: memref<8x256xf32, #tpu.memory_space<vmem>>, %arg9: memref<!tpu.dma_semaphore, #tpu.memory_space<semaphore_mem>>, %arg10: memref<!tpu.dma_semaphore, #tpu.memory_space<semaphore_mem>>) attributes {dimension_semantics = [#tpu.dimension_semantics<core_parallel>, #tpu.dimension_semantics<subcore_parallel>], iteration_bounds = array<i64: 2, 16>, scalar_prefetch = 0 : i64, scratch_operands = 6 : i64, tpu.core_type = #tpu.core_type<sc_vector_subcore>, window_params = [{transform_indices = #map}, {transform_indices = #map1}, {transform_indices = #map1}]} {
    %mul3A = arith.constant 2 : i32
    %mul3A_0 = arith.muli %arg1, %mul3A : i32
    %add3A = arith.addi %mul3A_0, %arg0 : i32
    %mul3A_1 = arith.constant 64 : i32
    %mul3A_2 = arith.muli %add3A, %mul3A_1 : i32
    %mul3A_3 = arith.constant 16 : i32
    %mul3A_4 = arith.muli %mul3A_2, %mul3A_3 : i32
    "tpu.region"() ({
      %run_scoped3A = tpu.sem_alloc : memref<!tpu.dma_semaphore, #tpu.memory_space<semaphore_mem>>
      %dma_start3A_15 = tpu.memref_slice %arg2[%mul3A_4] : memref<32768xi32, #tpu.memory_space<hbm>> -> memref<1024xi32, #tpu.memory_space<hbm>>
      %dma_start3A_16 = tpu.memref_slice %arg2[%mul3A_4] : memref<32768xi32, #tpu.memory_space<hbm>> -> memref<1024xi32, #tpu.memory_space<hbm>>
      tpu.enqueue_dma source(%dma_start3A_16 : memref<1024xi32, #tpu.memory_space<hbm>>) target(%arg5 : memref<1024xi32, #tpu.memory_space<vmem>>) target_semaphore(%run_scoped3A : memref<!tpu.dma_semaphore, #tpu.memory_space<semaphore_mem>>)
      %dma_wait3A = tpu.memref_slice %arg2[%mul3A_4] : memref<32768xi32, #tpu.memory_space<hbm>> -> memref<1024xi32, #tpu.memory_space<hbm>>
      %dma_wait3A_17 = tpu.memref_slice %arg2[%mul3A_4] : memref<32768xi32, #tpu.memory_space<hbm>> -> memref<1024xi32, #tpu.memory_space<hbm>>
      tpu.wait_dma2 semaphore(%run_scoped3A : memref<!tpu.dma_semaphore, #tpu.memory_space<semaphore_mem>>) src(%dma_wait3A_17 : memref<1024xi32, #tpu.memory_space<hbm>>) dst(%arg5 : memref<1024xi32, #tpu.memory_space<vmem>>)
      tpu.yield
    }) : () -> ()
    %dma_start3A = arith.constant 0 : i32
    %dma_start3A_5 = tpu.memref_slice %arg5[%dma_start3A] : memref<1024xi32, #tpu.memory_space<vmem>> -> memref<128xi32, #tpu.memory_space<vmem>>
    %dma_start3A_6 = arith.constant 0 : i32
    %dma_start3A_7 = arith.constant 0 : i32
    %dma_start3A_8 = tpu.memref_slice %arg3[%dma_start3A_6, %dma_start3A_7] : memref<2048x128xi32, #tpu.memory_space<hbm>> -> memref<2048x128xi32, #tpu.memory_space<hbm>>
    tpu.enqueue_indirect_dma source(%dma_start3A_8 : memref<2048x128xi32, #tpu.memory_space<hbm>>) target(%arg6 : memref<128x128xi32, #tpu.memory_space<vmem>>) offsets(%dma_start3A_5 : memref<128xi32, #tpu.memory_space<vmem>>) semaphore(%arg9 : memref<!tpu.dma_semaphore, #tpu.memory_space<semaphore_mem>>)
    %scan3A = arith.constant 0 : i32
    %scan3A_9 = arith.constant 0 : i32
    %scan3A_10 = arith.constant 4 : i32
    %scan3A_11 = arith.addi %scan3A_9, %scan3A_10 : i32
    %scan3A_12 = arith.constant 1 : i32
    %scan3A_13 = scf.for %scan3A_15 = %scan3A_9 to %scan3A_11 step %scan3A_12 iter_args(%scan3A_16 = %scan3A) -> (i32)  : i32 {
      %mul3A_17 = arith.constant 2 : i32
      %mul3A_18 = arith.muli %scan3A_15, %mul3A_17 : i32
      %add3A_19 = arith.constant 0 : i32
      %add3A_20 = arith.addi %mul3A_18, %add3A_19 : i32
      %add3A_21 = arith.constant 1 : i32
      %add3A_22 = arith.addi %add3A_20, %add3A_21 : i32
      %lt3A = arith.constant 8 : i32
      %lt3A_23 = arith.cmpi slt, %add3A_22, %lt3A : i32
      %convert_element_type3A = arith.extui %lt3A_23 : i1 to i32
      %cond3A = arith.constant 0 : i32
      %cond3A_24 = arith.cmpi ne, %convert_element_type3A, %cond3A : i32
      scf.if %cond3A_24 {
        %add3A_72 = arith.constant 1 : i32
        %add3A_73 = arith.addi %add3A_20, %add3A_72 : i32
        %mul3A_74 = arith.constant 128 : i32
        %mul3A_75 = arith.muli %add3A_73, %mul3A_74 : i32
        %dma_start3A_76 = tpu.memref_slice %arg5[%mul3A_75] : memref<1024xi32, #tpu.memory_space<vmem>> -> memref<128xi32, #tpu.memory_space<vmem>>
        %dma_start3A_77 = arith.constant 0 : i32
        %dma_start3A_78 = arith.constant 0 : i32
        %dma_start3A_79 = tpu.memref_slice %arg3[%dma_start3A_77, %dma_start3A_78] : memref<2048x128xi32, #tpu.memory_space<hbm>> -> memref<2048x128xi32, #tpu.memory_space<hbm>>
        tpu.enqueue_indirect_dma source(%dma_start3A_79 : memref<2048x128xi32, #tpu.memory_space<hbm>>) target(%arg7 : memref<128x128xi32, #tpu.memory_space<vmem>>) offsets(%dma_start3A_76 : memref<128xi32, #tpu.memory_space<vmem>>) semaphore(%arg10 : memref<!tpu.dma_semaphore, #tpu.memory_space<semaphore_mem>>)
      } else {
      }
      %mul3A_25 = arith.constant 128 : i32
      %mul3A_26 = arith.muli %add3A_20, %mul3A_25 : i32
      %dma_wait3A = tpu.memref_slice %arg5[%mul3A_26] : memref<1024xi32, #tpu.memory_space<vmem>> -> memref<128xi32, #tpu.memory_space<vmem>>
      %dma_wait3A_27 = arith.constant 0 : i32
      %dma_wait3A_28 = arith.constant 0 : i32
      %dma_wait3A_29 = tpu.memref_slice %arg3[%dma_wait3A_27, %dma_wait3A_28] : memref<2048x128xi32, #tpu.memory_space<hbm>> -> memref<2048x128xi32, #tpu.memory_space<hbm>>
      tpu.wait_indirect_dma semaphore(%arg9 : memref<!tpu.dma_semaphore, #tpu.memory_space<semaphore_mem>>) src(%dma_wait3A_29 : memref<2048x128xi32, #tpu.memory_space<hbm>>) dst(%arg6 : memref<128x128xi32, #tpu.memory_space<vmem>>)
      %scan3A_30 = arith.constant 0 : i32
      %scan3A_31 = arith.constant 0 : i32
      %scan3A_32 = arith.constant 8 : i32
      %scan3A_33 = arith.addi %scan3A_31, %scan3A_32 : i32
      %scan3A_34 = arith.constant 1 : i32
      %scan3A_35 = scf.for %scan3A_72 = %scan3A_31 to %scan3A_33 step %scan3A_34 iter_args(%scan3A_73 = %scan3A_30) -> (i32)  : i32 {
        %mul3A_74 = arith.constant 16 : i32
        %mul3A_75 = arith.muli %scan3A_72, %mul3A_74 : i32
        %add3A_76 = arith.constant 0 : i32
        %add3A_77 = arith.addi %mul3A_75, %add3A_76 : i32
        %get3A = arith.index_cast %add3A_77 : i32 to index
        %get3A_78 = arith.constant 0 : index
        %get3A_79 = tpu.vector_load %arg6[%get3A, %get3A_78] {strides = array<i32>} : memref<128x128xi32, #tpu.memory_space<vmem>>, vector<1x16xi32>,
        %get3A_80 = vector.shape_cast %get3A_79 : vector<1x16xi32> to vector<16xi32>
        %mul3A_81 = arith.constant 16 : i32
        %mul3A_82 = arith.muli %scan3A_72, %mul3A_81 : i32
        %add3A_83 = arith.constant 1 : i32
        %add3A_84 = arith.addi %mul3A_82, %add3A_83 : i32
        %get3A_85 = arith.index_cast %add3A_84 : i32 to index
        %get3A_86 = arith.constant 0 : index
        %get3A_87 = tpu.vector_load %arg6[%get3A_85, %get3A_86] {strides = array<i32>} : memref<128x128xi32, #tpu.memory_space<vmem>>, vector<1x16xi32>,
        %get3A_88 = vector.shape_cast %get3A_87 : vector<1x16xi32> to vector<16xi32>
        %mul3A_89 = arith.constant 16 : i32
        %mul3A_90 = arith.muli %scan3A_72, %mul3A_89 : i32
        %add3A_91 = arith.constant 2 : i32
        %add3A_92 = arith.addi %mul3A_90, %add3A_91 : i32
        %get3A_93 = arith.index_cast %add3A_92 : i32 to index
        %get3A_94 = arith.constant 0 : index
        %get3A_95 = tpu.vector_load %arg6[%get3A_93, %get3A_94] {strides = array<i32>} : memref<128x128xi32, #tpu.memory_space<vmem>>, vector<1x16xi32>,
        %get3A_96 = vector.shape_cast %get3A_95 : vector<1x16xi32> to vector<16xi32>
        %mul3A_97 = arith.constant 16 : i32
        %mul3A_98 = arith.muli %scan3A_72, %mul3A_97 : i32
        %add3A_99 = arith.constant 3 : i32
        %add3A_100 = arith.addi %mul3A_98, %add3A_99 : i32
        %get3A_101 = arith.index_cast %add3A_100 : i32 to index
        %get3A_102 = arith.constant 0 : index
        %get3A_103 = tpu.vector_load %arg6[%get3A_101, %get3A_102] {strides = array<i32>} : memref<128x128xi32, #tpu.memory_space<vmem>>, vector<1x16xi32>,
        %get3A_104 = vector.shape_cast %get3A_103 : vector<1x16xi32> to vector<16xi32>
        %mul3A_105 = arith.constant 16 : i32
        %mul3A_106 = arith.muli %scan3A_72, %mul3A_105 : i32
        %add3A_107 = arith.constant 4 : i32
        %add3A_108 = arith.addi %mul3A_106, %add3A_107 : i32
        %get3A_109 = arith.index_cast %add3A_108 : i32 to index
        %get3A_110 = arith.constant 0 : index
        %get3A_111 = tpu.vector_load %arg6[%get3A_109, %get3A_110] {strides = array<i32>} : memref<128x128xi32, #tpu.memory_space<vmem>>, vector<1x16xi32>,
        %get3A_112 = vector.shape_cast %get3A_111 : vector<1x16xi32> to vector<16xi32>
        %mul3A_113 = arith.constant 16 : i32
        %mul3A_114 = arith.muli %scan3A_72, %mul3A_113 : i32
        %add3A_115 = arith.constant 5 : i32
        %add3A_116 = arith.addi %mul3A_114, %add3A_115 : i32
        %get3A_117 = arith.index_cast %add3A_116 : i32 to index
        %get3A_118 = arith.constant 0 : index
        %get3A_119 = tpu.vector_load %arg6[%get3A_117, %get3A_118] {strides = array<i32>} : memref<128x128xi32, #tpu.memory_space<vmem>>, vector<1x16xi32>,
        %get3A_120 = vector.shape_cast %get3A_119 : vector<1x16xi32> to vector<16xi32>
        %mul3A_121 = arith.constant 16 : i32
        %mul3A_122 = arith.muli %scan3A_72, %mul3A_121 : i32
        %add3A_123 = arith.constant 6 : i32
        %add3A_124 = arith.addi %mul3A_122, %add3A_123 : i32
        %get3A_125 = arith.index_cast %add3A_124 : i32 to index
        %get3A_126 = arith.constant 0 : index
        %get3A_127 = tpu.vector_load %arg6[%get3A_125, %get3A_126] {strides = array<i32>} : memref<128x128xi32, #tpu.memory_space<vmem>>, vector<1x16xi32>,
        %get3A_128 = vector.shape_cast %get3A_127 : vector<1x16xi32> to vector<16xi32>
        %mul3A_129 = arith.constant 16 : i32
        %mul3A_130 = arith.muli %scan3A_72, %mul3A_129 : i32
        %add3A_131 = arith.constant 7 : i32
        %add3A_132 = arith.addi %mul3A_130, %add3A_131 : i32
        %get3A_133 = arith.index_cast %add3A_132 : i32 to index
        %get3A_134 = arith.constant 0 : index
        %get3A_135 = tpu.vector_load %arg6[%get3A_133, %get3A_134] {strides = array<i32>} : memref<128x128xi32, #tpu.memory_space<vmem>>, vector<1x16xi32>,
        %get3A_136 = vector.shape_cast %get3A_135 : vector<1x16xi32> to vector<16xi32>
        %mul3A_137 = arith.constant 16 : i32
        %mul3A_138 = arith.muli %scan3A_72, %mul3A_137 : i32
        %add3A_139 = arith.constant 8 : i32
        %add3A_140 = arith.addi %mul3A_138, %add3A_139 : i32
        %get3A_141 = arith.index_cast %add3A_140 : i32 to index
        %get3A_142 = arith.constant 0 : index
        %get3A_143 = tpu.vector_load %arg6[%get3A_141, %get3A_142] {strides = array<i32>} : memref<128x128xi32, #tpu.memory_space<vmem>>, vector<1x16xi32>,
        %get3A_144 = vector.shape_cast %get3A_143 : vector<1x16xi32> to vector<16xi32>
        %mul3A_145 = arith.constant 16 : i32
        %mul3A_146 = arith.muli %scan3A_72, %mul3A_145 : i32
        %add3A_147 = arith.constant 9 : i32
        %add3A_148 = arith.addi %mul3A_146, %add3A_147 : i32
        %get3A_149 = arith.index_cast %add3A_148 : i32 to index
        %get3A_150 = arith.constant 0 : index
        %get3A_151 = tpu.vector_load %arg6[%get3A_149, %get3A_150] {strides = array<i32>} : memref<128x128xi32, #tpu.memory_space<vmem>>, vector<1x16xi32>,
        %get3A_152 = vector.shape_cast %get3A_151 : vector<1x16xi32> to vector<16xi32>
        %mul3A_153 = arith.constant 16 : i32
        %mul3A_154 = arith.muli %scan3A_72, %mul3A_153 : i32
        %add3A_155 = arith.constant 10 : i32
        %add3A_156 = arith.addi %mul3A_154, %add3A_155 : i32
        %get3A_157 = arith.index_cast %add3A_156 : i32 to index
        %get3A_158 = arith.constant 0 : index
        %get3A_159 = tpu.vector_load %arg6[%get3A_157, %get3A_158] {strides = array<i32>} : memref<128x128xi32, #tpu.memory_space<vmem>>, vector<1x16xi32>,
        %get3A_160 = vector.shape_cast %get3A_159 : vector<1x16xi32> to vector<16xi32>
        %mul3A_161 = arith.constant 16 : i32
        %mul3A_162 = arith.muli %scan3A_72, %mul3A_161 : i32
        %add3A_163 = arith.constant 11 : i32
        %add3A_164 = arith.addi %mul3A_162, %add3A_163 : i32
        %get3A_165 = arith.index_cast %add3A_164 : i32 to index
        %get3A_166 = arith.constant 0 : index
        %get3A_167 = tpu.vector_load %arg6[%get3A_165, %get3A_166] {strides = array<i32>} : memref<128x128xi32, #tpu.memory_space<vmem>>, vector<1x16xi32>,
        %get3A_168 = vector.shape_cast %get3A_167 : vector<1x16xi32> to vector<16xi32>
        %mul3A_169 = arith.constant 16 : i32
        %mul3A_170 = arith.muli %scan3A_72, %mul3A_169 : i32
        %add3A_171 = arith.constant 12 : i32
        %add3A_172 = arith.addi %mul3A_170, %add3A_171 : i32
        %get3A_173 = arith.index_cast %add3A_172 : i32 to index
        %get3A_174 = arith.constant 0 : index
        %get3A_175 = tpu.vector_load %arg6[%get3A_173, %get3A_174] {strides = array<i32>} : memref<128x128xi32, #tpu.memory_space<vmem>>, vector<1x16xi32>,
        %get3A_176 = vector.shape_cast %get3A_175 : vector<1x16xi32> to vector<16xi32>
        %mul3A_177 = arith.constant 16 : i32
        %mul3A_178 = arith.muli %scan3A_72, %mul3A_177 : i32
        %add3A_179 = arith.constant 13 : i32
        %add3A_180 = arith.addi %mul3A_178, %add3A_179 : i32
        %get3A_181 = arith.index_cast %add3A_180 : i32 to index
        %get3A_182 = arith.constant 0 : index
        %get3A_183 = tpu.vector_load %arg6[%get3A_181, %get3A_182] {strides = array<i32>} : memref<128x128xi32, #tpu.memory_space<vmem>>, vector<1x16xi32>,
        %get3A_184 = vector.shape_cast %get3A_183 : vector<1x16xi32> to vector<16xi32>
        %mul3A_185 = arith.constant 16 : i32
        %mul3A_186 = arith.muli %scan3A_72, %mul3A_185 : i32
        %add3A_187 = arith.constant 14 : i32
        %add3A_188 = arith.addi %mul3A_186, %add3A_187 : i32
        %get3A_189 = arith.index_cast %add3A_188 : i32 to index
        %get3A_190 = arith.constant 0 : index
        %get3A_191 = tpu.vector_load %arg6[%get3A_189, %get3A_190] {strides = array<i32>} : memref<128x128xi32, #tpu.memory_space<vmem>>, vector<1x16xi32>,
        %get3A_192 = vector.shape_cast %get3A_191 : vector<1x16xi32> to vector<16xi32>
        %mul3A_193 = arith.constant 16 : i32
        %mul3A_194 = arith.muli %scan3A_72, %mul3A_193 : i32
        %add3A_195 = arith.constant 15 : i32
        %add3A_196 = arith.addi %mul3A_194, %add3A_195 : i32
        %get3A_197 = arith.index_cast %add3A_196 : i32 to index
        %get3A_198 = arith.constant 0 : index
        %get3A_199 = tpu.vector_load %arg6[%get3A_197, %get3A_198] {strides = array<i32>} : memref<128x128xi32, #tpu.memory_space<vmem>>, vector<1x16xi32>,
        %get3A_200 = vector.shape_cast %get3A_199 : vector<1x16xi32> to vector<16xi32>
        %shift_left3A = arith.constant 16 : i32
        %shift_left3A_201 = vector.broadcast %shift_left3A : i32 to vector<16xi32>
        %shift_left3A_202 = arith.shli %get3A_80, %shift_left3A_201 : vector<16xi32>
        %bitcast_convert_type3A = tpu.bitcast %shift_left3A_202 : vector<16xi32> -> vector<16xf32>
        %shift_left3A_203 = arith.constant 16 : i32
        %shift_left3A_204 = vector.broadcast %shift_left3A_203 : i32 to vector<16xi32>
        %shift_left3A_205 = arith.shli %get3A_88, %shift_left3A_204 : vector<16xi32>
        %bitcast_convert_type3A_206 = tpu.bitcast %shift_left3A_205 : vector<16xi32> -> vector<16xf32>
        %shift_left3A_207 = arith.constant 16 : i32
        %shift_left3A_208 = vector.broadcast %shift_left3A_207 : i32 to vector<16xi32>
        %shift_left3A_209 = arith.shli %get3A_96, %shift_left3A_208 : vector<16xi32>
        %bitcast_convert_type3A_210 = tpu.bitcast %shift_left3A_209 : vector<16xi32> -> vector<16xf32>
        %shift_left3A_211 = arith.constant 16 : i32
        %shift_left3A_212 = vector.broadcast %shift_left3A_211 : i32 to vector<16xi32>
        %shift_left3A_213 = arith.shli %get3A_104, %shift_left3A_212 : vector<16xi32>
        %bitcast_convert_type3A_214 = tpu.bitcast %shift_left3A_213 : vector<16xi32> -> vector<16xf32>
        %shift_left3A_215 = arith.constant 16 : i32
        %shift_left3A_216 = vector.broadcast %shift_left3A_215 : i32 to vector<16xi32>
        %shift_left3A_217 = arith.shli %get3A_112, %shift_left3A_216 : vector<16xi32>
        %bitcast_convert_type3A_218 = tpu.bitcast %shift_left3A_217 : vector<16xi32> -> vector<16xf32>
        %shift_left3A_219 = arith.constant 16 : i32
        %shift_left3A_220 = vector.broadcast %shift_left3A_219 : i32 to vector<16xi32>
        %shift_left3A_221 = arith.shli %get3A_120, %shift_left3A_220 : vector<16xi32>
        %bitcast_convert_type3A_222 = tpu.bitcast %shift_left3A_221 : vector<16xi32> -> vector<16xf32>
        %shift_left3A_223 = arith.constant 16 : i32
        %shift_left3A_224 = vector.broadcast %shift_left3A_223 : i32 to vector<16xi32>
        %shift_left3A_225 = arith.shli %get3A_128, %shift_left3A_224 : vector<16xi32>
        %bitcast_convert_type3A_226 = tpu.bitcast %shift_left3A_225 : vector<16xi32> -> vector<16xf32>
        %shift_left3A_227 = arith.constant 16 : i32
        %shift_left3A_228 = vector.broadcast %shift_left3A_227 : i32 to vector<16xi32>
        %shift_left3A_229 = arith.shli %get3A_136, %shift_left3A_228 : vector<16xi32>
        %bitcast_convert_type3A_230 = tpu.bitcast %shift_left3A_229 : vector<16xi32> -> vector<16xf32>
        %shift_left3A_231 = arith.constant 16 : i32
        %shift_left3A_232 = vector.broadcast %shift_left3A_231 : i32 to vector<16xi32>
        %shift_left3A_233 = arith.shli %get3A_144, %shift_left3A_232 : vector<16xi32>
        %bitcast_convert_type3A_234 = tpu.bitcast %shift_left3A_233 : vector<16xi32> -> vector<16xf32>
        %shift_left3A_235 = arith.constant 16 : i32
        %shift_left3A_236 = vector.broadcast %shift_left3A_235 : i32 to vector<16xi32>
        %shift_left3A_237 = arith.shli %get3A_152, %shift_left3A_236 : vector<16xi32>
        %bitcast_convert_type3A_238 = tpu.bitcast %shift_left3A_237 : vector<16xi32> -> vector<16xf32>
        %shift_left3A_239 = arith.constant 16 : i32
        %shift_left3A_240 = vector.broadcast %shift_left3A_239 : i32 to vector<16xi32>
        %shift_left3A_241 = arith.shli %get3A_160, %shift_left3A_240 : vector<16xi32>
        %bitcast_convert_type3A_242 = tpu.bitcast %shift_left3A_241 : vector<16xi32> -> vector<16xf32>
        %shift_left3A_243 = arith.constant 16 : i32
        %shift_left3A_244 = vector.broadcast %shift_left3A_243 : i32 to vector<16xi32>
        %shift_left3A_245 = arith.shli %get3A_168, %shift_left3A_244 : vector<16xi32>
        %bitcast_convert_type3A_246 = tpu.bitcast %shift_left3A_245 : vector<16xi32> -> vector<16xf32>
        %shift_left3A_247 = arith.constant 16 : i32
        %shift_left3A_248 = vector.broadcast %shift_left3A_247 : i32 to vector<16xi32>
        %shift_left3A_249 = arith.shli %get3A_176, %shift_left3A_248 : vector<16xi32>
        %bitcast_convert_type3A_250 = tpu.bitcast %shift_left3A_249 : vector<16xi32> -> vector<16xf32>
        %shift_left3A_251 = arith.constant 16 : i32
        %shift_left3A_252 = vector.broadcast %shift_left3A_251 : i32 to vector<16xi32>
        %shift_left3A_253 = arith.shli %get3A_184, %shift_left3A_252 : vector<16xi32>
        %bitcast_convert_type3A_254 = tpu.bitcast %shift_left3A_253 : vector<16xi32> -> vector<16xf32>
        %shift_left3A_255 = arith.constant 16 : i32
        %shift_left3A_256 = vector.broadcast %shift_left3A_255 : i32 to vector<16xi32>
        %shift_left3A_257 = arith.shli %get3A_192, %shift_left3A_256 : vector<16xi32>
        %bitcast_convert_type3A_258 = tpu.bitcast %shift_left3A_257 : vector<16xi32> -> vector<16xf32>
        %shift_left3A_259 = arith.constant 16 : i32
        %shift_left3A_260 = vector.broadcast %shift_left3A_259 : i32 to vector<16xi32>
        %shift_left3A_261 = arith.shli %get3A_200, %shift_left3A_260 : vector<16xi32>
        %bitcast_convert_type3A_262 = tpu.bitcast %shift_left3A_261 : vector<16xi32> -> vector<16xf32>
        %and3A = arith.constant -65536 : i32
        %and3A_263 = vector.broadcast %and3A : i32 to vector<16xi32>
        %and3A_264 = arith.andi %get3A_80, %and3A_263 : vector<16xi32>
        %bitcast_convert_type3A_265 = tpu.bitcast %and3A_264 : vector<16xi32> -> vector<16xf32>
        %and3A_266 = arith.constant -65536 : i32
        %and3A_267 = vector.broadcast %and3A_266 : i32 to vector<16xi32>
        %and3A_268 = arith.andi %get3A_88, %and3A_267 : vector<16xi32>
        %bitcast_convert_type3A_269 = tpu.bitcast %and3A_268 : vector<16xi32> -> vector<16xf32>
        %and3A_270 = arith.constant -65536 : i32
        %and3A_271 = vector.broadcast %and3A_270 : i32 to vector<16xi32>
        %and3A_272 = arith.andi %get3A_96, %and3A_271 : vector<16xi32>
        %bitcast_convert_type3A_273 = tpu.bitcast %and3A_272 : vector<16xi32> -> vector<16xf32>
        %and3A_274 = arith.constant -65536 : i32
        %and3A_275 = vector.broadcast %and3A_274 : i32 to vector<16xi32>
        %and3A_276 = arith.andi %get3A_104, %and3A_275 : vector<16xi32>
        %bitcast_convert_type3A_277 = tpu.bitcast %and3A_276 : vector<16xi32> -> vector<16xf32>
        %and3A_278 = arith.constant -65536 : i32
        %and3A_279 = vector.broadcast %and3A_278 : i32 to vector<16xi32>
        %and3A_280 = arith.andi %get3A_112, %and3A_279 : vector<16xi32>
        %bitcast_convert_type3A_281 = tpu.bitcast %and3A_280 : vector<16xi32> -> vector<16xf32>
        %and3A_282 = arith.constant -65536 : i32
        %and3A_283 = vector.broadcast %and3A_282 : i32 to vector<16xi32>
        %and3A_284 = arith.andi %get3A_120, %and3A_283 : vector<16xi32>
        %bitcast_convert_type3A_285 = tpu.bitcast %and3A_284 : vector<16xi32> -> vector<16xf32>
        %and3A_286 = arith.constant -65536 : i32
        %and3A_287 = vector.broadcast %and3A_286 : i32 to vector<16xi32>
        %and3A_288 = arith.andi %get3A_128, %and3A_287 : vector<16xi32>
        %bitcast_convert_type3A_289 = tpu.bitcast %and3A_288 : vector<16xi32> -> vector<16xf32>
        %and3A_290 = arith.constant -65536 : i32
        %and3A_291 = vector.broadcast %and3A_290 : i32 to vector<16xi32>
        %and3A_292 = arith.andi %get3A_136, %and3A_291 : vector<16xi32>
        %bitcast_convert_type3A_293 = tpu.bitcast %and3A_292 : vector<16xi32> -> vector<16xf32>
        %and3A_294 = arith.constant -65536 : i32
        %and3A_295 = vector.broadcast %and3A_294 : i32 to vector<16xi32>
        %and3A_296 = arith.andi %get3A_144, %and3A_295 : vector<16xi32>
        %bitcast_convert_type3A_297 = tpu.bitcast %and3A_296 : vector<16xi32> -> vector<16xf32>
        %and3A_298 = arith.constant -65536 : i32
        %and3A_299 = vector.broadcast %and3A_298 : i32 to vector<16xi32>
        %and3A_300 = arith.andi %get3A_152, %and3A_299 : vector<16xi32>
        %bitcast_convert_type3A_301 = tpu.bitcast %and3A_300 : vector<16xi32> -> vector<16xf32>
        %and3A_302 = arith.constant -65536 : i32
        %and3A_303 = vector.broadcast %and3A_302 : i32 to vector<16xi32>
        %and3A_304 = arith.andi %get3A_160, %and3A_303 : vector<16xi32>
        %bitcast_convert_type3A_305 = tpu.bitcast %and3A_304 : vector<16xi32> -> vector<16xf32>
        %and3A_306 = arith.constant -65536 : i32
        %and3A_307 = vector.broadcast %and3A_306 : i32 to vector<16xi32>
        %and3A_308 = arith.andi %get3A_168, %and3A_307 : vector<16xi32>
        %bitcast_convert_type3A_309 = tpu.bitcast %and3A_308 : vector<16xi32> -> vector<16xf32>
        %and3A_310 = arith.constant -65536 : i32
        %and3A_311 = vector.broadcast %and3A_310 : i32 to vector<16xi32>
        %and3A_312 = arith.andi %get3A_176, %and3A_311 : vector<16xi32>
        %bitcast_convert_type3A_313 = tpu.bitcast %and3A_312 : vector<16xi32> -> vector<16xf32>
        %and3A_314 = arith.constant -65536 : i32
        %and3A_315 = vector.broadcast %and3A_314 : i32 to vector<16xi32>
        %and3A_316 = arith.andi %get3A_184, %and3A_315 : vector<16xi32>
        %bitcast_convert_type3A_317 = tpu.bitcast %and3A_316 : vector<16xi32> -> vector<16xf32>
        %and3A_318 = arith.constant -65536 : i32
        %and3A_319 = vector.broadcast %and3A_318 : i32 to vector<16xi32>
        %and3A_320 = arith.andi %get3A_192, %and3A_319 : vector<16xi32>
        %bitcast_convert_type3A_321 = tpu.bitcast %and3A_320 : vector<16xi32> -> vector<16xf32>
        %and3A_322 = arith.constant -65536 : i32
        %and3A_323 = vector.broadcast %and3A_322 : i32 to vector<16xi32>
        %and3A_324 = arith.andi %get3A_200, %and3A_323 : vector<16xi32>
        %bitcast_convert_type3A_325 = tpu.bitcast %and3A_324 : vector<16xi32> -> vector<16xf32>
        %max3A = arith.maximumf %bitcast_convert_type3A, %bitcast_convert_type3A_206 : vector<16xf32>
        %max3A_326 = arith.maximumf %bitcast_convert_type3A_210, %bitcast_convert_type3A_214 : vector<16xf32>
        %max3A_327 = arith.maximumf %bitcast_convert_type3A_218, %bitcast_convert_type3A_222 : vector<16xf32>
        %max3A_328 = arith.maximumf %bitcast_convert_type3A_226, %bitcast_convert_type3A_230 : vector<16xf32>
        %max3A_329 = arith.maximumf %bitcast_convert_type3A_234, %bitcast_convert_type3A_238 : vector<16xf32>
        %max3A_330 = arith.maximumf %bitcast_convert_type3A_242, %bitcast_convert_type3A_246 : vector<16xf32>
        %max3A_331 = arith.maximumf %bitcast_convert_type3A_250, %bitcast_convert_type3A_254 : vector<16xf32>
        %max3A_332 = arith.maximumf %bitcast_convert_type3A_258, %bitcast_convert_type3A_262 : vector<16xf32>
        %max3A_333 = arith.maximumf %max3A, %max3A_326 : vector<16xf32>
        %max3A_334 = arith.maximumf %max3A_327, %max3A_328 : vector<16xf32>
        %max3A_335 = arith.maximumf %max3A_329, %max3A_330 : vector<16xf32>
        %max3A_336 = arith.maximumf %max3A_331, %max3A_332 : vector<16xf32>
        %max3A_337 = arith.maximumf %max3A_333, %max3A_334 : vector<16xf32>
        %max3A_338 = arith.maximumf %max3A_335, %max3A_336 : vector<16xf32>
        %max3A_339 = arith.maximumf %max3A_337, %max3A_338 : vector<16xf32>
        %swap3A = arith.index_cast %scan3A_72 : i32 to index
        %swap3A_340 = arith.constant 0 : index
        %swap3A_341 = tpu.vector_load %arg8[%swap3A, %swap3A_340] {strides = array<i32>} : memref<8x256xf32, #tpu.memory_space<vmem>>, vector<1x16xf32>,
        %swap3A_342 = vector.shape_cast %swap3A_341 : vector<1x16xf32> to vector<16xf32>
        %swap3A_343 = vector.shape_cast %max3A_339 : vector<16xf32> to vector<1x16xf32>
        tpu.vector_store %arg8[%swap3A, %swap3A_340], %swap3A_343 {strides = array<i32>} : memref<8x256xf32, #tpu.memory_space<vmem>>, vector<1x16xf32>,
        %max3A_344 = arith.maximumf %bitcast_convert_type3A_265, %bitcast_convert_type3A_269 : vector<16xf32>
        %max3A_345 = arith.maximumf %bitcast_convert_type3A_273, %bitcast_convert_type3A_277 : vector<16xf32>
        %max3A_346 = arith.maximumf %bitcast_convert_type3A_281, %bitcast_convert_type3A_285 : vector<16xf32>
        %max3A_347 = arith.maximumf %bitcast_convert_type3A_289, %bitcast_convert_type3A_293 : vector<16xf32>
        %max3A_348 = arith.maximumf %bitcast_convert_type3A_297, %bitcast_convert_type3A_301 : vector<16xf32>
        %max3A_349 = arith.maximumf %bitcast_convert_type3A_305, %bitcast_convert_type3A_309 : vector<16xf32>
        %max3A_350 = arith.maximumf %bitcast_convert_type3A_313, %bitcast_convert_type3A_317 : vector<16xf32>
        %max3A_351 = arith.maximumf %bitcast_convert_type3A_321, %bitcast_convert_type3A_325 : vector<16xf32>
        %max3A_352 = arith.maximumf %max3A_344, %max3A_345 : vector<16xf32>
        %max3A_353 = arith.maximumf %max3A_346, %max3A_347 : vector<16xf32>
        %max3A_354 = arith.maximumf %max3A_348, %max3A_349 : vector<16xf32>
        %max3A_355 = arith.maximumf %max3A_350, %max3A_351 : vector<16xf32>
        %max3A_356 = arith.maximumf %max3A_352, %max3A_353 : vector<16xf32>
        %max3A_357 = arith.maximumf %max3A_354, %max3A_355 : vector<16xf32>
        %max3A_358 = arith.maximumf %max3A_356, %max3A_357 : vector<16xf32>
        %swap3A_359 = arith.index_cast %scan3A_72 : i32 to index
        %swap3A_360 = arith.constant 16 : index
        %swap3A_361 = tpu.vector_load %arg8[%swap3A_359, %swap3A_360] {strides = array<i32>} : memref<8x256xf32, #tpu.memory_space<vmem>>, vector<1x16xf32>,
        %swap3A_362 = vector.shape_cast %swap3A_361 : vector<1x16xf32> to vector<16xf32>
        %swap3A_363 = vector.shape_cast %max3A_358 : vector<16xf32> to vector<1x16xf32>
        tpu.vector_store %arg8[%swap3A_359, %swap3A_360], %swap3A_363 {strides = array<i32>} : memref<8x256xf32, #tpu.memory_space<vmem>>, vector<1x16xf32>,
        %mul3A_364 = arith.constant 16 : i32
        %mul3A_365 = arith.muli %scan3A_72, %mul3A_364 : i32
        %add3A_366 = arith.constant 0 : i32
        %add3A_367 = arith.addi %mul3A_365, %add3A_366 : i32
        %get3A_368 = arith.index_cast %add3A_367 : i32 to index
        %get3A_369 = arith.constant 16 : index
        %get3A_370 = tpu.vector_load %arg6[%get3A_368, %get3A_369] {strides = array<i32>} : memref<128x128xi32, #tpu.memory_space<vmem>>, vector<1x16xi32>,
        %get3A_371 = vector.shape_cast %get3A_370 : vector<1x16xi32> to vector<16xi32>
        %mul3A_372 = arith.constant 16 : i32
        %mul3A_373 = arith.muli %scan3A_72, %mul3A_372 : i32
        %add3A_374 = arith.constant 1 : i32
        %add3A_375 = arith.addi %mul3A_373, %add3A_374 : i32
        %get3A_376 = arith.index_cast %add3A_375 : i32 to index
        %get3A_377 = arith.constant 16 : index
        %get3A_378 = tpu.vector_load %arg6[%get3A_376, %get3A_377] {strides = array<i32>} : memref<128x128xi32, #tpu.memory_space<vmem>>, vector<1x16xi32>,
        %get3A_379 = vector.shape_cast %get3A_378 : vector<1x16xi32> to vector<16xi32>
        %mul3A_380 = arith.constant 16 : i32
        %mul3A_381 = arith.muli %scan3A_72, %mul3A_380 : i32
        %add3A_382 = arith.constant 2 : i32
        %add3A_383 = arith.addi %mul3A_381, %add3A_382 : i32
        %get3A_384 = arith.index_cast %add3A_383 : i32 to index
        %get3A_385 = arith.constant 16 : index
        %get3A_386 = tpu.vector_load %arg6[%get3A_384, %get3A_385] {strides = array<i32>} : memref<128x128xi32, #tpu.memory_space<vmem>>, vector<1x16xi32>,
        %get3A_387 = vector.shape_cast %get3A_386 : vector<1x16xi32> to vector<16xi32>
        %mul3A_388 = arith.constant 16 : i32
        %mul3A_389 = arith.muli %scan3A_72, %mul3A_388 : i32
        %add3A_390 = arith.constant 3 : i32
        %add3A_391 = arith.addi %mul3A_389, %add3A_390 : i32
        %get3A_392 = arith.index_cast %add3A_391 : i32 to index
        %get3A_393 = arith.constant 16 : index
        %get3A_394 = tpu.vector_load %arg6[%get3A_392, %get3A_393] {strides = array<i32>} : memref<128x128xi32, #tpu.memory_space<vmem>>, vector<1x16xi32>,
        %get3A_395 = vector.shape_cast %get3A_394 : vector<1x16xi32> to vector<16xi32>
        %mul3A_396 = arith.constant 16 : i32
        %mul3A_397 = arith.muli %scan3A_72, %mul3A_396 : i32
        %add3A_398 = arith.constant 4 : i32
        %add3A_399 = arith.addi %mul3A_397, %add3A_398 : i32
        %get3A_400 = arith.index_cast %add3A_399 : i32 to index
        %get3A_401 = arith.constant 16 : index
        %get3A_402 = tpu.vector_load %arg6[%get3A_400, %get3A_401] {strides = array<i32>} : memref<128x128xi32, #tpu.memory_space<vmem>>, vector<1x16xi32>,
        %get3A_403 = vector.shape_cast %get3A_402 : vector<1x16xi32> to vector<16xi32>
        %mul3A_404 = arith.constant 16 : i32
        %mul3A_405 = arith.muli %scan3A_72, %mul3A_404 : i32
        %add3A_406 = arith.constant 5 : i32
        %add3A_407 = arith.addi %mul3A_405, %add3A_406 : i32
        %get3A_408 = arith.index_cast %add3A_407 : i32 to index
        %get3A_409 = arith.constant 16 : index
        %get3A_410 = tpu.vector_load %arg6[%get3A_408, %get3A_409] {strides = array<i32>} : memref<128x128xi32, #tpu.memory_space<vmem>>, vector<1x16xi32>,
        %get3A_411 = vector.shape_cast %get3A_410 : vector<1x16xi32> to vector<16xi32>
        %mul3A_412 = arith.constant 16 : i32
        %mul3A_413 = arith.muli %scan3A_72, %mul3A_412 : i32
        %add3A_414 = arith.constant 6 : i32
        %add3A_415 = arith.addi %mul3A_413, %add3A_414 : i32
        %get3A_416 = arith.index_cast %add3A_415 : i32 to index
        %get3A_417 = arith.constant 16 : index
        %get3A_418 = tpu.vector_load %arg6[%get3A_416, %get3A_417] {strides = array<i32>} : memref<128x128xi32, #tpu.memory_space<vmem>>, vector<1x16xi32>,
        %get3A_419 = vector.shape_cast %get3A_418 : vector<1x16xi32> to vector<16xi32>
        %mul3A_420 = arith.constant 16 : i32
        %mul3A_421 = arith.muli %scan3A_72, %mul3A_420 : i32
        %add3A_422 = arith.constant 7 : i32
        %add3A_423 = arith.addi %mul3A_421, %add3A_422 : i32
        %get3A_424 = arith.index_cast %add3A_423 : i32 to index
        %get3A_425 = arith.constant 16 : index
        %get3A_426 = tpu.vector_load %arg6[%get3A_424, %get3A_425] {strides = array<i32>} : memref<128x128xi32, #tpu.memory_space<vmem>>, vector<1x16xi32>,
        %get3A_427 = vector.shape_cast %get3A_426 : vector<1x16xi32> to vector<16xi32>
        %mul3A_428 = arith.constant 16 : i32
        %mul3A_429 = arith.muli %scan3A_72, %mul3A_428 : i32
        %add3A_430 = arith.constant 8 : i32
        %add3A_431 = arith.addi %mul3A_429, %add3A_430 : i32
        %get3A_432 = arith.index_cast %add3A_431 : i32 to index
        %get3A_433 = arith.constant 16 : index
        %get3A_434 = tpu.vector_load %arg6[%get3A_432, %get3A_433] {strides = array<i32>} : memref<128x128xi32, #tpu.memory_space<vmem>>, vector<1x16xi32>,
        %get3A_435 = vector.shape_cast %get3A_434 : vector<1x16xi32> to vector<16xi32>
        %mul3A_436 = arith.constant 16 : i32
        %mul3A_437 = arith.muli %scan3A_72, %mul3A_436 : i32
        %add3A_438 = arith.constant 9 : i32
        %add3A_439 = arith.addi %mul3A_437, %add3A_438 : i32
        %get3A_440 = arith.index_cast %add3A_439 : i32 to index
        %get3A_441 = arith.constant 16 : index
        %get3A_442 = tpu.vector_load %arg6[%get3A_440, %get3A_441] {strides = array<i32>} : memref<128x128xi32, #tpu.memory_space<vmem>>, vector<1x16xi32>,
        %get3A_443 = vector.shape_cast %get3A_442 : vector<1x16xi32> to vector<16xi32>
        %mul3A_444 = arith.constant 16 : i32
        %mul3A_445 = arith.muli %scan3A_72, %mul3A_444 : i32
        %add3A_446 = arith.constant 10 : i32
        %add3A_447 = arith.addi %mul3A_445, %add3A_446 : i32
        %get3A_448 = arith.index_cast %add3A_447 : i32 to index
        %get3A_449 = arith.constant 16 : index
        %get3A_450 = tpu.vector_load %arg6[%get3A_448, %get3A_449] {strides = array<i32>} : memref<128x128xi32, #tpu.memory_space<vmem>>, vector<1x16xi32>,
        %get3A_451 = vector.shape_cast %get3A_450 : vector<1x16xi32> to vector<16xi32>
        %mul3A_452 = arith.constant 16 : i32
        %mul3A_453 = arith.muli %scan3A_72, %mul3A_452 : i32
        %add3A_454 = arith.constant 11 : i32
        %add3A_455 = arith.addi %mul3A_453, %add3A_454 : i32
        %get3A_456 = arith.index_cast %add3A_455 : i32 to index
        %get3A_457 = arith.constant 16 : index
        %get3A_458 = tpu.vector_load %arg6[%get3A_456, %get3A_457] {strides = array<i32>} : memref<128x128xi32, #tpu.memory_space<vmem>>, vector<1x16xi32>,
        %get3A_459 = vector.shape_cast %get3A_458 : vector<1x16xi32> to vector<16xi32>
        %mul3A_460 = arith.constant 16 : i32
        %mul3A_461 = arith.muli %scan3A_72, %mul3A_460 : i32
        %add3A_462 = arith.constant 12 : i32
        %add3A_463 = arith.addi %mul3A_461, %add3A_462 : i32
        %get3A_464 = arith.index_cast %add3A_463 : i32 to index
        %get3A_465 = arith.constant 16 : index
        %get3A_466 = tpu.vector_load %arg6[%get3A_464, %get3A_465] {strides = array<i32>} : memref<128x128xi32, #tpu.memory_space<vmem>>, vector<1x16xi32>,
        %get3A_467 = vector.shape_cast %get3A_466 : vector<1x16xi32> to vector<16xi32>
        %mul3A_468 = arith.constant 16 : i32
        %mul3A_469 = arith.muli %scan3A_72, %mul3A_468 : i32
        %add3A_470 = arith.constant 13 : i32
        %add3A_471 = arith.addi %mul3A_469, %add3A_470 : i32
        %get3A_472 = arith.index_cast %add3A_471 : i32 to index
        %get3A_473 = arith.constant 16 : index
        %get3A_474 = tpu.vector_load %arg6[%get3A_472, %get3A_473] {strides = array<i32>} : memref<128x128xi32, #tpu.memory_space<vmem>>, vector<1x16xi32>,
        %get3A_475 = vector.shape_cast %get3A_474 : vector<1x16xi32> to vector<16xi32>
        %mul3A_476 = arith.constant 16 : i32
        %mul3A_477 = arith.muli %scan3A_72, %mul3A_476 : i32
        %add3A_478 = arith.constant 14 : i32
        %add3A_479 = arith.addi %mul3A_477, %add3A_478 : i32
        %get3A_480 = arith.index_cast %add3A_479 : i32 to index
        %get3A_481 = arith.constant 16 : index
        %get3A_482 = tpu.vector_load %arg6[%get3A_480, %get3A_481] {strides = array<i32>} : memref<128x128xi32, #tpu.memory_space<vmem>>, vector<1x16xi32>,
        %get3A_483 = vector.shape_cast %get3A_482 : vector<1x16xi32> to vector<16xi32>
        %mul3A_484 = arith.constant 16 : i32
        %mul3A_485 = arith.muli %scan3A_72, %mul3A_484 : i32
        %add3A_486 = arith.constant 15 : i32
        %add3A_487 = arith.addi %mul3A_485, %add3A_486 : i32
        %get3A_488 = arith.index_cast %add3A_487 : i32 to index
        %get3A_489 = arith.constant 16 : index
        %get3A_490 = tpu.vector_load %arg6[%get3A_488, %get3A_489] {strides = array<i32>} : memref<128x128xi32, #tpu.memory_space<vmem>>, vector<1x16xi32>,
        %get3A_491 = vector.shape_cast %get3A_490 : vector<1x16xi32> to vector<16xi32>
        %shift_left3A_492 = arith.constant 16 : i32
        %shift_left3A_493 = vector.broadcast %shift_left3A_492 : i32 to vector<16xi32>
        %shift_left3A_494 = arith.shli %get3A_371, %shift_left3A_493 : vector<16xi32>
        %bitcast_convert_type3A_495 = tpu.bitcast %shift_left3A_494 : vector<16xi32> -> vector<16xf32>
        %shift_left3A_496 = arith.constant 16 : i32
        %shift_left3A_497 = vector.broadcast %shift_left3A_496 : i32 to vector<16xi32>
        %shift_left3A_498 = arith.shli %get3A_379, %shift_left3A_497 : vector<16xi32>
        %bitcast_convert_type3A_499 = tpu.bitcast %shift_left3A_498 : vector<16xi32> -> vector<16xf32>
        %shift_left3A_500 = arith.constant 16 : i32
        %shift_left3A_501 = vector.broadcast %shift_left3A_500 : i32 to vector<16xi32>
        %shift_left3A_502 = arith.shli %get3A_387, %shift_left3A_501 : vector<16xi32>
        %bitcast_convert_type3A_503 = tpu.bitcast %shift_left3A_502 : vector<16xi32> -> vector<16xf32>
        %shift_left3A_504 = arith.constant 16 : i32
        %shift_left3A_505 = vector.broadcast %shift_left3A_504 : i32 to vector<16xi32>
        %shift_left3A_506 = arith.shli %get3A_395, %shift_left3A_505 : vector<16xi32>
        %bitcast_convert_type3A_507 = tpu.bitcast %shift_left3A_506 : vector<16xi32> -> vector<16xf32>
        %shift_left3A_508 = arith.constant 16 : i32
        %shift_left3A_509 = vector.broadcast %shift_left3A_508 : i32 to vector<16xi32>
        %shift_left3A_510 = arith.shli %get3A_403, %shift_left3A_509 : vector<16xi32>
        %bitcast_convert_type3A_511 = tpu.bitcast %shift_left3A_510 : vector<16xi32> -> vector<16xf32>
        %shift_left3A_512 = arith.constant 16 : i32
        %shift_left3A_513 = vector.broadcast %shift_left3A_512 : i32 to vector<16xi32>
        %shift_left3A_514 = arith.shli %get3A_411, %shift_left3A_513 : vector<16xi32>
        %bitcast_convert_type3A_515 = tpu.bitcast %shift_left3A_514 : vector<16xi32> -> vector<16xf32>
        %shift_left3A_516 = arith.constant 16 : i32
        %shift_left3A_517 = vector.broadcast %shift_left3A_516 : i32 to vector<16xi32>
        %shift_left3A_518 = arith.shli %get3A_419, %shift_left3A_517 : vector<16xi32>
        %bitcast_convert_type3A_519 = tpu.bitcast %shift_left3A_518 : vector<16xi32> -> vector<16xf32>
        %shift_left3A_520 = arith.constant 16 : i32
        %shift_left3A_521 = vector.broadcast %shift_left3A_520 : i32 to vector<16xi32>
        %shift_left3A_522 = arith.shli %get3A_427, %shift_left3A_521 : vector<16xi32>
        %bitcast_convert_type3A_523 = tpu.bitcast %shift_left3A_522 : vector<16xi32> -> vector<16xf32>
        %shift_left3A_524 = arith.constant 16 : i32
        %shift_left3A_525 = vector.broadcast %shift_left3A_524 : i32 to vector<16xi32>
        %shift_left3A_526 = arith.shli %get3A_435, %shift_left3A_525 : vector<16xi32>
        %bitcast_convert_type3A_527 = tpu.bitcast %shift_left3A_526 : vector<16xi32> -> vector<16xf32>
        %shift_left3A_528 = arith.constant 16 : i32
        %shift_left3A_529 = vector.broadcast %shift_left3A_528 : i32 to vector<16xi32>
        %shift_left3A_530 = arith.shli %get3A_443, %shift_left3A_529 : vector<16xi32>
        %bitcast_convert_type3A_531 = tpu.bitcast %shift_left3A_530 : vector<16xi32> -> vector<16xf32>
        %shift_left3A_532 = arith.constant 16 : i32
        %shift_left3A_533 = vector.broadcast %shift_left3A_532 : i32 to vector<16xi32>
        %shift_left3A_534 = arith.shli %get3A_451, %shift_left3A_533 : vector<16xi32>
        %bitcast_convert_type3A_535 = tpu.bitcast %shift_left3A_534 : vector<16xi32> -> vector<16xf32>
        %shift_left3A_536 = arith.constant 16 : i32
        %shift_left3A_537 = vector.broadcast %shift_left3A_536 : i32 to vector<16xi32>
        %shift_left3A_538 = arith.shli %get3A_459, %shift_left3A_537 : vector<16xi32>
        %bitcast_convert_type3A_539 = tpu.bitcast %shift_left3A_538 : vector<16xi32> -> vector<16xf32>
        %shift_left3A_540 = arith.constant 16 : i32
        %shift_left3A_541 = vector.broadcast %shift_left3A_540 : i32 to vector<16xi32>
        %shift_left3A_542 = arith.shli %get3A_467, %shift_left3A_541 : vector<16xi32>
        %bitcast_convert_type3A_543 = tpu.bitcast %shift_left3A_542 : vector<16xi32> -> vector<16xf32>
        %shift_left3A_544 = arith.constant 16 : i32
        %shift_left3A_545 = vector.broadcast %shift_left3A_544 : i32 to vector<16xi32>
        %shift_left3A_546 = arith.shli %get3A_475, %shift_left3A_545 : vector<16xi32>
        %bitcast_convert_type3A_547 = tpu.bitcast %shift_left3A_546 : vector<16xi32> -> vector<16xf32>
        %shift_left3A_548 = arith.constant 16 : i32
        %shift_left3A_549 = vector.broadcast %shift_left3A_548 : i32 to vector<16xi32>
        %shift_left3A_550 = arith.shli %get3A_483, %shift_left3A_549 : vector<16xi32>
        %bitcast_convert_type3A_551 = tpu.bitcast %shift_left3A_550 : vector<16xi32> -> vector<16xf32>
        %shift_left3A_552 = arith.constant 16 : i32
        %shift_left3A_553 = vector.broadcast %shift_left3A_552 : i32 to vector<16xi32>
        %shift_left3A_554 = arith.shli %get3A_491, %shift_left3A_553 : vector<16xi32>
        %bitcast_convert_type3A_555 = tpu.bitcast %shift_left3A_554 : vector<16xi32> -> vector<16xf32>
        %and3A_556 = arith.constant -65536 : i32
        %and3A_557 = vector.broadcast %and3A_556 : i32 to vector<16xi32>
        %and3A_558 = arith.andi %get3A_371, %and3A_557 : vector<16xi32>
        %bitcast_convert_type3A_559 = tpu.bitcast %and3A_558 : vector<16xi32> -> vector<16xf32>
        %and3A_560 = arith.constant -65536 : i32
        %and3A_561 = vector.broadcast %and3A_560 : i32 to vector<16xi32>
        %and3A_562 = arith.andi %get3A_379, %and3A_561 : vector<16xi32>
        %bitcast_convert_type3A_563 = tpu.bitcast %and3A_562 : vector<16xi32> -> vector<16xf32>
        %and3A_564 = arith.constant -65536 : i32
        %and3A_565 = vector.broadcast %and3A_564 : i32 to vector<16xi32>
        %and3A_566 = arith.andi %get3A_387, %and3A_565 : vector<16xi32>
        %bitcast_convert_type3A_567 = tpu.bitcast %and3A_566 : vector<16xi32> -> vector<16xf32>
        %and3A_568 = arith.constant -65536 : i32
        %and3A_569 = vector.broadcast %and3A_568 : i32 to vector<16xi32>
        %and3A_570 = arith.andi %get3A_395, %and3A_569 : vector<16xi32>
        %bitcast_convert_type3A_571 = tpu.bitcast %and3A_570 : vector<16xi32> -> vector<16xf32>
        %and3A_572 = arith.constant -65536 : i32
        %and3A_573 = vector.broadcast %and3A_572 : i32 to vector<16xi32>
        %and3A_574 = arith.andi %get3A_403, %and3A_573 : vector<16xi32>
        %bitcast_convert_type3A_575 = tpu.bitcast %and3A_574 : vector<16xi32> -> vector<16xf32>
        %and3A_576 = arith.constant -65536 : i32
        %and3A_577 = vector.broadcast %and3A_576 : i32 to vector<16xi32>
        %and3A_578 = arith.andi %get3A_411, %and3A_577 : vector<16xi32>
        %bitcast_convert_type3A_579 = tpu.bitcast %and3A_578 : vector<16xi32> -> vector<16xf32>
        %and3A_580 = arith.constant -65536 : i32
        %and3A_581 = vector.broadcast %and3A_580 : i32 to vector<16xi32>
        %and3A_582 = arith.andi %get3A_419, %and3A_581 : vector<16xi32>
        %bitcast_convert_type3A_583 = tpu.bitcast %and3A_582 : vector<16xi32> -> vector<16xf32>
        %and3A_584 = arith.constant -65536 : i32
        %and3A_585 = vector.broadcast %and3A_584 : i32 to vector<16xi32>
        %and3A_586 = arith.andi %get3A_427, %and3A_585 : vector<16xi32>
        %bitcast_convert_type3A_587 = tpu.bitcast %and3A_586 : vector<16xi32> -> vector<16xf32>
        %and3A_588 = arith.constant -65536 : i32
        %and3A_589 = vector.broadcast %and3A_588 : i32 to vector<16xi32>
        %and3A_590 = arith.andi %get3A_435, %and3A_589 : vector<16xi32>
        %bitcast_convert_type3A_591 = tpu.bitcast %and3A_590 : vector<16xi32> -> vector<16xf32>
        %and3A_592 = arith.constant -65536 : i32
        %and3A_593 = vector.broadcast %and3A_592 : i32 to vector<16xi32>
        %and3A_594 = arith.andi %get3A_443, %and3A_593 : vector<16xi32>
        %bitcast_convert_type3A_595 = tpu.bitcast %and3A_594 : vector<16xi32> -> vector<16xf32>
        %and3A_596 = arith.constant -65536 : i32
        %and3A_597 = vector.broadcast %and3A_596 : i32 to vector<16xi32>
        %and3A_598 = arith.andi %get3A_451, %and3A_597 : vector<16xi32>
        %bitcast_convert_type3A_599 = tpu.bitcast %and3A_598 : vector<16xi32> -> vector<16xf32>
        %and3A_600 = arith.constant -65536 : i32
        %and3A_601 = vector.broadcast %and3A_600 : i32 to vector<16xi32>
        %and3A_602 = arith.andi %get3A_459, %and3A_601 : vector<16xi32>
        %bitcast_convert_type3A_603 = tpu.bitcast %and3A_602 : vector<16xi32> -> vector<16xf32>
        %and3A_604 = arith.constant -65536 : i32
        %and3A_605 = vector.broadcast %and3A_604 : i32 to vector<16xi32>
        %and3A_606 = arith.andi %get3A_467, %and3A_605 : vector<16xi32>
        %bitcast_convert_type3A_607 = tpu.bitcast %and3A_606 : vector<16xi32> -> vector<16xf32>
        %and3A_608 = arith.constant -65536 : i32
        %and3A_609 = vector.broadcast %and3A_608 : i32 to vector<16xi32>
        %and3A_610 = arith.andi %get3A_475, %and3A_609 : vector<16xi32>
        %bitcast_convert_type3A_611 = tpu.bitcast %and3A_610 : vector<16xi32> -> vector<16xf32>
        %and3A_612 = arith.constant -65536 : i32
        %and3A_613 = vector.broadcast %and3A_612 : i32 to vector<16xi32>
        %and3A_614 = arith.andi %get3A_483, %and3A_613 : vector<16xi32>
        %bitcast_convert_type3A_615 = tpu.bitcast %and3A_614 : vector<16xi32> -> vector<16xf32>
        %and3A_616 = arith.constant -65536 : i32
        %and3A_617 = vector.broadcast %and3A_616 : i32 to vector<16xi32>
        %and3A_618 = arith.andi %get3A_491, %and3A_617 : vector<16xi32>
        %bitcast_convert_type3A_619 = tpu.bitcast %and3A_618 : vector<16xi32> -> vector<16xf32>
        %max3A_620 = arith.maximumf %bitcast_convert_type3A_495, %bitcast_convert_type3A_499 : vector<16xf32>
        %max3A_621 = arith.maximumf %bitcast_convert_type3A_503, %bitcast_convert_type3A_507 : vector<16xf32>
        %max3A_622 = arith.maximumf %bitcast_convert_type3A_511, %bitcast_convert_type3A_515 : vector<16xf32>
        %max3A_623 = arith.maximumf %bitcast_convert_type3A_519, %bitcast_convert_type3A_523 : vector<16xf32>
        %max3A_624 = arith.maximumf %bitcast_convert_type3A_527, %bitcast_convert_type3A_531 : vector<16xf32>
        %max3A_625 = arith.maximumf %bitcast_convert_type3A_535, %bitcast_convert_type3A_539 : vector<16xf32>
        %max3A_626 = arith.maximumf %bitcast_convert_type3A_543, %bitcast_convert_type3A_547 : vector<16xf32>
        %max3A_627 = arith.maximumf %bitcast_convert_type3A_551, %bitcast_convert_type3A_555 : vector<16xf32>
        %max3A_628 = arith.maximumf %max3A_620, %max3A_621 : vector<16xf32>
        %max3A_629 = arith.maximumf %max3A_622, %max3A_623 : vector<16xf32>
        %max3A_630 = arith.maximumf %max3A_624, %max3A_625 : vector<16xf32>
        %max3A_631 = arith.maximumf %max3A_626, %max3A_627 : vector<16xf32>
        %max3A_632 = arith.maximumf %max3A_628, %max3A_629 : vector<16xf32>
        %max3A_633 = arith.maximumf %max3A_630, %max3A_631 : vector<16xf32>
        %max3A_634 = arith.maximumf %max3A_632, %max3A_633 : vector<16xf32>
        %swap3A_635 = arith.index_cast %scan3A_72 : i32 to index
        %swap3A_636 = arith.constant 32 : index
        %swap3A_637 = tpu.vector_load %arg8[%swap3A_635, %swap3A_636] {strides = array<i32>} : memref<8x256xf32, #tpu.memory_space<vmem>>, vector<1x16xf32>,
        %swap3A_638 = vector.shape_cast %swap3A_637 : vector<1x16xf32> to vector<16xf32>
        %swap3A_639 = vector.shape_cast %max3A_634 : vector<16xf32> to vector<1x16xf32>
        tpu.vector_store %arg8[%swap3A_635, %swap3A_636], %swap3A_639 {strides = array<i32>} : memref<8x256xf32, #tpu.memory_space<vmem>>, vector<1x16xf32>,
        %max3A_640 = arith.maximumf %bitcast_convert_type3A_559, %bitcast_convert_type3A_563 : vector<16xf32>
        %max3A_641 = arith.maximumf %bitcast_convert_type3A_567, %bitcast_convert_type3A_571 : vector<16xf32>
        %max3A_642 = arith.maximumf %bitcast_convert_type3A_575, %bitcast_convert_type3A_579 : vector<16xf32>
        %max3A_643 = arith.maximumf %bitcast_convert_type3A_583, %bitcast_convert_type3A_587 : vector<16xf32>
        %max3A_644 = arith.maximumf %bitcast_convert_type3A_591, %bitcast_convert_type3A_595 : vector<16xf32>
        %max3A_645 = arith.maximumf %bitcast_convert_type3A_599, %bitcast_convert_type3A_603 : vector<16xf32>
        %max3A_646 = arith.maximumf %bitcast_convert_type3A_607, %bitcast_convert_type3A_611 : vector<16xf32>
        %max3A_647 = arith.maximumf %bitcast_convert_type3A_615, %bitcast_convert_type3A_619 : vector<16xf32>
        %max3A_648 = arith.maximumf %max3A_640, %max3A_641 : vector<16xf32>
        %max3A_649 = arith.maximumf %max3A_642, %max3A_643 : vector<16xf32>
        %max3A_650 = arith.maximumf %max3A_644, %max3A_645 : vector<16xf32>
        %max3A_651 = arith.maximumf %max3A_646, %max3A_647 : vector<16xf32>
        %max3A_652 = arith.maximumf %max3A_648, %max3A_649 : vector<16xf32>
        %max3A_653 = arith.maximumf %max3A_650, %max3A_651 : vector<16xf32>
        %max3A_654 = arith.maximumf %max3A_652, %max3A_653 : vector<16xf32>
        %swap3A_655 = arith.index_cast %scan3A_72 : i32 to index
        %swap3A_656 = arith.constant 48 : index
        %swap3A_657 = tpu.vector_load %arg8[%swap3A_655, %swap3A_656] {strides = array<i32>} : memref<8x256xf32, #tpu.memory_space<vmem>>, vector<1x16xf32>,
        %swap3A_658 = vector.shape_cast %swap3A_657 : vector<1x16xf32> to vector<16xf32>
        %swap3A_659 = vector.shape_cast %max3A_654 : vector<16xf32> to vector<1x16xf32>
        tpu.vector_store %arg8[%swap3A_655, %swap3A_656], %swap3A_659 {strides = array<i32>} : memref<8x256xf32, #tpu.memory_space<vmem>>, vector<1x16xf32>,
        %mul3A_660 = arith.constant 16 : i32
        %mul3A_661 = arith.muli %scan3A_72, %mul3A_660 : i32
        %add3A_662 = arith.constant 0 : i32
        %add3A_663 = arith.addi %mul3A_661, %add3A_662 : i32
        %get3A_664 = arith.index_cast %add3A_663 : i32 to index
        %get3A_665 = arith.constant 32 : index
        %get3A_666 = tpu.vector_load %arg6[%get3A_664, %get3A_665] {strides = array<i32>} : memref<128x128xi32, #tpu.memory_space<vmem>>, vector<1x16xi32>,
        %get3A_667 = vector.shape_cast %get3A_666 : vector<1x16xi32> to vector<16xi32>
        %mul3A_668 = arith.constant 16 : i32
        %mul3A_669 = arith.muli %scan3A_72, %mul3A_668 : i32
        %add3A_670 = arith.constant 1 : i32
        %add3A_671 = arith.addi %mul3A_669, %add3A_670 : i32
        %get3A_672 = arith.index_cast %add3A_671 : i32 to index
        %get3A_673 = arith.constant 32 : index
        %get3A_674 = tpu.vector_load %arg6[%get3A_672, %get3A_673] {strides = array<i32>} : memref<128x128xi32, #tpu.memory_space<vmem>>, vector<1x16xi32>,
        %get3A_675 = vector.shape_cast %get3A_674 : vector<1x16xi32> to vector<16xi32>
        %mul3A_676 = arith.constant 16 : i32
        %mul3A_677 = arith.muli %scan3A_72, %mul3A_676 : i32
        %add3A_678 = arith.constant 2 : i32
        %add3A_679 = arith.addi %mul3A_677, %add3A_678 : i32
        %get3A_680 = arith.index_cast %add3A_679 : i32 to index
        %get3A_681 = arith.constant 32 : index
        %get3A_682 = tpu.vector_load %arg6[%get3A_680, %get3A_681] {strides = array<i32>} : memref<128x128xi32, #tpu.memory_space<vmem>>, vector<1x16xi32>,
        %get3A_683 = vector.shape_cast %get3A_682 : vector<1x16xi32> to vector<16xi32>
        %mul3A_684 = arith.constant 16 : i32
        %mul3A_685 = arith.muli %scan3A_72, %mul3A_684 : i32
        %add3A_686 = arith.constant 3 : i32
        %add3A_687 = arith.addi %mul3A_685, %add3A_686 : i32
        %get3A_688 = arith.index_cast %add3A_687 : i32 to index
        %get3A_689 = arith.constant 32 : index
        %get3A_690 = tpu.vector_load %arg6[%get3A_688, %get3A_689] {strides = array<i32>} : memref<128x128xi32, #tpu.memory_space<vmem>>, vector<1x16xi32>,
        %get3A_691 = vector.shape_cast %get3A_690 : vector<1x16xi32> to vector<16xi32>
        %mul3A_692 = arith.constant 16 : i32
        %mul3A_693 = arith.muli %scan3A_72, %mul3A_692 : i32
        %add3A_694 = arith.constant 4 : i32
        %add3A_695 = arith.addi %mul3A_693, %add3A_694 : i32
        %get3A_696 = arith.index_cast %add3A_695 : i32 to index
        %get3A_697 = arith.constant 32 : index
        %get3A_698 = tpu.vector_load %arg6[%get3A_696, %get3A_697] {strides = array<i32>} : memref<128x128xi32, #tpu.memory_space<vmem>>, vector<1x16xi32>,
        %get3A_699 = vector.shape_cast %get3A_698 : vector<1x16xi32> to vector<16xi32>
        %mul3A_700 = arith.constant 16 : i32
        %mul3A_701 = arith.muli %scan3A_72, %mul3A_700 : i32
        %add3A_702 = arith.constant 5 : i32
        %add3A_703 = arith.addi %mul3A_701, %add3A_702 : i32
        %get3A_704 = arith.index_cast %add3A_703 : i32 to index
        %get3A_705 = arith.constant 32 : index
        %get3A_706 = tpu.vector_load %arg6[%get3A_704, %get3A_705] {strides = array<i32>} : memref<128x128xi32, #tpu.memory_space<vmem>>, vector<1x16xi32>,
        %get3A_707 = vector.shape_cast %get3A_706 : vector<1x16xi32> to vector<16xi32>
        %mul3A_708 = arith.constant 16 : i32
        %mul3A_709 = arith.muli %scan3A_72, %mul3A_708 : i32
        %add3A_710 = arith.constant 6 : i32
        %add3A_711 = arith.addi %mul3A_709, %add3A_710 : i32
        %get3A_712 = arith.index_cast %add3A_711 : i32 to index
        %get3A_713 = arith.constant 32 : index
        %get3A_714 = tpu.vector_load %arg6[%get3A_712, %get3A_713] {strides = array<i32>} : memref<128x128xi32, #tpu.memory_space<vmem>>, vector<1x16xi32>,
        %get3A_715 = vector.shape_cast %get3A_714 : vector<1x16xi32> to vector<16xi32>
        %mul3A_716 = arith.constant 16 : i32
        %mul3A_717 = arith.muli %scan3A_72, %mul3A_716 : i32
        %add3A_718 = arith.constant 7 : i32
        %add3A_719 = arith.addi %mul3A_717, %add3A_718 : i32
        %get3A_720 = arith.index_cast %add3A_719 : i32 to index
        %get3A_721 = arith.constant 32 : index
        %get3A_722 = tpu.vector_load %arg6[%get3A_720, %get3A_721] {strides = array<i32>} : memref<128x128xi32, #tpu.memory_space<vmem>>, vector<1x16xi32>,
        %get3A_723 = vector.shape_cast %get3A_722 : vector<1x16xi32> to vector<16xi32>
        %mul3A_724 = arith.constant 16 : i32
        %mul3A_725 = arith.muli %scan3A_72, %mul3A_724 : i32
        %add3A_726 = arith.constant 8 : i32
        %add3A_727 = arith.addi %mul3A_725, %add3A_726 : i32
        %get3A_728 = arith.index_cast %add3A_727 : i32 to index
        %get3A_729 = arith.constant 32 : index
        %get3A_730 = tpu.vector_load %arg6[%get3A_728, %get3A_729] {strides = array<i32>} : memref<128x128xi32, #tpu.memory_space<vmem>>, vector<1x16xi32>,
        %get3A_731 = vector.shape_cast %get3A_730 : vector<1x16xi32> to vector<16xi32>
        %mul3A_732 = arith.constant 16 : i32
        %mul3A_733 = arith.muli %scan3A_72, %mul3A_732 : i32
        %add3A_734 = arith.constant 9 : i32
        %add3A_735 = arith.addi %mul3A_733, %add3A_734 : i32
        %get3A_736 = arith.index_cast %add3A_735 : i32 to index
        %get3A_737 = arith.constant 32 : index
        %get3A_738 = tpu.vector_load %arg6[%get3A_736, %get3A_737] {strides = array<i32>} : memref<128x128xi32, #tpu.memory_space<vmem>>, vector<1x16xi32>,
        %get3A_739 = vector.shape_cast %get3A_738 : vector<1x16xi32> to vector<16xi32>
        %mul3A_740 = arith.constant 16 : i32
        %mul3A_741 = arith.muli %scan3A_72, %mul3A_740 : i32
        %add3A_742 = arith.constant 10 : i32
        %add3A_743 = arith.addi %mul3A_741, %add3A_742 : i32
        %get3A_744 = arith.index_cast %add3A_743 : i32 to index
        %get3A_745 = arith.constant 32 : index
        %get3A_746 = tpu.vector_load %arg6[%get3A_744, %get3A_745] {strides = array<i32>} : memref<128x128xi32, #tpu.memory_space<vmem>>, vector<1x16xi32>,
        %get3A_747 = vector.shape_cast %get3A_746 : vector<1x16xi32> to vector<16xi32>
        %mul3A_748 = arith.constant 16 : i32
        %mul3A_749 = arith.muli %scan3A_72, %mul3A_748 : i32
        %add3A_750 = arith.constant 11 : i32
        %add3A_751 = arith.addi %mul3A_749, %add3A_750 : i32
        %get3A_752 = arith.index_cast %add3A_751 : i32 to index
        %get3A_753 = arith.constant 32 : index
        %get3A_754 = tpu.vector_load %arg6[%get3A_752, %get3A_753] {strides = array<i32>} : memref<128x128xi32, #tpu.memory_space<vmem>>, vector<1x16xi32>,
        %get3A_755 = vector.shape_cast %get3A_754 : vector<1x16xi32> to vector<16xi32>
        %mul3A_756 = arith.constant 16 : i32
        %mul3A_757 = arith.muli %scan3A_72, %mul3A_756 : i32
        %add3A_758 = arith.constant 12 : i32
        %add3A_759 = arith.addi %mul3A_757, %add3A_758 : i32
        %get3A_760 = arith.index_cast %add3A_759 : i32 to index
        %get3A_761 = arith.constant 32 : index
        %get3A_762 = tpu.vector_load %arg6[%get3A_760, %get3A_761] {strides = array<i32>} : memref<128x128xi32, #tpu.memory_space<vmem>>, vector<1x16xi32>,
        %get3A_763 = vector.shape_cast %get3A_762 : vector<1x16xi32> to vector<16xi32>
        %mul3A_764 = arith.constant 16 : i32
        %mul3A_765 = arith.muli %scan3A_72, %mul3A_764 : i32
        %add3A_766 = arith.constant 13 : i32
        %add3A_767 = arith.addi %mul3A_765, %add3A_766 : i32
        %get3A_768 = arith.index_cast %add3A_767 : i32 to index
        %get3A_769 = arith.constant 32 : index
        %get3A_770 = tpu.vector_load %arg6[%get3A_768, %get3A_769] {strides = array<i32>} : memref<128x128xi32, #tpu.memory_space<vmem>>, vector<1x16xi32>,
        %get3A_771 = vector.shape_cast %get3A_770 : vector<1x16xi32> to vector<16xi32>
        %mul3A_772 = arith.constant 16 : i32
        %mul3A_773 = arith.muli %scan3A_72, %mul3A_772 : i32
        %add3A_774 = arith.constant 14 : i32
        %add3A_775 = arith.addi %mul3A_773, %add3A_774 : i32
        %get3A_776 = arith.index_cast %add3A_775 : i32 to index
        %get3A_777 = arith.constant 32 : index
        %get3A_778 = tpu.vector_load %arg6[%get3A_776, %get3A_777] {strides = array<i32>} : memref<128x128xi32, #tpu.memory_space<vmem>>, vector<1x16xi32>,
        %get3A_779 = vector.shape_cast %get3A_778 : vector<1x16xi32> to vector<16xi32>
        %mul3A_780 = arith.constant 16 : i32
        %mul3A_781 = arith.muli %scan3A_72, %mul3A_780 : i32
        %add3A_782 = arith.constant 15 : i32
        %add3A_783 = arith.addi %mul3A_781, %add3A_782 : i32
        %get3A_784 = arith.index_cast %add3A_783 : i32 to index
        %get3A_785 = arith.constant 32 : index
        %get3A_786 = tpu.vector_load %arg6[%get3A_784, %get3A_785] {strides = array<i32>} : memref<128x128xi32, #tpu.memory_space<vmem>>, vector<1x16xi32>,
        %get3A_787 = vector.shape_cast %get3A_786 : vector<1x16xi32> to vector<16xi32>
        %shift_left3A_788 = arith.constant 16 : i32
        %shift_left3A_789 = vector.broadcast %shift_left3A_788 : i32 to vector<16xi32>
        %shift_left3A_790 = arith.shli %get3A_667, %shift_left3A_789 : vector<16xi32>
        %bitcast_convert_type3A_791 = tpu.bitcast %shift_left3A_790 : vector<16xi32> -> vector<16xf32>
        %shift_left3A_792 = arith.constant 16 : i32
        %shift_left3A_793 = vector.broadcast %shift_left3A_792 : i32 to vector<16xi32>
        %shift_left3A_794 = arith.shli %get3A_675, %shift_left3A_793 : vector<16xi32>
        %bitcast_convert_type3A_795 = tpu.bitcast %shift_left3A_794 : vector<16xi32> -> vector<16xf32>
        %shift_left3A_796 = arith.constant 16 : i32
        %shift_left3A_797 = vector.broadcast %shift_left3A_796 : i32 to vector<16xi32>
        %shift_left3A_798 = arith.shli %get3A_683, %shift_left3A_797 : vector<16xi32>
        %bitcast_convert_type3A_799 = tpu.bitcast %shift_left3A_798 : vector<16xi32> -> vector<16xf32>
        %shift_left3A_800 = arith.constant 16 : i32
        %shift_left3A_801 = vector.broadcast %shift_left3A_800 : i32 to vector<16xi32>
        %shift_left3A_802 = arith.shli %get3A_691, %shift_left3A_801 : vector<16xi32>
        %bitcast_convert_type3A_803 = tpu.bitcast %shift_left3A_802 : vector<16xi32> -> vector<16xf32>
        %shift_left3A_804 = arith.constant 16 : i32
        %shift_left3A_805 = vector.broadcast %shift_left3A_804 : i32 to vector<16xi32>
        %shift_left3A_806 = arith.shli %get3A_699, %shift_left3A_805 : vector<16xi32>
        %bitcast_convert_type3A_807 = tpu.bitcast %shift_left3A_806 : vector<16xi32> -> vector<16xf32>
        %shift_left3A_808 = arith.constant 16 : i32
        %shift_left3A_809 = vector.broadcast %shift_left3A_808 : i32 to vector<16xi32>
        %shift_left3A_810 = arith.shli %get3A_707, %shift_left3A_809 : vector<16xi32>
        %bitcast_convert_type3A_811 = tpu.bitcast %shift_left3A_810 : vector<16xi32> -> vector<16xf32>
        %shift_left3A_812 = arith.constant 16 : i32
        %shift_left3A_813 = vector.broadcast %shift_left3A_812 : i32 to vector<16xi32>
        %shift_left3A_814 = arith.shli %get3A_715, %shift_left3A_813 : vector<16xi32>
        %bitcast_convert_type3A_815 = tpu.bitcast %shift_left3A_814 : vector<16xi32> -> vector<16xf32>
        %shift_left3A_816 = arith.constant 16 : i32
        %shift_left3A_817 = vector.broadcast %shift_left3A_816 : i32 to vector<16xi32>
        %shift_left3A_818 = arith.shli %get3A_723, %shift_left3A_817 : vector<16xi32>
        %bitcast_convert_type3A_819 = tpu.bitcast %shift_left3A_818 : vector<16xi32> -> vector<16xf32>
        %shift_left3A_820 = arith.constant 16 : i32
        %shift_left3A_821 = vector.broadcast %shift_left3A_820 : i32 to vector<16xi32>
        %shift_left3A_822 = arith.shli %get3A_731, %shift_left3A_821 : vector<16xi32>
        %bitcast_convert_type3A_823 = tpu.bitcast %shift_left3A_822 : vector<16xi32> -> vector<16xf32>
        %shift_left3A_824 = arith.constant 16 : i32
        %shift_left3A_825 = vector.broadcast %shift_left3A_824 : i32 to vector<16xi32>
        %shift_left3A_826 = arith.shli %get3A_739, %shift_left3A_825 : vector<16xi32>
        %bitcast_convert_type3A_827 = tpu.bitcast %shift_left3A_826 : vector<16xi32> -> vector<16xf32>
        %shift_left3A_828 = arith.constant 16 : i32
        %shift_left3A_829 = vector.broadcast %shift_left3A_828 : i32 to vector<16xi32>
        %shift_left3A_830 = arith.shli %get3A_747, %shift_left3A_829 : vector<16xi32>
        %bitcast_convert_type3A_831 = tpu.bitcast %shift_left3A_830 : vector<16xi32> -> vector<16xf32>
        %shift_left3A_832 = arith.constant 16 : i32
        %shift_left3A_833 = vector.broadcast %shift_left3A_832 : i32 to vector<16xi32>
        %shift_left3A_834 = arith.shli %get3A_755, %shift_left3A_833 : vector<16xi32>
        %bitcast_convert_type3A_835 = tpu.bitcast %shift_left3A_834 : vector<16xi32> -> vector<16xf32>
        %shift_left3A_836 = arith.constant 16 : i32
        %shift_left3A_837 = vector.broadcast %shift_left3A_836 : i32 to vector<16xi32>
        %shift_left3A_838 = arith.shli %get3A_763, %shift_left3A_837 : vector<16xi32>
        %bitcast_convert_type3A_839 = tpu.bitcast %shift_left3A_838 : vector<16xi32> -> vector<16xf32>
        %shift_left3A_840 = arith.constant 16 : i32
        %shift_left3A_841 = vector.broadcast %shift_left3A_840 : i32 to vector<16xi32>
        %shift_left3A_842 = arith.shli %get3A_771, %shift_left3A_841 : vector<16xi32>
        %bitcast_convert_type3A_843 = tpu.bitcast %shift_left3A_842 : vector<16xi32> -> vector<16xf32>
        %shift_left3A_844 = arith.constant 16 : i32
        %shift_left3A_845 = vector.broadcast %shift_left3A_844 : i32 to vector<16xi32>
        %shift_left3A_846 = arith.shli %get3A_779, %shift_left3A_845 : vector<16xi32>
        %bitcast_convert_type3A_847 = tpu.bitcast %shift_left3A_846 : vector<16xi32> -> vector<16xf32>
        %shift_left3A_848 = arith.constant 16 : i32
        %shift_left3A_849 = vector.broadcast %shift_left3A_848 : i32 to vector<16xi32>
        %shift_left3A_850 = arith.shli %get3A_787, %shift_left3A_849 : vector<16xi32>
        %bitcast_convert_type3A_851 = tpu.bitcast %shift_left3A_850 : vector<16xi32> -> vector<16xf32>
        %and3A_852 = arith.constant -65536 : i32
        %and3A_853 = vector.broadcast %and3A_852 : i32 to vector<16xi32>
        %and3A_854 = arith.andi %get3A_667, %and3A_853 : vector<16xi32>
        %bitcast_convert_type3A_855 = tpu.bitcast %and3A_854 : vector<16xi32> -> vector<16xf32>
        %and3A_856 = arith.constant -65536 : i32
        %and3A_857 = vector.broadcast %and3A_856 : i32 to vector<16xi32>
        %and3A_858 = arith.andi %get3A_675, %and3A_857 : vector<16xi32>
        %bitcast_convert_type3A_859 = tpu.bitcast %and3A_858 : vector<16xi32> -> vector<16xf32>
        %and3A_860 = arith.constant -65536 : i32
        %and3A_861 = vector.broadcast %and3A_860 : i32 to vector<16xi32>
        %and3A_862 = arith.andi %get3A_683, %and3A_861 : vector<16xi32>
        %bitcast_convert_type3A_863 = tpu.bitcast %and3A_862 : vector<16xi32> -> vector<16xf32>
        %and3A_864 = arith.constant -65536 : i32
        %and3A_865 = vector.broadcast %and3A_864 : i32 to vector<16xi32>
        %and3A_866 = arith.andi %get3A_691, %and3A_865 : vector<16xi32>
        %bitcast_convert_type3A_867 = tpu.bitcast %and3A_866 : vector<16xi32> -> vector<16xf32>
        %and3A_868 = arith.constant -65536 : i32
        %and3A_869 = vector.broadcast %and3A_868 : i32 to vector<16xi32>
        %and3A_870 = arith.andi %get3A_699, %and3A_869 : vector<16xi32>
        %bitcast_convert_type3A_871 = tpu.bitcast %and3A_870 : vector<16xi32> -> vector<16xf32>
        %and3A_872 = arith.constant -65536 : i32
        %and3A_873 = vector.broadcast %and3A_872 : i32 to vector<16xi32>
        %and3A_874 = arith.andi %get3A_707, %and3A_873 : vector<16xi32>
        %bitcast_convert_type3A_875 = tpu.bitcast %and3A_874 : vector<16xi32> -> vector<16xf32>
        %and3A_876 = arith.constant -65536 : i32
        %and3A_877 = vector.broadcast %and3A_876 : i32 to vector<16xi32>
        %and3A_878 = arith.andi %get3A_715, %and3A_877 : vector<16xi32>
        %bitcast_convert_type3A_879 = tpu.bitcast %and3A_878 : vector<16xi32> -> vector<16xf32>
        %and3A_880 = arith.constant -65536 : i32
        %and3A_881 = vector.broadcast %and3A_880 : i32 to vector<16xi32>
        %and3A_882 = arith.andi %get3A_723, %and3A_881 : vector<16xi32>
        %bitcast_convert_type3A_883 = tpu.bitcast %and3A_882 : vector<16xi32> -> vector<16xf32>
        %and3A_884 = arith.constant -65536 : i32
        %and3A_885 = vector.broadcast %and3A_884 : i32 to vector<16xi32>
        %and3A_886 = arith.andi %get3A_731, %and3A_885 : vector<16xi32>
        %bitcast_convert_type3A_887 = tpu.bitcast %and3A_886 : vector<16xi32> -> vector<16xf32>
        %and3A_888 = arith.constant -65536 : i32
        %and3A_889 = vector.broadcast %and3A_888 : i32 to vector<16xi32>
        %and3A_890 = arith.andi %get3A_739, %and3A_889 : vector<16xi32>
        %bitcast_convert_type3A_891 = tpu.bitcast %and3A_890 : vector<16xi32> -> vector<16xf32>
        %and3A_892 = arith.constant -65536 : i32
        %and3A_893 = vector.broadcast %and3A_892 : i32 to vector<16xi32>
        %and3A_894 = arith.andi %get3A_747, %and3A_893 : vector<16xi32>
        %bitcast_convert_type3A_895 = tpu.bitcast %and3A_894 : vector<16xi32> -> vector<16xf32>
        %and3A_896 = arith.constant -65536 : i32
        %and3A_897 = vector.broadcast %and3A_896 : i32 to vector<16xi32>
        %and3A_898 = arith.andi %get3A_755, %and3A_897 : vector<16xi32>
        %bitcast_convert_type3A_899 = tpu.bitcast %and3A_898 : vector<16xi32> -> vector<16xf32>
        %and3A_900 = arith.constant -65536 : i32
        %and3A_901 = vector.broadcast %and3A_900 : i32 to vector<16xi32>
        %and3A_902 = arith.andi %get3A_763, %and3A_901 : vector<16xi32>
        %bitcast_convert_type3A_903 = tpu.bitcast %and3A_902 : vector<16xi32> -> vector<16xf32>
        %and3A_904 = arith.constant -65536 : i32
        %and3A_905 = vector.broadcast %and3A_904 : i32 to vector<16xi32>
        %and3A_906 = arith.andi %get3A_771, %and3A_905 : vector<16xi32>
        %bitcast_convert_type3A_907 = tpu.bitcast %and3A_906 : vector<16xi32> -> vector<16xf32>
        %and3A_908 = arith.constant -65536 : i32
        %and3A_909 = vector.broadcast %and3A_908 : i32 to vector<16xi32>
        %and3A_910 = arith.andi %get3A_779, %and3A_909 : vector<16xi32>
        %bitcast_convert_type3A_911 = tpu.bitcast %and3A_910 : vector<16xi32> -> vector<16xf32>
        %and3A_912 = arith.constant -65536 : i32
        %and3A_913 = vector.broadcast %and3A_912 : i32 to vector<16xi32>
        %and3A_914 = arith.andi %get3A_787, %and3A_913 : vector<16xi32>
        %bitcast_convert_type3A_915 = tpu.bitcast %and3A_914 : vector<16xi32> -> vector<16xf32>
        %max3A_916 = arith.maximumf %bitcast_convert_type3A_791, %bitcast_convert_type3A_795 : vector<16xf32>
        %max3A_917 = arith.maximumf %bitcast_convert_type3A_799, %bitcast_convert_type3A_803 : vector<16xf32>
        %max3A_918 = arith.maximumf %bitcast_convert_type3A_807, %bitcast_convert_type3A_811 : vector<16xf32>
        %max3A_919 = arith.maximumf %bitcast_convert_type3A_815, %bitcast_convert_type3A_819 : vector<16xf32>
        %max3A_920 = arith.maximumf %bitcast_convert_type3A_823, %bitcast_convert_type3A_827 : vector<16xf32>
        %max3A_921 = arith.maximumf %bitcast_convert_type3A_831, %bitcast_convert_type3A_835 : vector<16xf32>
        %max3A_922 = arith.maximumf %bitcast_convert_type3A_839, %bitcast_convert_type3A_843 : vector<16xf32>
        %max3A_923 = arith.maximumf %bitcast_convert_type3A_847, %bitcast_convert_type3A_851 : vector<16xf32>
        %max3A_924 = arith.maximumf %max3A_916, %max3A_917 : vector<16xf32>
        %max3A_925 = arith.maximumf %max3A_918, %max3A_919 : vector<16xf32>
        %max3A_926 = arith.maximumf %max3A_920, %max3A_921 : vector<16xf32>
        %max3A_927 = arith.maximumf %max3A_922, %max3A_923 : vector<16xf32>
        %max3A_928 = arith.maximumf %max3A_924, %max3A_925 : vector<16xf32>
        %max3A_929 = arith.maximumf %max3A_926, %max3A_927 : vector<16xf32>
        %max3A_930 = arith.maximumf %max3A_928, %max3A_929 : vector<16xf32>
        %swap3A_931 = arith.index_cast %scan3A_72 : i32 to index
        %swap3A_932 = arith.constant 64 : index
        %swap3A_933 = tpu.vector_load %arg8[%swap3A_931, %swap3A_932] {strides = array<i32>} : memref<8x256xf32, #tpu.memory_space<vmem>>, vector<1x16xf32>,
        %swap3A_934 = vector.shape_cast %swap3A_933 : vector<1x16xf32> to vector<16xf32>
        %swap3A_935 = vector.shape_cast %max3A_930 : vector<16xf32> to vector<1x16xf32>
        tpu.vector_store %arg8[%swap3A_931, %swap3A_932], %swap3A_935 {strides = array<i32>} : memref<8x256xf32, #tpu.memory_space<vmem>>, vector<1x16xf32>,
        %max3A_936 = arith.maximumf %bitcast_convert_type3A_855, %bitcast_convert_type3A_859 : vector<16xf32>
        %max3A_937 = arith.maximumf %bitcast_convert_type3A_863, %bitcast_convert_type3A_867 : vector<16xf32>
        %max3A_938 = arith.maximumf %bitcast_convert_type3A_871, %bitcast_convert_type3A_875 : vector<16xf32>
        %max3A_939 = arith.maximumf %bitcast_convert_type3A_879, %bitcast_convert_type3A_883 : vector<16xf32>
        %max3A_940 = arith.maximumf %bitcast_convert_type3A_887, %bitcast_convert_type3A_891 : vector<16xf32>
        %max3A_941 = arith.maximumf %bitcast_convert_type3A_895, %bitcast_convert_type3A_899 : vector<16xf32>
        %max3A_942 = arith.maximumf %bitcast_convert_type3A_903, %bitcast_convert_type3A_907 : vector<16xf32>
        %max3A_943 = arith.maximumf %bitcast_convert_type3A_911, %bitcast_convert_type3A_915 : vector<16xf32>
        %max3A_944 = arith.maximumf %max3A_936, %max3A_937 : vector<16xf32>
        %max3A_945 = arith.maximumf %max3A_938, %max3A_939 : vector<16xf32>
        %max3A_946 = arith.maximumf %max3A_940, %max3A_941 : vector<16xf32>
        %max3A_947 = arith.maximumf %max3A_942, %max3A_943 : vector<16xf32>
        %max3A_948 = arith.maximumf %max3A_944, %max3A_945 : vector<16xf32>
        %max3A_949 = arith.maximumf %max3A_946, %max3A_947 : vector<16xf32>
        %max3A_950 = arith.maximumf %max3A_948, %max3A_949 : vector<16xf32>
        %swap3A_951 = arith.index_cast %scan3A_72 : i32 to index
        %swap3A_952 = arith.constant 80 : index
        %swap3A_953 = tpu.vector_load %arg8[%swap3A_951, %swap3A_952] {strides = array<i32>} : memref<8x256xf32, #tpu.memory_space<vmem>>, vector<1x16xf32>,
        %swap3A_954 = vector.shape_cast %swap3A_953 : vector<1x16xf32> to vector<16xf32>
        %swap3A_955 = vector.shape_cast %max3A_950 : vector<16xf32> to vector<1x16xf32>
        tpu.vector_store %arg8[%swap3A_951, %swap3A_952], %swap3A_955 {strides = array<i32>} : memref<8x256xf32, #tpu.memory_space<vmem>>, vector<1x16xf32>,
        %mul3A_956 = arith.constant 16 : i32
        %mul3A_957 = arith.muli %scan3A_72, %mul3A_956 : i32
        %add3A_958 = arith.constant 0 : i32
        %add3A_959 = arith.addi %mul3A_957, %add3A_958 : i32
        %get3A_960 = arith.index_cast %add3A_959 : i32 to index
        %get3A_961 = arith.constant 48 : index
        %get3A_962 = tpu.vector_load %arg6[%get3A_960, %get3A_961] {strides = array<i32>} : memref<128x128xi32, #tpu.memory_space<vmem>>, vector<1x16xi32>,
        %get3A_963 = vector.shape_cast %get3A_962 : vector<1x16xi32> to vector<16xi32>
        %mul3A_964 = arith.constant 16 : i32
        %mul3A_965 = arith.muli %scan3A_72, %mul3A_964 : i32
        %add3A_966 = arith.constant 1 : i32
        %add3A_967 = arith.addi %mul3A_965, %add3A_966 : i32
        %get3A_968 = arith.index_cast %add3A_967 : i32 to index
        %get3A_969 = arith.constant 48 : index
        %get3A_970 = tpu.vector_load %arg6[%get3A_968, %get3A_969] {strides = array<i32>} : memref<128x128xi32, #tpu.memory_space<vmem>>, vector<1x16xi32>,
        %get3A_971 = vector.shape_cast %get3A_970 : vector<1x16xi32> to vector<16xi32>
        %mul3A_972 = arith.constant 16 : i32
        %mul3A_973 = arith.muli %scan3A_72, %mul3A_972 : i32
        %add3A_974 = arith.constant 2 : i32
        %add3A_975 = arith.addi %mul3A_973, %add3A_974 : i32
        %get3A_976 = arith.index_cast %add3A_975 : i32 to index
        %get3A_977 = arith.constant 48 : index
        %get3A_978 = tpu.vector_load %arg6[%get3A_976, %get3A_977] {strides = array<i32>} : memref<128x128xi32, #tpu.memory_space<vmem>>, vector<1x16xi32>,
        %get3A_979 = vector.shape_cast %get3A_978 : vector<1x16xi32> to vector<16xi32>
        %mul3A_980 = arith.constant 16 : i32
        %mul3A_981 = arith.muli %scan3A_72, %mul3A_980 : i32
        %add3A_982 = arith.constant 3 : i32
        %add3A_983 = arith.addi %mul3A_981, %add3A_982 : i32
        %get3A_984 = arith.index_cast %add3A_983 : i32 to index
        %get3A_985 = arith.constant 48 : index
        %get3A_986 = tpu.vector_load %arg6[%get3A_984, %get3A_985] {strides = array<i32>} : memref<128x128xi32, #tpu.memory_space<vmem>>, vector<1x16xi32>,
        %get3A_987 = vector.shape_cast %get3A_986 : vector<1x16xi32> to vector<16xi32>
        %mul3A_988 = arith.constant 16 : i32
        %mul3A_989 = arith.muli %scan3A_72, %mul3A_988 : i32
        %add3A_990 = arith.constant 4 : i32
        %add3A_991 = arith.addi %mul3A_989, %add3A_990 : i32
        %get3A_992 = arith.index_cast %add3A_991 : i32 to index
        %get3A_993 = arith.constant 48 : index
        %get3A_994 = tpu.vector_load %arg6[%get3A_992, %get3A_993] {strides = array<i32>} : memref<128x128xi32, #tpu.memory_space<vmem>>, vector<1x16xi32>,
        %get3A_995 = vector.shape_cast %get3A_994 : vector<1x16xi32> to vector<16xi32>
        %mul3A_996 = arith.constant 16 : i32
        %mul3A_997 = arith.muli %scan3A_72, %mul3A_996 : i32
        %add3A_998 = arith.constant 5 : i32
        %add3A_999 = arith.addi %mul3A_997, %add3A_998 : i32
        %get3A_1000 = arith.index_cast %add3A_999 : i32 to index
        %get3A_1001 = arith.constant 48 : index
        %get3A_1002 = tpu.vector_load %arg6[%get3A_1000, %get3A_1001] {strides = array<i32>} : memref<128x128xi32, #tpu.memory_space<vmem>>, vector<1x16xi32>,
        %get3A_1003 = vector.shape_cast %get3A_1002 : vector<1x16xi32> to vector<16xi32>
        %mul3A_1004 = arith.constant 16 : i32
        %mul3A_1005 = arith.muli %scan3A_72, %mul3A_1004 : i32
        %add3A_1006 = arith.constant 6 : i32
        %add3A_1007 = arith.addi %mul3A_1005, %add3A_1006 : i32
        %get3A_1008 = arith.index_cast %add3A_1007 : i32 to index
        %get3A_1009 = arith.constant 48 : index
        %get3A_1010 = tpu.vector_load %arg6[%get3A_1008, %get3A_1009] {strides = array<i32>} : memref<128x128xi32, #tpu.memory_space<vmem>>, vector<1x16xi32>,
        %get3A_1011 = vector.shape_cast %get3A_1010 : vector<1x16xi32> to vector<16xi32>
        %mul3A_1012 = arith.constant 16 : i32
        %mul3A_1013 = arith.muli %scan3A_72, %mul3A_1012 : i32
        %add3A_1014 = arith.constant 7 : i32
        %add3A_1015 = arith.addi %mul3A_1013, %add3A_1014 : i32
        %get3A_1016 = arith.index_cast %add3A_1015 : i32 to index
        %get3A_1017 = arith.constant 48 : index
        %get3A_1018 = tpu.vector_load %arg6[%get3A_1016, %get3A_1017] {strides = array<i32>} : memref<128x128xi32, #tpu.memory_space<vmem>>, vector<1x16xi32>,
        %get3A_1019 = vector.shape_cast %get3A_1018 : vector<1x16xi32> to vector<16xi32>
        %mul3A_1020 = arith.constant 16 : i32
        %mul3A_1021 = arith.muli %scan3A_72, %mul3A_1020 : i32
        %add3A_1022 = arith.constant 8 : i32
        %add3A_1023 = arith.addi %mul3A_1021, %add3A_1022 : i32
        %get3A_1024 = arith.index_cast %add3A_1023 : i32 to index
        %get3A_1025 = arith.constant 48 : index
        %get3A_1026 = tpu.vector_load %arg6[%get3A_1024, %get3A_1025] {strides = array<i32>} : memref<128x128xi32, #tpu.memory_space<vmem>>, vector<1x16xi32>,
        %get3A_1027 = vector.shape_cast %get3A_1026 : vector<1x16xi32> to vector<16xi32>
        %mul3A_1028 = arith.constant 16 : i32
        %mul3A_1029 = arith.muli %scan3A_72, %mul3A_1028 : i32
        %add3A_1030 = arith.constant 9 : i32
        %add3A_1031 = arith.addi %mul3A_1029, %add3A_1030 : i32
        %get3A_1032 = arith.index_cast %add3A_1031 : i32 to index
        %get3A_1033 = arith.constant 48 : index
        %get3A_1034 = tpu.vector_load %arg6[%get3A_1032, %get3A_1033] {strides = array<i32>} : memref<128x128xi32, #tpu.memory_space<vmem>>, vector<1x16xi32>,
        %get3A_1035 = vector.shape_cast %get3A_1034 : vector<1x16xi32> to vector<16xi32>
        %mul3A_1036 = arith.constant 16 : i32
        %mul3A_1037 = arith.muli %scan3A_72, %mul3A_1036 : i32
        %add3A_1038 = arith.constant 10 : i32
        %add3A_1039 = arith.addi %mul3A_1037, %add3A_1038 : i32
        %get3A_1040 = arith.index_cast %add3A_1039 : i32 to index
        %get3A_1041 = arith.constant 48 : index
        %get3A_1042 = tpu.vector_load %arg6[%get3A_1040, %get3A_1041] {strides = array<i32>} : memref<128x128xi32, #tpu.memory_space<vmem>>, vector<1x16xi32>,
        %get3A_1043 = vector.shape_cast %get3A_1042 : vector<1x16xi32> to vector<16xi32>
        %mul3A_1044 = arith.constant 16 : i32
        %mul3A_1045 = arith.muli %scan3A_72, %mul3A_1044 : i32
        %add3A_1046 = arith.constant 11 : i32
        %add3A_1047 = arith.addi %mul3A_1045, %add3A_1046 : i32
        %get3A_1048 = arith.index_cast %add3A_1047 : i32 to index
        %get3A_1049 = arith.constant 48 : index
        %get3A_1050 = tpu.vector_load %arg6[%get3A_1048, %get3A_1049] {strides = array<i32>} : memref<128x128xi32, #tpu.memory_space<vmem>>, vector<1x16xi32>,
        %get3A_1051 = vector.shape_cast %get3A_1050 : vector<1x16xi32> to vector<16xi32>
        %mul3A_1052 = arith.constant 16 : i32
        %mul3A_1053 = arith.muli %scan3A_72, %mul3A_1052 : i32
        %add3A_1054 = arith.constant 12 : i32
        %add3A_1055 = arith.addi %mul3A_1053, %add3A_1054 : i32
        %get3A_1056 = arith.index_cast %add3A_1055 : i32 to index
        %get3A_1057 = arith.constant 48 : index
        %get3A_1058 = tpu.vector_load %arg6[%get3A_1056, %get3A_1057] {strides = array<i32>} : memref<128x128xi32, #tpu.memory_space<vmem>>, vector<1x16xi32>,
        %get3A_1059 = vector.shape_cast %get3A_1058 : vector<1x16xi32> to vector<16xi32>
        %mul3A_1060 = arith.constant 16 : i32
        %mul3A_1061 = arith.muli %scan3A_72, %mul3A_1060 : i32
        %add3A_1062 = arith.constant 13 : i32
        %add3A_1063 = arith.addi %mul3A_1061, %add3A_1062 : i32
        %get3A_1064 = arith.index_cast %add3A_1063 : i32 to index
        %get3A_1065 = arith.constant 48 : index
        %get3A_1066 = tpu.vector_load %arg6[%get3A_1064, %get3A_1065] {strides = array<i32>} : memref<128x128xi32, #tpu.memory_space<vmem>>, vector<1x16xi32>,
        %get3A_1067 = vector.shape_cast %get3A_1066 : vector<1x16xi32> to vector<16xi32>
        %mul3A_1068 = arith.constant 16 : i32
        %mul3A_1069 = arith.muli %scan3A_72, %mul3A_1068 : i32
        %add3A_1070 = arith.constant 14 : i32
        %add3A_1071 = arith.addi %mul3A_1069, %add3A_1070 : i32
        %get3A_1072 = arith.index_cast %add3A_1071 : i32 to index
        %get3A_1073 = arith.constant 48 : index
        %get3A_1074 = tpu.vector_load %arg6[%get3A_1072, %get3A_1073] {strides = array<i32>} : memref<128x128xi32, #tpu.memory_space<vmem>>, vector<1x16xi32>,
        %get3A_1075 = vector.shape_cast %get3A_1074 : vector<1x16xi32> to vector<16xi32>
        %mul3A_1076 = arith.constant 16 : i32
        %mul3A_1077 = arith.muli %scan3A_72, %mul3A_1076 : i32
        %add3A_1078 = arith.constant 15 : i32
        %add3A_1079 = arith.addi %mul3A_1077, %add3A_1078 : i32
        %get3A_1080 = arith.index_cast %add3A_1079 : i32 to index
        %get3A_1081 = arith.constant 48 : index
        %get3A_1082 = tpu.vector_load %arg6[%get3A_1080, %get3A_1081] {strides = array<i32>} : memref<128x128xi32, #tpu.memory_space<vmem>>, vector<1x16xi32>,
        %get3A_1083 = vector.shape_cast %get3A_1082 : vector<1x16xi32> to vector<16xi32>
        %shift_left3A_1084 = arith.constant 16 : i32
        %shift_left3A_1085 = vector.broadcast %shift_left3A_1084 : i32 to vector<16xi32>
        %shift_left3A_1086 = arith.shli %get3A_963, %shift_left3A_1085 : vector<16xi32>
        %bitcast_convert_type3A_1087 = tpu.bitcast %shift_left3A_1086 : vector<16xi32> -> vector<16xf32>
        %shift_left3A_1088 = arith.constant 16 : i32
        %shift_left3A_1089 = vector.broadcast %shift_left3A_1088 : i32 to vector<16xi32>
        %shift_left3A_1090 = arith.shli %get3A_971, %shift_left3A_1089 : vector<16xi32>
        %bitcast_convert_type3A_1091 = tpu.bitcast %shift_left3A_1090 : vector<16xi32> -> vector<16xf32>
        %shift_left3A_1092 = arith.constant 16 : i32
        %shift_left3A_1093 = vector.broadcast %shift_left3A_1092 : i32 to vector<16xi32>
        %shift_left3A_1094 = arith.shli %get3A_979, %shift_left3A_1093 : vector<16xi32>
        %bitcast_convert_type3A_1095 = tpu.bitcast %shift_left3A_1094 : vector<16xi32> -> vector<16xf32>
        %shift_left3A_1096 = arith.constant 16 : i32
        %shift_left3A_1097 = vector.broadcast %shift_left3A_1096 : i32 to vector<16xi32>
        %shift_left3A_1098 = arith.shli %get3A_987, %shift_left3A_1097 : vector<16xi32>
        %bitcast_convert_type3A_1099 = tpu.bitcast %shift_left3A_1098 : vector<16xi32> -> vector<16xf32>
        %shift_left3A_1100 = arith.constant 16 : i32
        %shift_left3A_1101 = vector.broadcast %shift_left3A_1100 : i32 to vector<16xi32>
        %shift_left3A_1102 = arith.shli %get3A_995, %shift_left3A_1101 : vector<16xi32>
        %bitcast_convert_type3A_1103 = tpu.bitcast %shift_left3A_1102 : vector<16xi32> -> vector<16xf32>
        %shift_left3A_1104 = arith.constant 16 : i32
        %shift_left3A_1105 = vector.broadcast %shift_left3A_1104 : i32 to vector<16xi32>
        %shift_left3A_1106 = arith.shli %get3A_1003, %shift_left3A_1105 : vector<16xi32>
        %bitcast_convert_type3A_1107 = tpu.bitcast %shift_left3A_1106 : vector<16xi32> -> vector<16xf32>
        %shift_left3A_1108 = arith.constant 16 : i32
        %shift_left3A_1109 = vector.broadcast %shift_left3A_1108 : i32 to vector<16xi32>
        %shift_left3A_1110 = arith.shli %get3A_1011, %shift_left3A_1109 : vector<16xi32>
        %bitcast_convert_type3A_1111 = tpu.bitcast %shift_left3A_1110 : vector<16xi32> -> vector<16xf32>
        %shift_left3A_1112 = arith.constant 16 : i32
        %shift_left3A_1113 = vector.broadcast %shift_left3A_1112 : i32 to vector<16xi32>
        %shift_left3A_1114 = arith.shli %get3A_1019, %shift_left3A_1113 : vector<16xi32>
        %bitcast_convert_type3A_1115 = tpu.bitcast %shift_left3A_1114 : vector<16xi32> -> vector<16xf32>
        %shift_left3A_1116 = arith.constant 16 : i32
        %shift_left3A_1117 = vector.broadcast %shift_left3A_1116 : i32 to vector<16xi32>
        %shift_left3A_1118 = arith.shli %get3A_1027, %shift_left3A_1117 : vector<16xi32>
        %bitcast_convert_type3A_1119 = tpu.bitcast %shift_left3A_1118 : vector<16xi32> -> vector<16xf32>
        %shift_left3A_1120 = arith.constant 16 : i32
        %shift_left3A_1121 = vector.broadcast %shift_left3A_1120 : i32 to vector<16xi32>
        %shift_left3A_1122 = arith.shli %get3A_1035, %shift_left3A_1121 : vector<16xi32>
        %bitcast_convert_type3A_1123 = tpu.bitcast %shift_left3A_1122 : vector<16xi32> -> vector<16xf32>
        %shift_left3A_1124 = arith.constant 16 : i32
        %shift_left3A_1125 = vector.broadcast %shift_left3A_1124 : i32 to vector<16xi32>
        %shift_left3A_1126 = arith.shli %get3A_1043, %shift_left3A_1125 : vector<16xi32>
        %bitcast_convert_type3A_1127 = tpu.bitcast %shift_left3A_1126 : vector<16xi32> -> vector<16xf32>
        %shift_left3A_1128 = arith.constant 16 : i32
        %shift_left3A_1129 = vector.broadcast %shift_left3A_1128 : i32 to vector<16xi32>
        %shift_left3A_1130 = arith.shli %get3A_1051, %shift_left3A_1129 : vector<16xi32>
        %bitcast_convert_type3A_1131 = tpu.bitcast %shift_left3A_1130 : vector<16xi32> -> vector<16xf32>
        %shift_left3A_1132 = arith.constant 16 : i32
        %shift_left3A_1133 = vector.broadcast %shift_left3A_1132 : i32 to vector<16xi32>
        %shift_left3A_1134 = arith.shli %get3A_1059, %shift_left3A_1133 : vector<16xi32>
        %bitcast_convert_type3A_1135 = tpu.bitcast %shift_left3A_1134 : vector<16xi32> -> vector<16xf32>
        %shift_left3A_1136 = arith.constant 16 : i32
        %shift_left3A_1137 = vector.broadcast %shift_left3A_1136 : i32 to vector<16xi32>
        %shift_left3A_1138 = arith.shli %get3A_1067, %shift_left3A_1137 : vector<16xi32>
        %bitcast_convert_type3A_1139 = tpu.bitcast %shift_left3A_1138 : vector<16xi32> -> vector<16xf32>
        %shift_left3A_1140 = arith.constant 16 : i32
        %shift_left3A_1141 = vector.broadcast %shift_left3A_1140 : i32 to vector<16xi32>
        %shift_left3A_1142 = arith.shli %get3A_1075, %shift_left3A_1141 : vector<16xi32>
        %bitcast_convert_type3A_1143 = tpu.bitcast %shift_left3A_1142 : vector<16xi32> -> vector<16xf32>
        %shift_left3A_1144 = arith.constant 16 : i32
        %shift_left3A_1145 = vector.broadcast %shift_left3A_1144 : i32 to vector<16xi32>
        %shift_left3A_1146 = arith.shli %get3A_1083, %shift_left3A_1145 : vector<16xi32>
        %bitcast_convert_type3A_1147 = tpu.bitcast %shift_left3A_1146 : vector<16xi32> -> vector<16xf32>
        %and3A_1148 = arith.constant -65536 : i32
        %and3A_1149 = vector.broadcast %and3A_1148 : i32 to vector<16xi32>
        %and3A_1150 = arith.andi %get3A_963, %and3A_1149 : vector<16xi32>
        %bitcast_convert_type3A_1151 = tpu.bitcast %and3A_1150 : vector<16xi32> -> vector<16xf32>
        %and3A_1152 = arith.constant -65536 : i32
        %and3A_1153 = vector.broadcast %and3A_1152 : i32 to vector<16xi32>
        %and3A_1154 = arith.andi %get3A_971, %and3A_1153 : vector<16xi32>
        %bitcast_convert_type3A_1155 = tpu.bitcast %and3A_1154 : vector<16xi32> -> vector<16xf32>
        %and3A_1156 = arith.constant -65536 : i32
        %and3A_1157 = vector.broadcast %and3A_1156 : i32 to vector<16xi32>
        %and3A_1158 = arith.andi %get3A_979, %and3A_1157 : vector<16xi32>
        %bitcast_convert_type3A_1159 = tpu.bitcast %and3A_1158 : vector<16xi32> -> vector<16xf32>
        %and3A_1160 = arith.constant -65536 : i32
        %and3A_1161 = vector.broadcast %and3A_1160 : i32 to vector<16xi32>
        %and3A_1162 = arith.andi %get3A_987, %and3A_1161 : vector<16xi32>
        %bitcast_convert_type3A_1163 = tpu.bitcast %and3A_1162 : vector<16xi32> -> vector<16xf32>
        %and3A_1164 = arith.constant -65536 : i32
        %and3A_1165 = vector.broadcast %and3A_1164 : i32 to vector<16xi32>
        %and3A_1166 = arith.andi %get3A_995, %and3A_1165 : vector<16xi32>
        %bitcast_convert_type3A_1167 = tpu.bitcast %and3A_1166 : vector<16xi32> -> vector<16xf32>
        %and3A_1168 = arith.constant -65536 : i32
        %and3A_1169 = vector.broadcast %and3A_1168 : i32 to vector<16xi32>
        %and3A_1170 = arith.andi %get3A_1003, %and3A_1169 : vector<16xi32>
        %bitcast_convert_type3A_1171 = tpu.bitcast %and3A_1170 : vector<16xi32> -> vector<16xf32>
        %and3A_1172 = arith.constant -65536 : i32
        %and3A_1173 = vector.broadcast %and3A_1172 : i32 to vector<16xi32>
        %and3A_1174 = arith.andi %get3A_1011, %and3A_1173 : vector<16xi32>
        %bitcast_convert_type3A_1175 = tpu.bitcast %and3A_1174 : vector<16xi32> -> vector<16xf32>
        %and3A_1176 = arith.constant -65536 : i32
        %and3A_1177 = vector.broadcast %and3A_1176 : i32 to vector<16xi32>
        %and3A_1178 = arith.andi %get3A_1019, %and3A_1177 : vector<16xi32>
        %bitcast_convert_type3A_1179 = tpu.bitcast %and3A_1178 : vector<16xi32> -> vector<16xf32>
        %and3A_1180 = arith.constant -65536 : i32
        %and3A_1181 = vector.broadcast %and3A_1180 : i32 to vector<16xi32>
        %and3A_1182 = arith.andi %get3A_1027, %and3A_1181 : vector<16xi32>
        %bitcast_convert_type3A_1183 = tpu.bitcast %and3A_1182 : vector<16xi32> -> vector<16xf32>
        %and3A_1184 = arith.constant -65536 : i32
        %and3A_1185 = vector.broadcast %and3A_1184 : i32 to vector<16xi32>
        %and3A_1186 = arith.andi %get3A_1035, %and3A_1185 : vector<16xi32>
        %bitcast_convert_type3A_1187 = tpu.bitcast %and3A_1186 : vector<16xi32> -> vector<16xf32>
        %and3A_1188 = arith.constant -65536 : i32
        %and3A_1189 = vector.broadcast %and3A_1188 : i32 to vector<16xi32>
        %and3A_1190 = arith.andi %get3A_1043, %and3A_1189 : vector<16xi32>
        %bitcast_convert_type3A_1191 = tpu.bitcast %and3A_1190 : vector<16xi32> -> vector<16xf32>
        %and3A_1192 = arith.constant -65536 : i32
        %and3A_1193 = vector.broadcast %and3A_1192 : i32 to vector<16xi32>
        %and3A_1194 = arith.andi %get3A_1051, %and3A_1193 : vector<16xi32>
        %bitcast_convert_type3A_1195 = tpu.bitcast %and3A_1194 : vector<16xi32> -> vector<16xf32>
        %and3A_1196 = arith.constant -65536 : i32
        %and3A_1197 = vector.broadcast %and3A_1196 : i32 to vector<16xi32>
        %and3A_1198 = arith.andi %get3A_1059, %and3A_1197 : vector<16xi32>
        %bitcast_convert_type3A_1199 = tpu.bitcast %and3A_1198 : vector<16xi32> -> vector<16xf32>
        %and3A_1200 = arith.constant -65536 : i32
        %and3A_1201 = vector.broadcast %and3A_1200 : i32 to vector<16xi32>
        %and3A_1202 = arith.andi %get3A_1067, %and3A_1201 : vector<16xi32>
        %bitcast_convert_type3A_1203 = tpu.bitcast %and3A_1202 : vector<16xi32> -> vector<16xf32>
        %and3A_1204 = arith.constant -65536 : i32
        %and3A_1205 = vector.broadcast %and3A_1204 : i32 to vector<16xi32>
        %and3A_1206 = arith.andi %get3A_1075, %and3A_1205 : vector<16xi32>
        %bitcast_convert_type3A_1207 = tpu.bitcast %and3A_1206 : vector<16xi32> -> vector<16xf32>
        %and3A_1208 = arith.constant -65536 : i32
        %and3A_1209 = vector.broadcast %and3A_1208 : i32 to vector<16xi32>
        %and3A_1210 = arith.andi %get3A_1083, %and3A_1209 : vector<16xi32>
        %bitcast_convert_type3A_1211 = tpu.bitcast %and3A_1210 : vector<16xi32> -> vector<16xf32>
        %max3A_1212 = arith.maximumf %bitcast_convert_type3A_1087, %bitcast_convert_type3A_1091 : vector<16xf32>
        %max3A_1213 = arith.maximumf %bitcast_convert_type3A_1095, %bitcast_convert_type3A_1099 : vector<16xf32>
        %max3A_1214 = arith.maximumf %bitcast_convert_type3A_1103, %bitcast_convert_type3A_1107 : vector<16xf32>
        %max3A_1215 = arith.maximumf %bitcast_convert_type3A_1111, %bitcast_convert_type3A_1115 : vector<16xf32>
        %max3A_1216 = arith.maximumf %bitcast_convert_type3A_1119, %bitcast_convert_type3A_1123 : vector<16xf32>
        %max3A_1217 = arith.maximumf %bitcast_convert_type3A_1127, %bitcast_convert_type3A_1131 : vector<16xf32>
        %max3A_1218 = arith.maximumf %bitcast_convert_type3A_1135, %bitcast_convert_type3A_1139 : vector<16xf32>
        %max3A_1219 = arith.maximumf %bitcast_convert_type3A_1143, %bitcast_convert_type3A_1147 : vector<16xf32>
        %max3A_1220 = arith.maximumf %max3A_1212, %max3A_1213 : vector<16xf32>
        %max3A_1221 = arith.maximumf %max3A_1214, %max3A_1215 : vector<16xf32>
        %max3A_1222 = arith.maximumf %max3A_1216, %max3A_1217 : vector<16xf32>
        %max3A_1223 = arith.maximumf %max3A_1218, %max3A_1219 : vector<16xf32>
        %max3A_1224 = arith.maximumf %max3A_1220, %max3A_1221 : vector<16xf32>
        %max3A_1225 = arith.maximumf %max3A_1222, %max3A_1223 : vector<16xf32>
        %max3A_1226 = arith.maximumf %max3A_1224, %max3A_1225 : vector<16xf32>
        %swap3A_1227 = arith.index_cast %scan3A_72 : i32 to index
        %swap3A_1228 = arith.constant 96 : index
        %swap3A_1229 = tpu.vector_load %arg8[%swap3A_1227, %swap3A_1228] {strides = array<i32>} : memref<8x256xf32, #tpu.memory_space<vmem>>, vector<1x16xf32>,
        %swap3A_1230 = vector.shape_cast %swap3A_1229 : vector<1x16xf32> to vector<16xf32>
        %swap3A_1231 = vector.shape_cast %max3A_1226 : vector<16xf32> to vector<1x16xf32>
        tpu.vector_store %arg8[%swap3A_1227, %swap3A_1228], %swap3A_1231 {strides = array<i32>} : memref<8x256xf32, #tpu.memory_space<vmem>>, vector<1x16xf32>,
        %max3A_1232 = arith.maximumf %bitcast_convert_type3A_1151, %bitcast_convert_type3A_1155 : vector<16xf32>
        %max3A_1233 = arith.maximumf %bitcast_convert_type3A_1159, %bitcast_convert_type3A_1163 : vector<16xf32>
        %max3A_1234 = arith.maximumf %bitcast_convert_type3A_1167, %bitcast_convert_type3A_1171 : vector<16xf32>
        %max3A_1235 = arith.maximumf %bitcast_convert_type3A_1175, %bitcast_convert_type3A_1179 : vector<16xf32>
        %max3A_1236 = arith.maximumf %bitcast_convert_type3A_1183, %bitcast_convert_type3A_1187 : vector<16xf32>
        %max3A_1237 = arith.maximumf %bitcast_convert_type3A_1191, %bitcast_convert_type3A_1195 : vector<16xf32>
        %max3A_1238 = arith.maximumf %bitcast_convert_type3A_1199, %bitcast_convert_type3A_1203 : vector<16xf32>
        %max3A_1239 = arith.maximumf %bitcast_convert_type3A_1207, %bitcast_convert_type3A_1211 : vector<16xf32>
        %max3A_1240 = arith.maximumf %max3A_1232, %max3A_1233 : vector<16xf32>
        %max3A_1241 = arith.maximumf %max3A_1234, %max3A_1235 : vector<16xf32>
        %max3A_1242 = arith.maximumf %max3A_1236, %max3A_1237 : vector<16xf32>
        %max3A_1243 = arith.maximumf %max3A_1238, %max3A_1239 : vector<16xf32>
        %max3A_1244 = arith.maximumf %max3A_1240, %max3A_1241 : vector<16xf32>
        %max3A_1245 = arith.maximumf %max3A_1242, %max3A_1243 : vector<16xf32>
        %max3A_1246 = arith.maximumf %max3A_1244, %max3A_1245 : vector<16xf32>
        %swap3A_1247 = arith.index_cast %scan3A_72 : i32 to index
        %swap3A_1248 = arith.constant 112 : index
        %swap3A_1249 = tpu.vector_load %arg8[%swap3A_1247, %swap3A_1248] {strides = array<i32>} : memref<8x256xf32, #tpu.memory_space<vmem>>, vector<1x16xf32>,
        %swap3A_1250 = vector.shape_cast %swap3A_1249 : vector<1x16xf32> to vector<16xf32>
        %swap3A_1251 = vector.shape_cast %max3A_1246 : vector<16xf32> to vector<1x16xf32>
        tpu.vector_store %arg8[%swap3A_1247, %swap3A_1248], %swap3A_1251 {strides = array<i32>} : memref<8x256xf32, #tpu.memory_space<vmem>>, vector<1x16xf32>,
        %mul3A_1252 = arith.constant 16 : i32
        %mul3A_1253 = arith.muli %scan3A_72, %mul3A_1252 : i32
        %add3A_1254 = arith.constant 0 : i32
        %add3A_1255 = arith.addi %mul3A_1253, %add3A_1254 : i32
        %get3A_1256 = arith.index_cast %add3A_1255 : i32 to index
        %get3A_1257 = arith.constant 64 : index
        %get3A_1258 = tpu.vector_load %arg6[%get3A_1256, %get3A_1257] {strides = array<i32>} : memref<128x128xi32, #tpu.memory_space<vmem>>, vector<1x16xi32>,
        %get3A_1259 = vector.shape_cast %get3A_1258 : vector<1x16xi32> to vector<16xi32>
        %mul3A_1260 = arith.constant 16 : i32
        %mul3A_1261 = arith.muli %scan3A_72, %mul3A_1260 : i32
        %add3A_1262 = arith.constant 1 : i32
        %add3A_1263 = arith.addi %mul3A_1261, %add3A_1262 : i32
        %get3A_1264 = arith.index_cast %add3A_1263 : i32 to index
        %get3A_1265 = arith.constant 64 : index
        %get3A_1266 = tpu.vector_load %arg6[%get3A_1264, %get3A_1265] {strides = array<i32>} : memref<128x128xi32, #tpu.memory_space<vmem>>, vector<1x16xi32>,
        %get3A_1267 = vector.shape_cast %get3A_1266 : vector<1x16xi32> to vector<16xi32>
        %mul3A_1268 = arith.constant 16 : i32
        %mul3A_1269 = arith.muli %scan3A_72, %mul3A_1268 : i32
        %add3A_1270 = arith.constant 2 : i32
        %add3A_1271 = arith.addi %mul3A_1269, %add3A_1270 : i32
        %get3A_1272 = arith.index_cast %add3A_1271 : i32 to index
        %get3A_1273 = arith.constant 64 : index
        %get3A_1274 = tpu.vector_load %arg6[%get3A_1272, %get3A_1273] {strides = array<i32>} : memref<128x128xi32, #tpu.memory_space<vmem>>, vector<1x16xi32>,
        %get3A_1275 = vector.shape_cast %get3A_1274 : vector<1x16xi32> to vector<16xi32>
        %mul3A_1276 = arith.constant 16 : i32
        %mul3A_1277 = arith.muli %scan3A_72, %mul3A_1276 : i32
        %add3A_1278 = arith.constant 3 : i32
        %add3A_1279 = arith.addi %mul3A_1277, %add3A_1278 : i32
        %get3A_1280 = arith.index_cast %add3A_1279 : i32 to index
        %get3A_1281 = arith.constant 64 : index
        %get3A_1282 = tpu.vector_load %arg6[%get3A_1280, %get3A_1281] {strides = array<i32>} : memref<128x128xi32, #tpu.memory_space<vmem>>, vector<1x16xi32>,
        %get3A_1283 = vector.shape_cast %get3A_1282 : vector<1x16xi32> to vector<16xi32>
        %mul3A_1284 = arith.constant 16 : i32
        %mul3A_1285 = arith.muli %scan3A_72, %mul3A_1284 : i32
        %add3A_1286 = arith.constant 4 : i32
        %add3A_1287 = arith.addi %mul3A_1285, %add3A_1286 : i32
        %get3A_1288 = arith.index_cast %add3A_1287 : i32 to index
        %get3A_1289 = arith.constant 64 : index
        %get3A_1290 = tpu.vector_load %arg6[%get3A_1288, %get3A_1289] {strides = array<i32>} : memref<128x128xi32, #tpu.memory_space<vmem>>, vector<1x16xi32>,
        %get3A_1291 = vector.shape_cast %get3A_1290 : vector<1x16xi32> to vector<16xi32>
        %mul3A_1292 = arith.constant 16 : i32
        %mul3A_1293 = arith.muli %scan3A_72, %mul3A_1292 : i32
        %add3A_1294 = arith.constant 5 : i32
        %add3A_1295 = arith.addi %mul3A_1293, %add3A_1294 : i32
        %get3A_1296 = arith.index_cast %add3A_1295 : i32 to index
        %get3A_1297 = arith.constant 64 : index
        %get3A_1298 = tpu.vector_load %arg6[%get3A_1296, %get3A_1297] {strides = array<i32>} : memref<128x128xi32, #tpu.memory_space<vmem>>, vector<1x16xi32>,
        %get3A_1299 = vector.shape_cast %get3A_1298 : vector<1x16xi32> to vector<16xi32>
        %mul3A_1300 = arith.constant 16 : i32
        %mul3A_1301 = arith.muli %scan3A_72, %mul3A_1300 : i32
        %add3A_1302 = arith.constant 6 : i32
        %add3A_1303 = arith.addi %mul3A_1301, %add3A_1302 : i32
        %get3A_1304 = arith.index_cast %add3A_1303 : i32 to index
        %get3A_1305 = arith.constant 64 : index
        %get3A_1306 = tpu.vector_load %arg6[%get3A_1304, %get3A_1305] {strides = array<i32>} : memref<128x128xi32, #tpu.memory_space<vmem>>, vector<1x16xi32>,
        %get3A_1307 = vector.shape_cast %get3A_1306 : vector<1x16xi32> to vector<16xi32>
        %mul3A_1308 = arith.constant 16 : i32
        %mul3A_1309 = arith.muli %scan3A_72, %mul3A_1308 : i32
        %add3A_1310 = arith.constant 7 : i32
        %add3A_1311 = arith.addi %mul3A_1309, %add3A_1310 : i32
        %get3A_1312 = arith.index_cast %add3A_1311 : i32 to index
        %get3A_1313 = arith.constant 64 : index
        %get3A_1314 = tpu.vector_load %arg6[%get3A_1312, %get3A_1313] {strides = array<i32>} : memref<128x128xi32, #tpu.memory_space<vmem>>, vector<1x16xi32>,
        %get3A_1315 = vector.shape_cast %get3A_1314 : vector<1x16xi32> to vector<16xi32>
        %mul3A_1316 = arith.constant 16 : i32
        %mul3A_1317 = arith.muli %scan3A_72, %mul3A_1316 : i32
        %add3A_1318 = arith.constant 8 : i32
        %add3A_1319 = arith.addi %mul3A_1317, %add3A_1318 : i32
        %get3A_1320 = arith.index_cast %add3A_1319 : i32 to index
        %get3A_1321 = arith.constant 64 : index
        %get3A_1322 = tpu.vector_load %arg6[%get3A_1320, %get3A_1321] {strides = array<i32>} : memref<128x128xi32, #tpu.memory_space<vmem>>, vector<1x16xi32>,
        %get3A_1323 = vector.shape_cast %get3A_1322 : vector<1x16xi32> to vector<16xi32>
        %mul3A_1324 = arith.constant 16 : i32
        %mul3A_1325 = arith.muli %scan3A_72, %mul3A_1324 : i32
        %add3A_1326 = arith.constant 9 : i32
        %add3A_1327 = arith.addi %mul3A_1325, %add3A_1326 : i32
        %get3A_1328 = arith.index_cast %add3A_1327 : i32 to index
        %get3A_1329 = arith.constant 64 : index
        %get3A_1330 = tpu.vector_load %arg6[%get3A_1328, %get3A_1329] {strides = array<i32>} : memref<128x128xi32, #tpu.memory_space<vmem>>, vector<1x16xi32>,
        %get3A_1331 = vector.shape_cast %get3A_1330 : vector<1x16xi32> to vector<16xi32>
        %mul3A_1332 = arith.constant 16 : i32
        %mul3A_1333 = arith.muli %scan3A_72, %mul3A_1332 : i32
        %add3A_1334 = arith.constant 10 : i32
        %add3A_1335 = arith.addi %mul3A_1333, %add3A_1334 : i32
        %get3A_1336 = arith.index_cast %add3A_1335 : i32 to index
        %get3A_1337 = arith.constant 64 : index
        %get3A_1338 = tpu.vector_load %arg6[%get3A_1336, %get3A_1337] {strides = array<i32>} : memref<128x128xi32, #tpu.memory_space<vmem>>, vector<1x16xi32>,
        %get3A_1339 = vector.shape_cast %get3A_1338 : vector<1x16xi32> to vector<16xi32>
        %mul3A_1340 = arith.constant 16 : i32
        %mul3A_1341 = arith.muli %scan3A_72, %mul3A_1340 : i32
        %add3A_1342 = arith.constant 11 : i32
        %add3A_1343 = arith.addi %mul3A_1341, %add3A_1342 : i32
        %get3A_1344 = arith.index_cast %add3A_1343 : i32 to index
        %get3A_1345 = arith.constant 64 : index
        %get3A_1346 = tpu.vector_load %arg6[%get3A_1344, %get3A_1345] {strides = array<i32>} : memref<128x128xi32, #tpu.memory_space<vmem>>, vector<1x16xi32>,
        %get3A_1347 = vector.shape_cast %get3A_1346 : vector<1x16xi32> to vector<16xi32>
        %mul3A_1348 = arith.constant 16 : i32
        %mul3A_1349 = arith.muli %scan3A_72, %mul3A_1348 : i32
        %add3A_1350 = arith.constant 12 : i32
        %add3A_1351 = arith.addi %mul3A_1349, %add3A_1350 : i32
        %get3A_1352 = arith.index_cast %add3A_1351 : i32 to index
        %get3A_1353 = arith.constant 64 : index
        %get3A_1354 = tpu.vector_load %arg6[%get3A_1352, %get3A_1353] {strides = array<i32>} : memref<128x128xi32, #tpu.memory_space<vmem>>, vector<1x16xi32>,
        %get3A_1355 = vector.shape_cast %get3A_1354 : vector<1x16xi32> to vector<16xi32>
        %mul3A_1356 = arith.constant 16 : i32
        %mul3A_1357 = arith.muli %scan3A_72, %mul3A_1356 : i32
        %add3A_1358 = arith.constant 13 : i32
        %add3A_1359 = arith.addi %mul3A_1357, %add3A_1358 : i32
        %get3A_1360 = arith.index_cast %add3A_1359 : i32 to index
        %get3A_1361 = arith.constant 64 : index
        %get3A_1362 = tpu.vector_load %arg6[%get3A_1360, %get3A_1361] {strides = array<i32>} : memref<128x128xi32, #tpu.memory_space<vmem>>, vector<1x16xi32>,
        %get3A_1363 = vector.shape_cast %get3A_1362 : vector<1x16xi32> to vector<16xi32>
        %mul3A_1364 = arith.constant 16 : i32
        %mul3A_1365 = arith.muli %scan3A_72, %mul3A_1364 : i32
        %add3A_1366 = arith.constant 14 : i32
        %add3A_1367 = arith.addi %mul3A_1365, %add3A_1366 : i32
        %get3A_1368 = arith.index_cast %add3A_1367 : i32 to index
        %get3A_1369 = arith.constant 64 : index
        %get3A_1370 = tpu.vector_load %arg6[%get3A_1368, %get3A_1369] {strides = array<i32>} : memref<128x128xi32, #tpu.memory_space<vmem>>, vector<1x16xi32>,
        %get3A_1371 = vector.shape_cast %get3A_1370 : vector<1x16xi32> to vector<16xi32>
        %mul3A_1372 = arith.constant 16 : i32
        %mul3A_1373 = arith.muli %scan3A_72, %mul3A_1372 : i32
        %add3A_1374 = arith.constant 15 : i32
        %add3A_1375 = arith.addi %mul3A_1373, %add3A_1374 : i32
        %get3A_1376 = arith.index_cast %add3A_1375 : i32 to index
        %get3A_1377 = arith.constant 64 : index
        %get3A_1378 = tpu.vector_load %arg6[%get3A_1376, %get3A_1377] {strides = array<i32>} : memref<128x128xi32, #tpu.memory_space<vmem>>, vector<1x16xi32>,
        %get3A_1379 = vector.shape_cast %get3A_1378 : vector<1x16xi32> to vector<16xi32>
        %shift_left3A_1380 = arith.constant 16 : i32
        %shift_left3A_1381 = vector.broadcast %shift_left3A_1380 : i32 to vector<16xi32>
        %shift_left3A_1382 = arith.shli %get3A_1259, %shift_left3A_1381 : vector<16xi32>
        %bitcast_convert_type3A_1383 = tpu.bitcast %shift_left3A_1382 : vector<16xi32> -> vector<16xf32>
        %shift_left3A_1384 = arith.constant 16 : i32
        %shift_left3A_1385 = vector.broadcast %shift_left3A_1384 : i32 to vector<16xi32>
        %shift_left3A_1386 = arith.shli %get3A_1267, %shift_left3A_1385 : vector<16xi32>
        %bitcast_convert_type3A_1387 = tpu.bitcast %shift_left3A_1386 : vector<16xi32> -> vector<16xf32>
        %shift_left3A_1388 = arith.constant 16 : i32
        %shift_left3A_1389 = vector.broadcast %shift_left3A_1388 : i32 to vector<16xi32>
        %shift_left3A_1390 = arith.shli %get3A_1275, %shift_left3A_1389 : vector<16xi32>
        %bitcast_convert_type3A_1391 = tpu.bitcast %shift_left3A_1390 : vector<16xi32> -> vector<16xf32>
        %shift_left3A_1392 = arith.constant 16 : i32
        %shift_left3A_1393 = vector.broadcast %shift_left3A_1392 : i32 to vector<16xi32>
        %shift_left3A_1394 = arith.shli %get3A_1283, %shift_left3A_1393 : vector<16xi32>
        %bitcast_convert_type3A_1395 = tpu.bitcast %shift_left3A_1394 : vector<16xi32> -> vector<16xf32>
        %shift_left3A_1396 = arith.constant 16 : i32
        %shift_left3A_1397 = vector.broadcast %shift_left3A_1396 : i32 to vector<16xi32>
        %shift_left3A_1398 = arith.shli %get3A_1291, %shift_left3A_1397 : vector<16xi32>
        %bitcast_convert_type3A_1399 = tpu.bitcast %shift_left3A_1398 : vector<16xi32> -> vector<16xf32>
        %shift_left3A_1400 = arith.constant 16 : i32
        %shift_left3A_1401 = vector.broadcast %shift_left3A_1400 : i32 to vector<16xi32>
        %shift_left3A_1402 = arith.shli %get3A_1299, %shift_left3A_1401 : vector<16xi32>
        %bitcast_convert_type3A_1403 = tpu.bitcast %shift_left3A_1402 : vector<16xi32> -> vector<16xf32>
        %shift_left3A_1404 = arith.constant 16 : i32
        %shift_left3A_1405 = vector.broadcast %shift_left3A_1404 : i32 to vector<16xi32>
        %shift_left3A_1406 = arith.shli %get3A_1307, %shift_left3A_1405 : vector<16xi32>
        %bitcast_convert_type3A_1407 = tpu.bitcast %shift_left3A_1406 : vector<16xi32> -> vector<16xf32>
        %shift_left3A_1408 = arith.constant 16 : i32
        %shift_left3A_1409 = vector.broadcast %shift_left3A_1408 : i32 to vector<16xi32>
        %shift_left3A_1410 = arith.shli %get3A_1315, %shift_left3A_1409 : vector<16xi32>
        %bitcast_convert_type3A_1411 = tpu.bitcast %shift_left3A_1410 : vector<16xi32> -> vector<16xf32>
        %shift_left3A_1412 = arith.constant 16 : i32
        %shift_left3A_1413 = vector.broadcast %shift_left3A_1412 : i32 to vector<16xi32>
        %shift_left3A_1414 = arith.shli %get3A_1323, %shift_left3A_1413 : vector<16xi32>
        %bitcast_convert_type3A_1415 = tpu.bitcast %shift_left3A_1414 : vector<16xi32> -> vector<16xf32>
        %shift_left3A_1416 = arith.constant 16 : i32
        %shift_left3A_1417 = vector.broadcast %shift_left3A_1416 : i32 to vector<16xi32>
        %shift_left3A_1418 = arith.shli %get3A_1331, %shift_left3A_1417 : vector<16xi32>
        %bitcast_convert_type3A_1419 = tpu.bitcast %shift_left3A_1418 : vector<16xi32> -> vector<16xf32>
        %shift_left3A_1420 = arith.constant 16 : i32
        %shift_left3A_1421 = vector.broadcast %shift_left3A_1420 : i32 to vector<16xi32>
        %shift_left3A_1422 = arith.shli %get3A_1339, %shift_left3A_1421 : vector<16xi32>
        %bitcast_convert_type3A_1423 = tpu.bitcast %shift_left3A_1422 : vector<16xi32> -> vector<16xf32>
        %shift_left3A_1424 = arith.constant 16 : i32
        %shift_left3A_1425 = vector.broadcast %shift_left3A_1424 : i32 to vector<16xi32>
        %shift_left3A_1426 = arith.shli %get3A_1347, %shift_left3A_1425 : vector<16xi32>
        %bitcast_convert_type3A_1427 = tpu.bitcast %shift_left3A_1426 : vector<16xi32> -> vector<16xf32>
        %shift_left3A_1428 = arith.constant 16 : i32
        %shift_left3A_1429 = vector.broadcast %shift_left3A_1428 : i32 to vector<16xi32>
        %shift_left3A_1430 = arith.shli %get3A_1355, %shift_left3A_1429 : vector<16xi32>
        %bitcast_convert_type3A_1431 = tpu.bitcast %shift_left3A_1430 : vector<16xi32> -> vector<16xf32>
        %shift_left3A_1432 = arith.constant 16 : i32
        %shift_left3A_1433 = vector.broadcast %shift_left3A_1432 : i32 to vector<16xi32>
        %shift_left3A_1434 = arith.shli %get3A_1363, %shift_left3A_1433 : vector<16xi32>
        %bitcast_convert_type3A_1435 = tpu.bitcast %shift_left3A_1434 : vector<16xi32> -> vector<16xf32>
        %shift_left3A_1436 = arith.constant 16 : i32
        %shift_left3A_1437 = vector.broadcast %shift_left3A_1436 : i32 to vector<16xi32>
        %shift_left3A_1438 = arith.shli %get3A_1371, %shift_left3A_1437 : vector<16xi32>
        %bitcast_convert_type3A_1439 = tpu.bitcast %shift_left3A_1438 : vector<16xi32> -> vector<16xf32>
        %shift_left3A_1440 = arith.constant 16 : i32
        %shift_left3A_1441 = vector.broadcast %shift_left3A_1440 : i32 to vector<16xi32>
        %shift_left3A_1442 = arith.shli %get3A_1379, %shift_left3A_1441 : vector<16xi32>
        %bitcast_convert_type3A_1443 = tpu.bitcast %shift_left3A_1442 : vector<16xi32> -> vector<16xf32>
        %and3A_1444 = arith.constant -65536 : i32
        %and3A_1445 = vector.broadcast %and3A_1444 : i32 to vector<16xi32>
        %and3A_1446 = arith.andi %get3A_1259, %and3A_1445 : vector<16xi32>
        %bitcast_convert_type3A_1447 = tpu.bitcast %and3A_1446 : vector<16xi32> -> vector<16xf32>
        %and3A_1448 = arith.constant -65536 : i32
        %and3A_1449 = vector.broadcast %and3A_1448 : i32 to vector<16xi32>
        %and3A_1450 = arith.andi %get3A_1267, %and3A_1449 : vector<16xi32>
        %bitcast_convert_type3A_1451 = tpu.bitcast %and3A_1450 : vector<16xi32> -> vector<16xf32>
        %and3A_1452 = arith.constant -65536 : i32
        %and3A_1453 = vector.broadcast %and3A_1452 : i32 to vector<16xi32>
        %and3A_1454 = arith.andi %get3A_1275, %and3A_1453 : vector<16xi32>
        %bitcast_convert_type3A_1455 = tpu.bitcast %and3A_1454 : vector<16xi32> -> vector<16xf32>
        %and3A_1456 = arith.constant -65536 : i32
        %and3A_1457 = vector.broadcast %and3A_1456 : i32 to vector<16xi32>
        %and3A_1458 = arith.andi %get3A_1283, %and3A_1457 : vector<16xi32>
        %bitcast_convert_type3A_1459 = tpu.bitcast %and3A_1458 : vector<16xi32> -> vector<16xf32>
        %and3A_1460 = arith.constant -65536 : i32
        %and3A_1461 = vector.broadcast %and3A_1460 : i32 to vector<16xi32>
        %and3A_1462 = arith.andi %get3A_1291, %and3A_1461 : vector<16xi32>
        %bitcast_convert_type3A_1463 = tpu.bitcast %and3A_1462 : vector<16xi32> -> vector<16xf32>
        %and3A_1464 = arith.constant -65536 : i32
        %and3A_1465 = vector.broadcast %and3A_1464 : i32 to vector<16xi32>
        %and3A_1466 = arith.andi %get3A_1299, %and3A_1465 : vector<16xi32>
        %bitcast_convert_type3A_1467 = tpu.bitcast %and3A_1466 : vector<16xi32> -> vector<16xf32>
        %and3A_1468 = arith.constant -65536 : i32
        %and3A_1469 = vector.broadcast %and3A_1468 : i32 to vector<16xi32>
        %and3A_1470 = arith.andi %get3A_1307, %and3A_1469 : vector<16xi32>
        %bitcast_convert_type3A_1471 = tpu.bitcast %and3A_1470 : vector<16xi32> -> vector<16xf32>
        %and3A_1472 = arith.constant -65536 : i32
        %and3A_1473 = vector.broadcast %and3A_1472 : i32 to vector<16xi32>
        %and3A_1474 = arith.andi %get3A_1315, %and3A_1473 : vector<16xi32>
        %bitcast_convert_type3A_1475 = tpu.bitcast %and3A_1474 : vector<16xi32> -> vector<16xf32>
        %and3A_1476 = arith.constant -65536 : i32
        %and3A_1477 = vector.broadcast %and3A_1476 : i32 to vector<16xi32>
        %and3A_1478 = arith.andi %get3A_1323, %and3A_1477 : vector<16xi32>
        %bitcast_convert_type3A_1479 = tpu.bitcast %and3A_1478 : vector<16xi32> -> vector<16xf32>
        %and3A_1480 = arith.constant -65536 : i32
        %and3A_1481 = vector.broadcast %and3A_1480 : i32 to vector<16xi32>
        %and3A_1482 = arith.andi %get3A_1331, %and3A_1481 : vector<16xi32>
        %bitcast_convert_type3A_1483 = tpu.bitcast %and3A_1482 : vector<16xi32> -> vector<16xf32>
        %and3A_1484 = arith.constant -65536 : i32
        %and3A_1485 = vector.broadcast %and3A_1484 : i32 to vector<16xi32>
        %and3A_1486 = arith.andi %get3A_1339, %and3A_1485 : vector<16xi32>
        %bitcast_convert_type3A_1487 = tpu.bitcast %and3A_1486 : vector<16xi32> -> vector<16xf32>
        %and3A_1488 = arith.constant -65536 : i32
        %and3A_1489 = vector.broadcast %and3A_1488 : i32 to vector<16xi32>
        %and3A_1490 = arith.andi %get3A_1347, %and3A_1489 : vector<16xi32>
        %bitcast_convert_type3A_1491 = tpu.bitcast %and3A_1490 : vector<16xi32> -> vector<16xf32>
        %and3A_1492 = arith.constant -65536 : i32
        %and3A_1493 = vector.broadcast %and3A_1492 : i32 to vector<16xi32>
        %and3A_1494 = arith.andi %get3A_1355, %and3A_1493 : vector<16xi32>
        %bitcast_convert_type3A_1495 = tpu.bitcast %and3A_1494 : vector<16xi32> -> vector<16xf32>
        %and3A_1496 = arith.constant -65536 : i32
        %and3A_1497 = vector.broadcast %and3A_1496 : i32 to vector<16xi32>
        %and3A_1498 = arith.andi %get3A_1363, %and3A_1497 : vector<16xi32>
        %bitcast_convert_type3A_1499 = tpu.bitcast %and3A_1498 : vector<16xi32> -> vector<16xf32>
        %and3A_1500 = arith.constant -65536 : i32
        %and3A_1501 = vector.broadcast %and3A_1500 : i32 to vector<16xi32>
        %and3A_1502 = arith.andi %get3A_1371, %and3A_1501 : vector<16xi32>
        %bitcast_convert_type3A_1503 = tpu.bitcast %and3A_1502 : vector<16xi32> -> vector<16xf32>
        %and3A_1504 = arith.constant -65536 : i32
        %and3A_1505 = vector.broadcast %and3A_1504 : i32 to vector<16xi32>
        %and3A_1506 = arith.andi %get3A_1379, %and3A_1505 : vector<16xi32>
        %bitcast_convert_type3A_1507 = tpu.bitcast %and3A_1506 : vector<16xi32> -> vector<16xf32>
        %max3A_1508 = arith.maximumf %bitcast_convert_type3A_1383, %bitcast_convert_type3A_1387 : vector<16xf32>
        %max3A_1509 = arith.maximumf %bitcast_convert_type3A_1391, %bitcast_convert_type3A_1395 : vector<16xf32>
        %max3A_1510 = arith.maximumf %bitcast_convert_type3A_1399, %bitcast_convert_type3A_1403 : vector<16xf32>
        %max3A_1511 = arith.maximumf %bitcast_convert_type3A_1407, %bitcast_convert_type3A_1411 : vector<16xf32>
        %max3A_1512 = arith.maximumf %bitcast_convert_type3A_1415, %bitcast_convert_type3A_1419 : vector<16xf32>
        %max3A_1513 = arith.maximumf %bitcast_convert_type3A_1423, %bitcast_convert_type3A_1427 : vector<16xf32>
        %max3A_1514 = arith.maximumf %bitcast_convert_type3A_1431, %bitcast_convert_type3A_1435 : vector<16xf32>
        %max3A_1515 = arith.maximumf %bitcast_convert_type3A_1439, %bitcast_convert_type3A_1443 : vector<16xf32>
        %max3A_1516 = arith.maximumf %max3A_1508, %max3A_1509 : vector<16xf32>
        %max3A_1517 = arith.maximumf %max3A_1510, %max3A_1511 : vector<16xf32>
        %max3A_1518 = arith.maximumf %max3A_1512, %max3A_1513 : vector<16xf32>
        %max3A_1519 = arith.maximumf %max3A_1514, %max3A_1515 : vector<16xf32>
        %max3A_1520 = arith.maximumf %max3A_1516, %max3A_1517 : vector<16xf32>
        %max3A_1521 = arith.maximumf %max3A_1518, %max3A_1519 : vector<16xf32>
        %max3A_1522 = arith.maximumf %max3A_1520, %max3A_1521 : vector<16xf32>
        %swap3A_1523 = arith.index_cast %scan3A_72 : i32 to index
        %swap3A_1524 = arith.constant 128 : index
        %swap3A_1525 = tpu.vector_load %arg8[%swap3A_1523, %swap3A_1524] {strides = array<i32>} : memref<8x256xf32, #tpu.memory_space<vmem>>, vector<1x16xf32>,
        %swap3A_1526 = vector.shape_cast %swap3A_1525 : vector<1x16xf32> to vector<16xf32>
        %swap3A_1527 = vector.shape_cast %max3A_1522 : vector<16xf32> to vector<1x16xf32>
        tpu.vector_store %arg8[%swap3A_1523, %swap3A_1524], %swap3A_1527 {strides = array<i32>} : memref<8x256xf32, #tpu.memory_space<vmem>>, vector<1x16xf32>,
        %max3A_1528 = arith.maximumf %bitcast_convert_type3A_1447, %bitcast_convert_type3A_1451 : vector<16xf32>
        %max3A_1529 = arith.maximumf %bitcast_convert_type3A_1455, %bitcast_convert_type3A_1459 : vector<16xf32>
        %max3A_1530 = arith.maximumf %bitcast_convert_type3A_1463, %bitcast_convert_type3A_1467 : vector<16xf32>
        %max3A_1531 = arith.maximumf %bitcast_convert_type3A_1471, %bitcast_convert_type3A_1475 : vector<16xf32>
        %max3A_1532 = arith.maximumf %bitcast_convert_type3A_1479, %bitcast_convert_type3A_1483 : vector<16xf32>
        %max3A_1533 = arith.maximumf %bitcast_convert_type3A_1487, %bitcast_convert_type3A_1491 : vector<16xf32>
        %max3A_1534 = arith.maximumf %bitcast_convert_type3A_1495, %bitcast_convert_type3A_1499 : vector<16xf32>
        %max3A_1535 = arith.maximumf %bitcast_convert_type3A_1503, %bitcast_convert_type3A_1507 : vector<16xf32>
        %max3A_1536 = arith.maximumf %max3A_1528, %max3A_1529 : vector<16xf32>
        %max3A_1537 = arith.maximumf %max3A_1530, %max3A_1531 : vector<16xf32>
        %max3A_1538 = arith.maximumf %max3A_1532, %max3A_1533 : vector<16xf32>
        %max3A_1539 = arith.maximumf %max3A_1534, %max3A_1535 : vector<16xf32>
        %max3A_1540 = arith.maximumf %max3A_1536, %max3A_1537 : vector<16xf32>
        %max3A_1541 = arith.maximumf %max3A_1538, %max3A_1539 : vector<16xf32>
        %max3A_1542 = arith.maximumf %max3A_1540, %max3A_1541 : vector<16xf32>
        %swap3A_1543 = arith.index_cast %scan3A_72 : i32 to index
        %swap3A_1544 = arith.constant 144 : index
        %swap3A_1545 = tpu.vector_load %arg8[%swap3A_1543, %swap3A_1544] {strides = array<i32>} : memref<8x256xf32, #tpu.memory_space<vmem>>, vector<1x16xf32>,
        %swap3A_1546 = vector.shape_cast %swap3A_1545 : vector<1x16xf32> to vector<16xf32>
        %swap3A_1547 = vector.shape_cast %max3A_1542 : vector<16xf32> to vector<1x16xf32>
        tpu.vector_store %arg8[%swap3A_1543, %swap3A_1544], %swap3A_1547 {strides = array<i32>} : memref<8x256xf32, #tpu.memory_space<vmem>>, vector<1x16xf32>,
        %mul3A_1548 = arith.constant 16 : i32
        %mul3A_1549 = arith.muli %scan3A_72, %mul3A_1548 : i32
        %add3A_1550 = arith.constant 0 : i32
        %add3A_1551 = arith.addi %mul3A_1549, %add3A_1550 : i32
        %get3A_1552 = arith.index_cast %add3A_1551 : i32 to index
        %get3A_1553 = arith.constant 80 : index
        %get3A_1554 = tpu.vector_load %arg6[%get3A_1552, %get3A_1553] {strides = array<i32>} : memref<128x128xi32, #tpu.memory_space<vmem>>, vector<1x16xi32>,
        %get3A_1555 = vector.shape_cast %get3A_1554 : vector<1x16xi32> to vector<16xi32>
        %mul3A_1556 = arith.constant 16 : i32
        %mul3A_1557 = arith.muli %scan3A_72, %mul3A_1556 : i32
        %add3A_1558 = arith.constant 1 : i32
        %add3A_1559 = arith.addi %mul3A_1557, %add3A_1558 : i32
        %get3A_1560 = arith.index_cast %add3A_1559 : i32 to index
        %get3A_1561 = arith.constant 80 : index
        %get3A_1562 = tpu.vector_load %arg6[%get3A_1560, %get3A_1561] {strides = array<i32>} : memref<128x128xi32, #tpu.memory_space<vmem>>, vector<1x16xi32>,
        %get3A_1563 = vector.shape_cast %get3A_1562 : vector<1x16xi32> to vector<16xi32>
        %mul3A_1564 = arith.constant 16 : i32
        %mul3A_1565 = arith.muli %scan3A_72, %mul3A_1564 : i32
        %add3A_1566 = arith.constant 2 : i32
        %add3A_1567 = arith.addi %mul3A_1565, %add3A_1566 : i32
        %get3A_1568 = arith.index_cast %add3A_1567 : i32 to index
        %get3A_1569 = arith.constant 80 : index
        %get3A_1570 = tpu.vector_load %arg6[%get3A_1568, %get3A_1569] {strides = array<i32>} : memref<128x128xi32, #tpu.memory_space<vmem>>, vector<1x16xi32>,
        %get3A_1571 = vector.shape_cast %get3A_1570 : vector<1x16xi32> to vector<16xi32>
        %mul3A_1572 = arith.constant 16 : i32
        %mul3A_1573 = arith.muli %scan3A_72, %mul3A_1572 : i32
        %add3A_1574 = arith.constant 3 : i32
        %add3A_1575 = arith.addi %mul3A_1573, %add3A_1574 : i32
        %get3A_1576 = arith.index_cast %add3A_1575 : i32 to index
        %get3A_1577 = arith.constant 80 : index
        %get3A_1578 = tpu.vector_load %arg6[%get3A_1576, %get3A_1577] {strides = array<i32>} : memref<128x128xi32, #tpu.memory_space<vmem>>, vector<1x16xi32>,
        %get3A_1579 = vector.shape_cast %get3A_1578 : vector<1x16xi32> to vector<16xi32>
        %mul3A_1580 = arith.constant 16 : i32
        %mul3A_1581 = arith.muli %scan3A_72, %mul3A_1580 : i32
        %add3A_1582 = arith.constant 4 : i32
        %add3A_1583 = arith.addi %mul3A_1581, %add3A_1582 : i32
        %get3A_1584 = arith.index_cast %add3A_1583 : i32 to index
        %get3A_1585 = arith.constant 80 : index
        %get3A_1586 = tpu.vector_load %arg6[%get3A_1584, %get3A_1585] {strides = array<i32>} : memref<128x128xi32, #tpu.memory_space<vmem>>, vector<1x16xi32>,
        %get3A_1587 = vector.shape_cast %get3A_1586 : vector<1x16xi32> to vector<16xi32>
        %mul3A_1588 = arith.constant 16 : i32
        %mul3A_1589 = arith.muli %scan3A_72, %mul3A_1588 : i32
        %add3A_1590 = arith.constant 5 : i32
        %add3A_1591 = arith.addi %mul3A_1589, %add3A_1590 : i32
        %get3A_1592 = arith.index_cast %add3A_1591 : i32 to index
        %get3A_1593 = arith.constant 80 : index
        %get3A_1594 = tpu.vector_load %arg6[%get3A_1592, %get3A_1593] {strides = array<i32>} : memref<128x128xi32, #tpu.memory_space<vmem>>, vector<1x16xi32>,
        %get3A_1595 = vector.shape_cast %get3A_1594 : vector<1x16xi32> to vector<16xi32>
        %mul3A_1596 = arith.constant 16 : i32
        %mul3A_1597 = arith.muli %scan3A_72, %mul3A_1596 : i32
        %add3A_1598 = arith.constant 6 : i32
        %add3A_1599 = arith.addi %mul3A_1597, %add3A_1598 : i32
        %get3A_1600 = arith.index_cast %add3A_1599 : i32 to index
        %get3A_1601 = arith.constant 80 : index
        %get3A_1602 = tpu.vector_load %arg6[%get3A_1600, %get3A_1601] {strides = array<i32>} : memref<128x128xi32, #tpu.memory_space<vmem>>, vector<1x16xi32>,
        %get3A_1603 = vector.shape_cast %get3A_1602 : vector<1x16xi32> to vector<16xi32>
        %mul3A_1604 = arith.constant 16 : i32
        %mul3A_1605 = arith.muli %scan3A_72, %mul3A_1604 : i32
        %add3A_1606 = arith.constant 7 : i32
        %add3A_1607 = arith.addi %mul3A_1605, %add3A_1606 : i32
        %get3A_1608 = arith.index_cast %add3A_1607 : i32 to index
        %get3A_1609 = arith.constant 80 : index
        %get3A_1610 = tpu.vector_load %arg6[%get3A_1608, %get3A_1609] {strides = array<i32>} : memref<128x128xi32, #tpu.memory_space<vmem>>, vector<1x16xi32>,
        %get3A_1611 = vector.shape_cast %get3A_1610 : vector<1x16xi32> to vector<16xi32>
        %mul3A_1612 = arith.constant 16 : i32
        %mul3A_1613 = arith.muli %scan3A_72, %mul3A_1612 : i32
        %add3A_1614 = arith.constant 8 : i32
        %add3A_1615 = arith.addi %mul3A_1613, %add3A_1614 : i32
        %get3A_1616 = arith.index_cast %add3A_1615 : i32 to index
        %get3A_1617 = arith.constant 80 : index
        %get3A_1618 = tpu.vector_load %arg6[%get3A_1616, %get3A_1617] {strides = array<i32>} : memref<128x128xi32, #tpu.memory_space<vmem>>, vector<1x16xi32>,
        %get3A_1619 = vector.shape_cast %get3A_1618 : vector<1x16xi32> to vector<16xi32>
        %mul3A_1620 = arith.constant 16 : i32
        %mul3A_1621 = arith.muli %scan3A_72, %mul3A_1620 : i32
        %add3A_1622 = arith.constant 9 : i32
        %add3A_1623 = arith.addi %mul3A_1621, %add3A_1622 : i32
        %get3A_1624 = arith.index_cast %add3A_1623 : i32 to index
        %get3A_1625 = arith.constant 80 : index
        %get3A_1626 = tpu.vector_load %arg6[%get3A_1624, %get3A_1625] {strides = array<i32>} : memref<128x128xi32, #tpu.memory_space<vmem>>, vector<1x16xi32>,
        %get3A_1627 = vector.shape_cast %get3A_1626 : vector<1x16xi32> to vector<16xi32>
        %mul3A_1628 = arith.constant 16 : i32
        %mul3A_1629 = arith.muli %scan3A_72, %mul3A_1628 : i32
        %add3A_1630 = arith.constant 10 : i32
        %add3A_1631 = arith.addi %mul3A_1629, %add3A_1630 : i32
        %get3A_1632 = arith.index_cast %add3A_1631 : i32 to index
        %get3A_1633 = arith.constant 80 : index
        %get3A_1634 = tpu.vector_load %arg6[%get3A_1632, %get3A_1633] {strides = array<i32>} : memref<128x128xi32, #tpu.memory_space<vmem>>, vector<1x16xi32>,
        %get3A_1635 = vector.shape_cast %get3A_1634 : vector<1x16xi32> to vector<16xi32>
        %mul3A_1636 = arith.constant 16 : i32
        %mul3A_1637 = arith.muli %scan3A_72, %mul3A_1636 : i32
        %add3A_1638 = arith.constant 11 : i32
        %add3A_1639 = arith.addi %mul3A_1637, %add3A_1638 : i32
        %get3A_1640 = arith.index_cast %add3A_1639 : i32 to index
        %get3A_1641 = arith.constant 80 : index
        %get3A_1642 = tpu.vector_load %arg6[%get3A_1640, %get3A_1641] {strides = array<i32>} : memref<128x128xi32, #tpu.memory_space<vmem>>, vector<1x16xi32>,
        %get3A_1643 = vector.shape_cast %get3A_1642 : vector<1x16xi32> to vector<16xi32>
        %mul3A_1644 = arith.constant 16 : i32
        %mul3A_1645 = arith.muli %scan3A_72, %mul3A_1644 : i32
        %add3A_1646 = arith.constant 12 : i32
        %add3A_1647 = arith.addi %mul3A_1645, %add3A_1646 : i32
        %get3A_1648 = arith.index_cast %add3A_1647 : i32 to index
        %get3A_1649 = arith.constant 80 : index
        %get3A_1650 = tpu.vector_load %arg6[%get3A_1648, %get3A_1649] {strides = array<i32>} : memref<128x128xi32, #tpu.memory_space<vmem>>, vector<1x16xi32>,
        %get3A_1651 = vector.shape_cast %get3A_1650 : vector<1x16xi32> to vector<16xi32>
        %mul3A_1652 = arith.constant 16 : i32
        %mul3A_1653 = arith.muli %scan3A_72, %mul3A_1652 : i32
        %add3A_1654 = arith.constant 13 : i32
        %add3A_1655 = arith.addi %mul3A_1653, %add3A_1654 : i32
        %get3A_1656 = arith.index_cast %add3A_1655 : i32 to index
        %get3A_1657 = arith.constant 80 : index
        %get3A_1658 = tpu.vector_load %arg6[%get3A_1656, %get3A_1657] {strides = array<i32>} : memref<128x128xi32, #tpu.memory_space<vmem>>, vector<1x16xi32>,
        %get3A_1659 = vector.shape_cast %get3A_1658 : vector<1x16xi32> to vector<16xi32>
        %mul3A_1660 = arith.constant 16 : i32
        %mul3A_1661 = arith.muli %scan3A_72, %mul3A_1660 : i32
        %add3A_1662 = arith.constant 14 : i32
        %add3A_1663 = arith.addi %mul3A_1661, %add3A_1662 : i32
        %get3A_1664 = arith.index_cast %add3A_1663 : i32 to index
        %get3A_1665 = arith.constant 80 : index
        %get3A_1666 = tpu.vector_load %arg6[%get3A_1664, %get3A_1665] {strides = array<i32>} : memref<128x128xi32, #tpu.memory_space<vmem>>, vector<1x16xi32>,
        %get3A_1667 = vector.shape_cast %get3A_1666 : vector<1x16xi32> to vector<16xi32>
        %mul3A_1668 = arith.constant 16 : i32
        %mul3A_1669 = arith.muli %scan3A_72, %mul3A_1668 : i32
        %add3A_1670 = arith.constant 15 : i32
        %add3A_1671 = arith.addi %mul3A_1669, %add3A_1670 : i32
        %get3A_1672 = arith.index_cast %add3A_1671 : i32 to index
        %get3A_1673 = arith.constant 80 : index
        %get3A_1674 = tpu.vector_load %arg6[%get3A_1672, %get3A_1673] {strides = array<i32>} : memref<128x128xi32, #tpu.memory_space<vmem>>, vector<1x16xi32>,
        %get3A_1675 = vector.shape_cast %get3A_1674 : vector<1x16xi32> to vector<16xi32>
        %shift_left3A_1676 = arith.constant 16 : i32
        %shift_left3A_1677 = vector.broadcast %shift_left3A_1676 : i32 to vector<16xi32>
        %shift_left3A_1678 = arith.shli %get3A_1555, %shift_left3A_1677 : vector<16xi32>
        %bitcast_convert_type3A_1679 = tpu.bitcast %shift_left3A_1678 : vector<16xi32> -> vector<16xf32>
        %shift_left3A_1680 = arith.constant 16 : i32
        %shift_left3A_1681 = vector.broadcast %shift_left3A_1680 : i32 to vector<16xi32>
        %shift_left3A_1682 = arith.shli %get3A_1563, %shift_left3A_1681 : vector<16xi32>
        %bitcast_convert_type3A_1683 = tpu.bitcast %shift_left3A_1682 : vector<16xi32> -> vector<16xf32>
        %shift_left3A_1684 = arith.constant 16 : i32
        %shift_left3A_1685 = vector.broadcast %shift_left3A_1684 : i32 to vector<16xi32>
        %shift_left3A_1686 = arith.shli %get3A_1571, %shift_left3A_1685 : vector<16xi32>
        %bitcast_convert_type3A_1687 = tpu.bitcast %shift_left3A_1686 : vector<16xi32> -> vector<16xf32>
        %shift_left3A_1688 = arith.constant 16 : i32
        %shift_left3A_1689 = vector.broadcast %shift_left3A_1688 : i32 to vector<16xi32>
        %shift_left3A_1690 = arith.shli %get3A_1579, %shift_left3A_1689 : vector<16xi32>
        %bitcast_convert_type3A_1691 = tpu.bitcast %shift_left3A_1690 : vector<16xi32> -> vector<16xf32>
        %shift_left3A_1692 = arith.constant 16 : i32
        %shift_left3A_1693 = vector.broadcast %shift_left3A_1692 : i32 to vector<16xi32>
        %shift_left3A_1694 = arith.shli %get3A_1587, %shift_left3A_1693 : vector<16xi32>
        %bitcast_convert_type3A_1695 = tpu.bitcast %shift_left3A_1694 : vector<16xi32> -> vector<16xf32>
        %shift_left3A_1696 = arith.constant 16 : i32
        %shift_left3A_1697 = vector.broadcast %shift_left3A_1696 : i32 to vector<16xi32>
        %shift_left3A_1698 = arith.shli %get3A_1595, %shift_left3A_1697 : vector<16xi32>
        %bitcast_convert_type3A_1699 = tpu.bitcast %shift_left3A_1698 : vector<16xi32> -> vector<16xf32>
        %shift_left3A_1700 = arith.constant 16 : i32
        %shift_left3A_1701 = vector.broadcast %shift_left3A_1700 : i32 to vector<16xi32>
        %shift_left3A_1702 = arith.shli %get3A_1603, %shift_left3A_1701 : vector<16xi32>
        %bitcast_convert_type3A_1703 = tpu.bitcast %shift_left3A_1702 : vector<16xi32> -> vector<16xf32>
        %shift_left3A_1704 = arith.constant 16 : i32
        %shift_left3A_1705 = vector.broadcast %shift_left3A_1704 : i32 to vector<16xi32>
        %shift_left3A_1706 = arith.shli %get3A_1611, %shift_left3A_1705 : vector<16xi32>
        %bitcast_convert_type3A_1707 = tpu.bitcast %shift_left3A_1706 : vector<16xi32> -> vector<16xf32>
        %shift_left3A_1708 = arith.constant 16 : i32
        %shift_left3A_1709 = vector.broadcast %shift_left3A_1708 : i32 to vector<16xi32>
        %shift_left3A_1710 = arith.shli %get3A_1619, %shift_left3A_1709 : vector<16xi32>
        %bitcast_convert_type3A_1711 = tpu.bitcast %shift_left3A_1710 : vector<16xi32> -> vector<16xf32>
        %shift_left3A_1712 = arith.constant 16 : i32
        %shift_left3A_1713 = vector.broadcast %shift_left3A_1712 : i32 to vector<16xi32>
        %shift_left3A_1714 = arith.shli %get3A_1627, %shift_left3A_1713 : vector<16xi32>
        %bitcast_convert_type3A_1715 = tpu.bitcast %shift_left3A_1714 : vector<16xi32> -> vector<16xf32>
        %shift_left3A_1716 = arith.constant 16 : i32
        %shift_left3A_1717 = vector.broadcast %shift_left3A_1716 : i32 to vector<16xi32>
        %shift_left3A_1718 = arith.shli %get3A_1635, %shift_left3A_1717 : vector<16xi32>
        %bitcast_convert_type3A_1719 = tpu.bitcast %shift_left3A_1718 : vector<16xi32> -> vector<16xf32>
        %shift_left3A_1720 = arith.constant 16 : i32
        %shift_left3A_1721 = vector.broadcast %shift_left3A_1720 : i32 to vector<16xi32>
        %shift_left3A_1722 = arith.shli %get3A_1643, %shift_left3A_1721 : vector<16xi32>
        %bitcast_convert_type3A_1723 = tpu.bitcast %shift_left3A_1722 : vector<16xi32> -> vector<16xf32>
        %shift_left3A_1724 = arith.constant 16 : i32
        %shift_left3A_1725 = vector.broadcast %shift_left3A_1724 : i32 to vector<16xi32>
        %shift_left3A_1726 = arith.shli %get3A_1651, %shift_left3A_1725 : vector<16xi32>
        %bitcast_convert_type3A_1727 = tpu.bitcast %shift_left3A_1726 : vector<16xi32> -> vector<16xf32>
        %shift_left3A_1728 = arith.constant 16 : i32
        %shift_left3A_1729 = vector.broadcast %shift_left3A_1728 : i32 to vector<16xi32>
        %shift_left3A_1730 = arith.shli %get3A_1659, %shift_left3A_1729 : vector<16xi32>
        %bitcast_convert_type3A_1731 = tpu.bitcast %shift_left3A_1730 : vector<16xi32> -> vector<16xf32>
        %shift_left3A_1732 = arith.constant 16 : i32
        %shift_left3A_1733 = vector.broadcast %shift_left3A_1732 : i32 to vector<16xi32>
        %shift_left3A_1734 = arith.shli %get3A_1667, %shift_left3A_1733 : vector<16xi32>
        %bitcast_convert_type3A_1735 = tpu.bitcast %shift_left3A_1734 : vector<16xi32> -> vector<16xf32>
        %shift_left3A_1736 = arith.constant 16 : i32
        %shift_left3A_1737 = vector.broadcast %shift_left3A_1736 : i32 to vector<16xi32>
        %shift_left3A_1738 = arith.shli %get3A_1675, %shift_left3A_1737 : vector<16xi32>
        %bitcast_convert_type3A_1739 = tpu.bitcast %shift_left3A_1738 : vector<16xi32> -> vector<16xf32>
        %and3A_1740 = arith.constant -65536 : i32
        %and3A_1741 = vector.broadcast %and3A_1740 : i32 to vector<16xi32>
        %and3A_1742 = arith.andi %get3A_1555, %and3A_1741 : vector<16xi32>
        %bitcast_convert_type3A_1743 = tpu.bitcast %and3A_1742 : vector<16xi32> -> vector<16xf32>
        %and3A_1744 = arith.constant -65536 : i32
        %and3A_1745 = vector.broadcast %and3A_1744 : i32 to vector<16xi32>
        %and3A_1746 = arith.andi %get3A_1563, %and3A_1745 : vector<16xi32>
        %bitcast_convert_type3A_1747 = tpu.bitcast %and3A_1746 : vector<16xi32> -> vector<16xf32>
        %and3A_1748 = arith.constant -65536 : i32
        %and3A_1749 = vector.broadcast %and3A_1748 : i32 to vector<16xi32>
        %and3A_1750 = arith.andi %get3A_1571, %and3A_1749 : vector<16xi32>
        %bitcast_convert_type3A_1751 = tpu.bitcast %and3A_1750 : vector<16xi32> -> vector<16xf32>
        %and3A_1752 = arith.constant -65536 : i32
        %and3A_1753 = vector.broadcast %and3A_1752 : i32 to vector<16xi32>
        %and3A_1754 = arith.andi %get3A_1579, %and3A_1753 : vector<16xi32>
        %bitcast_convert_type3A_1755 = tpu.bitcast %and3A_1754 : vector<16xi32> -> vector<16xf32>
        %and3A_1756 = arith.constant -65536 : i32
        %and3A_1757 = vector.broadcast %and3A_1756 : i32 to vector<16xi32>
        %and3A_1758 = arith.andi %get3A_1587, %and3A_1757 : vector<16xi32>
        %bitcast_convert_type3A_1759 = tpu.bitcast %and3A_1758 : vector<16xi32> -> vector<16xf32>
        %and3A_1760 = arith.constant -65536 : i32
        %and3A_1761 = vector.broadcast %and3A_1760 : i32 to vector<16xi32>
        %and3A_1762 = arith.andi %get3A_1595, %and3A_1761 : vector<16xi32>
        %bitcast_convert_type3A_1763 = tpu.bitcast %and3A_1762 : vector<16xi32> -> vector<16xf32>
        %and3A_1764 = arith.constant -65536 : i32
        %and3A_1765 = vector.broadcast %and3A_1764 : i32 to vector<16xi32>
        %and3A_1766 = arith.andi %get3A_1603, %and3A_1765 : vector<16xi32>
        %bitcast_convert_type3A_1767 = tpu.bitcast %and3A_1766 : vector<16xi32> -> vector<16xf32>
        %and3A_1768 = arith.constant -65536 : i32
        %and3A_1769 = vector.broadcast %and3A_1768 : i32 to vector<16xi32>
        %and3A_1770 = arith.andi %get3A_1611, %and3A_1769 : vector<16xi32>
        %bitcast_convert_type3A_1771 = tpu.bitcast %and3A_1770 : vector<16xi32> -> vector<16xf32>
        %and3A_1772 = arith.constant -65536 : i32
        %and3A_1773 = vector.broadcast %and3A_1772 : i32 to vector<16xi32>
        %and3A_1774 = arith.andi %get3A_1619, %and3A_1773 : vector<16xi32>
        %bitcast_convert_type3A_1775 = tpu.bitcast %and3A_1774 : vector<16xi32> -> vector<16xf32>
        %and3A_1776 = arith.constant -65536 : i32
        %and3A_1777 = vector.broadcast %and3A_1776 : i32 to vector<16xi32>
        %and3A_1778 = arith.andi %get3A_1627, %and3A_1777 : vector<16xi32>
        %bitcast_convert_type3A_1779 = tpu.bitcast %and3A_1778 : vector<16xi32> -> vector<16xf32>
        %and3A_1780 = arith.constant -65536 : i32
        %and3A_1781 = vector.broadcast %and3A_1780 : i32 to vector<16xi32>
        %and3A_1782 = arith.andi %get3A_1635, %and3A_1781 : vector<16xi32>
        %bitcast_convert_type3A_1783 = tpu.bitcast %and3A_1782 : vector<16xi32> -> vector<16xf32>
        %and3A_1784 = arith.constant -65536 : i32
        %and3A_1785 = vector.broadcast %and3A_1784 : i32 to vector<16xi32>
        %and3A_1786 = arith.andi %get3A_1643, %and3A_1785 : vector<16xi32>
        %bitcast_convert_type3A_1787 = tpu.bitcast %and3A_1786 : vector<16xi32> -> vector<16xf32>
        %and3A_1788 = arith.constant -65536 : i32
        %and3A_1789 = vector.broadcast %and3A_1788 : i32 to vector<16xi32>
        %and3A_1790 = arith.andi %get3A_1651, %and3A_1789 : vector<16xi32>
        %bitcast_convert_type3A_1791 = tpu.bitcast %and3A_1790 : vector<16xi32> -> vector<16xf32>
        %and3A_1792 = arith.constant -65536 : i32
        %and3A_1793 = vector.broadcast %and3A_1792 : i32 to vector<16xi32>
        %and3A_1794 = arith.andi %get3A_1659, %and3A_1793 : vector<16xi32>
        %bitcast_convert_type3A_1795 = tpu.bitcast %and3A_1794 : vector<16xi32> -> vector<16xf32>
        %and3A_1796 = arith.constant -65536 : i32
        %and3A_1797 = vector.broadcast %and3A_1796 : i32 to vector<16xi32>
        %and3A_1798 = arith.andi %get3A_1667, %and3A_1797 : vector<16xi32>
        %bitcast_convert_type3A_1799 = tpu.bitcast %and3A_1798 : vector<16xi32> -> vector<16xf32>
        %and3A_1800 = arith.constant -65536 : i32
        %and3A_1801 = vector.broadcast %and3A_1800 : i32 to vector<16xi32>
        %and3A_1802 = arith.andi %get3A_1675, %and3A_1801 : vector<16xi32>
        %bitcast_convert_type3A_1803 = tpu.bitcast %and3A_1802 : vector<16xi32> -> vector<16xf32>
        %max3A_1804 = arith.maximumf %bitcast_convert_type3A_1679, %bitcast_convert_type3A_1683 : vector<16xf32>
        %max3A_1805 = arith.maximumf %bitcast_convert_type3A_1687, %bitcast_convert_type3A_1691 : vector<16xf32>
        %max3A_1806 = arith.maximumf %bitcast_convert_type3A_1695, %bitcast_convert_type3A_1699 : vector<16xf32>
        %max3A_1807 = arith.maximumf %bitcast_convert_type3A_1703, %bitcast_convert_type3A_1707 : vector<16xf32>
        %max3A_1808 = arith.maximumf %bitcast_convert_type3A_1711, %bitcast_convert_type3A_1715 : vector<16xf32>
        %max3A_1809 = arith.maximumf %bitcast_convert_type3A_1719, %bitcast_convert_type3A_1723 : vector<16xf32>
        %max3A_1810 = arith.maximumf %bitcast_convert_type3A_1727, %bitcast_convert_type3A_1731 : vector<16xf32>
        %max3A_1811 = arith.maximumf %bitcast_convert_type3A_1735, %bitcast_convert_type3A_1739 : vector<16xf32>
        %max3A_1812 = arith.maximumf %max3A_1804, %max3A_1805 : vector<16xf32>
        %max3A_1813 = arith.maximumf %max3A_1806, %max3A_1807 : vector<16xf32>
        %max3A_1814 = arith.maximumf %max3A_1808, %max3A_1809 : vector<16xf32>
        %max3A_1815 = arith.maximumf %max3A_1810, %max3A_1811 : vector<16xf32>
        %max3A_1816 = arith.maximumf %max3A_1812, %max3A_1813 : vector<16xf32>
        %max3A_1817 = arith.maximumf %max3A_1814, %max3A_1815 : vector<16xf32>
        %max3A_1818 = arith.maximumf %max3A_1816, %max3A_1817 : vector<16xf32>
        %swap3A_1819 = arith.index_cast %scan3A_72 : i32 to index
        %swap3A_1820 = arith.constant 160 : index
        %swap3A_1821 = tpu.vector_load %arg8[%swap3A_1819, %swap3A_1820] {strides = array<i32>} : memref<8x256xf32, #tpu.memory_space<vmem>>, vector<1x16xf32>,
        %swap3A_1822 = vector.shape_cast %swap3A_1821 : vector<1x16xf32> to vector<16xf32>
        %swap3A_1823 = vector.shape_cast %max3A_1818 : vector<16xf32> to vector<1x16xf32>
        tpu.vector_store %arg8[%swap3A_1819, %swap3A_1820], %swap3A_1823 {strides = array<i32>} : memref<8x256xf32, #tpu.memory_space<vmem>>, vector<1x16xf32>,
        %max3A_1824 = arith.maximumf %bitcast_convert_type3A_1743, %bitcast_convert_type3A_1747 : vector<16xf32>
        %max3A_1825 = arith.maximumf %bitcast_convert_type3A_1751, %bitcast_convert_type3A_1755 : vector<16xf32>
        %max3A_1826 = arith.maximumf %bitcast_convert_type3A_1759, %bitcast_convert_type3A_1763 : vector<16xf32>
        %max3A_1827 = arith.maximumf %bitcast_convert_type3A_1767, %bitcast_convert_type3A_1771 : vector<16xf32>
        %max3A_1828 = arith.maximumf %bitcast_convert_type3A_1775, %bitcast_convert_type3A_1779 : vector<16xf32>
        %max3A_1829 = arith.maximumf %bitcast_convert_type3A_1783, %bitcast_convert_type3A_1787 : vector<16xf32>
        %max3A_1830 = arith.maximumf %bitcast_convert_type3A_1791, %bitcast_convert_type3A_1795 : vector<16xf32>
        %max3A_1831 = arith.maximumf %bitcast_convert_type3A_1799, %bitcast_convert_type3A_1803 : vector<16xf32>
        %max3A_1832 = arith.maximumf %max3A_1824, %max3A_1825 : vector<16xf32>
        %max3A_1833 = arith.maximumf %max3A_1826, %max3A_1827 : vector<16xf32>
        %max3A_1834 = arith.maximumf %max3A_1828, %max3A_1829 : vector<16xf32>
        %max3A_1835 = arith.maximumf %max3A_1830, %max3A_1831 : vector<16xf32>
        %max3A_1836 = arith.maximumf %max3A_1832, %max3A_1833 : vector<16xf32>
        %max3A_1837 = arith.maximumf %max3A_1834, %max3A_1835 : vector<16xf32>
        %max3A_1838 = arith.maximumf %max3A_1836, %max3A_1837 : vector<16xf32>
        %swap3A_1839 = arith.index_cast %scan3A_72 : i32 to index
        %swap3A_1840 = arith.constant 176 : index
        %swap3A_1841 = tpu.vector_load %arg8[%swap3A_1839, %swap3A_1840] {strides = array<i32>} : memref<8x256xf32, #tpu.memory_space<vmem>>, vector<1x16xf32>,
        %swap3A_1842 = vector.shape_cast %swap3A_1841 : vector<1x16xf32> to vector<16xf32>
        %swap3A_1843 = vector.shape_cast %max3A_1838 : vector<16xf32> to vector<1x16xf32>
        tpu.vector_store %arg8[%swap3A_1839, %swap3A_1840], %swap3A_1843 {strides = array<i32>} : memref<8x256xf32, #tpu.memory_space<vmem>>, vector<1x16xf32>,
        %mul3A_1844 = arith.constant 16 : i32
        %mul3A_1845 = arith.muli %scan3A_72, %mul3A_1844 : i32
        %add3A_1846 = arith.constant 0 : i32
        %add3A_1847 = arith.addi %mul3A_1845, %add3A_1846 : i32
        %get3A_1848 = arith.index_cast %add3A_1847 : i32 to index
        %get3A_1849 = arith.constant 96 : index
        %get3A_1850 = tpu.vector_load %arg6[%get3A_1848, %get3A_1849] {strides = array<i32>} : memref<128x128xi32, #tpu.memory_space<vmem>>, vector<1x16xi32>,
        %get3A_1851 = vector.shape_cast %get3A_1850 : vector<1x16xi32> to vector<16xi32>
        %mul3A_1852 = arith.constant 16 : i32
        %mul3A_1853 = arith.muli %scan3A_72, %mul3A_1852 : i32
        %add3A_1854 = arith.constant 1 : i32
        %add3A_1855 = arith.addi %mul3A_1853, %add3A_1854 : i32
        %get3A_1856 = arith.index_cast %add3A_1855 : i32 to index
        %get3A_1857 = arith.constant 96 : index
        %get3A_1858 = tpu.vector_load %arg6[%get3A_1856, %get3A_1857] {strides = array<i32>} : memref<128x128xi32, #tpu.memory_space<vmem>>, vector<1x16xi32>,
        %get3A_1859 = vector.shape_cast %get3A_1858 : vector<1x16xi32> to vector<16xi32>
        %mul3A_1860 = arith.constant 16 : i32
        %mul3A_1861 = arith.muli %scan3A_72, %mul3A_1860 : i32
        %add3A_1862 = arith.constant 2 : i32
        %add3A_1863 = arith.addi %mul3A_1861, %add3A_1862 : i32
        %get3A_1864 = arith.index_cast %add3A_1863 : i32 to index
        %get3A_1865 = arith.constant 96 : index
        %get3A_1866 = tpu.vector_load %arg6[%get3A_1864, %get3A_1865] {strides = array<i32>} : memref<128x128xi32, #tpu.memory_space<vmem>>, vector<1x16xi32>,
        %get3A_1867 = vector.shape_cast %get3A_1866 : vector<1x16xi32> to vector<16xi32>
        %mul3A_1868 = arith.constant 16 : i32
        %mul3A_1869 = arith.muli %scan3A_72, %mul3A_1868 : i32
        %add3A_1870 = arith.constant 3 : i32
        %add3A_1871 = arith.addi %mul3A_1869, %add3A_1870 : i32
        %get3A_1872 = arith.index_cast %add3A_1871 : i32 to index
        %get3A_1873 = arith.constant 96 : index
        %get3A_1874 = tpu.vector_load %arg6[%get3A_1872, %get3A_1873] {strides = array<i32>} : memref<128x128xi32, #tpu.memory_space<vmem>>, vector<1x16xi32>,
        %get3A_1875 = vector.shape_cast %get3A_1874 : vector<1x16xi32> to vector<16xi32>
        %mul3A_1876 = arith.constant 16 : i32
        %mul3A_1877 = arith.muli %scan3A_72, %mul3A_1876 : i32
        %add3A_1878 = arith.constant 4 : i32
        %add3A_1879 = arith.addi %mul3A_1877, %add3A_1878 : i32
        %get3A_1880 = arith.index_cast %add3A_1879 : i32 to index
        %get3A_1881 = arith.constant 96 : index
        %get3A_1882 = tpu.vector_load %arg6[%get3A_1880, %get3A_1881] {strides = array<i32>} : memref<128x128xi32, #tpu.memory_space<vmem>>, vector<1x16xi32>,
        %get3A_1883 = vector.shape_cast %get3A_1882 : vector<1x16xi32> to vector<16xi32>
        %mul3A_1884 = arith.constant 16 : i32
        %mul3A_1885 = arith.muli %scan3A_72, %mul3A_1884 : i32
        %add3A_1886 = arith.constant 5 : i32
        %add3A_1887 = arith.addi %mul3A_1885, %add3A_1886 : i32
        %get3A_1888 = arith.index_cast %add3A_1887 : i32 to index
        %get3A_1889 = arith.constant 96 : index
        %get3A_1890 = tpu.vector_load %arg6[%get3A_1888, %get3A_1889] {strides = array<i32>} : memref<128x128xi32, #tpu.memory_space<vmem>>, vector<1x16xi32>,
        %get3A_1891 = vector.shape_cast %get3A_1890 : vector<1x16xi32> to vector<16xi32>
        %mul3A_1892 = arith.constant 16 : i32
        %mul3A_1893 = arith.muli %scan3A_72, %mul3A_1892 : i32
        %add3A_1894 = arith.constant 6 : i32
        %add3A_1895 = arith.addi %mul3A_1893, %add3A_1894 : i32
        %get3A_1896 = arith.index_cast %add3A_1895 : i32 to index
        %get3A_1897 = arith.constant 96 : index
        %get3A_1898 = tpu.vector_load %arg6[%get3A_1896, %get3A_1897] {strides = array<i32>} : memref<128x128xi32, #tpu.memory_space<vmem>>, vector<1x16xi32>,
        %get3A_1899 = vector.shape_cast %get3A_1898 : vector<1x16xi32> to vector<16xi32>
        %mul3A_1900 = arith.constant 16 : i32
        %mul3A_1901 = arith.muli %scan3A_72, %mul3A_1900 : i32
        %add3A_1902 = arith.constant 7 : i32
        %add3A_1903 = arith.addi %mul3A_1901, %add3A_1902 : i32
        %get3A_1904 = arith.index_cast %add3A_1903 : i32 to index
        %get3A_1905 = arith.constant 96 : index
        %get3A_1906 = tpu.vector_load %arg6[%get3A_1904, %get3A_1905] {strides = array<i32>} : memref<128x128xi32, #tpu.memory_space<vmem>>, vector<1x16xi32>,
        %get3A_1907 = vector.shape_cast %get3A_1906 : vector<1x16xi32> to vector<16xi32>
        %mul3A_1908 = arith.constant 16 : i32
        %mul3A_1909 = arith.muli %scan3A_72, %mul3A_1908 : i32
        %add3A_1910 = arith.constant 8 : i32
        %add3A_1911 = arith.addi %mul3A_1909, %add3A_1910 : i32
        %get3A_1912 = arith.index_cast %add3A_1911 : i32 to index
        %get3A_1913 = arith.constant 96 : index
        %get3A_1914 = tpu.vector_load %arg6[%get3A_1912, %get3A_1913] {strides = array<i32>} : memref<128x128xi32, #tpu.memory_space<vmem>>, vector<1x16xi32>,
        %get3A_1915 = vector.shape_cast %get3A_1914 : vector<1x16xi32> to vector<16xi32>
        %mul3A_1916 = arith.constant 16 : i32
        %mul3A_1917 = arith.muli %scan3A_72, %mul3A_1916 : i32
        %add3A_1918 = arith.constant 9 : i32
        %add3A_1919 = arith.addi %mul3A_1917, %add3A_1918 : i32
        %get3A_1920 = arith.index_cast %add3A_1919 : i32 to index
        %get3A_1921 = arith.constant 96 : index
        %get3A_1922 = tpu.vector_load %arg6[%get3A_1920, %get3A_1921] {strides = array<i32>} : memref<128x128xi32, #tpu.memory_space<vmem>>, vector<1x16xi32>,
        %get3A_1923 = vector.shape_cast %get3A_1922 : vector<1x16xi32> to vector<16xi32>
        %mul3A_1924 = arith.constant 16 : i32
        %mul3A_1925 = arith.muli %scan3A_72, %mul3A_1924 : i32
        %add3A_1926 = arith.constant 10 : i32
        %add3A_1927 = arith.addi %mul3A_1925, %add3A_1926 : i32
        %get3A_1928 = arith.index_cast %add3A_1927 : i32 to index
        %get3A_1929 = arith.constant 96 : index
        %get3A_1930 = tpu.vector_load %arg6[%get3A_1928, %get3A_1929] {strides = array<i32>} : memref<128x128xi32, #tpu.memory_space<vmem>>, vector<1x16xi32>,
        %get3A_1931 = vector.shape_cast %get3A_1930 : vector<1x16xi32> to vector<16xi32>
        %mul3A_1932 = arith.constant 16 : i32
        %mul3A_1933 = arith.muli %scan3A_72, %mul3A_1932 : i32
        %add3A_1934 = arith.constant 11 : i32
        %add3A_1935 = arith.addi %mul3A_1933, %add3A_1934 : i32
        %get3A_1936 = arith.index_cast %add3A_1935 : i32 to index
        %get3A_1937 = arith.constant 96 : index
        %get3A_1938 = tpu.vector_load %arg6[%get3A_1936, %get3A_1937] {strides = array<i32>} : memref<128x128xi32, #tpu.memory_space<vmem>>, vector<1x16xi32>,
        %get3A_1939 = vector.shape_cast %get3A_1938 : vector<1x16xi32> to vector<16xi32>
        %mul3A_1940 = arith.constant 16 : i32
        %mul3A_1941 = arith.muli %scan3A_72, %mul3A_1940 : i32
        %add3A_1942 = arith.constant 12 : i32
        %add3A_1943 = arith.addi %mul3A_1941, %add3A_1942 : i32
        %get3A_1944 = arith.index_cast %add3A_1943 : i32 to index
        %get3A_1945 = arith.constant 96 : index
        %get3A_1946 = tpu.vector_load %arg6[%get3A_1944, %get3A_1945] {strides = array<i32>} : memref<128x128xi32, #tpu.memory_space<vmem>>, vector<1x16xi32>,
        %get3A_1947 = vector.shape_cast %get3A_1946 : vector<1x16xi32> to vector<16xi32>
        %mul3A_1948 = arith.constant 16 : i32
        %mul3A_1949 = arith.muli %scan3A_72, %mul3A_1948 : i32
        %add3A_1950 = arith.constant 13 : i32
        %add3A_1951 = arith.addi %mul3A_1949, %add3A_1950 : i32
        %get3A_1952 = arith.index_cast %add3A_1951 : i32 to index
        %get3A_1953 = arith.constant 96 : index
        %get3A_1954 = tpu.vector_load %arg6[%get3A_1952, %get3A_1953] {strides = array<i32>} : memref<128x128xi32, #tpu.memory_space<vmem>>, vector<1x16xi32>,
        %get3A_1955 = vector.shape_cast %get3A_1954 : vector<1x16xi32> to vector<16xi32>
        %mul3A_1956 = arith.constant 16 : i32
        %mul3A_1957 = arith.muli %scan3A_72, %mul3A_1956 : i32
        %add3A_1958 = arith.constant 14 : i32
        %add3A_1959 = arith.addi %mul3A_1957, %add3A_1958 : i32
        %get3A_1960 = arith.index_cast %add3A_1959 : i32 to index
        %get3A_1961 = arith.constant 96 : index
        %get3A_1962 = tpu.vector_load %arg6[%get3A_1960, %get3A_1961] {strides = array<i32>} : memref<128x128xi32, #tpu.memory_space<vmem>>, vector<1x16xi32>,
        %get3A_1963 = vector.shape_cast %get3A_1962 : vector<1x16xi32> to vector<16xi32>
        %mul3A_1964 = arith.constant 16 : i32
        %mul3A_1965 = arith.muli %scan3A_72, %mul3A_1964 : i32
        %add3A_1966 = arith.constant 15 : i32
        %add3A_1967 = arith.addi %mul3A_1965, %add3A_1966 : i32
        %get3A_1968 = arith.index_cast %add3A_1967 : i32 to index
        %get3A_1969 = arith.constant 96 : index
        %get3A_1970 = tpu.vector_load %arg6[%get3A_1968, %get3A_1969] {strides = array<i32>} : memref<128x128xi32, #tpu.memory_space<vmem>>, vector<1x16xi32>,
        %get3A_1971 = vector.shape_cast %get3A_1970 : vector<1x16xi32> to vector<16xi32>
        %shift_left3A_1972 = arith.constant 16 : i32
        %shift_left3A_1973 = vector.broadcast %shift_left3A_1972 : i32 to vector<16xi32>
        %shift_left3A_1974 = arith.shli %get3A_1851, %shift_left3A_1973 : vector<16xi32>
        %bitcast_convert_type3A_1975 = tpu.bitcast %shift_left3A_1974 : vector<16xi32> -> vector<16xf32>
        %shift_left3A_1976 = arith.constant 16 : i32
        %shift_left3A_1977 = vector.broadcast %shift_left3A_1976 : i32 to vector<16xi32>
        %shift_left3A_1978 = arith.shli %get3A_1859, %shift_left3A_1977 : vector<16xi32>
        %bitcast_convert_type3A_1979 = tpu.bitcast %shift_left3A_1978 : vector<16xi32> -> vector<16xf32>
        %shift_left3A_1980 = arith.constant 16 : i32
        %shift_left3A_1981 = vector.broadcast %shift_left3A_1980 : i32 to vector<16xi32>
        %shift_left3A_1982 = arith.shli %get3A_1867, %shift_left3A_1981 : vector<16xi32>
        %bitcast_convert_type3A_1983 = tpu.bitcast %shift_left3A_1982 : vector<16xi32> -> vector<16xf32>
        %shift_left3A_1984 = arith.constant 16 : i32
        %shift_left3A_1985 = vector.broadcast %shift_left3A_1984 : i32 to vector<16xi32>
        %shift_left3A_1986 = arith.shli %get3A_1875, %shift_left3A_1985 : vector<16xi32>
        %bitcast_convert_type3A_1987 = tpu.bitcast %shift_left3A_1986 : vector<16xi32> -> vector<16xf32>
        %shift_left3A_1988 = arith.constant 16 : i32
        %shift_left3A_1989 = vector.broadcast %shift_left3A_1988 : i32 to vector<16xi32>
        %shift_left3A_1990 = arith.shli %get3A_1883, %shift_left3A_1989 : vector<16xi32>
        %bitcast_convert_type3A_1991 = tpu.bitcast %shift_left3A_1990 : vector<16xi32> -> vector<16xf32>
        %shift_left3A_1992 = arith.constant 16 : i32
        %shift_left3A_1993 = vector.broadcast %shift_left3A_1992 : i32 to vector<16xi32>
        %shift_left3A_1994 = arith.shli %get3A_1891, %shift_left3A_1993 : vector<16xi32>
        %bitcast_convert_type3A_1995 = tpu.bitcast %shift_left3A_1994 : vector<16xi32> -> vector<16xf32>
        %shift_left3A_1996 = arith.constant 16 : i32
        %shift_left3A_1997 = vector.broadcast %shift_left3A_1996 : i32 to vector<16xi32>
        %shift_left3A_1998 = arith.shli %get3A_1899, %shift_left3A_1997 : vector<16xi32>
        %bitcast_convert_type3A_1999 = tpu.bitcast %shift_left3A_1998 : vector<16xi32> -> vector<16xf32>
        %shift_left3A_2000 = arith.constant 16 : i32
        %shift_left3A_2001 = vector.broadcast %shift_left3A_2000 : i32 to vector<16xi32>
        %shift_left3A_2002 = arith.shli %get3A_1907, %shift_left3A_2001 : vector<16xi32>
        %bitcast_convert_type3A_2003 = tpu.bitcast %shift_left3A_2002 : vector<16xi32> -> vector<16xf32>
        %shift_left3A_2004 = arith.constant 16 : i32
        %shift_left3A_2005 = vector.broadcast %shift_left3A_2004 : i32 to vector<16xi32>
        %shift_left3A_2006 = arith.shli %get3A_1915, %shift_left3A_2005 : vector<16xi32>
        %bitcast_convert_type3A_2007 = tpu.bitcast %shift_left3A_2006 : vector<16xi32> -> vector<16xf32>
        %shift_left3A_2008 = arith.constant 16 : i32
        %shift_left3A_2009 = vector.broadcast %shift_left3A_2008 : i32 to vector<16xi32>
        %shift_left3A_2010 = arith.shli %get3A_1923, %shift_left3A_2009 : vector<16xi32>
        %bitcast_convert_type3A_2011 = tpu.bitcast %shift_left3A_2010 : vector<16xi32> -> vector<16xf32>
        %shift_left3A_2012 = arith.constant 16 : i32
        %shift_left3A_2013 = vector.broadcast %shift_left3A_2012 : i32 to vector<16xi32>
        %shift_left3A_2014 = arith.shli %get3A_1931, %shift_left3A_2013 : vector<16xi32>
        %bitcast_convert_type3A_2015 = tpu.bitcast %shift_left3A_2014 : vector<16xi32> -> vector<16xf32>
        %shift_left3A_2016 = arith.constant 16 : i32
        %shift_left3A_2017 = vector.broadcast %shift_left3A_2016 : i32 to vector<16xi32>
        %shift_left3A_2018 = arith.shli %get3A_1939, %shift_left3A_2017 : vector<16xi32>
        %bitcast_convert_type3A_2019 = tpu.bitcast %shift_left3A_2018 : vector<16xi32> -> vector<16xf32>
        %shift_left3A_2020 = arith.constant 16 : i32
        %shift_left3A_2021 = vector.broadcast %shift_left3A_2020 : i32 to vector<16xi32>
        %shift_left3A_2022 = arith.shli %get3A_1947, %shift_left3A_2021 : vector<16xi32>
        %bitcast_convert_type3A_2023 = tpu.bitcast %shift_left3A_2022 : vector<16xi32> -> vector<16xf32>
        %shift_left3A_2024 = arith.constant 16 : i32
        %shift_left3A_2025 = vector.broadcast %shift_left3A_2024 : i32 to vector<16xi32>
        %shift_left3A_2026 = arith.shli %get3A_1955, %shift_left3A_2025 : vector<16xi32>
        %bitcast_convert_type3A_2027 = tpu.bitcast %shift_left3A_2026 : vector<16xi32> -> vector<16xf32>
        %shift_left3A_2028 = arith.constant 16 : i32
        %shift_left3A_2029 = vector.broadcast %shift_left3A_2028 : i32 to vector<16xi32>
        %shift_left3A_2030 = arith.shli %get3A_1963, %shift_left3A_2029 : vector<16xi32>
        %bitcast_convert_type3A_2031 = tpu.bitcast %shift_left3A_2030 : vector<16xi32> -> vector<16xf32>
        %shift_left3A_2032 = arith.constant 16 : i32
        %shift_left3A_2033 = vector.broadcast %shift_left3A_2032 : i32 to vector<16xi32>
        %shift_left3A_2034 = arith.shli %get3A_1971, %shift_left3A_2033 : vector<16xi32>
        %bitcast_convert_type3A_2035 = tpu.bitcast %shift_left3A_2034 : vector<16xi32> -> vector<16xf32>
        %and3A_2036 = arith.constant -65536 : i32
        %and3A_2037 = vector.broadcast %and3A_2036 : i32 to vector<16xi32>
        %and3A_2038 = arith.andi %get3A_1851, %and3A_2037 : vector<16xi32>
        %bitcast_convert_type3A_2039 = tpu.bitcast %and3A_2038 : vector<16xi32> -> vector<16xf32>
        %and3A_2040 = arith.constant -65536 : i32
        %and3A_2041 = vector.broadcast %and3A_2040 : i32 to vector<16xi32>
        %and3A_2042 = arith.andi %get3A_1859, %and3A_2041 : vector<16xi32>
        %bitcast_convert_type3A_2043 = tpu.bitcast %and3A_2042 : vector<16xi32> -> vector<16xf32>
        %and3A_2044 = arith.constant -65536 : i32
        %and3A_2045 = vector.broadcast %and3A_2044 : i32 to vector<16xi32>
        %and3A_2046 = arith.andi %get3A_1867, %and3A_2045 : vector<16xi32>
        %bitcast_convert_type3A_2047 = tpu.bitcast %and3A_2046 : vector<16xi32> -> vector<16xf32>
        %and3A_2048 = arith.constant -65536 : i32
        %and3A_2049 = vector.broadcast %and3A_2048 : i32 to vector<16xi32>
        %and3A_2050 = arith.andi %get3A_1875, %and3A_2049 : vector<16xi32>
        %bitcast_convert_type3A_2051 = tpu.bitcast %and3A_2050 : vector<16xi32> -> vector<16xf32>
        %and3A_2052 = arith.constant -65536 : i32
        %and3A_2053 = vector.broadcast %and3A_2052 : i32 to vector<16xi32>
        %and3A_2054 = arith.andi %get3A_1883, %and3A_2053 : vector<16xi32>
        %bitcast_convert_type3A_2055 = tpu.bitcast %and3A_2054 : vector<16xi32> -> vector<16xf32>
        %and3A_2056 = arith.constant -65536 : i32
        %and3A_2057 = vector.broadcast %and3A_2056 : i32 to vector<16xi32>
        %and3A_2058 = arith.andi %get3A_1891, %and3A_2057 : vector<16xi32>
        %bitcast_convert_type3A_2059 = tpu.bitcast %and3A_2058 : vector<16xi32> -> vector<16xf32>
        %and3A_2060 = arith.constant -65536 : i32
        %and3A_2061 = vector.broadcast %and3A_2060 : i32 to vector<16xi32>
        %and3A_2062 = arith.andi %get3A_1899, %and3A_2061 : vector<16xi32>
        %bitcast_convert_type3A_2063 = tpu.bitcast %and3A_2062 : vector<16xi32> -> vector<16xf32>
        %and3A_2064 = arith.constant -65536 : i32
        %and3A_2065 = vector.broadcast %and3A_2064 : i32 to vector<16xi32>
        %and3A_2066 = arith.andi %get3A_1907, %and3A_2065 : vector<16xi32>
        %bitcast_convert_type3A_2067 = tpu.bitcast %and3A_2066 : vector<16xi32> -> vector<16xf32>
        %and3A_2068 = arith.constant -65536 : i32
        %and3A_2069 = vector.broadcast %and3A_2068 : i32 to vector<16xi32>
        %and3A_2070 = arith.andi %get3A_1915, %and3A_2069 : vector<16xi32>
        %bitcast_convert_type3A_2071 = tpu.bitcast %and3A_2070 : vector<16xi32> -> vector<16xf32>
        %and3A_2072 = arith.constant -65536 : i32
        %and3A_2073 = vector.broadcast %and3A_2072 : i32 to vector<16xi32>
        %and3A_2074 = arith.andi %get3A_1923, %and3A_2073 : vector<16xi32>
        %bitcast_convert_type3A_2075 = tpu.bitcast %and3A_2074 : vector<16xi32> -> vector<16xf32>
        %and3A_2076 = arith.constant -65536 : i32
        %and3A_2077 = vector.broadcast %and3A_2076 : i32 to vector<16xi32>
        %and3A_2078 = arith.andi %get3A_1931, %and3A_2077 : vector<16xi32>
        %bitcast_convert_type3A_2079 = tpu.bitcast %and3A_2078 : vector<16xi32> -> vector<16xf32>
        %and3A_2080 = arith.constant -65536 : i32
        %and3A_2081 = vector.broadcast %and3A_2080 : i32 to vector<16xi32>
        %and3A_2082 = arith.andi %get3A_1939, %and3A_2081 : vector<16xi32>
        %bitcast_convert_type3A_2083 = tpu.bitcast %and3A_2082 : vector<16xi32> -> vector<16xf32>
        %and3A_2084 = arith.constant -65536 : i32
        %and3A_2085 = vector.broadcast %and3A_2084 : i32 to vector<16xi32>
        %and3A_2086 = arith.andi %get3A_1947, %and3A_2085 : vector<16xi32>
        %bitcast_convert_type3A_2087 = tpu.bitcast %and3A_2086 : vector<16xi32> -> vector<16xf32>
        %and3A_2088 = arith.constant -65536 : i32
        %and3A_2089 = vector.broadcast %and3A_2088 : i32 to vector<16xi32>
        %and3A_2090 = arith.andi %get3A_1955, %and3A_2089 : vector<16xi32>
        %bitcast_convert_type3A_2091 = tpu.bitcast %and3A_2090 : vector<16xi32> -> vector<16xf32>
        %and3A_2092 = arith.constant -65536 : i32
        %and3A_2093 = vector.broadcast %and3A_2092 : i32 to vector<16xi32>
        %and3A_2094 = arith.andi %get3A_1963, %and3A_2093 : vector<16xi32>
        %bitcast_convert_type3A_2095 = tpu.bitcast %and3A_2094 : vector<16xi32> -> vector<16xf32>
        %and3A_2096 = arith.constant -65536 : i32
        %and3A_2097 = vector.broadcast %and3A_2096 : i32 to vector<16xi32>
        %and3A_2098 = arith.andi %get3A_1971, %and3A_2097 : vector<16xi32>
        %bitcast_convert_type3A_2099 = tpu.bitcast %and3A_2098 : vector<16xi32> -> vector<16xf32>
        %max3A_2100 = arith.maximumf %bitcast_convert_type3A_1975, %bitcast_convert_type3A_1979 : vector<16xf32>
        %max3A_2101 = arith.maximumf %bitcast_convert_type3A_1983, %bitcast_convert_type3A_1987 : vector<16xf32>
        %max3A_2102 = arith.maximumf %bitcast_convert_type3A_1991, %bitcast_convert_type3A_1995 : vector<16xf32>
        %max3A_2103 = arith.maximumf %bitcast_convert_type3A_1999, %bitcast_convert_type3A_2003 : vector<16xf32>
        %max3A_2104 = arith.maximumf %bitcast_convert_type3A_2007, %bitcast_convert_type3A_2011 : vector<16xf32>
        %max3A_2105 = arith.maximumf %bitcast_convert_type3A_2015, %bitcast_convert_type3A_2019 : vector<16xf32>
        %max3A_2106 = arith.maximumf %bitcast_convert_type3A_2023, %bitcast_convert_type3A_2027 : vector<16xf32>
        %max3A_2107 = arith.maximumf %bitcast_convert_type3A_2031, %bitcast_convert_type3A_2035 : vector<16xf32>
        %max3A_2108 = arith.maximumf %max3A_2100, %max3A_2101 : vector<16xf32>
        %max3A_2109 = arith.maximumf %max3A_2102, %max3A_2103 : vector<16xf32>
        %max3A_2110 = arith.maximumf %max3A_2104, %max3A_2105 : vector<16xf32>
        %max3A_2111 = arith.maximumf %max3A_2106, %max3A_2107 : vector<16xf32>
        %max3A_2112 = arith.maximumf %max3A_2108, %max3A_2109 : vector<16xf32>
        %max3A_2113 = arith.maximumf %max3A_2110, %max3A_2111 : vector<16xf32>
        %max3A_2114 = arith.maximumf %max3A_2112, %max3A_2113 : vector<16xf32>
        %swap3A_2115 = arith.index_cast %scan3A_72 : i32 to index
        %swap3A_2116 = arith.constant 192 : index
        %swap3A_2117 = tpu.vector_load %arg8[%swap3A_2115, %swap3A_2116] {strides = array<i32>} : memref<8x256xf32, #tpu.memory_space<vmem>>, vector<1x16xf32>,
        %swap3A_2118 = vector.shape_cast %swap3A_2117 : vector<1x16xf32> to vector<16xf32>
        %swap3A_2119 = vector.shape_cast %max3A_2114 : vector<16xf32> to vector<1x16xf32>
        tpu.vector_store %arg8[%swap3A_2115, %swap3A_2116], %swap3A_2119 {strides = array<i32>} : memref<8x256xf32, #tpu.memory_space<vmem>>, vector<1x16xf32>,
        %max3A_2120 = arith.maximumf %bitcast_convert_type3A_2039, %bitcast_convert_type3A_2043 : vector<16xf32>
        %max3A_2121 = arith.maximumf %bitcast_convert_type3A_2047, %bitcast_convert_type3A_2051 : vector<16xf32>
        %max3A_2122 = arith.maximumf %bitcast_convert_type3A_2055, %bitcast_convert_type3A_2059 : vector<16xf32>
        %max3A_2123 = arith.maximumf %bitcast_convert_type3A_2063, %bitcast_convert_type3A_2067 : vector<16xf32>
        %max3A_2124 = arith.maximumf %bitcast_convert_type3A_2071, %bitcast_convert_type3A_2075 : vector<16xf32>
        %max3A_2125 = arith.maximumf %bitcast_convert_type3A_2079, %bitcast_convert_type3A_2083 : vector<16xf32>
        %max3A_2126 = arith.maximumf %bitcast_convert_type3A_2087, %bitcast_convert_type3A_2091 : vector<16xf32>
        %max3A_2127 = arith.maximumf %bitcast_convert_type3A_2095, %bitcast_convert_type3A_2099 : vector<16xf32>
        %max3A_2128 = arith.maximumf %max3A_2120, %max3A_2121 : vector<16xf32>
        %max3A_2129 = arith.maximumf %max3A_2122, %max3A_2123 : vector<16xf32>
        %max3A_2130 = arith.maximumf %max3A_2124, %max3A_2125 : vector<16xf32>
        %max3A_2131 = arith.maximumf %max3A_2126, %max3A_2127 : vector<16xf32>
        %max3A_2132 = arith.maximumf %max3A_2128, %max3A_2129 : vector<16xf32>
        %max3A_2133 = arith.maximumf %max3A_2130, %max3A_2131 : vector<16xf32>
        %max3A_2134 = arith.maximumf %max3A_2132, %max3A_2133 : vector<16xf32>
        %swap3A_2135 = arith.index_cast %scan3A_72 : i32 to index
        %swap3A_2136 = arith.constant 208 : index
        %swap3A_2137 = tpu.vector_load %arg8[%swap3A_2135, %swap3A_2136] {strides = array<i32>} : memref<8x256xf32, #tpu.memory_space<vmem>>, vector<1x16xf32>,
        %swap3A_2138 = vector.shape_cast %swap3A_2137 : vector<1x16xf32> to vector<16xf32>
        %swap3A_2139 = vector.shape_cast %max3A_2134 : vector<16xf32> to vector<1x16xf32>
        tpu.vector_store %arg8[%swap3A_2135, %swap3A_2136], %swap3A_2139 {strides = array<i32>} : memref<8x256xf32, #tpu.memory_space<vmem>>, vector<1x16xf32>,
        %mul3A_2140 = arith.constant 16 : i32
        %mul3A_2141 = arith.muli %scan3A_72, %mul3A_2140 : i32
        %add3A_2142 = arith.constant 0 : i32
        %add3A_2143 = arith.addi %mul3A_2141, %add3A_2142 : i32
        %get3A_2144 = arith.index_cast %add3A_2143 : i32 to index
        %get3A_2145 = arith.constant 112 : index
        %get3A_2146 = tpu.vector_load %arg6[%get3A_2144, %get3A_2145] {strides = array<i32>} : memref<128x128xi32, #tpu.memory_space<vmem>>, vector<1x16xi32>,
        %get3A_2147 = vector.shape_cast %get3A_2146 : vector<1x16xi32> to vector<16xi32>
        %mul3A_2148 = arith.constant 16 : i32
        %mul3A_2149 = arith.muli %scan3A_72, %mul3A_2148 : i32
        %add3A_2150 = arith.constant 1 : i32
        %add3A_2151 = arith.addi %mul3A_2149, %add3A_2150 : i32
        %get3A_2152 = arith.index_cast %add3A_2151 : i32 to index
        %get3A_2153 = arith.constant 112 : index
        %get3A_2154 = tpu.vector_load %arg6[%get3A_2152, %get3A_2153] {strides = array<i32>} : memref<128x128xi32, #tpu.memory_space<vmem>>, vector<1x16xi32>,
        %get3A_2155 = vector.shape_cast %get3A_2154 : vector<1x16xi32> to vector<16xi32>
        %mul3A_2156 = arith.constant 16 : i32
        %mul3A_2157 = arith.muli %scan3A_72, %mul3A_2156 : i32
        %add3A_2158 = arith.constant 2 : i32
        %add3A_2159 = arith.addi %mul3A_2157, %add3A_2158 : i32
        %get3A_2160 = arith.index_cast %add3A_2159 : i32 to index
        %get3A_2161 = arith.constant 112 : index
        %get3A_2162 = tpu.vector_load %arg6[%get3A_2160, %get3A_2161] {strides = array<i32>} : memref<128x128xi32, #tpu.memory_space<vmem>>, vector<1x16xi32>,
        %get3A_2163 = vector.shape_cast %get3A_2162 : vector<1x16xi32> to vector<16xi32>
        %mul3A_2164 = arith.constant 16 : i32
        %mul3A_2165 = arith.muli %scan3A_72, %mul3A_2164 : i32
        %add3A_2166 = arith.constant 3 : i32
        %add3A_2167 = arith.addi %mul3A_2165, %add3A_2166 : i32
        %get3A_2168 = arith.index_cast %add3A_2167 : i32 to index
        %get3A_2169 = arith.constant 112 : index
        %get3A_2170 = tpu.vector_load %arg6[%get3A_2168, %get3A_2169] {strides = array<i32>} : memref<128x128xi32, #tpu.memory_space<vmem>>, vector<1x16xi32>,
        %get3A_2171 = vector.shape_cast %get3A_2170 : vector<1x16xi32> to vector<16xi32>
        %mul3A_2172 = arith.constant 16 : i32
        %mul3A_2173 = arith.muli %scan3A_72, %mul3A_2172 : i32
        %add3A_2174 = arith.constant 4 : i32
        %add3A_2175 = arith.addi %mul3A_2173, %add3A_2174 : i32
        %get3A_2176 = arith.index_cast %add3A_2175 : i32 to index
        %get3A_2177 = arith.constant 112 : index
        %get3A_2178 = tpu.vector_load %arg6[%get3A_2176, %get3A_2177] {strides = array<i32>} : memref<128x128xi32, #tpu.memory_space<vmem>>, vector<1x16xi32>,
        %get3A_2179 = vector.shape_cast %get3A_2178 : vector<1x16xi32> to vector<16xi32>
        %mul3A_2180 = arith.constant 16 : i32
        %mul3A_2181 = arith.muli %scan3A_72, %mul3A_2180 : i32
        %add3A_2182 = arith.constant 5 : i32
        %add3A_2183 = arith.addi %mul3A_2181, %add3A_2182 : i32
        %get3A_2184 = arith.index_cast %add3A_2183 : i32 to index
        %get3A_2185 = arith.constant 112 : index
        %get3A_2186 = tpu.vector_load %arg6[%get3A_2184, %get3A_2185] {strides = array<i32>} : memref<128x128xi32, #tpu.memory_space<vmem>>, vector<1x16xi32>,
        %get3A_2187 = vector.shape_cast %get3A_2186 : vector<1x16xi32> to vector<16xi32>
        %mul3A_2188 = arith.constant 16 : i32
        %mul3A_2189 = arith.muli %scan3A_72, %mul3A_2188 : i32
        %add3A_2190 = arith.constant 6 : i32
        %add3A_2191 = arith.addi %mul3A_2189, %add3A_2190 : i32
        %get3A_2192 = arith.index_cast %add3A_2191 : i32 to index
        %get3A_2193 = arith.constant 112 : index
        %get3A_2194 = tpu.vector_load %arg6[%get3A_2192, %get3A_2193] {strides = array<i32>} : memref<128x128xi32, #tpu.memory_space<vmem>>, vector<1x16xi32>,
        %get3A_2195 = vector.shape_cast %get3A_2194 : vector<1x16xi32> to vector<16xi32>
        %mul3A_2196 = arith.constant 16 : i32
        %mul3A_2197 = arith.muli %scan3A_72, %mul3A_2196 : i32
        %add3A_2198 = arith.constant 7 : i32
        %add3A_2199 = arith.addi %mul3A_2197, %add3A_2198 : i32
        %get3A_2200 = arith.index_cast %add3A_2199 : i32 to index
        %get3A_2201 = arith.constant 112 : index
        %get3A_2202 = tpu.vector_load %arg6[%get3A_2200, %get3A_2201] {strides = array<i32>} : memref<128x128xi32, #tpu.memory_space<vmem>>, vector<1x16xi32>,
        %get3A_2203 = vector.shape_cast %get3A_2202 : vector<1x16xi32> to vector<16xi32>
        %mul3A_2204 = arith.constant 16 : i32
        %mul3A_2205 = arith.muli %scan3A_72, %mul3A_2204 : i32
        %add3A_2206 = arith.constant 8 : i32
        %add3A_2207 = arith.addi %mul3A_2205, %add3A_2206 : i32
        %get3A_2208 = arith.index_cast %add3A_2207 : i32 to index
        %get3A_2209 = arith.constant 112 : index
        %get3A_2210 = tpu.vector_load %arg6[%get3A_2208, %get3A_2209] {strides = array<i32>} : memref<128x128xi32, #tpu.memory_space<vmem>>, vector<1x16xi32>,
        %get3A_2211 = vector.shape_cast %get3A_2210 : vector<1x16xi32> to vector<16xi32>
        %mul3A_2212 = arith.constant 16 : i32
        %mul3A_2213 = arith.muli %scan3A_72, %mul3A_2212 : i32
        %add3A_2214 = arith.constant 9 : i32
        %add3A_2215 = arith.addi %mul3A_2213, %add3A_2214 : i32
        %get3A_2216 = arith.index_cast %add3A_2215 : i32 to index
        %get3A_2217 = arith.constant 112 : index
        %get3A_2218 = tpu.vector_load %arg6[%get3A_2216, %get3A_2217] {strides = array<i32>} : memref<128x128xi32, #tpu.memory_space<vmem>>, vector<1x16xi32>,
        %get3A_2219 = vector.shape_cast %get3A_2218 : vector<1x16xi32> to vector<16xi32>
        %mul3A_2220 = arith.constant 16 : i32
        %mul3A_2221 = arith.muli %scan3A_72, %mul3A_2220 : i32
        %add3A_2222 = arith.constant 10 : i32
        %add3A_2223 = arith.addi %mul3A_2221, %add3A_2222 : i32
        %get3A_2224 = arith.index_cast %add3A_2223 : i32 to index
        %get3A_2225 = arith.constant 112 : index
        %get3A_2226 = tpu.vector_load %arg6[%get3A_2224, %get3A_2225] {strides = array<i32>} : memref<128x128xi32, #tpu.memory_space<vmem>>, vector<1x16xi32>,
        %get3A_2227 = vector.shape_cast %get3A_2226 : vector<1x16xi32> to vector<16xi32>
        %mul3A_2228 = arith.constant 16 : i32
        %mul3A_2229 = arith.muli %scan3A_72, %mul3A_2228 : i32
        %add3A_2230 = arith.constant 11 : i32
        %add3A_2231 = arith.addi %mul3A_2229, %add3A_2230 : i32
        %get3A_2232 = arith.index_cast %add3A_2231 : i32 to index
        %get3A_2233 = arith.constant 112 : index
        %get3A_2234 = tpu.vector_load %arg6[%get3A_2232, %get3A_2233] {strides = array<i32>} : memref<128x128xi32, #tpu.memory_space<vmem>>, vector<1x16xi32>,
        %get3A_2235 = vector.shape_cast %get3A_2234 : vector<1x16xi32> to vector<16xi32>
        %mul3A_2236 = arith.constant 16 : i32
        %mul3A_2237 = arith.muli %scan3A_72, %mul3A_2236 : i32
        %add3A_2238 = arith.constant 12 : i32
        %add3A_2239 = arith.addi %mul3A_2237, %add3A_2238 : i32
        %get3A_2240 = arith.index_cast %add3A_2239 : i32 to index
        %get3A_2241 = arith.constant 112 : index
        %get3A_2242 = tpu.vector_load %arg6[%get3A_2240, %get3A_2241] {strides = array<i32>} : memref<128x128xi32, #tpu.memory_space<vmem>>, vector<1x16xi32>,
        %get3A_2243 = vector.shape_cast %get3A_2242 : vector<1x16xi32> to vector<16xi32>
        %mul3A_2244 = arith.constant 16 : i32
        %mul3A_2245 = arith.muli %scan3A_72, %mul3A_2244 : i32
        %add3A_2246 = arith.constant 13 : i32
        %add3A_2247 = arith.addi %mul3A_2245, %add3A_2246 : i32
        %get3A_2248 = arith.index_cast %add3A_2247 : i32 to index
        %get3A_2249 = arith.constant 112 : index
        %get3A_2250 = tpu.vector_load %arg6[%get3A_2248, %get3A_2249] {strides = array<i32>} : memref<128x128xi32, #tpu.memory_space<vmem>>, vector<1x16xi32>,
        %get3A_2251 = vector.shape_cast %get3A_2250 : vector<1x16xi32> to vector<16xi32>
        %mul3A_2252 = arith.constant 16 : i32
        %mul3A_2253 = arith.muli %scan3A_72, %mul3A_2252 : i32
        %add3A_2254 = arith.constant 14 : i32
        %add3A_2255 = arith.addi %mul3A_2253, %add3A_2254 : i32
        %get3A_2256 = arith.index_cast %add3A_2255 : i32 to index
        %get3A_2257 = arith.constant 112 : index
        %get3A_2258 = tpu.vector_load %arg6[%get3A_2256, %get3A_2257] {strides = array<i32>} : memref<128x128xi32, #tpu.memory_space<vmem>>, vector<1x16xi32>,
        %get3A_2259 = vector.shape_cast %get3A_2258 : vector<1x16xi32> to vector<16xi32>
        %mul3A_2260 = arith.constant 16 : i32
        %mul3A_2261 = arith.muli %scan3A_72, %mul3A_2260 : i32
        %add3A_2262 = arith.constant 15 : i32
        %add3A_2263 = arith.addi %mul3A_2261, %add3A_2262 : i32
        %get3A_2264 = arith.index_cast %add3A_2263 : i32 to index
        %get3A_2265 = arith.constant 112 : index
        %get3A_2266 = tpu.vector_load %arg6[%get3A_2264, %get3A_2265] {strides = array<i32>} : memref<128x128xi32, #tpu.memory_space<vmem>>, vector<1x16xi32>,
        %get3A_2267 = vector.shape_cast %get3A_2266 : vector<1x16xi32> to vector<16xi32>
        %shift_left3A_2268 = arith.constant 16 : i32
        %shift_left3A_2269 = vector.broadcast %shift_left3A_2268 : i32 to vector<16xi32>
        %shift_left3A_2270 = arith.shli %get3A_2147, %shift_left3A_2269 : vector<16xi32>
        %bitcast_convert_type3A_2271 = tpu.bitcast %shift_left3A_2270 : vector<16xi32> -> vector<16xf32>
        %shift_left3A_2272 = arith.constant 16 : i32
        %shift_left3A_2273 = vector.broadcast %shift_left3A_2272 : i32 to vector<16xi32>
        %shift_left3A_2274 = arith.shli %get3A_2155, %shift_left3A_2273 : vector<16xi32>
        %bitcast_convert_type3A_2275 = tpu.bitcast %shift_left3A_2274 : vector<16xi32> -> vector<16xf32>
        %shift_left3A_2276 = arith.constant 16 : i32
        %shift_left3A_2277 = vector.broadcast %shift_left3A_2276 : i32 to vector<16xi32>
        %shift_left3A_2278 = arith.shli %get3A_2163, %shift_left3A_2277 : vector<16xi32>
        %bitcast_convert_type3A_2279 = tpu.bitcast %shift_left3A_2278 : vector<16xi32> -> vector<16xf32>
        %shift_left3A_2280 = arith.constant 16 : i32
        %shift_left3A_2281 = vector.broadcast %shift_left3A_2280 : i32 to vector<16xi32>
        %shift_left3A_2282 = arith.shli %get3A_2171, %shift_left3A_2281 : vector<16xi32>
        %bitcast_convert_type3A_2283 = tpu.bitcast %shift_left3A_2282 : vector<16xi32> -> vector<16xf32>
        %shift_left3A_2284 = arith.constant 16 : i32
        %shift_left3A_2285 = vector.broadcast %shift_left3A_2284 : i32 to vector<16xi32>
        %shift_left3A_2286 = arith.shli %get3A_2179, %shift_left3A_2285 : vector<16xi32>
        %bitcast_convert_type3A_2287 = tpu.bitcast %shift_left3A_2286 : vector<16xi32> -> vector<16xf32>
        %shift_left3A_2288 = arith.constant 16 : i32
        %shift_left3A_2289 = vector.broadcast %shift_left3A_2288 : i32 to vector<16xi32>
        %shift_left3A_2290 = arith.shli %get3A_2187, %shift_left3A_2289 : vector<16xi32>
        %bitcast_convert_type3A_2291 = tpu.bitcast %shift_left3A_2290 : vector<16xi32> -> vector<16xf32>
        %shift_left3A_2292 = arith.constant 16 : i32
        %shift_left3A_2293 = vector.broadcast %shift_left3A_2292 : i32 to vector<16xi32>
        %shift_left3A_2294 = arith.shli %get3A_2195, %shift_left3A_2293 : vector<16xi32>
        %bitcast_convert_type3A_2295 = tpu.bitcast %shift_left3A_2294 : vector<16xi32> -> vector<16xf32>
        %shift_left3A_2296 = arith.constant 16 : i32
        %shift_left3A_2297 = vector.broadcast %shift_left3A_2296 : i32 to vector<16xi32>
        %shift_left3A_2298 = arith.shli %get3A_2203, %shift_left3A_2297 : vector<16xi32>
        %bitcast_convert_type3A_2299 = tpu.bitcast %shift_left3A_2298 : vector<16xi32> -> vector<16xf32>
        %shift_left3A_2300 = arith.constant 16 : i32
        %shift_left3A_2301 = vector.broadcast %shift_left3A_2300 : i32 to vector<16xi32>
        %shift_left3A_2302 = arith.shli %get3A_2211, %shift_left3A_2301 : vector<16xi32>
        %bitcast_convert_type3A_2303 = tpu.bitcast %shift_left3A_2302 : vector<16xi32> -> vector<16xf32>
        %shift_left3A_2304 = arith.constant 16 : i32
        %shift_left3A_2305 = vector.broadcast %shift_left3A_2304 : i32 to vector<16xi32>
        %shift_left3A_2306 = arith.shli %get3A_2219, %shift_left3A_2305 : vector<16xi32>
        %bitcast_convert_type3A_2307 = tpu.bitcast %shift_left3A_2306 : vector<16xi32> -> vector<16xf32>
        %shift_left3A_2308 = arith.constant 16 : i32
        %shift_left3A_2309 = vector.broadcast %shift_left3A_2308 : i32 to vector<16xi32>
        %shift_left3A_2310 = arith.shli %get3A_2227, %shift_left3A_2309 : vector<16xi32>
        %bitcast_convert_type3A_2311 = tpu.bitcast %shift_left3A_2310 : vector<16xi32> -> vector<16xf32>
        %shift_left3A_2312 = arith.constant 16 : i32
        %shift_left3A_2313 = vector.broadcast %shift_left3A_2312 : i32 to vector<16xi32>
        %shift_left3A_2314 = arith.shli %get3A_2235, %shift_left3A_2313 : vector<16xi32>
        %bitcast_convert_type3A_2315 = tpu.bitcast %shift_left3A_2314 : vector<16xi32> -> vector<16xf32>
        %shift_left3A_2316 = arith.constant 16 : i32
        %shift_left3A_2317 = vector.broadcast %shift_left3A_2316 : i32 to vector<16xi32>
        %shift_left3A_2318 = arith.shli %get3A_2243, %shift_left3A_2317 : vector<16xi32>
        %bitcast_convert_type3A_2319 = tpu.bitcast %shift_left3A_2318 : vector<16xi32> -> vector<16xf32>
        %shift_left3A_2320 = arith.constant 16 : i32
        %shift_left3A_2321 = vector.broadcast %shift_left3A_2320 : i32 to vector<16xi32>
        %shift_left3A_2322 = arith.shli %get3A_2251, %shift_left3A_2321 : vector<16xi32>
        %bitcast_convert_type3A_2323 = tpu.bitcast %shift_left3A_2322 : vector<16xi32> -> vector<16xf32>
        %shift_left3A_2324 = arith.constant 16 : i32
        %shift_left3A_2325 = vector.broadcast %shift_left3A_2324 : i32 to vector<16xi32>
        %shift_left3A_2326 = arith.shli %get3A_2259, %shift_left3A_2325 : vector<16xi32>
        %bitcast_convert_type3A_2327 = tpu.bitcast %shift_left3A_2326 : vector<16xi32> -> vector<16xf32>
        %shift_left3A_2328 = arith.constant 16 : i32
        %shift_left3A_2329 = vector.broadcast %shift_left3A_2328 : i32 to vector<16xi32>
        %shift_left3A_2330 = arith.shli %get3A_2267, %shift_left3A_2329 : vector<16xi32>
        %bitcast_convert_type3A_2331 = tpu.bitcast %shift_left3A_2330 : vector<16xi32> -> vector<16xf32>
        %and3A_2332 = arith.constant -65536 : i32
        %and3A_2333 = vector.broadcast %and3A_2332 : i32 to vector<16xi32>
        %and3A_2334 = arith.andi %get3A_2147, %and3A_2333 : vector<16xi32>
        %bitcast_convert_type3A_2335 = tpu.bitcast %and3A_2334 : vector<16xi32> -> vector<16xf32>
        %and3A_2336 = arith.constant -65536 : i32
        %and3A_2337 = vector.broadcast %and3A_2336 : i32 to vector<16xi32>
        %and3A_2338 = arith.andi %get3A_2155, %and3A_2337 : vector<16xi32>
        %bitcast_convert_type3A_2339 = tpu.bitcast %and3A_2338 : vector<16xi32> -> vector<16xf32>
        %and3A_2340 = arith.constant -65536 : i32
        %and3A_2341 = vector.broadcast %and3A_2340 : i32 to vector<16xi32>
        %and3A_2342 = arith.andi %get3A_2163, %and3A_2341 : vector<16xi32>
        %bitcast_convert_type3A_2343 = tpu.bitcast %and3A_2342 : vector<16xi32> -> vector<16xf32>
        %and3A_2344 = arith.constant -65536 : i32
        %and3A_2345 = vector.broadcast %and3A_2344 : i32 to vector<16xi32>
        %and3A_2346 = arith.andi %get3A_2171, %and3A_2345 : vector<16xi32>
        %bitcast_convert_type3A_2347 = tpu.bitcast %and3A_2346 : vector<16xi32> -> vector<16xf32>
        %and3A_2348 = arith.constant -65536 : i32
        %and3A_2349 = vector.broadcast %and3A_2348 : i32 to vector<16xi32>
        %and3A_2350 = arith.andi %get3A_2179, %and3A_2349 : vector<16xi32>
        %bitcast_convert_type3A_2351 = tpu.bitcast %and3A_2350 : vector<16xi32> -> vector<16xf32>
        %and3A_2352 = arith.constant -65536 : i32
        %and3A_2353 = vector.broadcast %and3A_2352 : i32 to vector<16xi32>
        %and3A_2354 = arith.andi %get3A_2187, %and3A_2353 : vector<16xi32>
        %bitcast_convert_type3A_2355 = tpu.bitcast %and3A_2354 : vector<16xi32> -> vector<16xf32>
        %and3A_2356 = arith.constant -65536 : i32
        %and3A_2357 = vector.broadcast %and3A_2356 : i32 to vector<16xi32>
        %and3A_2358 = arith.andi %get3A_2195, %and3A_2357 : vector<16xi32>
        %bitcast_convert_type3A_2359 = tpu.bitcast %and3A_2358 : vector<16xi32> -> vector<16xf32>
        %and3A_2360 = arith.constant -65536 : i32
        %and3A_2361 = vector.broadcast %and3A_2360 : i32 to vector<16xi32>
        %and3A_2362 = arith.andi %get3A_2203, %and3A_2361 : vector<16xi32>
        %bitcast_convert_type3A_2363 = tpu.bitcast %and3A_2362 : vector<16xi32> -> vector<16xf32>
        %and3A_2364 = arith.constant -65536 : i32
        %and3A_2365 = vector.broadcast %and3A_2364 : i32 to vector<16xi32>
        %and3A_2366 = arith.andi %get3A_2211, %and3A_2365 : vector<16xi32>
        %bitcast_convert_type3A_2367 = tpu.bitcast %and3A_2366 : vector<16xi32> -> vector<16xf32>
        %and3A_2368 = arith.constant -65536 : i32
        %and3A_2369 = vector.broadcast %and3A_2368 : i32 to vector<16xi32>
        %and3A_2370 = arith.andi %get3A_2219, %and3A_2369 : vector<16xi32>
        %bitcast_convert_type3A_2371 = tpu.bitcast %and3A_2370 : vector<16xi32> -> vector<16xf32>
        %and3A_2372 = arith.constant -65536 : i32
        %and3A_2373 = vector.broadcast %and3A_2372 : i32 to vector<16xi32>
        %and3A_2374 = arith.andi %get3A_2227, %and3A_2373 : vector<16xi32>
        %bitcast_convert_type3A_2375 = tpu.bitcast %and3A_2374 : vector<16xi32> -> vector<16xf32>
        %and3A_2376 = arith.constant -65536 : i32
        %and3A_2377 = vector.broadcast %and3A_2376 : i32 to vector<16xi32>
        %and3A_2378 = arith.andi %get3A_2235, %and3A_2377 : vector<16xi32>
        %bitcast_convert_type3A_2379 = tpu.bitcast %and3A_2378 : vector<16xi32> -> vector<16xf32>
        %and3A_2380 = arith.constant -65536 : i32
        %and3A_2381 = vector.broadcast %and3A_2380 : i32 to vector<16xi32>
        %and3A_2382 = arith.andi %get3A_2243, %and3A_2381 : vector<16xi32>
        %bitcast_convert_type3A_2383 = tpu.bitcast %and3A_2382 : vector<16xi32> -> vector<16xf32>
        %and3A_2384 = arith.constant -65536 : i32
        %and3A_2385 = vector.broadcast %and3A_2384 : i32 to vector<16xi32>
        %and3A_2386 = arith.andi %get3A_2251, %and3A_2385 : vector<16xi32>
        %bitcast_convert_type3A_2387 = tpu.bitcast %and3A_2386 : vector<16xi32> -> vector<16xf32>
        %and3A_2388 = arith.constant -65536 : i32
        %and3A_2389 = vector.broadcast %and3A_2388 : i32 to vector<16xi32>
        %and3A_2390 = arith.andi %get3A_2259, %and3A_2389 : vector<16xi32>
        %bitcast_convert_type3A_2391 = tpu.bitcast %and3A_2390 : vector<16xi32> -> vector<16xf32>
        %and3A_2392 = arith.constant -65536 : i32
        %and3A_2393 = vector.broadcast %and3A_2392 : i32 to vector<16xi32>
        %and3A_2394 = arith.andi %get3A_2267, %and3A_2393 : vector<16xi32>
        %bitcast_convert_type3A_2395 = tpu.bitcast %and3A_2394 : vector<16xi32> -> vector<16xf32>
        %max3A_2396 = arith.maximumf %bitcast_convert_type3A_2271, %bitcast_convert_type3A_2275 : vector<16xf32>
        %max3A_2397 = arith.maximumf %bitcast_convert_type3A_2279, %bitcast_convert_type3A_2283 : vector<16xf32>
        %max3A_2398 = arith.maximumf %bitcast_convert_type3A_2287, %bitcast_convert_type3A_2291 : vector<16xf32>
        %max3A_2399 = arith.maximumf %bitcast_convert_type3A_2295, %bitcast_convert_type3A_2299 : vector<16xf32>
        %max3A_2400 = arith.maximumf %bitcast_convert_type3A_2303, %bitcast_convert_type3A_2307 : vector<16xf32>
        %max3A_2401 = arith.maximumf %bitcast_convert_type3A_2311, %bitcast_convert_type3A_2315 : vector<16xf32>
        %max3A_2402 = arith.maximumf %bitcast_convert_type3A_2319, %bitcast_convert_type3A_2323 : vector<16xf32>
        %max3A_2403 = arith.maximumf %bitcast_convert_type3A_2327, %bitcast_convert_type3A_2331 : vector<16xf32>
        %max3A_2404 = arith.maximumf %max3A_2396, %max3A_2397 : vector<16xf32>
        %max3A_2405 = arith.maximumf %max3A_2398, %max3A_2399 : vector<16xf32>
        %max3A_2406 = arith.maximumf %max3A_2400, %max3A_2401 : vector<16xf32>
        %max3A_2407 = arith.maximumf %max3A_2402, %max3A_2403 : vector<16xf32>
        %max3A_2408 = arith.maximumf %max3A_2404, %max3A_2405 : vector<16xf32>
        %max3A_2409 = arith.maximumf %max3A_2406, %max3A_2407 : vector<16xf32>
        %max3A_2410 = arith.maximumf %max3A_2408, %max3A_2409 : vector<16xf32>
        %swap3A_2411 = arith.index_cast %scan3A_72 : i32 to index
        %swap3A_2412 = arith.constant 224 : index
        %swap3A_2413 = tpu.vector_load %arg8[%swap3A_2411, %swap3A_2412] {strides = array<i32>} : memref<8x256xf32, #tpu.memory_space<vmem>>, vector<1x16xf32>,
        %swap3A_2414 = vector.shape_cast %swap3A_2413 : vector<1x16xf32> to vector<16xf32>
        %swap3A_2415 = vector.shape_cast %max3A_2410 : vector<16xf32> to vector<1x16xf32>
        tpu.vector_store %arg8[%swap3A_2411, %swap3A_2412], %swap3A_2415 {strides = array<i32>} : memref<8x256xf32, #tpu.memory_space<vmem>>, vector<1x16xf32>,
        %max3A_2416 = arith.maximumf %bitcast_convert_type3A_2335, %bitcast_convert_type3A_2339 : vector<16xf32>
        %max3A_2417 = arith.maximumf %bitcast_convert_type3A_2343, %bitcast_convert_type3A_2347 : vector<16xf32>
        %max3A_2418 = arith.maximumf %bitcast_convert_type3A_2351, %bitcast_convert_type3A_2355 : vector<16xf32>
        %max3A_2419 = arith.maximumf %bitcast_convert_type3A_2359, %bitcast_convert_type3A_2363 : vector<16xf32>
        %max3A_2420 = arith.maximumf %bitcast_convert_type3A_2367, %bitcast_convert_type3A_2371 : vector<16xf32>
        %max3A_2421 = arith.maximumf %bitcast_convert_type3A_2375, %bitcast_convert_type3A_2379 : vector<16xf32>
        %max3A_2422 = arith.maximumf %bitcast_convert_type3A_2383, %bitcast_convert_type3A_2387 : vector<16xf32>
        %max3A_2423 = arith.maximumf %bitcast_convert_type3A_2391, %bitcast_convert_type3A_2395 : vector<16xf32>
        %max3A_2424 = arith.maximumf %max3A_2416, %max3A_2417 : vector<16xf32>
        %max3A_2425 = arith.maximumf %max3A_2418, %max3A_2419 : vector<16xf32>
        %max3A_2426 = arith.maximumf %max3A_2420, %max3A_2421 : vector<16xf32>
        %max3A_2427 = arith.maximumf %max3A_2422, %max3A_2423 : vector<16xf32>
        %max3A_2428 = arith.maximumf %max3A_2424, %max3A_2425 : vector<16xf32>
        %max3A_2429 = arith.maximumf %max3A_2426, %max3A_2427 : vector<16xf32>
        %max3A_2430 = arith.maximumf %max3A_2428, %max3A_2429 : vector<16xf32>
        %swap3A_2431 = arith.index_cast %scan3A_72 : i32 to index
        %swap3A_2432 = arith.constant 240 : index
        %swap3A_2433 = tpu.vector_load %arg8[%swap3A_2431, %swap3A_2432] {strides = array<i32>} : memref<8x256xf32, #tpu.memory_space<vmem>>, vector<1x16xf32>,
        %swap3A_2434 = vector.shape_cast %swap3A_2433 : vector<1x16xf32> to vector<16xf32>
        %swap3A_2435 = vector.shape_cast %max3A_2430 : vector<16xf32> to vector<1x16xf32>
        tpu.vector_store %arg8[%swap3A_2431, %swap3A_2432], %swap3A_2435 {strides = array<i32>} : memref<8x256xf32, #tpu.memory_space<vmem>>, vector<1x16xf32>,
        %scan3A_2436 = arith.constant 0 : i32
        scf.yield %scan3A_2436 : i32
      }
      %scan3A_36 = arith.constant 8 : i32
      %mul3A_37 = arith.constant 64 : i32
      %mul3A_38 = arith.muli %add3A, %mul3A_37 : i32
      %mul3A_39 = arith.constant 8 : i32
      %mul3A_40 = arith.muli %add3A_20, %mul3A_39 : i32
      %add3A_41 = arith.addi %mul3A_38, %mul3A_40 : i32
      "tpu.region"() ({
        %run_scoped3A = tpu.sem_alloc : memref<!tpu.dma_semaphore, #tpu.memory_space<semaphore_mem>>
        %dma_start3A_72 = arith.constant 0 : i32
        %dma_start3A_73 = tpu.memref_slice %arg4[%add3A_41, %dma_start3A_72] : memref<2048x256xf32, #tpu.memory_space<hbm>> -> memref<8x256xf32, #tpu.memory_space<hbm>>
        %dma_start3A_74 = arith.constant 0 : i32
        %dma_start3A_75 = tpu.memref_slice %arg4[%add3A_41, %dma_start3A_74] : memref<2048x256xf32, #tpu.memory_space<hbm>> -> memref<8x256xf32, #tpu.memory_space<hbm>>
        tpu.enqueue_dma source(%arg8 : memref<8x256xf32, #tpu.memory_space<vmem>>) target(%dma_start3A_75 : memref<8x256xf32, #tpu.memory_space<hbm>>) target_semaphore(%run_scoped3A : memref<!tpu.dma_semaphore, #tpu.memory_space<semaphore_mem>>)
        %dma_wait3A_76 = arith.constant 0 : i32
        %dma_wait3A_77 = tpu.memref_slice %arg4[%add3A_41, %dma_wait3A_76] : memref<2048x256xf32, #tpu.memory_space<hbm>> -> memref<8x256xf32, #tpu.memory_space<hbm>>
        %dma_wait3A_78 = arith.constant 0 : i32
        %dma_wait3A_79 = tpu.memref_slice %arg4[%add3A_41, %dma_wait3A_78] : memref<2048x256xf32, #tpu.memory_space<hbm>> -> memref<8x256xf32, #tpu.memory_space<hbm>>
        tpu.wait_dma2 semaphore(%run_scoped3A : memref<!tpu.dma_semaphore, #tpu.memory_space<semaphore_mem>>) src(%arg8 : memref<8x256xf32, #tpu.memory_space<vmem>>) dst(%dma_wait3A_79 : memref<8x256xf32, #tpu.memory_space<hbm>>)
        tpu.yield
      }) : () -> ()
      %mul3A_42 = arith.constant 2 : i32
      %mul3A_43 = arith.muli %scan3A_15, %mul3A_42 : i32
      %add3A_44 = arith.constant 1 : i32
      %add3A_45 = arith.addi %mul3A_43, %add3A_44 : i32
      %add3A_46 = arith.constant 1 : i32
      %add3A_47 = arith.addi %add3A_45, %add3A_46 : i32
      %lt3A_48 = arith.constant 8 : i32
      %lt3A_49 = arith.cmpi slt, %add3A_47, %lt3A_48 : i32
      %convert_element_type3A_50 = arith.extui %lt3A_49 : i1 to i32
      %cond3A_51 = arith.constant 0 : i32
      %cond3A_52 = arith.cmpi ne, %convert_element_type3A_50, %cond3A_51 : i32
      scf.if %cond3A_52 {
        %add3A_72 = arith.constant 1 : i32
        %add3A_73 = arith.addi %add3A_45, %add3A_72 : i32
        %mul3A_74 = arith.constant 128 : i32
        %mul3A_75 = arith.muli %add3A_73, %mul3A_74 : i32
        %dma_start3A_76 = tpu.memref_slice %arg5[%mul3A_75] : memref<1024xi32, #tpu.memory_space<vmem>> -> memref<128xi32, #tpu.memory_space<vmem>>
        %dma_start3A_77 = arith.constant 0 : i32
        %dma_start3A_78 = arith.constant 0 : i32
        %dma_start3A_79 = tpu.memref_slice %arg3[%dma_start3A_77, %dma_start3A_78] : memref<2048x128xi32, #tpu.memory_space<hbm>> -> memref<2048x128xi32, #tpu.memory_space<hbm>>
        tpu.enqueue_indirect_dma source(%dma_start3A_79 : memref<2048x128xi32, #tpu.memory_space<hbm>>) target(%arg6 : memref<128x128xi32, #tpu.memory_space<vmem>>) offsets(%dma_start3A_76 : memref<128xi32, #tpu.memory_space<vmem>>) semaphore(%arg9 : memref<!tpu.dma_semaphore, #tpu.memory_space<semaphore_mem>>)
      } else {
      }
      %mul3A_53 = arith.constant 128 : i32
      %mul3A_54 = arith.muli %add3A_45, %mul3A_53 : i32
      %dma_wait3A_55 = tpu.memref_slice %arg5[%mul3A_54] : memref<1024xi32, #tpu.memory_space<vmem>> -> memref<128xi32, #tpu.memory_space<vmem>>
      %dma_wait3A_56 = arith.constant 0 : i32
      %dma_wait3A_57 = arith.constant 0 : i32
      %dma_wait3A_58 = tpu.memref_slice %arg3[%dma_wait3A_56, %dma_wait3A_57] : memref<2048x128xi32, #tpu.memory_space<hbm>> -> memref<2048x128xi32, #tpu.memory_space<hbm>>
      tpu.wait_indirect_dma semaphore(%arg10 : memref<!tpu.dma_semaphore, #tpu.memory_space<semaphore_mem>>) src(%dma_wait3A_58 : memref<2048x128xi32, #tpu.memory_space<hbm>>) dst(%arg7 : memref<128x128xi32, #tpu.memory_space<vmem>>)
      %scan3A_59 = arith.constant 0 : i32
      %scan3A_60 = arith.constant 0 : i32
      %scan3A_61 = arith.constant 8 : i32
      %scan3A_62 = arith.addi %scan3A_60, %scan3A_61 : i32
      %scan3A_63 = arith.constant 1 : i32
      %scan3A_64 = scf.for %scan3A_72 = %scan3A_60 to %scan3A_62 step %scan3A_63 iter_args(%scan3A_73 = %scan3A_59) -> (i32)  : i32 {
        %mul3A_74 = arith.constant 16 : i32
        %mul3A_75 = arith.muli %scan3A_72, %mul3A_74 : i32
        %add3A_76 = arith.constant 0 : i32
        %add3A_77 = arith.addi %mul3A_75, %add3A_76 : i32
        %get3A = arith.index_cast %add3A_77 : i32 to index
        %get3A_78 = arith.constant 0 : index
        %get3A_79 = tpu.vector_load %arg7[%get3A, %get3A_78] {strides = array<i32>} : memref<128x128xi32, #tpu.memory_space<vmem>>, vector<1x16xi32>,
        %get3A_80 = vector.shape_cast %get3A_79 : vector<1x16xi32> to vector<16xi32>
        %mul3A_81 = arith.constant 16 : i32
        %mul3A_82 = arith.muli %scan3A_72, %mul3A_81 : i32
        %add3A_83 = arith.constant 1 : i32
        %add3A_84 = arith.addi %mul3A_82, %add3A_83 : i32
        %get3A_85 = arith.index_cast %add3A_84 : i32 to index
        %get3A_86 = arith.constant 0 : index
        %get3A_87 = tpu.vector_load %arg7[%get3A_85, %get3A_86] {strides = array<i32>} : memref<128x128xi32, #tpu.memory_space<vmem>>, vector<1x16xi32>,
        %get3A_88 = vector.shape_cast %get3A_87 : vector<1x16xi32> to vector<16xi32>
        %mul3A_89 = arith.constant 16 : i32
        %mul3A_90 = arith.muli %scan3A_72, %mul3A_89 : i32
        %add3A_91 = arith.constant 2 : i32
        %add3A_92 = arith.addi %mul3A_90, %add3A_91 : i32
        %get3A_93 = arith.index_cast %add3A_92 : i32 to index
        %get3A_94 = arith.constant 0 : index
        %get3A_95 = tpu.vector_load %arg7[%get3A_93, %get3A_94] {strides = array<i32>} : memref<128x128xi32, #tpu.memory_space<vmem>>, vector<1x16xi32>,
        %get3A_96 = vector.shape_cast %get3A_95 : vector<1x16xi32> to vector<16xi32>
        %mul3A_97 = arith.constant 16 : i32
        %mul3A_98 = arith.muli %scan3A_72, %mul3A_97 : i32
        %add3A_99 = arith.constant 3 : i32
        %add3A_100 = arith.addi %mul3A_98, %add3A_99 : i32
        %get3A_101 = arith.index_cast %add3A_100 : i32 to index
        %get3A_102 = arith.constant 0 : index
        %get3A_103 = tpu.vector_load %arg7[%get3A_101, %get3A_102] {strides = array<i32>} : memref<128x128xi32, #tpu.memory_space<vmem>>, vector<1x16xi32>,
        %get3A_104 = vector.shape_cast %get3A_103 : vector<1x16xi32> to vector<16xi32>
        %mul3A_105 = arith.constant 16 : i32
        %mul3A_106 = arith.muli %scan3A_72, %mul3A_105 : i32
        %add3A_107 = arith.constant 4 : i32
        %add3A_108 = arith.addi %mul3A_106, %add3A_107 : i32
        %get3A_109 = arith.index_cast %add3A_108 : i32 to index
        %get3A_110 = arith.constant 0 : index
        %get3A_111 = tpu.vector_load %arg7[%get3A_109, %get3A_110] {strides = array<i32>} : memref<128x128xi32, #tpu.memory_space<vmem>>, vector<1x16xi32>,
        %get3A_112 = vector.shape_cast %get3A_111 : vector<1x16xi32> to vector<16xi32>
        %mul3A_113 = arith.constant 16 : i32
        %mul3A_114 = arith.muli %scan3A_72, %mul3A_113 : i32
        %add3A_115 = arith.constant 5 : i32
        %add3A_116 = arith.addi %mul3A_114, %add3A_115 : i32
        %get3A_117 = arith.index_cast %add3A_116 : i32 to index
        %get3A_118 = arith.constant 0 : index
        %get3A_119 = tpu.vector_load %arg7[%get3A_117, %get3A_118] {strides = array<i32>} : memref<128x128xi32, #tpu.memory_space<vmem>>, vector<1x16xi32>,
        %get3A_120 = vector.shape_cast %get3A_119 : vector<1x16xi32> to vector<16xi32>
        %mul3A_121 = arith.constant 16 : i32
        %mul3A_122 = arith.muli %scan3A_72, %mul3A_121 : i32
        %add3A_123 = arith.constant 6 : i32
        %add3A_124 = arith.addi %mul3A_122, %add3A_123 : i32
        %get3A_125 = arith.index_cast %add3A_124 : i32 to index
        %get3A_126 = arith.constant 0 : index
        %get3A_127 = tpu.vector_load %arg7[%get3A_125, %get3A_126] {strides = array<i32>} : memref<128x128xi32, #tpu.memory_space<vmem>>, vector<1x16xi32>,
        %get3A_128 = vector.shape_cast %get3A_127 : vector<1x16xi32> to vector<16xi32>
        %mul3A_129 = arith.constant 16 : i32
        %mul3A_130 = arith.muli %scan3A_72, %mul3A_129 : i32
        %add3A_131 = arith.constant 7 : i32
        %add3A_132 = arith.addi %mul3A_130, %add3A_131 : i32
        %get3A_133 = arith.index_cast %add3A_132 : i32 to index
        %get3A_134 = arith.constant 0 : index
        %get3A_135 = tpu.vector_load %arg7[%get3A_133, %get3A_134] {strides = array<i32>} : memref<128x128xi32, #tpu.memory_space<vmem>>, vector<1x16xi32>,
        %get3A_136 = vector.shape_cast %get3A_135 : vector<1x16xi32> to vector<16xi32>
        %mul3A_137 = arith.constant 16 : i32
        %mul3A_138 = arith.muli %scan3A_72, %mul3A_137 : i32
        %add3A_139 = arith.constant 8 : i32
        %add3A_140 = arith.addi %mul3A_138, %add3A_139 : i32
        %get3A_141 = arith.index_cast %add3A_140 : i32 to index
        %get3A_142 = arith.constant 0 : index
        %get3A_143 = tpu.vector_load %arg7[%get3A_141, %get3A_142] {strides = array<i32>} : memref<128x128xi32, #tpu.memory_space<vmem>>, vector<1x16xi32>,
        %get3A_144 = vector.shape_cast %get3A_143 : vector<1x16xi32> to vector<16xi32>
        %mul3A_145 = arith.constant 16 : i32
        %mul3A_146 = arith.muli %scan3A_72, %mul3A_145 : i32
        %add3A_147 = arith.constant 9 : i32
        %add3A_148 = arith.addi %mul3A_146, %add3A_147 : i32
        %get3A_149 = arith.index_cast %add3A_148 : i32 to index
        %get3A_150 = arith.constant 0 : index
        %get3A_151 = tpu.vector_load %arg7[%get3A_149, %get3A_150] {strides = array<i32>} : memref<128x128xi32, #tpu.memory_space<vmem>>, vector<1x16xi32>,
        %get3A_152 = vector.shape_cast %get3A_151 : vector<1x16xi32> to vector<16xi32>
        %mul3A_153 = arith.constant 16 : i32
        %mul3A_154 = arith.muli %scan3A_72, %mul3A_153 : i32
        %add3A_155 = arith.constant 10 : i32
        %add3A_156 = arith.addi %mul3A_154, %add3A_155 : i32
        %get3A_157 = arith.index_cast %add3A_156 : i32 to index
        %get3A_158 = arith.constant 0 : index
        %get3A_159 = tpu.vector_load %arg7[%get3A_157, %get3A_158] {strides = array<i32>} : memref<128x128xi32, #tpu.memory_space<vmem>>, vector<1x16xi32>,
        %get3A_160 = vector.shape_cast %get3A_159 : vector<1x16xi32> to vector<16xi32>
        %mul3A_161 = arith.constant 16 : i32
        %mul3A_162 = arith.muli %scan3A_72, %mul3A_161 : i32
        %add3A_163 = arith.constant 11 : i32
        %add3A_164 = arith.addi %mul3A_162, %add3A_163 : i32
        %get3A_165 = arith.index_cast %add3A_164 : i32 to index
        %get3A_166 = arith.constant 0 : index
        %get3A_167 = tpu.vector_load %arg7[%get3A_165, %get3A_166] {strides = array<i32>} : memref<128x128xi32, #tpu.memory_space<vmem>>, vector<1x16xi32>,
        %get3A_168 = vector.shape_cast %get3A_167 : vector<1x16xi32> to vector<16xi32>
        %mul3A_169 = arith.constant 16 : i32
        %mul3A_170 = arith.muli %scan3A_72, %mul3A_169 : i32
        %add3A_171 = arith.constant 12 : i32
        %add3A_172 = arith.addi %mul3A_170, %add3A_171 : i32
        %get3A_173 = arith.index_cast %add3A_172 : i32 to index
        %get3A_174 = arith.constant 0 : index
        %get3A_175 = tpu.vector_load %arg7[%get3A_173, %get3A_174] {strides = array<i32>} : memref<128x128xi32, #tpu.memory_space<vmem>>, vector<1x16xi32>,
        %get3A_176 = vector.shape_cast %get3A_175 : vector<1x16xi32> to vector<16xi32>
        %mul3A_177 = arith.constant 16 : i32
        %mul3A_178 = arith.muli %scan3A_72, %mul3A_177 : i32
        %add3A_179 = arith.constant 13 : i32
        %add3A_180 = arith.addi %mul3A_178, %add3A_179 : i32
        %get3A_181 = arith.index_cast %add3A_180 : i32 to index
        %get3A_182 = arith.constant 0 : index
        %get3A_183 = tpu.vector_load %arg7[%get3A_181, %get3A_182] {strides = array<i32>} : memref<128x128xi32, #tpu.memory_space<vmem>>, vector<1x16xi32>,
        %get3A_184 = vector.shape_cast %get3A_183 : vector<1x16xi32> to vector<16xi32>
        %mul3A_185 = arith.constant 16 : i32
        %mul3A_186 = arith.muli %scan3A_72, %mul3A_185 : i32
        %add3A_187 = arith.constant 14 : i32
        %add3A_188 = arith.addi %mul3A_186, %add3A_187 : i32
        %get3A_189 = arith.index_cast %add3A_188 : i32 to index
        %get3A_190 = arith.constant 0 : index
        %get3A_191 = tpu.vector_load %arg7[%get3A_189, %get3A_190] {strides = array<i32>} : memref<128x128xi32, #tpu.memory_space<vmem>>, vector<1x16xi32>,
        %get3A_192 = vector.shape_cast %get3A_191 : vector<1x16xi32> to vector<16xi32>
        %mul3A_193 = arith.constant 16 : i32
        %mul3A_194 = arith.muli %scan3A_72, %mul3A_193 : i32
        %add3A_195 = arith.constant 15 : i32
        %add3A_196 = arith.addi %mul3A_194, %add3A_195 : i32
        %get3A_197 = arith.index_cast %add3A_196 : i32 to index
        %get3A_198 = arith.constant 0 : index
        %get3A_199 = tpu.vector_load %arg7[%get3A_197, %get3A_198] {strides = array<i32>} : memref<128x128xi32, #tpu.memory_space<vmem>>, vector<1x16xi32>,
        %get3A_200 = vector.shape_cast %get3A_199 : vector<1x16xi32> to vector<16xi32>
        %shift_left3A = arith.constant 16 : i32
        %shift_left3A_201 = vector.broadcast %shift_left3A : i32 to vector<16xi32>
        %shift_left3A_202 = arith.shli %get3A_80, %shift_left3A_201 : vector<16xi32>
        %bitcast_convert_type3A = tpu.bitcast %shift_left3A_202 : vector<16xi32> -> vector<16xf32>
        %shift_left3A_203 = arith.constant 16 : i32
        %shift_left3A_204 = vector.broadcast %shift_left3A_203 : i32 to vector<16xi32>
        %shift_left3A_205 = arith.shli %get3A_88, %shift_left3A_204 : vector<16xi32>
        %bitcast_convert_type3A_206 = tpu.bitcast %shift_left3A_205 : vector<16xi32> -> vector<16xf32>
        %shift_left3A_207 = arith.constant 16 : i32
        %shift_left3A_208 = vector.broadcast %shift_left3A_207 : i32 to vector<16xi32>
        %shift_left3A_209 = arith.shli %get3A_96, %shift_left3A_208 : vector<16xi32>
        %bitcast_convert_type3A_210 = tpu.bitcast %shift_left3A_209 : vector<16xi32> -> vector<16xf32>
        %shift_left3A_211 = arith.constant 16 : i32
        %shift_left3A_212 = vector.broadcast %shift_left3A_211 : i32 to vector<16xi32>
        %shift_left3A_213 = arith.shli %get3A_104, %shift_left3A_212 : vector<16xi32>
        %bitcast_convert_type3A_214 = tpu.bitcast %shift_left3A_213 : vector<16xi32> -> vector<16xf32>
        %shift_left3A_215 = arith.constant 16 : i32
        %shift_left3A_216 = vector.broadcast %shift_left3A_215 : i32 to vector<16xi32>
        %shift_left3A_217 = arith.shli %get3A_112, %shift_left3A_216 : vector<16xi32>
        %bitcast_convert_type3A_218 = tpu.bitcast %shift_left3A_217 : vector<16xi32> -> vector<16xf32>
        %shift_left3A_219 = arith.constant 16 : i32
        %shift_left3A_220 = vector.broadcast %shift_left3A_219 : i32 to vector<16xi32>
        %shift_left3A_221 = arith.shli %get3A_120, %shift_left3A_220 : vector<16xi32>
        %bitcast_convert_type3A_222 = tpu.bitcast %shift_left3A_221 : vector<16xi32> -> vector<16xf32>
        %shift_left3A_223 = arith.constant 16 : i32
        %shift_left3A_224 = vector.broadcast %shift_left3A_223 : i32 to vector<16xi32>
        %shift_left3A_225 = arith.shli %get3A_128, %shift_left3A_224 : vector<16xi32>
        %bitcast_convert_type3A_226 = tpu.bitcast %shift_left3A_225 : vector<16xi32> -> vector<16xf32>
        %shift_left3A_227 = arith.constant 16 : i32
        %shift_left3A_228 = vector.broadcast %shift_left3A_227 : i32 to vector<16xi32>
        %shift_left3A_229 = arith.shli %get3A_136, %shift_left3A_228 : vector<16xi32>
        %bitcast_convert_type3A_230 = tpu.bitcast %shift_left3A_229 : vector<16xi32> -> vector<16xf32>
        %shift_left3A_231 = arith.constant 16 : i32
        %shift_left3A_232 = vector.broadcast %shift_left3A_231 : i32 to vector<16xi32>
        %shift_left3A_233 = arith.shli %get3A_144, %shift_left3A_232 : vector<16xi32>
        %bitcast_convert_type3A_234 = tpu.bitcast %shift_left3A_233 : vector<16xi32> -> vector<16xf32>
        %shift_left3A_235 = arith.constant 16 : i32
        %shift_left3A_236 = vector.broadcast %shift_left3A_235 : i32 to vector<16xi32>
        %shift_left3A_237 = arith.shli %get3A_152, %shift_left3A_236 : vector<16xi32>
        %bitcast_convert_type3A_238 = tpu.bitcast %shift_left3A_237 : vector<16xi32> -> vector<16xf32>
        %shift_left3A_239 = arith.constant 16 : i32
        %shift_left3A_240 = vector.broadcast %shift_left3A_239 : i32 to vector<16xi32>
        %shift_left3A_241 = arith.shli %get3A_160, %shift_left3A_240 : vector<16xi32>
        %bitcast_convert_type3A_242 = tpu.bitcast %shift_left3A_241 : vector<16xi32> -> vector<16xf32>
        %shift_left3A_243 = arith.constant 16 : i32
        %shift_left3A_244 = vector.broadcast %shift_left3A_243 : i32 to vector<16xi32>
        %shift_left3A_245 = arith.shli %get3A_168, %shift_left3A_244 : vector<16xi32>
        %bitcast_convert_type3A_246 = tpu.bitcast %shift_left3A_245 : vector<16xi32> -> vector<16xf32>
        %shift_left3A_247 = arith.constant 16 : i32
        %shift_left3A_248 = vector.broadcast %shift_left3A_247 : i32 to vector<16xi32>
        %shift_left3A_249 = arith.shli %get3A_176, %shift_left3A_248 : vector<16xi32>
        %bitcast_convert_type3A_250 = tpu.bitcast %shift_left3A_249 : vector<16xi32> -> vector<16xf32>
        %shift_left3A_251 = arith.constant 16 : i32
        %shift_left3A_252 = vector.broadcast %shift_left3A_251 : i32 to vector<16xi32>
        %shift_left3A_253 = arith.shli %get3A_184, %shift_left3A_252 : vector<16xi32>
        %bitcast_convert_type3A_254 = tpu.bitcast %shift_left3A_253 : vector<16xi32> -> vector<16xf32>
        %shift_left3A_255 = arith.constant 16 : i32
        %shift_left3A_256 = vector.broadcast %shift_left3A_255 : i32 to vector<16xi32>
        %shift_left3A_257 = arith.shli %get3A_192, %shift_left3A_256 : vector<16xi32>
        %bitcast_convert_type3A_258 = tpu.bitcast %shift_left3A_257 : vector<16xi32> -> vector<16xf32>
        %shift_left3A_259 = arith.constant 16 : i32
        %shift_left3A_260 = vector.broadcast %shift_left3A_259 : i32 to vector<16xi32>
        %shift_left3A_261 = arith.shli %get3A_200, %shift_left3A_260 : vector<16xi32>
        %bitcast_convert_type3A_262 = tpu.bitcast %shift_left3A_261 : vector<16xi32> -> vector<16xf32>
        %and3A = arith.constant -65536 : i32
        %and3A_263 = vector.broadcast %and3A : i32 to vector<16xi32>
        %and3A_264 = arith.andi %get3A_80, %and3A_263 : vector<16xi32>
        %bitcast_convert_type3A_265 = tpu.bitcast %and3A_264 : vector<16xi32> -> vector<16xf32>
        %and3A_266 = arith.constant -65536 : i32
        %and3A_267 = vector.broadcast %and3A_266 : i32 to vector<16xi32>
        %and3A_268 = arith.andi %get3A_88, %and3A_267 : vector<16xi32>
        %bitcast_convert_type3A_269 = tpu.bitcast %and3A_268 : vector<16xi32> -> vector<16xf32>
        %and3A_270 = arith.constant -65536 : i32
        %and3A_271 = vector.broadcast %and3A_270 : i32 to vector<16xi32>
        %and3A_272 = arith.andi %get3A_96, %and3A_271 : vector<16xi32>
        %bitcast_convert_type3A_273 = tpu.bitcast %and3A_272 : vector<16xi32> -> vector<16xf32>
        %and3A_274 = arith.constant -65536 : i32
        %and3A_275 = vector.broadcast %and3A_274 : i32 to vector<16xi32>
        %and3A_276 = arith.andi %get3A_104, %and3A_275 : vector<16xi32>
        %bitcast_convert_type3A_277 = tpu.bitcast %and3A_276 : vector<16xi32> -> vector<16xf32>
        %and3A_278 = arith.constant -65536 : i32
        %and3A_279 = vector.broadcast %and3A_278 : i32 to vector<16xi32>
        %and3A_280 = arith.andi %get3A_112, %and3A_279 : vector<16xi32>
        %bitcast_convert_type3A_281 = tpu.bitcast %and3A_280 : vector<16xi32> -> vector<16xf32>
        %and3A_282 = arith.constant -65536 : i32
        %and3A_283 = vector.broadcast %and3A_282 : i32 to vector<16xi32>
        %and3A_284 = arith.andi %get3A_120, %and3A_283 : vector<16xi32>
        %bitcast_convert_type3A_285 = tpu.bitcast %and3A_284 : vector<16xi32> -> vector<16xf32>
        %and3A_286 = arith.constant -65536 : i32
        %and3A_287 = vector.broadcast %and3A_286 : i32 to vector<16xi32>
        %and3A_288 = arith.andi %get3A_128, %and3A_287 : vector<16xi32>
        %bitcast_convert_type3A_289 = tpu.bitcast %and3A_288 : vector<16xi32> -> vector<16xf32>
        %and3A_290 = arith.constant -65536 : i32
        %and3A_291 = vector.broadcast %and3A_290 : i32 to vector<16xi32>
        %and3A_292 = arith.andi %get3A_136, %and3A_291 : vector<16xi32>
        %bitcast_convert_type3A_293 = tpu.bitcast %and3A_292 : vector<16xi32> -> vector<16xf32>
        %and3A_294 = arith.constant -65536 : i32
        %and3A_295 = vector.broadcast %and3A_294 : i32 to vector<16xi32>
        %and3A_296 = arith.andi %get3A_144, %and3A_295 : vector<16xi32>
        %bitcast_convert_type3A_297 = tpu.bitcast %and3A_296 : vector<16xi32> -> vector<16xf32>
        %and3A_298 = arith.constant -65536 : i32
        %and3A_299 = vector.broadcast %and3A_298 : i32 to vector<16xi32>
        %and3A_300 = arith.andi %get3A_152, %and3A_299 : vector<16xi32>
        %bitcast_convert_type3A_301 = tpu.bitcast %and3A_300 : vector<16xi32> -> vector<16xf32>
        %and3A_302 = arith.constant -65536 : i32
        %and3A_303 = vector.broadcast %and3A_302 : i32 to vector<16xi32>
        %and3A_304 = arith.andi %get3A_160, %and3A_303 : vector<16xi32>
        %bitcast_convert_type3A_305 = tpu.bitcast %and3A_304 : vector<16xi32> -> vector<16xf32>
        %and3A_306 = arith.constant -65536 : i32
        %and3A_307 = vector.broadcast %and3A_306 : i32 to vector<16xi32>
        %and3A_308 = arith.andi %get3A_168, %and3A_307 : vector<16xi32>
        %bitcast_convert_type3A_309 = tpu.bitcast %and3A_308 : vector<16xi32> -> vector<16xf32>
        %and3A_310 = arith.constant -65536 : i32
        %and3A_311 = vector.broadcast %and3A_310 : i32 to vector<16xi32>
        %and3A_312 = arith.andi %get3A_176, %and3A_311 : vector<16xi32>
        %bitcast_convert_type3A_313 = tpu.bitcast %and3A_312 : vector<16xi32> -> vector<16xf32>
        %and3A_314 = arith.constant -65536 : i32
        %and3A_315 = vector.broadcast %and3A_314 : i32 to vector<16xi32>
        %and3A_316 = arith.andi %get3A_184, %and3A_315 : vector<16xi32>
        %bitcast_convert_type3A_317 = tpu.bitcast %and3A_316 : vector<16xi32> -> vector<16xf32>
        %and3A_318 = arith.constant -65536 : i32
        %and3A_319 = vector.broadcast %and3A_318 : i32 to vector<16xi32>
        %and3A_320 = arith.andi %get3A_192, %and3A_319 : vector<16xi32>
        %bitcast_convert_type3A_321 = tpu.bitcast %and3A_320 : vector<16xi32> -> vector<16xf32>
        %and3A_322 = arith.constant -65536 : i32
        %and3A_323 = vector.broadcast %and3A_322 : i32 to vector<16xi32>
        %and3A_324 = arith.andi %get3A_200, %and3A_323 : vector<16xi32>
        %bitcast_convert_type3A_325 = tpu.bitcast %and3A_324 : vector<16xi32> -> vector<16xf32>
        %max3A = arith.maximumf %bitcast_convert_type3A, %bitcast_convert_type3A_206 : vector<16xf32>
        %max3A_326 = arith.maximumf %bitcast_convert_type3A_210, %bitcast_convert_type3A_214 : vector<16xf32>
        %max3A_327 = arith.maximumf %bitcast_convert_type3A_218, %bitcast_convert_type3A_222 : vector<16xf32>
        %max3A_328 = arith.maximumf %bitcast_convert_type3A_226, %bitcast_convert_type3A_230 : vector<16xf32>
        %max3A_329 = arith.maximumf %bitcast_convert_type3A_234, %bitcast_convert_type3A_238 : vector<16xf32>
        %max3A_330 = arith.maximumf %bitcast_convert_type3A_242, %bitcast_convert_type3A_246 : vector<16xf32>
        %max3A_331 = arith.maximumf %bitcast_convert_type3A_250, %bitcast_convert_type3A_254 : vector<16xf32>
        %max3A_332 = arith.maximumf %bitcast_convert_type3A_258, %bitcast_convert_type3A_262 : vector<16xf32>
        %max3A_333 = arith.maximumf %max3A, %max3A_326 : vector<16xf32>
        %max3A_334 = arith.maximumf %max3A_327, %max3A_328 : vector<16xf32>
        %max3A_335 = arith.maximumf %max3A_329, %max3A_330 : vector<16xf32>
        %max3A_336 = arith.maximumf %max3A_331, %max3A_332 : vector<16xf32>
        %max3A_337 = arith.maximumf %max3A_333, %max3A_334 : vector<16xf32>
        %max3A_338 = arith.maximumf %max3A_335, %max3A_336 : vector<16xf32>
        %max3A_339 = arith.maximumf %max3A_337, %max3A_338 : vector<16xf32>
        %swap3A = arith.index_cast %scan3A_72 : i32 to index
        %swap3A_340 = arith.constant 0 : index
        %swap3A_341 = tpu.vector_load %arg8[%swap3A, %swap3A_340] {strides = array<i32>} : memref<8x256xf32, #tpu.memory_space<vmem>>, vector<1x16xf32>,
        %swap3A_342 = vector.shape_cast %swap3A_341 : vector<1x16xf32> to vector<16xf32>
        %swap3A_343 = vector.shape_cast %max3A_339 : vector<16xf32> to vector<1x16xf32>
        tpu.vector_store %arg8[%swap3A, %swap3A_340], %swap3A_343 {strides = array<i32>} : memref<8x256xf32, #tpu.memory_space<vmem>>, vector<1x16xf32>,
        %max3A_344 = arith.maximumf %bitcast_convert_type3A_265, %bitcast_convert_type3A_269 : vector<16xf32>
        %max3A_345 = arith.maximumf %bitcast_convert_type3A_273, %bitcast_convert_type3A_277 : vector<16xf32>
        %max3A_346 = arith.maximumf %bitcast_convert_type3A_281, %bitcast_convert_type3A_285 : vector<16xf32>
        %max3A_347 = arith.maximumf %bitcast_convert_type3A_289, %bitcast_convert_type3A_293 : vector<16xf32>
        %max3A_348 = arith.maximumf %bitcast_convert_type3A_297, %bitcast_convert_type3A_301 : vector<16xf32>
        %max3A_349 = arith.maximumf %bitcast_convert_type3A_305, %bitcast_convert_type3A_309 : vector<16xf32>
        %max3A_350 = arith.maximumf %bitcast_convert_type3A_313, %bitcast_convert_type3A_317 : vector<16xf32>
        %max3A_351 = arith.maximumf %bitcast_convert_type3A_321, %bitcast_convert_type3A_325 : vector<16xf32>
        %max3A_352 = arith.maximumf %max3A_344, %max3A_345 : vector<16xf32>
        %max3A_353 = arith.maximumf %max3A_346, %max3A_347 : vector<16xf32>
        %max3A_354 = arith.maximumf %max3A_348, %max3A_349 : vector<16xf32>
        %max3A_355 = arith.maximumf %max3A_350, %max3A_351 : vector<16xf32>
        %max3A_356 = arith.maximumf %max3A_352, %max3A_353 : vector<16xf32>
        %max3A_357 = arith.maximumf %max3A_354, %max3A_355 : vector<16xf32>
        %max3A_358 = arith.maximumf %max3A_356, %max3A_357 : vector<16xf32>
        %swap3A_359 = arith.index_cast %scan3A_72 : i32 to index
        %swap3A_360 = arith.constant 16 : index
        %swap3A_361 = tpu.vector_load %arg8[%swap3A_359, %swap3A_360] {strides = array<i32>} : memref<8x256xf32, #tpu.memory_space<vmem>>, vector<1x16xf32>,
        %swap3A_362 = vector.shape_cast %swap3A_361 : vector<1x16xf32> to vector<16xf32>
        %swap3A_363 = vector.shape_cast %max3A_358 : vector<16xf32> to vector<1x16xf32>
        tpu.vector_store %arg8[%swap3A_359, %swap3A_360], %swap3A_363 {strides = array<i32>} : memref<8x256xf32, #tpu.memory_space<vmem>>, vector<1x16xf32>,
        %mul3A_364 = arith.constant 16 : i32
        %mul3A_365 = arith.muli %scan3A_72, %mul3A_364 : i32
        %add3A_366 = arith.constant 0 : i32
        %add3A_367 = arith.addi %mul3A_365, %add3A_366 : i32
        %get3A_368 = arith.index_cast %add3A_367 : i32 to index
        %get3A_369 = arith.constant 16 : index
        %get3A_370 = tpu.vector_load %arg7[%get3A_368, %get3A_369] {strides = array<i32>} : memref<128x128xi32, #tpu.memory_space<vmem>>, vector<1x16xi32>,
        %get3A_371 = vector.shape_cast %get3A_370 : vector<1x16xi32> to vector<16xi32>
        %mul3A_372 = arith.constant 16 : i32
        %mul3A_373 = arith.muli %scan3A_72, %mul3A_372 : i32
        %add3A_374 = arith.constant 1 : i32
        %add3A_375 = arith.addi %mul3A_373, %add3A_374 : i32
        %get3A_376 = arith.index_cast %add3A_375 : i32 to index
        %get3A_377 = arith.constant 16 : index
        %get3A_378 = tpu.vector_load %arg7[%get3A_376, %get3A_377] {strides = array<i32>} : memref<128x128xi32, #tpu.memory_space<vmem>>, vector<1x16xi32>,
        %get3A_379 = vector.shape_cast %get3A_378 : vector<1x16xi32> to vector<16xi32>
        %mul3A_380 = arith.constant 16 : i32
        %mul3A_381 = arith.muli %scan3A_72, %mul3A_380 : i32
        %add3A_382 = arith.constant 2 : i32
        %add3A_383 = arith.addi %mul3A_381, %add3A_382 : i32
        %get3A_384 = arith.index_cast %add3A_383 : i32 to index
        %get3A_385 = arith.constant 16 : index
        %get3A_386 = tpu.vector_load %arg7[%get3A_384, %get3A_385] {strides = array<i32>} : memref<128x128xi32, #tpu.memory_space<vmem>>, vector<1x16xi32>,
        %get3A_387 = vector.shape_cast %get3A_386 : vector<1x16xi32> to vector<16xi32>
        %mul3A_388 = arith.constant 16 : i32
        %mul3A_389 = arith.muli %scan3A_72, %mul3A_388 : i32
        %add3A_390 = arith.constant 3 : i32
        %add3A_391 = arith.addi %mul3A_389, %add3A_390 : i32
        %get3A_392 = arith.index_cast %add3A_391 : i32 to index
        %get3A_393 = arith.constant 16 : index
        %get3A_394 = tpu.vector_load %arg7[%get3A_392, %get3A_393] {strides = array<i32>} : memref<128x128xi32, #tpu.memory_space<vmem>>, vector<1x16xi32>,
        %get3A_395 = vector.shape_cast %get3A_394 : vector<1x16xi32> to vector<16xi32>
        %mul3A_396 = arith.constant 16 : i32
        %mul3A_397 = arith.muli %scan3A_72, %mul3A_396 : i32
        %add3A_398 = arith.constant 4 : i32
        %add3A_399 = arith.addi %mul3A_397, %add3A_398 : i32
        %get3A_400 = arith.index_cast %add3A_399 : i32 to index
        %get3A_401 = arith.constant 16 : index
        %get3A_402 = tpu.vector_load %arg7[%get3A_400, %get3A_401] {strides = array<i32>} : memref<128x128xi32, #tpu.memory_space<vmem>>, vector<1x16xi32>,
        %get3A_403 = vector.shape_cast %get3A_402 : vector<1x16xi32> to vector<16xi32>
        %mul3A_404 = arith.constant 16 : i32
        %mul3A_405 = arith.muli %scan3A_72, %mul3A_404 : i32
        %add3A_406 = arith.constant 5 : i32
        %add3A_407 = arith.addi %mul3A_405, %add3A_406 : i32
        %get3A_408 = arith.index_cast %add3A_407 : i32 to index
        %get3A_409 = arith.constant 16 : index
        %get3A_410 = tpu.vector_load %arg7[%get3A_408, %get3A_409] {strides = array<i32>} : memref<128x128xi32, #tpu.memory_space<vmem>>, vector<1x16xi32>,
        %get3A_411 = vector.shape_cast %get3A_410 : vector<1x16xi32> to vector<16xi32>
        %mul3A_412 = arith.constant 16 : i32
        %mul3A_413 = arith.muli %scan3A_72, %mul3A_412 : i32
        %add3A_414 = arith.constant 6 : i32
        %add3A_415 = arith.addi %mul3A_413, %add3A_414 : i32
        %get3A_416 = arith.index_cast %add3A_415 : i32 to index
        %get3A_417 = arith.constant 16 : index
        %get3A_418 = tpu.vector_load %arg7[%get3A_416, %get3A_417] {strides = array<i32>} : memref<128x128xi32, #tpu.memory_space<vmem>>, vector<1x16xi32>,
        %get3A_419 = vector.shape_cast %get3A_418 : vector<1x16xi32> to vector<16xi32>
        %mul3A_420 = arith.constant 16 : i32
        %mul3A_421 = arith.muli %scan3A_72, %mul3A_420 : i32
        %add3A_422 = arith.constant 7 : i32
        %add3A_423 = arith.addi %mul3A_421, %add3A_422 : i32
        %get3A_424 = arith.index_cast %add3A_423 : i32 to index
        %get3A_425 = arith.constant 16 : index
        %get3A_426 = tpu.vector_load %arg7[%get3A_424, %get3A_425] {strides = array<i32>} : memref<128x128xi32, #tpu.memory_space<vmem>>, vector<1x16xi32>,
        %get3A_427 = vector.shape_cast %get3A_426 : vector<1x16xi32> to vector<16xi32>
        %mul3A_428 = arith.constant 16 : i32
        %mul3A_429 = arith.muli %scan3A_72, %mul3A_428 : i32
        %add3A_430 = arith.constant 8 : i32
        %add3A_431 = arith.addi %mul3A_429, %add3A_430 : i32
        %get3A_432 = arith.index_cast %add3A_431 : i32 to index
        %get3A_433 = arith.constant 16 : index
        %get3A_434 = tpu.vector_load %arg7[%get3A_432, %get3A_433] {strides = array<i32>} : memref<128x128xi32, #tpu.memory_space<vmem>>, vector<1x16xi32>,
        %get3A_435 = vector.shape_cast %get3A_434 : vector<1x16xi32> to vector<16xi32>
        %mul3A_436 = arith.constant 16 : i32
        %mul3A_437 = arith.muli %scan3A_72, %mul3A_436 : i32
        %add3A_438 = arith.constant 9 : i32
        %add3A_439 = arith.addi %mul3A_437, %add3A_438 : i32
        %get3A_440 = arith.index_cast %add3A_439 : i32 to index
        %get3A_441 = arith.constant 16 : index
        %get3A_442 = tpu.vector_load %arg7[%get3A_440, %get3A_441] {strides = array<i32>} : memref<128x128xi32, #tpu.memory_space<vmem>>, vector<1x16xi32>,
        %get3A_443 = vector.shape_cast %get3A_442 : vector<1x16xi32> to vector<16xi32>
        %mul3A_444 = arith.constant 16 : i32
        %mul3A_445 = arith.muli %scan3A_72, %mul3A_444 : i32
        %add3A_446 = arith.constant 10 : i32
        %add3A_447 = arith.addi %mul3A_445, %add3A_446 : i32
        %get3A_448 = arith.index_cast %add3A_447 : i32 to index
        %get3A_449 = arith.constant 16 : index
        %get3A_450 = tpu.vector_load %arg7[%get3A_448, %get3A_449] {strides = array<i32>} : memref<128x128xi32, #tpu.memory_space<vmem>>, vector<1x16xi32>,
        %get3A_451 = vector.shape_cast %get3A_450 : vector<1x16xi32> to vector<16xi32>
        %mul3A_452 = arith.constant 16 : i32
        %mul3A_453 = arith.muli %scan3A_72, %mul3A_452 : i32
        %add3A_454 = arith.constant 11 : i32
        %add3A_455 = arith.addi %mul3A_453, %add3A_454 : i32
        %get3A_456 = arith.index_cast %add3A_455 : i32 to index
        %get3A_457 = arith.constant 16 : index
        %get3A_458 = tpu.vector_load %arg7[%get3A_456, %get3A_457] {strides = array<i32>} : memref<128x128xi32, #tpu.memory_space<vmem>>, vector<1x16xi32>,
        %get3A_459 = vector.shape_cast %get3A_458 : vector<1x16xi32> to vector<16xi32>
        %mul3A_460 = arith.constant 16 : i32
        %mul3A_461 = arith.muli %scan3A_72, %mul3A_460 : i32
        %add3A_462 = arith.constant 12 : i32
        %add3A_463 = arith.addi %mul3A_461, %add3A_462 : i32
        %get3A_464 = arith.index_cast %add3A_463 : i32 to index
        %get3A_465 = arith.constant 16 : index
        %get3A_466 = tpu.vector_load %arg7[%get3A_464, %get3A_465] {strides = array<i32>} : memref<128x128xi32, #tpu.memory_space<vmem>>, vector<1x16xi32>,
        %get3A_467 = vector.shape_cast %get3A_466 : vector<1x16xi32> to vector<16xi32>
        %mul3A_468 = arith.constant 16 : i32
        %mul3A_469 = arith.muli %scan3A_72, %mul3A_468 : i32
        %add3A_470 = arith.constant 13 : i32
        %add3A_471 = arith.addi %mul3A_469, %add3A_470 : i32
        %get3A_472 = arith.index_cast %add3A_471 : i32 to index
        %get3A_473 = arith.constant 16 : index
        %get3A_474 = tpu.vector_load %arg7[%get3A_472, %get3A_473] {strides = array<i32>} : memref<128x128xi32, #tpu.memory_space<vmem>>, vector<1x16xi32>,
        %get3A_475 = vector.shape_cast %get3A_474 : vector<1x16xi32> to vector<16xi32>
        %mul3A_476 = arith.constant 16 : i32
        %mul3A_477 = arith.muli %scan3A_72, %mul3A_476 : i32
        %add3A_478 = arith.constant 14 : i32
        %add3A_479 = arith.addi %mul3A_477, %add3A_478 : i32
        %get3A_480 = arith.index_cast %add3A_479 : i32 to index
        %get3A_481 = arith.constant 16 : index
        %get3A_482 = tpu.vector_load %arg7[%get3A_480, %get3A_481] {strides = array<i32>} : memref<128x128xi32, #tpu.memory_space<vmem>>, vector<1x16xi32>,
        %get3A_483 = vector.shape_cast %get3A_482 : vector<1x16xi32> to vector<16xi32>
        %mul3A_484 = arith.constant 16 : i32
        %mul3A_485 = arith.muli %scan3A_72, %mul3A_484 : i32
        %add3A_486 = arith.constant 15 : i32
        %add3A_487 = arith.addi %mul3A_485, %add3A_486 : i32
        %get3A_488 = arith.index_cast %add3A_487 : i32 to index
        %get3A_489 = arith.constant 16 : index
        %get3A_490 = tpu.vector_load %arg7[%get3A_488, %get3A_489] {strides = array<i32>} : memref<128x128xi32, #tpu.memory_space<vmem>>, vector<1x16xi32>,
        %get3A_491 = vector.shape_cast %get3A_490 : vector<1x16xi32> to vector<16xi32>
        %shift_left3A_492 = arith.constant 16 : i32
        %shift_left3A_493 = vector.broadcast %shift_left3A_492 : i32 to vector<16xi32>
        %shift_left3A_494 = arith.shli %get3A_371, %shift_left3A_493 : vector<16xi32>
        %bitcast_convert_type3A_495 = tpu.bitcast %shift_left3A_494 : vector<16xi32> -> vector<16xf32>
        %shift_left3A_496 = arith.constant 16 : i32
        %shift_left3A_497 = vector.broadcast %shift_left3A_496 : i32 to vector<16xi32>
        %shift_left3A_498 = arith.shli %get3A_379, %shift_left3A_497 : vector<16xi32>
        %bitcast_convert_type3A_499 = tpu.bitcast %shift_left3A_498 : vector<16xi32> -> vector<16xf32>
        %shift_left3A_500 = arith.constant 16 : i32
        %shift_left3A_501 = vector.broadcast %shift_left3A_500 : i32 to vector<16xi32>
        %shift_left3A_502 = arith.shli %get3A_387, %shift_left3A_501 : vector<16xi32>
        %bitcast_convert_type3A_503 = tpu.bitcast %shift_left3A_502 : vector<16xi32> -> vector<16xf32>
        %shift_left3A_504 = arith.constant 16 : i32
        %shift_left3A_505 = vector.broadcast %shift_left3A_504 : i32 to vector<16xi32>
        %shift_left3A_506 = arith.shli %get3A_395, %shift_left3A_505 : vector<16xi32>
        %bitcast_convert_type3A_507 = tpu.bitcast %shift_left3A_506 : vector<16xi32> -> vector<16xf32>
        %shift_left3A_508 = arith.constant 16 : i32
        %shift_left3A_509 = vector.broadcast %shift_left3A_508 : i32 to vector<16xi32>
        %shift_left3A_510 = arith.shli %get3A_403, %shift_left3A_509 : vector<16xi32>
        %bitcast_convert_type3A_511 = tpu.bitcast %shift_left3A_510 : vector<16xi32> -> vector<16xf32>
        %shift_left3A_512 = arith.constant 16 : i32
        %shift_left3A_513 = vector.broadcast %shift_left3A_512 : i32 to vector<16xi32>
        %shift_left3A_514 = arith.shli %get3A_411, %shift_left3A_513 : vector<16xi32>
        %bitcast_convert_type3A_515 = tpu.bitcast %shift_left3A_514 : vector<16xi32> -> vector<16xf32>
        %shift_left3A_516 = arith.constant 16 : i32
        %shift_left3A_517 = vector.broadcast %shift_left3A_516 : i32 to vector<16xi32>
        %shift_left3A_518 = arith.shli %get3A_419, %shift_left3A_517 : vector<16xi32>
        %bitcast_convert_type3A_519 = tpu.bitcast %shift_left3A_518 : vector<16xi32> -> vector<16xf32>
        %shift_left3A_520 = arith.constant 16 : i32
        %shift_left3A_521 = vector.broadcast %shift_left3A_520 : i32 to vector<16xi32>
        %shift_left3A_522 = arith.shli %get3A_427, %shift_left3A_521 : vector<16xi32>
        %bitcast_convert_type3A_523 = tpu.bitcast %shift_left3A_522 : vector<16xi32> -> vector<16xf32>
        %shift_left3A_524 = arith.constant 16 : i32
        %shift_left3A_525 = vector.broadcast %shift_left3A_524 : i32 to vector<16xi32>
        %shift_left3A_526 = arith.shli %get3A_435, %shift_left3A_525 : vector<16xi32>
        %bitcast_convert_type3A_527 = tpu.bitcast %shift_left3A_526 : vector<16xi32> -> vector<16xf32>
        %shift_left3A_528 = arith.constant 16 : i32
        %shift_left3A_529 = vector.broadcast %shift_left3A_528 : i32 to vector<16xi32>
        %shift_left3A_530 = arith.shli %get3A_443, %shift_left3A_529 : vector<16xi32>
        %bitcast_convert_type3A_531 = tpu.bitcast %shift_left3A_530 : vector<16xi32> -> vector<16xf32>
        %shift_left3A_532 = arith.constant 16 : i32
        %shift_left3A_533 = vector.broadcast %shift_left3A_532 : i32 to vector<16xi32>
        %shift_left3A_534 = arith.shli %get3A_451, %shift_left3A_533 : vector<16xi32>
        %bitcast_convert_type3A_535 = tpu.bitcast %shift_left3A_534 : vector<16xi32> -> vector<16xf32>
        %shift_left3A_536 = arith.constant 16 : i32
        %shift_left3A_537 = vector.broadcast %shift_left3A_536 : i32 to vector<16xi32>
        %shift_left3A_538 = arith.shli %get3A_459, %shift_left3A_537 : vector<16xi32>
        %bitcast_convert_type3A_539 = tpu.bitcast %shift_left3A_538 : vector<16xi32> -> vector<16xf32>
        %shift_left3A_540 = arith.constant 16 : i32
        %shift_left3A_541 = vector.broadcast %shift_left3A_540 : i32 to vector<16xi32>
        %shift_left3A_542 = arith.shli %get3A_467, %shift_left3A_541 : vector<16xi32>
        %bitcast_convert_type3A_543 = tpu.bitcast %shift_left3A_542 : vector<16xi32> -> vector<16xf32>
        %shift_left3A_544 = arith.constant 16 : i32
        %shift_left3A_545 = vector.broadcast %shift_left3A_544 : i32 to vector<16xi32>
        %shift_left3A_546 = arith.shli %get3A_475, %shift_left3A_545 : vector<16xi32>
        %bitcast_convert_type3A_547 = tpu.bitcast %shift_left3A_546 : vector<16xi32> -> vector<16xf32>
        %shift_left3A_548 = arith.constant 16 : i32
        %shift_left3A_549 = vector.broadcast %shift_left3A_548 : i32 to vector<16xi32>
        %shift_left3A_550 = arith.shli %get3A_483, %shift_left3A_549 : vector<16xi32>
        %bitcast_convert_type3A_551 = tpu.bitcast %shift_left3A_550 : vector<16xi32> -> vector<16xf32>
        %shift_left3A_552 = arith.constant 16 : i32
        %shift_left3A_553 = vector.broadcast %shift_left3A_552 : i32 to vector<16xi32>
        %shift_left3A_554 = arith.shli %get3A_491, %shift_left3A_553 : vector<16xi32>
        %bitcast_convert_type3A_555 = tpu.bitcast %shift_left3A_554 : vector<16xi32> -> vector<16xf32>
        %and3A_556 = arith.constant -65536 : i32
        %and3A_557 = vector.broadcast %and3A_556 : i32 to vector<16xi32>
        %and3A_558 = arith.andi %get3A_371, %and3A_557 : vector<16xi32>
        %bitcast_convert_type3A_559 = tpu.bitcast %and3A_558 : vector<16xi32> -> vector<16xf32>
        %and3A_560 = arith.constant -65536 : i32
        %and3A_561 = vector.broadcast %and3A_560 : i32 to vector<16xi32>
        %and3A_562 = arith.andi %get3A_379, %and3A_561 : vector<16xi32>
        %bitcast_convert_type3A_563 = tpu.bitcast %and3A_562 : vector<16xi32> -> vector<16xf32>
        %and3A_564 = arith.constant -65536 : i32
        %and3A_565 = vector.broadcast %and3A_564 : i32 to vector<16xi32>
        %and3A_566 = arith.andi %get3A_387, %and3A_565 : vector<16xi32>
        %bitcast_convert_type3A_567 = tpu.bitcast %and3A_566 : vector<16xi32> -> vector<16xf32>
        %and3A_568 = arith.constant -65536 : i32
        %and3A_569 = vector.broadcast %and3A_568 : i32 to vector<16xi32>
        %and3A_570 = arith.andi %get3A_395, %and3A_569 : vector<16xi32>
        %bitcast_convert_type3A_571 = tpu.bitcast %and3A_570 : vector<16xi32> -> vector<16xf32>
        %and3A_572 = arith.constant -65536 : i32
        %and3A_573 = vector.broadcast %and3A_572 : i32 to vector<16xi32>
        %and3A_574 = arith.andi %get3A_403, %and3A_573 : vector<16xi32>
        %bitcast_convert_type3A_575 = tpu.bitcast %and3A_574 : vector<16xi32> -> vector<16xf32>
        %and3A_576 = arith.constant -65536 : i32
        %and3A_577 = vector.broadcast %and3A_576 : i32 to vector<16xi32>
        %and3A_578 = arith.andi %get3A_411, %and3A_577 : vector<16xi32>
        %bitcast_convert_type3A_579 = tpu.bitcast %and3A_578 : vector<16xi32> -> vector<16xf32>
        %and3A_580 = arith.constant -65536 : i32
        %and3A_581 = vector.broadcast %and3A_580 : i32 to vector<16xi32>
        %and3A_582 = arith.andi %get3A_419, %and3A_581 : vector<16xi32>
        %bitcast_convert_type3A_583 = tpu.bitcast %and3A_582 : vector<16xi32> -> vector<16xf32>
        %and3A_584 = arith.constant -65536 : i32
        %and3A_585 = vector.broadcast %and3A_584 : i32 to vector<16xi32>
        %and3A_586 = arith.andi %get3A_427, %and3A_585 : vector<16xi32>
        %bitcast_convert_type3A_587 = tpu.bitcast %and3A_586 : vector<16xi32> -> vector<16xf32>
        %and3A_588 = arith.constant -65536 : i32
        %and3A_589 = vector.broadcast %and3A_588 : i32 to vector<16xi32>
        %and3A_590 = arith.andi %get3A_435, %and3A_589 : vector<16xi32>
        %bitcast_convert_type3A_591 = tpu.bitcast %and3A_590 : vector<16xi32> -> vector<16xf32>
        %and3A_592 = arith.constant -65536 : i32
        %and3A_593 = vector.broadcast %and3A_592 : i32 to vector<16xi32>
        %and3A_594 = arith.andi %get3A_443, %and3A_593 : vector<16xi32>
        %bitcast_convert_type3A_595 = tpu.bitcast %and3A_594 : vector<16xi32> -> vector<16xf32>
        %and3A_596 = arith.constant -65536 : i32
        %and3A_597 = vector.broadcast %and3A_596 : i32 to vector<16xi32>
        %and3A_598 = arith.andi %get3A_451, %and3A_597 : vector<16xi32>
        %bitcast_convert_type3A_599 = tpu.bitcast %and3A_598 : vector<16xi32> -> vector<16xf32>
        %and3A_600 = arith.constant -65536 : i32
        %and3A_601 = vector.broadcast %and3A_600 : i32 to vector<16xi32>
        %and3A_602 = arith.andi %get3A_459, %and3A_601 : vector<16xi32>
        %bitcast_convert_type3A_603 = tpu.bitcast %and3A_602 : vector<16xi32> -> vector<16xf32>
        %and3A_604 = arith.constant -65536 : i32
        %and3A_605 = vector.broadcast %and3A_604 : i32 to vector<16xi32>
        %and3A_606 = arith.andi %get3A_467, %and3A_605 : vector<16xi32>
        %bitcast_convert_type3A_607 = tpu.bitcast %and3A_606 : vector<16xi32> -> vector<16xf32>
        %and3A_608 = arith.constant -65536 : i32
        %and3A_609 = vector.broadcast %and3A_608 : i32 to vector<16xi32>
        %and3A_610 = arith.andi %get3A_475, %and3A_609 : vector<16xi32>
        %bitcast_convert_type3A_611 = tpu.bitcast %and3A_610 : vector<16xi32> -> vector<16xf32>
        %and3A_612 = arith.constant -65536 : i32
        %and3A_613 = vector.broadcast %and3A_612 : i32 to vector<16xi32>
        %and3A_614 = arith.andi %get3A_483, %and3A_613 : vector<16xi32>
        %bitcast_convert_type3A_615 = tpu.bitcast %and3A_614 : vector<16xi32> -> vector<16xf32>
        %and3A_616 = arith.constant -65536 : i32
        %and3A_617 = vector.broadcast %and3A_616 : i32 to vector<16xi32>
        %and3A_618 = arith.andi %get3A_491, %and3A_617 : vector<16xi32>
        %bitcast_convert_type3A_619 = tpu.bitcast %and3A_618 : vector<16xi32> -> vector<16xf32>
        %max3A_620 = arith.maximumf %bitcast_convert_type3A_495, %bitcast_convert_type3A_499 : vector<16xf32>
        %max3A_621 = arith.maximumf %bitcast_convert_type3A_503, %bitcast_convert_type3A_507 : vector<16xf32>
        %max3A_622 = arith.maximumf %bitcast_convert_type3A_511, %bitcast_convert_type3A_515 : vector<16xf32>
        %max3A_623 = arith.maximumf %bitcast_convert_type3A_519, %bitcast_convert_type3A_523 : vector<16xf32>
        %max3A_624 = arith.maximumf %bitcast_convert_type3A_527, %bitcast_convert_type3A_531 : vector<16xf32>
        %max3A_625 = arith.maximumf %bitcast_convert_type3A_535, %bitcast_convert_type3A_539 : vector<16xf32>
        %max3A_626 = arith.maximumf %bitcast_convert_type3A_543, %bitcast_convert_type3A_547 : vector<16xf32>
        %max3A_627 = arith.maximumf %bitcast_convert_type3A_551, %bitcast_convert_type3A_555 : vector<16xf32>
        %max3A_628 = arith.maximumf %max3A_620, %max3A_621 : vector<16xf32>
        %max3A_629 = arith.maximumf %max3A_622, %max3A_623 : vector<16xf32>
        %max3A_630 = arith.maximumf %max3A_624, %max3A_625 : vector<16xf32>
        %max3A_631 = arith.maximumf %max3A_626, %max3A_627 : vector<16xf32>
        %max3A_632 = arith.maximumf %max3A_628, %max3A_629 : vector<16xf32>
        %max3A_633 = arith.maximumf %max3A_630, %max3A_631 : vector<16xf32>
        %max3A_634 = arith.maximumf %max3A_632, %max3A_633 : vector<16xf32>
        %swap3A_635 = arith.index_cast %scan3A_72 : i32 to index
        %swap3A_636 = arith.constant 32 : index
        %swap3A_637 = tpu.vector_load %arg8[%swap3A_635, %swap3A_636] {strides = array<i32>} : memref<8x256xf32, #tpu.memory_space<vmem>>, vector<1x16xf32>,
        %swap3A_638 = vector.shape_cast %swap3A_637 : vector<1x16xf32> to vector<16xf32>
        %swap3A_639 = vector.shape_cast %max3A_634 : vector<16xf32> to vector<1x16xf32>
        tpu.vector_store %arg8[%swap3A_635, %swap3A_636], %swap3A_639 {strides = array<i32>} : memref<8x256xf32, #tpu.memory_space<vmem>>, vector<1x16xf32>,
        %max3A_640 = arith.maximumf %bitcast_convert_type3A_559, %bitcast_convert_type3A_563 : vector<16xf32>
        %max3A_641 = arith.maximumf %bitcast_convert_type3A_567, %bitcast_convert_type3A_571 : vector<16xf32>
        %max3A_642 = arith.maximumf %bitcast_convert_type3A_575, %bitcast_convert_type3A_579 : vector<16xf32>
        %max3A_643 = arith.maximumf %bitcast_convert_type3A_583, %bitcast_convert_type3A_587 : vector<16xf32>
        %max3A_644 = arith.maximumf %bitcast_convert_type3A_591, %bitcast_convert_type3A_595 : vector<16xf32>
        %max3A_645 = arith.maximumf %bitcast_convert_type3A_599, %bitcast_convert_type3A_603 : vector<16xf32>
        %max3A_646 = arith.maximumf %bitcast_convert_type3A_607, %bitcast_convert_type3A_611 : vector<16xf32>
        %max3A_647 = arith.maximumf %bitcast_convert_type3A_615, %bitcast_convert_type3A_619 : vector<16xf32>
        %max3A_648 = arith.maximumf %max3A_640, %max3A_641 : vector<16xf32>
        %max3A_649 = arith.maximumf %max3A_642, %max3A_643 : vector<16xf32>
        %max3A_650 = arith.maximumf %max3A_644, %max3A_645 : vector<16xf32>
        %max3A_651 = arith.maximumf %max3A_646, %max3A_647 : vector<16xf32>
        %max3A_652 = arith.maximumf %max3A_648, %max3A_649 : vector<16xf32>
        %max3A_653 = arith.maximumf %max3A_650, %max3A_651 : vector<16xf32>
        %max3A_654 = arith.maximumf %max3A_652, %max3A_653 : vector<16xf32>
        %swap3A_655 = arith.index_cast %scan3A_72 : i32 to index
        %swap3A_656 = arith.constant 48 : index
        %swap3A_657 = tpu.vector_load %arg8[%swap3A_655, %swap3A_656] {strides = array<i32>} : memref<8x256xf32, #tpu.memory_space<vmem>>, vector<1x16xf32>,
        %swap3A_658 = vector.shape_cast %swap3A_657 : vector<1x16xf32> to vector<16xf32>
        %swap3A_659 = vector.shape_cast %max3A_654 : vector<16xf32> to vector<1x16xf32>
        tpu.vector_store %arg8[%swap3A_655, %swap3A_656], %swap3A_659 {strides = array<i32>} : memref<8x256xf32, #tpu.memory_space<vmem>>, vector<1x16xf32>,
        %mul3A_660 = arith.constant 16 : i32
        %mul3A_661 = arith.muli %scan3A_72, %mul3A_660 : i32
        %add3A_662 = arith.constant 0 : i32
        %add3A_663 = arith.addi %mul3A_661, %add3A_662 : i32
        %get3A_664 = arith.index_cast %add3A_663 : i32 to index
        %get3A_665 = arith.constant 32 : index
        %get3A_666 = tpu.vector_load %arg7[%get3A_664, %get3A_665] {strides = array<i32>} : memref<128x128xi32, #tpu.memory_space<vmem>>, vector<1x16xi32>,
        %get3A_667 = vector.shape_cast %get3A_666 : vector<1x16xi32> to vector<16xi32>
        %mul3A_668 = arith.constant 16 : i32
        %mul3A_669 = arith.muli %scan3A_72, %mul3A_668 : i32
        %add3A_670 = arith.constant 1 : i32
        %add3A_671 = arith.addi %mul3A_669, %add3A_670 : i32
        %get3A_672 = arith.index_cast %add3A_671 : i32 to index
        %get3A_673 = arith.constant 32 : index
        %get3A_674 = tpu.vector_load %arg7[%get3A_672, %get3A_673] {strides = array<i32>} : memref<128x128xi32, #tpu.memory_space<vmem>>, vector<1x16xi32>,
        %get3A_675 = vector.shape_cast %get3A_674 : vector<1x16xi32> to vector<16xi32>
        %mul3A_676 = arith.constant 16 : i32
        %mul3A_677 = arith.muli %scan3A_72, %mul3A_676 : i32
        %add3A_678 = arith.constant 2 : i32
        %add3A_679 = arith.addi %mul3A_677, %add3A_678 : i32
        %get3A_680 = arith.index_cast %add3A_679 : i32 to index
        %get3A_681 = arith.constant 32 : index
        %get3A_682 = tpu.vector_load %arg7[%get3A_680, %get3A_681] {strides = array<i32>} : memref<128x128xi32, #tpu.memory_space<vmem>>, vector<1x16xi32>,
        %get3A_683 = vector.shape_cast %get3A_682 : vector<1x16xi32> to vector<16xi32>
        %mul3A_684 = arith.constant 16 : i32
        %mul3A_685 = arith.muli %scan3A_72, %mul3A_684 : i32
        %add3A_686 = arith.constant 3 : i32
        %add3A_687 = arith.addi %mul3A_685, %add3A_686 : i32
        %get3A_688 = arith.index_cast %add3A_687 : i32 to index
        %get3A_689 = arith.constant 32 : index
        %get3A_690 = tpu.vector_load %arg7[%get3A_688, %get3A_689] {strides = array<i32>} : memref<128x128xi32, #tpu.memory_space<vmem>>, vector<1x16xi32>,
        %get3A_691 = vector.shape_cast %get3A_690 : vector<1x16xi32> to vector<16xi32>
        %mul3A_692 = arith.constant 16 : i32
        %mul3A_693 = arith.muli %scan3A_72, %mul3A_692 : i32
        %add3A_694 = arith.constant 4 : i32
        %add3A_695 = arith.addi %mul3A_693, %add3A_694 : i32
        %get3A_696 = arith.index_cast %add3A_695 : i32 to index
        %get3A_697 = arith.constant 32 : index
        %get3A_698 = tpu.vector_load %arg7[%get3A_696, %get3A_697] {strides = array<i32>} : memref<128x128xi32, #tpu.memory_space<vmem>>, vector<1x16xi32>,
        %get3A_699 = vector.shape_cast %get3A_698 : vector<1x16xi32> to vector<16xi32>
        %mul3A_700 = arith.constant 16 : i32
        %mul3A_701 = arith.muli %scan3A_72, %mul3A_700 : i32
        %add3A_702 = arith.constant 5 : i32
        %add3A_703 = arith.addi %mul3A_701, %add3A_702 : i32
        %get3A_704 = arith.index_cast %add3A_703 : i32 to index
        %get3A_705 = arith.constant 32 : index
        %get3A_706 = tpu.vector_load %arg7[%get3A_704, %get3A_705] {strides = array<i32>} : memref<128x128xi32, #tpu.memory_space<vmem>>, vector<1x16xi32>,
        %get3A_707 = vector.shape_cast %get3A_706 : vector<1x16xi32> to vector<16xi32>
        %mul3A_708 = arith.constant 16 : i32
        %mul3A_709 = arith.muli %scan3A_72, %mul3A_708 : i32
        %add3A_710 = arith.constant 6 : i32
        %add3A_711 = arith.addi %mul3A_709, %add3A_710 : i32
        %get3A_712 = arith.index_cast %add3A_711 : i32 to index
        %get3A_713 = arith.constant 32 : index
        %get3A_714 = tpu.vector_load %arg7[%get3A_712, %get3A_713] {strides = array<i32>} : memref<128x128xi32, #tpu.memory_space<vmem>>, vector<1x16xi32>,
        %get3A_715 = vector.shape_cast %get3A_714 : vector<1x16xi32> to vector<16xi32>
        %mul3A_716 = arith.constant 16 : i32
        %mul3A_717 = arith.muli %scan3A_72, %mul3A_716 : i32
        %add3A_718 = arith.constant 7 : i32
        %add3A_719 = arith.addi %mul3A_717, %add3A_718 : i32
        %get3A_720 = arith.index_cast %add3A_719 : i32 to index
        %get3A_721 = arith.constant 32 : index
        %get3A_722 = tpu.vector_load %arg7[%get3A_720, %get3A_721] {strides = array<i32>} : memref<128x128xi32, #tpu.memory_space<vmem>>, vector<1x16xi32>,
        %get3A_723 = vector.shape_cast %get3A_722 : vector<1x16xi32> to vector<16xi32>
        %mul3A_724 = arith.constant 16 : i32
        %mul3A_725 = arith.muli %scan3A_72, %mul3A_724 : i32
        %add3A_726 = arith.constant 8 : i32
        %add3A_727 = arith.addi %mul3A_725, %add3A_726 : i32
        %get3A_728 = arith.index_cast %add3A_727 : i32 to index
        %get3A_729 = arith.constant 32 : index
        %get3A_730 = tpu.vector_load %arg7[%get3A_728, %get3A_729] {strides = array<i32>} : memref<128x128xi32, #tpu.memory_space<vmem>>, vector<1x16xi32>,
        %get3A_731 = vector.shape_cast %get3A_730 : vector<1x16xi32> to vector<16xi32>
        %mul3A_732 = arith.constant 16 : i32
        %mul3A_733 = arith.muli %scan3A_72, %mul3A_732 : i32
        %add3A_734 = arith.constant 9 : i32
        %add3A_735 = arith.addi %mul3A_733, %add3A_734 : i32
        %get3A_736 = arith.index_cast %add3A_735 : i32 to index
        %get3A_737 = arith.constant 32 : index
        %get3A_738 = tpu.vector_load %arg7[%get3A_736, %get3A_737] {strides = array<i32>} : memref<128x128xi32, #tpu.memory_space<vmem>>, vector<1x16xi32>,
        %get3A_739 = vector.shape_cast %get3A_738 : vector<1x16xi32> to vector<16xi32>
        %mul3A_740 = arith.constant 16 : i32
        %mul3A_741 = arith.muli %scan3A_72, %mul3A_740 : i32
        %add3A_742 = arith.constant 10 : i32
        %add3A_743 = arith.addi %mul3A_741, %add3A_742 : i32
        %get3A_744 = arith.index_cast %add3A_743 : i32 to index
        %get3A_745 = arith.constant 32 : index
        %get3A_746 = tpu.vector_load %arg7[%get3A_744, %get3A_745] {strides = array<i32>} : memref<128x128xi32, #tpu.memory_space<vmem>>, vector<1x16xi32>,
        %get3A_747 = vector.shape_cast %get3A_746 : vector<1x16xi32> to vector<16xi32>
        %mul3A_748 = arith.constant 16 : i32
        %mul3A_749 = arith.muli %scan3A_72, %mul3A_748 : i32
        %add3A_750 = arith.constant 11 : i32
        %add3A_751 = arith.addi %mul3A_749, %add3A_750 : i32
        %get3A_752 = arith.index_cast %add3A_751 : i32 to index
        %get3A_753 = arith.constant 32 : index
        %get3A_754 = tpu.vector_load %arg7[%get3A_752, %get3A_753] {strides = array<i32>} : memref<128x128xi32, #tpu.memory_space<vmem>>, vector<1x16xi32>,
        %get3A_755 = vector.shape_cast %get3A_754 : vector<1x16xi32> to vector<16xi32>
        %mul3A_756 = arith.constant 16 : i32
        %mul3A_757 = arith.muli %scan3A_72, %mul3A_756 : i32
        %add3A_758 = arith.constant 12 : i32
        %add3A_759 = arith.addi %mul3A_757, %add3A_758 : i32
        %get3A_760 = arith.index_cast %add3A_759 : i32 to index
        %get3A_761 = arith.constant 32 : index
        %get3A_762 = tpu.vector_load %arg7[%get3A_760, %get3A_761] {strides = array<i32>} : memref<128x128xi32, #tpu.memory_space<vmem>>, vector<1x16xi32>,
        %get3A_763 = vector.shape_cast %get3A_762 : vector<1x16xi32> to vector<16xi32>
        %mul3A_764 = arith.constant 16 : i32
        %mul3A_765 = arith.muli %scan3A_72, %mul3A_764 : i32
        %add3A_766 = arith.constant 13 : i32
        %add3A_767 = arith.addi %mul3A_765, %add3A_766 : i32
        %get3A_768 = arith.index_cast %add3A_767 : i32 to index
        %get3A_769 = arith.constant 32 : index
        %get3A_770 = tpu.vector_load %arg7[%get3A_768, %get3A_769] {strides = array<i32>} : memref<128x128xi32, #tpu.memory_space<vmem>>, vector<1x16xi32>,
        %get3A_771 = vector.shape_cast %get3A_770 : vector<1x16xi32> to vector<16xi32>
        %mul3A_772 = arith.constant 16 : i32
        %mul3A_773 = arith.muli %scan3A_72, %mul3A_772 : i32
        %add3A_774 = arith.constant 14 : i32
        %add3A_775 = arith.addi %mul3A_773, %add3A_774 : i32
        %get3A_776 = arith.index_cast %add3A_775 : i32 to index
        %get3A_777 = arith.constant 32 : index
        %get3A_778 = tpu.vector_load %arg7[%get3A_776, %get3A_777] {strides = array<i32>} : memref<128x128xi32, #tpu.memory_space<vmem>>, vector<1x16xi32>,
        %get3A_779 = vector.shape_cast %get3A_778 : vector<1x16xi32> to vector<16xi32>
        %mul3A_780 = arith.constant 16 : i32
        %mul3A_781 = arith.muli %scan3A_72, %mul3A_780 : i32
        %add3A_782 = arith.constant 15 : i32
        %add3A_783 = arith.addi %mul3A_781, %add3A_782 : i32
        %get3A_784 = arith.index_cast %add3A_783 : i32 to index
        %get3A_785 = arith.constant 32 : index
        %get3A_786 = tpu.vector_load %arg7[%get3A_784, %get3A_785] {strides = array<i32>} : memref<128x128xi32, #tpu.memory_space<vmem>>, vector<1x16xi32>,
        %get3A_787 = vector.shape_cast %get3A_786 : vector<1x16xi32> to vector<16xi32>
        %shift_left3A_788 = arith.constant 16 : i32
        %shift_left3A_789 = vector.broadcast %shift_left3A_788 : i32 to vector<16xi32>
        %shift_left3A_790 = arith.shli %get3A_667, %shift_left3A_789 : vector<16xi32>
        %bitcast_convert_type3A_791 = tpu.bitcast %shift_left3A_790 : vector<16xi32> -> vector<16xf32>
        %shift_left3A_792 = arith.constant 16 : i32
        %shift_left3A_793 = vector.broadcast %shift_left3A_792 : i32 to vector<16xi32>
        %shift_left3A_794 = arith.shli %get3A_675, %shift_left3A_793 : vector<16xi32>
        %bitcast_convert_type3A_795 = tpu.bitcast %shift_left3A_794 : vector<16xi32> -> vector<16xf32>
        %shift_left3A_796 = arith.constant 16 : i32
        %shift_left3A_797 = vector.broadcast %shift_left3A_796 : i32 to vector<16xi32>
        %shift_left3A_798 = arith.shli %get3A_683, %shift_left3A_797 : vector<16xi32>
        %bitcast_convert_type3A_799 = tpu.bitcast %shift_left3A_798 : vector<16xi32> -> vector<16xf32>
        %shift_left3A_800 = arith.constant 16 : i32
        %shift_left3A_801 = vector.broadcast %shift_left3A_800 : i32 to vector<16xi32>
        %shift_left3A_802 = arith.shli %get3A_691, %shift_left3A_801 : vector<16xi32>
        %bitcast_convert_type3A_803 = tpu.bitcast %shift_left3A_802 : vector<16xi32> -> vector<16xf32>
        %shift_left3A_804 = arith.constant 16 : i32
        %shift_left3A_805 = vector.broadcast %shift_left3A_804 : i32 to vector<16xi32>
        %shift_left3A_806 = arith.shli %get3A_699, %shift_left3A_805 : vector<16xi32>
        %bitcast_convert_type3A_807 = tpu.bitcast %shift_left3A_806 : vector<16xi32> -> vector<16xf32>
        %shift_left3A_808 = arith.constant 16 : i32
        %shift_left3A_809 = vector.broadcast %shift_left3A_808 : i32 to vector<16xi32>
        %shift_left3A_810 = arith.shli %get3A_707, %shift_left3A_809 : vector<16xi32>
        %bitcast_convert_type3A_811 = tpu.bitcast %shift_left3A_810 : vector<16xi32> -> vector<16xf32>
        %shift_left3A_812 = arith.constant 16 : i32
        %shift_left3A_813 = vector.broadcast %shift_left3A_812 : i32 to vector<16xi32>
        %shift_left3A_814 = arith.shli %get3A_715, %shift_left3A_813 : vector<16xi32>
        %bitcast_convert_type3A_815 = tpu.bitcast %shift_left3A_814 : vector<16xi32> -> vector<16xf32>
        %shift_left3A_816 = arith.constant 16 : i32
        %shift_left3A_817 = vector.broadcast %shift_left3A_816 : i32 to vector<16xi32>
        %shift_left3A_818 = arith.shli %get3A_723, %shift_left3A_817 : vector<16xi32>
        %bitcast_convert_type3A_819 = tpu.bitcast %shift_left3A_818 : vector<16xi32> -> vector<16xf32>
        %shift_left3A_820 = arith.constant 16 : i32
        %shift_left3A_821 = vector.broadcast %shift_left3A_820 : i32 to vector<16xi32>
        %shift_left3A_822 = arith.shli %get3A_731, %shift_left3A_821 : vector<16xi32>
        %bitcast_convert_type3A_823 = tpu.bitcast %shift_left3A_822 : vector<16xi32> -> vector<16xf32>
        %shift_left3A_824 = arith.constant 16 : i32
        %shift_left3A_825 = vector.broadcast %shift_left3A_824 : i32 to vector<16xi32>
        %shift_left3A_826 = arith.shli %get3A_739, %shift_left3A_825 : vector<16xi32>
        %bitcast_convert_type3A_827 = tpu.bitcast %shift_left3A_826 : vector<16xi32> -> vector<16xf32>
        %shift_left3A_828 = arith.constant 16 : i32
        %shift_left3A_829 = vector.broadcast %shift_left3A_828 : i32 to vector<16xi32>
        %shift_left3A_830 = arith.shli %get3A_747, %shift_left3A_829 : vector<16xi32>
        %bitcast_convert_type3A_831 = tpu.bitcast %shift_left3A_830 : vector<16xi32> -> vector<16xf32>
        %shift_left3A_832 = arith.constant 16 : i32
        %shift_left3A_833 = vector.broadcast %shift_left3A_832 : i32 to vector<16xi32>
        %shift_left3A_834 = arith.shli %get3A_755, %shift_left3A_833 : vector<16xi32>
        %bitcast_convert_type3A_835 = tpu.bitcast %shift_left3A_834 : vector<16xi32> -> vector<16xf32>
        %shift_left3A_836 = arith.constant 16 : i32
        %shift_left3A_837 = vector.broadcast %shift_left3A_836 : i32 to vector<16xi32>
        %shift_left3A_838 = arith.shli %get3A_763, %shift_left3A_837 : vector<16xi32>
        %bitcast_convert_type3A_839 = tpu.bitcast %shift_left3A_838 : vector<16xi32> -> vector<16xf32>
        %shift_left3A_840 = arith.constant 16 : i32
        %shift_left3A_841 = vector.broadcast %shift_left3A_840 : i32 to vector<16xi32>
        %shift_left3A_842 = arith.shli %get3A_771, %shift_left3A_841 : vector<16xi32>
        %bitcast_convert_type3A_843 = tpu.bitcast %shift_left3A_842 : vector<16xi32> -> vector<16xf32>
        %shift_left3A_844 = arith.constant 16 : i32
        %shift_left3A_845 = vector.broadcast %shift_left3A_844 : i32 to vector<16xi32>
        %shift_left3A_846 = arith.shli %get3A_779, %shift_left3A_845 : vector<16xi32>
        %bitcast_convert_type3A_847 = tpu.bitcast %shift_left3A_846 : vector<16xi32> -> vector<16xf32>
        %shift_left3A_848 = arith.constant 16 : i32
        %shift_left3A_849 = vector.broadcast %shift_left3A_848 : i32 to vector<16xi32>
        %shift_left3A_850 = arith.shli %get3A_787, %shift_left3A_849 : vector<16xi32>
        %bitcast_convert_type3A_851 = tpu.bitcast %shift_left3A_850 : vector<16xi32> -> vector<16xf32>
        %and3A_852 = arith.constant -65536 : i32
        %and3A_853 = vector.broadcast %and3A_852 : i32 to vector<16xi32>
        %and3A_854 = arith.andi %get3A_667, %and3A_853 : vector<16xi32>
        %bitcast_convert_type3A_855 = tpu.bitcast %and3A_854 : vector<16xi32> -> vector<16xf32>
        %and3A_856 = arith.constant -65536 : i32
        %and3A_857 = vector.broadcast %and3A_856 : i32 to vector<16xi32>
        %and3A_858 = arith.andi %get3A_675, %and3A_857 : vector<16xi32>
        %bitcast_convert_type3A_859 = tpu.bitcast %and3A_858 : vector<16xi32> -> vector<16xf32>
        %and3A_860 = arith.constant -65536 : i32
        %and3A_861 = vector.broadcast %and3A_860 : i32 to vector<16xi32>
        %and3A_862 = arith.andi %get3A_683, %and3A_861 : vector<16xi32>
        %bitcast_convert_type3A_863 = tpu.bitcast %and3A_862 : vector<16xi32> -> vector<16xf32>
        %and3A_864 = arith.constant -65536 : i32
        %and3A_865 = vector.broadcast %and3A_864 : i32 to vector<16xi32>
        %and3A_866 = arith.andi %get3A_691, %and3A_865 : vector<16xi32>
        %bitcast_convert_type3A_867 = tpu.bitcast %and3A_866 : vector<16xi32> -> vector<16xf32>
        %and3A_868 = arith.constant -65536 : i32
        %and3A_869 = vector.broadcast %and3A_868 : i32 to vector<16xi32>
        %and3A_870 = arith.andi %get3A_699, %and3A_869 : vector<16xi32>
        %bitcast_convert_type3A_871 = tpu.bitcast %and3A_870 : vector<16xi32> -> vector<16xf32>
        %and3A_872 = arith.constant -65536 : i32
        %and3A_873 = vector.broadcast %and3A_872 : i32 to vector<16xi32>
        %and3A_874 = arith.andi %get3A_707, %and3A_873 : vector<16xi32>
        %bitcast_convert_type3A_875 = tpu.bitcast %and3A_874 : vector<16xi32> -> vector<16xf32>
        %and3A_876 = arith.constant -65536 : i32
        %and3A_877 = vector.broadcast %and3A_876 : i32 to vector<16xi32>
        %and3A_878 = arith.andi %get3A_715, %and3A_877 : vector<16xi32>
        %bitcast_convert_type3A_879 = tpu.bitcast %and3A_878 : vector<16xi32> -> vector<16xf32>
        %and3A_880 = arith.constant -65536 : i32
        %and3A_881 = vector.broadcast %and3A_880 : i32 to vector<16xi32>
        %and3A_882 = arith.andi %get3A_723, %and3A_881 : vector<16xi32>
        %bitcast_convert_type3A_883 = tpu.bitcast %and3A_882 : vector<16xi32> -> vector<16xf32>
        %and3A_884 = arith.constant -65536 : i32
        %and3A_885 = vector.broadcast %and3A_884 : i32 to vector<16xi32>
        %and3A_886 = arith.andi %get3A_731, %and3A_885 : vector<16xi32>
        %bitcast_convert_type3A_887 = tpu.bitcast %and3A_886 : vector<16xi32> -> vector<16xf32>
        %and3A_888 = arith.constant -65536 : i32
        %and3A_889 = vector.broadcast %and3A_888 : i32 to vector<16xi32>
        %and3A_890 = arith.andi %get3A_739, %and3A_889 : vector<16xi32>
        %bitcast_convert_type3A_891 = tpu.bitcast %and3A_890 : vector<16xi32> -> vector<16xf32>
        %and3A_892 = arith.constant -65536 : i32
        %and3A_893 = vector.broadcast %and3A_892 : i32 to vector<16xi32>
        %and3A_894 = arith.andi %get3A_747, %and3A_893 : vector<16xi32>
        %bitcast_convert_type3A_895 = tpu.bitcast %and3A_894 : vector<16xi32> -> vector<16xf32>
        %and3A_896 = arith.constant -65536 : i32
        %and3A_897 = vector.broadcast %and3A_896 : i32 to vector<16xi32>
        %and3A_898 = arith.andi %get3A_755, %and3A_897 : vector<16xi32>
        %bitcast_convert_type3A_899 = tpu.bitcast %and3A_898 : vector<16xi32> -> vector<16xf32>
        %and3A_900 = arith.constant -65536 : i32
        %and3A_901 = vector.broadcast %and3A_900 : i32 to vector<16xi32>
        %and3A_902 = arith.andi %get3A_763, %and3A_901 : vector<16xi32>
        %bitcast_convert_type3A_903 = tpu.bitcast %and3A_902 : vector<16xi32> -> vector<16xf32>
        %and3A_904 = arith.constant -65536 : i32
        %and3A_905 = vector.broadcast %and3A_904 : i32 to vector<16xi32>
        %and3A_906 = arith.andi %get3A_771, %and3A_905 : vector<16xi32>
        %bitcast_convert_type3A_907 = tpu.bitcast %and3A_906 : vector<16xi32> -> vector<16xf32>
        %and3A_908 = arith.constant -65536 : i32
        %and3A_909 = vector.broadcast %and3A_908 : i32 to vector<16xi32>
        %and3A_910 = arith.andi %get3A_779, %and3A_909 : vector<16xi32>
        %bitcast_convert_type3A_911 = tpu.bitcast %and3A_910 : vector<16xi32> -> vector<16xf32>
        %and3A_912 = arith.constant -65536 : i32
        %and3A_913 = vector.broadcast %and3A_912 : i32 to vector<16xi32>
        %and3A_914 = arith.andi %get3A_787, %and3A_913 : vector<16xi32>
        %bitcast_convert_type3A_915 = tpu.bitcast %and3A_914 : vector<16xi32> -> vector<16xf32>
        %max3A_916 = arith.maximumf %bitcast_convert_type3A_791, %bitcast_convert_type3A_795 : vector<16xf32>
        %max3A_917 = arith.maximumf %bitcast_convert_type3A_799, %bitcast_convert_type3A_803 : vector<16xf32>
        %max3A_918 = arith.maximumf %bitcast_convert_type3A_807, %bitcast_convert_type3A_811 : vector<16xf32>
        %max3A_919 = arith.maximumf %bitcast_convert_type3A_815, %bitcast_convert_type3A_819 : vector<16xf32>
        %max3A_920 = arith.maximumf %bitcast_convert_type3A_823, %bitcast_convert_type3A_827 : vector<16xf32>
        %max3A_921 = arith.maximumf %bitcast_convert_type3A_831, %bitcast_convert_type3A_835 : vector<16xf32>
        %max3A_922 = arith.maximumf %bitcast_convert_type3A_839, %bitcast_convert_type3A_843 : vector<16xf32>
        %max3A_923 = arith.maximumf %bitcast_convert_type3A_847, %bitcast_convert_type3A_851 : vector<16xf32>
        %max3A_924 = arith.maximumf %max3A_916, %max3A_917 : vector<16xf32>
        %max3A_925 = arith.maximumf %max3A_918, %max3A_919 : vector<16xf32>
        %max3A_926 = arith.maximumf %max3A_920, %max3A_921 : vector<16xf32>
        %max3A_927 = arith.maximumf %max3A_922, %max3A_923 : vector<16xf32>
        %max3A_928 = arith.maximumf %max3A_924, %max3A_925 : vector<16xf32>
        %max3A_929 = arith.maximumf %max3A_926, %max3A_927 : vector<16xf32>
        %max3A_930 = arith.maximumf %max3A_928, %max3A_929 : vector<16xf32>
        %swap3A_931 = arith.index_cast %scan3A_72 : i32 to index
        %swap3A_932 = arith.constant 64 : index
        %swap3A_933 = tpu.vector_load %arg8[%swap3A_931, %swap3A_932] {strides = array<i32>} : memref<8x256xf32, #tpu.memory_space<vmem>>, vector<1x16xf32>,
        %swap3A_934 = vector.shape_cast %swap3A_933 : vector<1x16xf32> to vector<16xf32>
        %swap3A_935 = vector.shape_cast %max3A_930 : vector<16xf32> to vector<1x16xf32>
        tpu.vector_store %arg8[%swap3A_931, %swap3A_932], %swap3A_935 {strides = array<i32>} : memref<8x256xf32, #tpu.memory_space<vmem>>, vector<1x16xf32>,
        %max3A_936 = arith.maximumf %bitcast_convert_type3A_855, %bitcast_convert_type3A_859 : vector<16xf32>
        %max3A_937 = arith.maximumf %bitcast_convert_type3A_863, %bitcast_convert_type3A_867 : vector<16xf32>
        %max3A_938 = arith.maximumf %bitcast_convert_type3A_871, %bitcast_convert_type3A_875 : vector<16xf32>
        %max3A_939 = arith.maximumf %bitcast_convert_type3A_879, %bitcast_convert_type3A_883 : vector<16xf32>
        %max3A_940 = arith.maximumf %bitcast_convert_type3A_887, %bitcast_convert_type3A_891 : vector<16xf32>
        %max3A_941 = arith.maximumf %bitcast_convert_type3A_895, %bitcast_convert_type3A_899 : vector<16xf32>
        %max3A_942 = arith.maximumf %bitcast_convert_type3A_903, %bitcast_convert_type3A_907 : vector<16xf32>
        %max3A_943 = arith.maximumf %bitcast_convert_type3A_911, %bitcast_convert_type3A_915 : vector<16xf32>
        %max3A_944 = arith.maximumf %max3A_936, %max3A_937 : vector<16xf32>
        %max3A_945 = arith.maximumf %max3A_938, %max3A_939 : vector<16xf32>
        %max3A_946 = arith.maximumf %max3A_940, %max3A_941 : vector<16xf32>
        %max3A_947 = arith.maximumf %max3A_942, %max3A_943 : vector<16xf32>
        %max3A_948 = arith.maximumf %max3A_944, %max3A_945 : vector<16xf32>
        %max3A_949 = arith.maximumf %max3A_946, %max3A_947 : vector<16xf32>
        %max3A_950 = arith.maximumf %max3A_948, %max3A_949 : vector<16xf32>
        %swap3A_951 = arith.index_cast %scan3A_72 : i32 to index
        %swap3A_952 = arith.constant 80 : index
        %swap3A_953 = tpu.vector_load %arg8[%swap3A_951, %swap3A_952] {strides = array<i32>} : memref<8x256xf32, #tpu.memory_space<vmem>>, vector<1x16xf32>,
        %swap3A_954 = vector.shape_cast %swap3A_953 : vector<1x16xf32> to vector<16xf32>
        %swap3A_955 = vector.shape_cast %max3A_950 : vector<16xf32> to vector<1x16xf32>
        tpu.vector_store %arg8[%swap3A_951, %swap3A_952], %swap3A_955 {strides = array<i32>} : memref<8x256xf32, #tpu.memory_space<vmem>>, vector<1x16xf32>,
        %mul3A_956 = arith.constant 16 : i32
        %mul3A_957 = arith.muli %scan3A_72, %mul3A_956 : i32
        %add3A_958 = arith.constant 0 : i32
        %add3A_959 = arith.addi %mul3A_957, %add3A_958 : i32
        %get3A_960 = arith.index_cast %add3A_959 : i32 to index
        %get3A_961 = arith.constant 48 : index
        %get3A_962 = tpu.vector_load %arg7[%get3A_960, %get3A_961] {strides = array<i32>} : memref<128x128xi32, #tpu.memory_space<vmem>>, vector<1x16xi32>,
        %get3A_963 = vector.shape_cast %get3A_962 : vector<1x16xi32> to vector<16xi32>
        %mul3A_964 = arith.constant 16 : i32
        %mul3A_965 = arith.muli %scan3A_72, %mul3A_964 : i32
        %add3A_966 = arith.constant 1 : i32
        %add3A_967 = arith.addi %mul3A_965, %add3A_966 : i32
        %get3A_968 = arith.index_cast %add3A_967 : i32 to index
        %get3A_969 = arith.constant 48 : index
        %get3A_970 = tpu.vector_load %arg7[%get3A_968, %get3A_969] {strides = array<i32>} : memref<128x128xi32, #tpu.memory_space<vmem>>, vector<1x16xi32>,
        %get3A_971 = vector.shape_cast %get3A_970 : vector<1x16xi32> to vector<16xi32>
        %mul3A_972 = arith.constant 16 : i32
        %mul3A_973 = arith.muli %scan3A_72, %mul3A_972 : i32
        %add3A_974 = arith.constant 2 : i32
        %add3A_975 = arith.addi %mul3A_973, %add3A_974 : i32
        %get3A_976 = arith.index_cast %add3A_975 : i32 to index
        %get3A_977 = arith.constant 48 : index
        %get3A_978 = tpu.vector_load %arg7[%get3A_976, %get3A_977] {strides = array<i32>} : memref<128x128xi32, #tpu.memory_space<vmem>>, vector<1x16xi32>,
        %get3A_979 = vector.shape_cast %get3A_978 : vector<1x16xi32> to vector<16xi32>
        %mul3A_980 = arith.constant 16 : i32
        %mul3A_981 = arith.muli %scan3A_72, %mul3A_980 : i32
        %add3A_982 = arith.constant 3 : i32
        %add3A_983 = arith.addi %mul3A_981, %add3A_982 : i32
        %get3A_984 = arith.index_cast %add3A_983 : i32 to index
        %get3A_985 = arith.constant 48 : index
        %get3A_986 = tpu.vector_load %arg7[%get3A_984, %get3A_985] {strides = array<i32>} : memref<128x128xi32, #tpu.memory_space<vmem>>, vector<1x16xi32>,
        %get3A_987 = vector.shape_cast %get3A_986 : vector<1x16xi32> to vector<16xi32>
        %mul3A_988 = arith.constant 16 : i32
        %mul3A_989 = arith.muli %scan3A_72, %mul3A_988 : i32
        %add3A_990 = arith.constant 4 : i32
        %add3A_991 = arith.addi %mul3A_989, %add3A_990 : i32
        %get3A_992 = arith.index_cast %add3A_991 : i32 to index
        %get3A_993 = arith.constant 48 : index
        %get3A_994 = tpu.vector_load %arg7[%get3A_992, %get3A_993] {strides = array<i32>} : memref<128x128xi32, #tpu.memory_space<vmem>>, vector<1x16xi32>,
        %get3A_995 = vector.shape_cast %get3A_994 : vector<1x16xi32> to vector<16xi32>
        %mul3A_996 = arith.constant 16 : i32
        %mul3A_997 = arith.muli %scan3A_72, %mul3A_996 : i32
        %add3A_998 = arith.constant 5 : i32
        %add3A_999 = arith.addi %mul3A_997, %add3A_998 : i32
        %get3A_1000 = arith.index_cast %add3A_999 : i32 to index
        %get3A_1001 = arith.constant 48 : index
        %get3A_1002 = tpu.vector_load %arg7[%get3A_1000, %get3A_1001] {strides = array<i32>} : memref<128x128xi32, #tpu.memory_space<vmem>>, vector<1x16xi32>,
        %get3A_1003 = vector.shape_cast %get3A_1002 : vector<1x16xi32> to vector<16xi32>
        %mul3A_1004 = arith.constant 16 : i32
        %mul3A_1005 = arith.muli %scan3A_72, %mul3A_1004 : i32
        %add3A_1006 = arith.constant 6 : i32
        %add3A_1007 = arith.addi %mul3A_1005, %add3A_1006 : i32
        %get3A_1008 = arith.index_cast %add3A_1007 : i32 to index
        %get3A_1009 = arith.constant 48 : index
        %get3A_1010 = tpu.vector_load %arg7[%get3A_1008, %get3A_1009] {strides = array<i32>} : memref<128x128xi32, #tpu.memory_space<vmem>>, vector<1x16xi32>,
        %get3A_1011 = vector.shape_cast %get3A_1010 : vector<1x16xi32> to vector<16xi32>
        %mul3A_1012 = arith.constant 16 : i32
        %mul3A_1013 = arith.muli %scan3A_72, %mul3A_1012 : i32
        %add3A_1014 = arith.constant 7 : i32
        %add3A_1015 = arith.addi %mul3A_1013, %add3A_1014 : i32
        %get3A_1016 = arith.index_cast %add3A_1015 : i32 to index
        %get3A_1017 = arith.constant 48 : index
        %get3A_1018 = tpu.vector_load %arg7[%get3A_1016, %get3A_1017] {strides = array<i32>} : memref<128x128xi32, #tpu.memory_space<vmem>>, vector<1x16xi32>,
        %get3A_1019 = vector.shape_cast %get3A_1018 : vector<1x16xi32> to vector<16xi32>
        %mul3A_1020 = arith.constant 16 : i32
        %mul3A_1021 = arith.muli %scan3A_72, %mul3A_1020 : i32
        %add3A_1022 = arith.constant 8 : i32
        %add3A_1023 = arith.addi %mul3A_1021, %add3A_1022 : i32
        %get3A_1024 = arith.index_cast %add3A_1023 : i32 to index
        %get3A_1025 = arith.constant 48 : index
        %get3A_1026 = tpu.vector_load %arg7[%get3A_1024, %get3A_1025] {strides = array<i32>} : memref<128x128xi32, #tpu.memory_space<vmem>>, vector<1x16xi32>,
        %get3A_1027 = vector.shape_cast %get3A_1026 : vector<1x16xi32> to vector<16xi32>
        %mul3A_1028 = arith.constant 16 : i32
        %mul3A_1029 = arith.muli %scan3A_72, %mul3A_1028 : i32
        %add3A_1030 = arith.constant 9 : i32
        %add3A_1031 = arith.addi %mul3A_1029, %add3A_1030 : i32
        %get3A_1032 = arith.index_cast %add3A_1031 : i32 to index
        %get3A_1033 = arith.constant 48 : index
        %get3A_1034 = tpu.vector_load %arg7[%get3A_1032, %get3A_1033] {strides = array<i32>} : memref<128x128xi32, #tpu.memory_space<vmem>>, vector<1x16xi32>,
        %get3A_1035 = vector.shape_cast %get3A_1034 : vector<1x16xi32> to vector<16xi32>
        %mul3A_1036 = arith.constant 16 : i32
        %mul3A_1037 = arith.muli %scan3A_72, %mul3A_1036 : i32
        %add3A_1038 = arith.constant 10 : i32
        %add3A_1039 = arith.addi %mul3A_1037, %add3A_1038 : i32
        %get3A_1040 = arith.index_cast %add3A_1039 : i32 to index
        %get3A_1041 = arith.constant 48 : index
        %get3A_1042 = tpu.vector_load %arg7[%get3A_1040, %get3A_1041] {strides = array<i32>} : memref<128x128xi32, #tpu.memory_space<vmem>>, vector<1x16xi32>,
        %get3A_1043 = vector.shape_cast %get3A_1042 : vector<1x16xi32> to vector<16xi32>
        %mul3A_1044 = arith.constant 16 : i32
        %mul3A_1045 = arith.muli %scan3A_72, %mul3A_1044 : i32
        %add3A_1046 = arith.constant 11 : i32
        %add3A_1047 = arith.addi %mul3A_1045, %add3A_1046 : i32
        %get3A_1048 = arith.index_cast %add3A_1047 : i32 to index
        %get3A_1049 = arith.constant 48 : index
        %get3A_1050 = tpu.vector_load %arg7[%get3A_1048, %get3A_1049] {strides = array<i32>} : memref<128x128xi32, #tpu.memory_space<vmem>>, vector<1x16xi32>,
        %get3A_1051 = vector.shape_cast %get3A_1050 : vector<1x16xi32> to vector<16xi32>
        %mul3A_1052 = arith.constant 16 : i32
        %mul3A_1053 = arith.muli %scan3A_72, %mul3A_1052 : i32
        %add3A_1054 = arith.constant 12 : i32
        %add3A_1055 = arith.addi %mul3A_1053, %add3A_1054 : i32
        %get3A_1056 = arith.index_cast %add3A_1055 : i32 to index
        %get3A_1057 = arith.constant 48 : index
        %get3A_1058 = tpu.vector_load %arg7[%get3A_1056, %get3A_1057] {strides = array<i32>} : memref<128x128xi32, #tpu.memory_space<vmem>>, vector<1x16xi32>,
        %get3A_1059 = vector.shape_cast %get3A_1058 : vector<1x16xi32> to vector<16xi32>
        %mul3A_1060 = arith.constant 16 : i32
        %mul3A_1061 = arith.muli %scan3A_72, %mul3A_1060 : i32
        %add3A_1062 = arith.constant 13 : i32
        %add3A_1063 = arith.addi %mul3A_1061, %add3A_1062 : i32
        %get3A_1064 = arith.index_cast %add3A_1063 : i32 to index
        %get3A_1065 = arith.constant 48 : index
        %get3A_1066 = tpu.vector_load %arg7[%get3A_1064, %get3A_1065] {strides = array<i32>} : memref<128x128xi32, #tpu.memory_space<vmem>>, vector<1x16xi32>,
        %get3A_1067 = vector.shape_cast %get3A_1066 : vector<1x16xi32> to vector<16xi32>
        %mul3A_1068 = arith.constant 16 : i32
        %mul3A_1069 = arith.muli %scan3A_72, %mul3A_1068 : i32
        %add3A_1070 = arith.constant 14 : i32
        %add3A_1071 = arith.addi %mul3A_1069, %add3A_1070 : i32
        %get3A_1072 = arith.index_cast %add3A_1071 : i32 to index
        %get3A_1073 = arith.constant 48 : index
        %get3A_1074 = tpu.vector_load %arg7[%get3A_1072, %get3A_1073] {strides = array<i32>} : memref<128x128xi32, #tpu.memory_space<vmem>>, vector<1x16xi32>,
        %get3A_1075 = vector.shape_cast %get3A_1074 : vector<1x16xi32> to vector<16xi32>
        %mul3A_1076 = arith.constant 16 : i32
        %mul3A_1077 = arith.muli %scan3A_72, %mul3A_1076 : i32
        %add3A_1078 = arith.constant 15 : i32
        %add3A_1079 = arith.addi %mul3A_1077, %add3A_1078 : i32
        %get3A_1080 = arith.index_cast %add3A_1079 : i32 to index
        %get3A_1081 = arith.constant 48 : index
        %get3A_1082 = tpu.vector_load %arg7[%get3A_1080, %get3A_1081] {strides = array<i32>} : memref<128x128xi32, #tpu.memory_space<vmem>>, vector<1x16xi32>,
        %get3A_1083 = vector.shape_cast %get3A_1082 : vector<1x16xi32> to vector<16xi32>
        %shift_left3A_1084 = arith.constant 16 : i32
        %shift_left3A_1085 = vector.broadcast %shift_left3A_1084 : i32 to vector<16xi32>
        %shift_left3A_1086 = arith.shli %get3A_963, %shift_left3A_1085 : vector<16xi32>
        %bitcast_convert_type3A_1087 = tpu.bitcast %shift_left3A_1086 : vector<16xi32> -> vector<16xf32>
        %shift_left3A_1088 = arith.constant 16 : i32
        %shift_left3A_1089 = vector.broadcast %shift_left3A_1088 : i32 to vector<16xi32>
        %shift_left3A_1090 = arith.shli %get3A_971, %shift_left3A_1089 : vector<16xi32>
        %bitcast_convert_type3A_1091 = tpu.bitcast %shift_left3A_1090 : vector<16xi32> -> vector<16xf32>
        %shift_left3A_1092 = arith.constant 16 : i32
        %shift_left3A_1093 = vector.broadcast %shift_left3A_1092 : i32 to vector<16xi32>
        %shift_left3A_1094 = arith.shli %get3A_979, %shift_left3A_1093 : vector<16xi32>
        %bitcast_convert_type3A_1095 = tpu.bitcast %shift_left3A_1094 : vector<16xi32> -> vector<16xf32>
        %shift_left3A_1096 = arith.constant 16 : i32
        %shift_left3A_1097 = vector.broadcast %shift_left3A_1096 : i32 to vector<16xi32>
        %shift_left3A_1098 = arith.shli %get3A_987, %shift_left3A_1097 : vector<16xi32>
        %bitcast_convert_type3A_1099 = tpu.bitcast %shift_left3A_1098 : vector<16xi32> -> vector<16xf32>
        %shift_left3A_1100 = arith.constant 16 : i32
        %shift_left3A_1101 = vector.broadcast %shift_left3A_1100 : i32 to vector<16xi32>
        %shift_left3A_1102 = arith.shli %get3A_995, %shift_left3A_1101 : vector<16xi32>
        %bitcast_convert_type3A_1103 = tpu.bitcast %shift_left3A_1102 : vector<16xi32> -> vector<16xf32>
        %shift_left3A_1104 = arith.constant 16 : i32
        %shift_left3A_1105 = vector.broadcast %shift_left3A_1104 : i32 to vector<16xi32>
        %shift_left3A_1106 = arith.shli %get3A_1003, %shift_left3A_1105 : vector<16xi32>
        %bitcast_convert_type3A_1107 = tpu.bitcast %shift_left3A_1106 : vector<16xi32> -> vector<16xf32>
        %shift_left3A_1108 = arith.constant 16 : i32
        %shift_left3A_1109 = vector.broadcast %shift_left3A_1108 : i32 to vector<16xi32>
        %shift_left3A_1110 = arith.shli %get3A_1011, %shift_left3A_1109 : vector<16xi32>
        %bitcast_convert_type3A_1111 = tpu.bitcast %shift_left3A_1110 : vector<16xi32> -> vector<16xf32>
        %shift_left3A_1112 = arith.constant 16 : i32
        %shift_left3A_1113 = vector.broadcast %shift_left3A_1112 : i32 to vector<16xi32>
        %shift_left3A_1114 = arith.shli %get3A_1019, %shift_left3A_1113 : vector<16xi32>
        %bitcast_convert_type3A_1115 = tpu.bitcast %shift_left3A_1114 : vector<16xi32> -> vector<16xf32>
        %shift_left3A_1116 = arith.constant 16 : i32
        %shift_left3A_1117 = vector.broadcast %shift_left3A_1116 : i32 to vector<16xi32>
        %shift_left3A_1118 = arith.shli %get3A_1027, %shift_left3A_1117 : vector<16xi32>
        %bitcast_convert_type3A_1119 = tpu.bitcast %shift_left3A_1118 : vector<16xi32> -> vector<16xf32>
        %shift_left3A_1120 = arith.constant 16 : i32
        %shift_left3A_1121 = vector.broadcast %shift_left3A_1120 : i32 to vector<16xi32>
        %shift_left3A_1122 = arith.shli %get3A_1035, %shift_left3A_1121 : vector<16xi32>
        %bitcast_convert_type3A_1123 = tpu.bitcast %shift_left3A_1122 : vector<16xi32> -> vector<16xf32>
        %shift_left3A_1124 = arith.constant 16 : i32
        %shift_left3A_1125 = vector.broadcast %shift_left3A_1124 : i32 to vector<16xi32>
        %shift_left3A_1126 = arith.shli %get3A_1043, %shift_left3A_1125 : vector<16xi32>
        %bitcast_convert_type3A_1127 = tpu.bitcast %shift_left3A_1126 : vector<16xi32> -> vector<16xf32>
        %shift_left3A_1128 = arith.constant 16 : i32
        %shift_left3A_1129 = vector.broadcast %shift_left3A_1128 : i32 to vector<16xi32>
        %shift_left3A_1130 = arith.shli %get3A_1051, %shift_left3A_1129 : vector<16xi32>
        %bitcast_convert_type3A_1131 = tpu.bitcast %shift_left3A_1130 : vector<16xi32> -> vector<16xf32>
        %shift_left3A_1132 = arith.constant 16 : i32
        %shift_left3A_1133 = vector.broadcast %shift_left3A_1132 : i32 to vector<16xi32>
        %shift_left3A_1134 = arith.shli %get3A_1059, %shift_left3A_1133 : vector<16xi32>
        %bitcast_convert_type3A_1135 = tpu.bitcast %shift_left3A_1134 : vector<16xi32> -> vector<16xf32>
        %shift_left3A_1136 = arith.constant 16 : i32
        %shift_left3A_1137 = vector.broadcast %shift_left3A_1136 : i32 to vector<16xi32>
        %shift_left3A_1138 = arith.shli %get3A_1067, %shift_left3A_1137 : vector<16xi32>
        %bitcast_convert_type3A_1139 = tpu.bitcast %shift_left3A_1138 : vector<16xi32> -> vector<16xf32>
        %shift_left3A_1140 = arith.constant 16 : i32
        %shift_left3A_1141 = vector.broadcast %shift_left3A_1140 : i32 to vector<16xi32>
        %shift_left3A_1142 = arith.shli %get3A_1075, %shift_left3A_1141 : vector<16xi32>
        %bitcast_convert_type3A_1143 = tpu.bitcast %shift_left3A_1142 : vector<16xi32> -> vector<16xf32>
        %shift_left3A_1144 = arith.constant 16 : i32
        %shift_left3A_1145 = vector.broadcast %shift_left3A_1144 : i32 to vector<16xi32>
        %shift_left3A_1146 = arith.shli %get3A_1083, %shift_left3A_1145 : vector<16xi32>
        %bitcast_convert_type3A_1147 = tpu.bitcast %shift_left3A_1146 : vector<16xi32> -> vector<16xf32>
        %and3A_1148 = arith.constant -65536 : i32
        %and3A_1149 = vector.broadcast %and3A_1148 : i32 to vector<16xi32>
        %and3A_1150 = arith.andi %get3A_963, %and3A_1149 : vector<16xi32>
        %bitcast_convert_type3A_1151 = tpu.bitcast %and3A_1150 : vector<16xi32> -> vector<16xf32>
        %and3A_1152 = arith.constant -65536 : i32
        %and3A_1153 = vector.broadcast %and3A_1152 : i32 to vector<16xi32>
        %and3A_1154 = arith.andi %get3A_971, %and3A_1153 : vector<16xi32>
        %bitcast_convert_type3A_1155 = tpu.bitcast %and3A_1154 : vector<16xi32> -> vector<16xf32>
        %and3A_1156 = arith.constant -65536 : i32
        %and3A_1157 = vector.broadcast %and3A_1156 : i32 to vector<16xi32>
        %and3A_1158 = arith.andi %get3A_979, %and3A_1157 : vector<16xi32>
        %bitcast_convert_type3A_1159 = tpu.bitcast %and3A_1158 : vector<16xi32> -> vector<16xf32>
        %and3A_1160 = arith.constant -65536 : i32
        %and3A_1161 = vector.broadcast %and3A_1160 : i32 to vector<16xi32>
        %and3A_1162 = arith.andi %get3A_987, %and3A_1161 : vector<16xi32>
        %bitcast_convert_type3A_1163 = tpu.bitcast %and3A_1162 : vector<16xi32> -> vector<16xf32>
        %and3A_1164 = arith.constant -65536 : i32
        %and3A_1165 = vector.broadcast %and3A_1164 : i32 to vector<16xi32>
        %and3A_1166 = arith.andi %get3A_995, %and3A_1165 : vector<16xi32>
        %bitcast_convert_type3A_1167 = tpu.bitcast %and3A_1166 : vector<16xi32> -> vector<16xf32>
        %and3A_1168 = arith.constant -65536 : i32
        %and3A_1169 = vector.broadcast %and3A_1168 : i32 to vector<16xi32>
        %and3A_1170 = arith.andi %get3A_1003, %and3A_1169 : vector<16xi32>
        %bitcast_convert_type3A_1171 = tpu.bitcast %and3A_1170 : vector<16xi32> -> vector<16xf32>
        %and3A_1172 = arith.constant -65536 : i32
        %and3A_1173 = vector.broadcast %and3A_1172 : i32 to vector<16xi32>
        %and3A_1174 = arith.andi %get3A_1011, %and3A_1173 : vector<16xi32>
        %bitcast_convert_type3A_1175 = tpu.bitcast %and3A_1174 : vector<16xi32> -> vector<16xf32>
        %and3A_1176 = arith.constant -65536 : i32
        %and3A_1177 = vector.broadcast %and3A_1176 : i32 to vector<16xi32>
        %and3A_1178 = arith.andi %get3A_1019, %and3A_1177 : vector<16xi32>
        %bitcast_convert_type3A_1179 = tpu.bitcast %and3A_1178 : vector<16xi32> -> vector<16xf32>
        %and3A_1180 = arith.constant -65536 : i32
        %and3A_1181 = vector.broadcast %and3A_1180 : i32 to vector<16xi32>
        %and3A_1182 = arith.andi %get3A_1027, %and3A_1181 : vector<16xi32>
        %bitcast_convert_type3A_1183 = tpu.bitcast %and3A_1182 : vector<16xi32> -> vector<16xf32>
        %and3A_1184 = arith.constant -65536 : i32
        %and3A_1185 = vector.broadcast %and3A_1184 : i32 to vector<16xi32>
        %and3A_1186 = arith.andi %get3A_1035, %and3A_1185 : vector<16xi32>
        %bitcast_convert_type3A_1187 = tpu.bitcast %and3A_1186 : vector<16xi32> -> vector<16xf32>
        %and3A_1188 = arith.constant -65536 : i32
        %and3A_1189 = vector.broadcast %and3A_1188 : i32 to vector<16xi32>
        %and3A_1190 = arith.andi %get3A_1043, %and3A_1189 : vector<16xi32>
        %bitcast_convert_type3A_1191 = tpu.bitcast %and3A_1190 : vector<16xi32> -> vector<16xf32>
        %and3A_1192 = arith.constant -65536 : i32
        %and3A_1193 = vector.broadcast %and3A_1192 : i32 to vector<16xi32>
        %and3A_1194 = arith.andi %get3A_1051, %and3A_1193 : vector<16xi32>
        %bitcast_convert_type3A_1195 = tpu.bitcast %and3A_1194 : vector<16xi32> -> vector<16xf32>
        %and3A_1196 = arith.constant -65536 : i32
        %and3A_1197 = vector.broadcast %and3A_1196 : i32 to vector<16xi32>
        %and3A_1198 = arith.andi %get3A_1059, %and3A_1197 : vector<16xi32>
        %bitcast_convert_type3A_1199 = tpu.bitcast %and3A_1198 : vector<16xi32> -> vector<16xf32>
        %and3A_1200 = arith.constant -65536 : i32
        %and3A_1201 = vector.broadcast %and3A_1200 : i32 to vector<16xi32>
        %and3A_1202 = arith.andi %get3A_1067, %and3A_1201 : vector<16xi32>
        %bitcast_convert_type3A_1203 = tpu.bitcast %and3A_1202 : vector<16xi32> -> vector<16xf32>
        %and3A_1204 = arith.constant -65536 : i32
        %and3A_1205 = vector.broadcast %and3A_1204 : i32 to vector<16xi32>
        %and3A_1206 = arith.andi %get3A_1075, %and3A_1205 : vector<16xi32>
        %bitcast_convert_type3A_1207 = tpu.bitcast %and3A_1206 : vector<16xi32> -> vector<16xf32>
        %and3A_1208 = arith.constant -65536 : i32
        %and3A_1209 = vector.broadcast %and3A_1208 : i32 to vector<16xi32>
        %and3A_1210 = arith.andi %get3A_1083, %and3A_1209 : vector<16xi32>
        %bitcast_convert_type3A_1211 = tpu.bitcast %and3A_1210 : vector<16xi32> -> vector<16xf32>
        %max3A_1212 = arith.maximumf %bitcast_convert_type3A_1087, %bitcast_convert_type3A_1091 : vector<16xf32>
        %max3A_1213 = arith.maximumf %bitcast_convert_type3A_1095, %bitcast_convert_type3A_1099 : vector<16xf32>
        %max3A_1214 = arith.maximumf %bitcast_convert_type3A_1103, %bitcast_convert_type3A_1107 : vector<16xf32>
        %max3A_1215 = arith.maximumf %bitcast_convert_type3A_1111, %bitcast_convert_type3A_1115 : vector<16xf32>
        %max3A_1216 = arith.maximumf %bitcast_convert_type3A_1119, %bitcast_convert_type3A_1123 : vector<16xf32>
        %max3A_1217 = arith.maximumf %bitcast_convert_type3A_1127, %bitcast_convert_type3A_1131 : vector<16xf32>
        %max3A_1218 = arith.maximumf %bitcast_convert_type3A_1135, %bitcast_convert_type3A_1139 : vector<16xf32>
        %max3A_1219 = arith.maximumf %bitcast_convert_type3A_1143, %bitcast_convert_type3A_1147 : vector<16xf32>
        %max3A_1220 = arith.maximumf %max3A_1212, %max3A_1213 : vector<16xf32>
        %max3A_1221 = arith.maximumf %max3A_1214, %max3A_1215 : vector<16xf32>
        %max3A_1222 = arith.maximumf %max3A_1216, %max3A_1217 : vector<16xf32>
        %max3A_1223 = arith.maximumf %max3A_1218, %max3A_1219 : vector<16xf32>
        %max3A_1224 = arith.maximumf %max3A_1220, %max3A_1221 : vector<16xf32>
        %max3A_1225 = arith.maximumf %max3A_1222, %max3A_1223 : vector<16xf32>
        %max3A_1226 = arith.maximumf %max3A_1224, %max3A_1225 : vector<16xf32>
        %swap3A_1227 = arith.index_cast %scan3A_72 : i32 to index
        %swap3A_1228 = arith.constant 96 : index
        %swap3A_1229 = tpu.vector_load %arg8[%swap3A_1227, %swap3A_1228] {strides = array<i32>} : memref<8x256xf32, #tpu.memory_space<vmem>>, vector<1x16xf32>,
        %swap3A_1230 = vector.shape_cast %swap3A_1229 : vector<1x16xf32> to vector<16xf32>
        %swap3A_1231 = vector.shape_cast %max3A_1226 : vector<16xf32> to vector<1x16xf32>
        tpu.vector_store %arg8[%swap3A_1227, %swap3A_1228], %swap3A_1231 {strides = array<i32>} : memref<8x256xf32, #tpu.memory_space<vmem>>, vector<1x16xf32>,
        %max3A_1232 = arith.maximumf %bitcast_convert_type3A_1151, %bitcast_convert_type3A_1155 : vector<16xf32>
        %max3A_1233 = arith.maximumf %bitcast_convert_type3A_1159, %bitcast_convert_type3A_1163 : vector<16xf32>
        %max3A_1234 = arith.maximumf %bitcast_convert_type3A_1167, %bitcast_convert_type3A_1171 : vector<16xf32>
        %max3A_1235 = arith.maximumf %bitcast_convert_type3A_1175, %bitcast_convert_type3A_1179 : vector<16xf32>
        %max3A_1236 = arith.maximumf %bitcast_convert_type3A_1183, %bitcast_convert_type3A_1187 : vector<16xf32>
        %max3A_1237 = arith.maximumf %bitcast_convert_type3A_1191, %bitcast_convert_type3A_1195 : vector<16xf32>
        %max3A_1238 = arith.maximumf %bitcast_convert_type3A_1199, %bitcast_convert_type3A_1203 : vector<16xf32>
        %max3A_1239 = arith.maximumf %bitcast_convert_type3A_1207, %bitcast_convert_type3A_1211 : vector<16xf32>
        %max3A_1240 = arith.maximumf %max3A_1232, %max3A_1233 : vector<16xf32>
        %max3A_1241 = arith.maximumf %max3A_1234, %max3A_1235 : vector<16xf32>
        %max3A_1242 = arith.maximumf %max3A_1236, %max3A_1237 : vector<16xf32>
        %max3A_1243 = arith.maximumf %max3A_1238, %max3A_1239 : vector<16xf32>
        %max3A_1244 = arith.maximumf %max3A_1240, %max3A_1241 : vector<16xf32>
        %max3A_1245 = arith.maximumf %max3A_1242, %max3A_1243 : vector<16xf32>
        %max3A_1246 = arith.maximumf %max3A_1244, %max3A_1245 : vector<16xf32>
        %swap3A_1247 = arith.index_cast %scan3A_72 : i32 to index
        %swap3A_1248 = arith.constant 112 : index
        %swap3A_1249 = tpu.vector_load %arg8[%swap3A_1247, %swap3A_1248] {strides = array<i32>} : memref<8x256xf32, #tpu.memory_space<vmem>>, vector<1x16xf32>,
        %swap3A_1250 = vector.shape_cast %swap3A_1249 : vector<1x16xf32> to vector<16xf32>
        %swap3A_1251 = vector.shape_cast %max3A_1246 : vector<16xf32> to vector<1x16xf32>
        tpu.vector_store %arg8[%swap3A_1247, %swap3A_1248], %swap3A_1251 {strides = array<i32>} : memref<8x256xf32, #tpu.memory_space<vmem>>, vector<1x16xf32>,
        %mul3A_1252 = arith.constant 16 : i32
        %mul3A_1253 = arith.muli %scan3A_72, %mul3A_1252 : i32
        %add3A_1254 = arith.constant 0 : i32
        %add3A_1255 = arith.addi %mul3A_1253, %add3A_1254 : i32
        %get3A_1256 = arith.index_cast %add3A_1255 : i32 to index
        %get3A_1257 = arith.constant 64 : index
        %get3A_1258 = tpu.vector_load %arg7[%get3A_1256, %get3A_1257] {strides = array<i32>} : memref<128x128xi32, #tpu.memory_space<vmem>>, vector<1x16xi32>,
        %get3A_1259 = vector.shape_cast %get3A_1258 : vector<1x16xi32> to vector<16xi32>
        %mul3A_1260 = arith.constant 16 : i32
        %mul3A_1261 = arith.muli %scan3A_72, %mul3A_1260 : i32
        %add3A_1262 = arith.constant 1 : i32
        %add3A_1263 = arith.addi %mul3A_1261, %add3A_1262 : i32
        %get3A_1264 = arith.index_cast %add3A_1263 : i32 to index
        %get3A_1265 = arith.constant 64 : index
        %get3A_1266 = tpu.vector_load %arg7[%get3A_1264, %get3A_1265] {strides = array<i32>} : memref<128x128xi32, #tpu.memory_space<vmem>>, vector<1x16xi32>,
        %get3A_1267 = vector.shape_cast %get3A_1266 : vector<1x16xi32> to vector<16xi32>
        %mul3A_1268 = arith.constant 16 : i32
        %mul3A_1269 = arith.muli %scan3A_72, %mul3A_1268 : i32
        %add3A_1270 = arith.constant 2 : i32
        %add3A_1271 = arith.addi %mul3A_1269, %add3A_1270 : i32
        %get3A_1272 = arith.index_cast %add3A_1271 : i32 to index
        %get3A_1273 = arith.constant 64 : index
        %get3A_1274 = tpu.vector_load %arg7[%get3A_1272, %get3A_1273] {strides = array<i32>} : memref<128x128xi32, #tpu.memory_space<vmem>>, vector<1x16xi32>,
        %get3A_1275 = vector.shape_cast %get3A_1274 : vector<1x16xi32> to vector<16xi32>
        %mul3A_1276 = arith.constant 16 : i32
        %mul3A_1277 = arith.muli %scan3A_72, %mul3A_1276 : i32
        %add3A_1278 = arith.constant 3 : i32
        %add3A_1279 = arith.addi %mul3A_1277, %add3A_1278 : i32
        %get3A_1280 = arith.index_cast %add3A_1279 : i32 to index
        %get3A_1281 = arith.constant 64 : index
        %get3A_1282 = tpu.vector_load %arg7[%get3A_1280, %get3A_1281] {strides = array<i32>} : memref<128x128xi32, #tpu.memory_space<vmem>>, vector<1x16xi32>,
        %get3A_1283 = vector.shape_cast %get3A_1282 : vector<1x16xi32> to vector<16xi32>
        %mul3A_1284 = arith.constant 16 : i32
        %mul3A_1285 = arith.muli %scan3A_72, %mul3A_1284 : i32
        %add3A_1286 = arith.constant 4 : i32
        %add3A_1287 = arith.addi %mul3A_1285, %add3A_1286 : i32
        %get3A_1288 = arith.index_cast %add3A_1287 : i32 to index
        %get3A_1289 = arith.constant 64 : index
        %get3A_1290 = tpu.vector_load %arg7[%get3A_1288, %get3A_1289] {strides = array<i32>} : memref<128x128xi32, #tpu.memory_space<vmem>>, vector<1x16xi32>,
        %get3A_1291 = vector.shape_cast %get3A_1290 : vector<1x16xi32> to vector<16xi32>
        %mul3A_1292 = arith.constant 16 : i32
        %mul3A_1293 = arith.muli %scan3A_72, %mul3A_1292 : i32
        %add3A_1294 = arith.constant 5 : i32
        %add3A_1295 = arith.addi %mul3A_1293, %add3A_1294 : i32
        %get3A_1296 = arith.index_cast %add3A_1295 : i32 to index
        %get3A_1297 = arith.constant 64 : index
        %get3A_1298 = tpu.vector_load %arg7[%get3A_1296, %get3A_1297] {strides = array<i32>} : memref<128x128xi32, #tpu.memory_space<vmem>>, vector<1x16xi32>,
        %get3A_1299 = vector.shape_cast %get3A_1298 : vector<1x16xi32> to vector<16xi32>
        %mul3A_1300 = arith.constant 16 : i32
        %mul3A_1301 = arith.muli %scan3A_72, %mul3A_1300 : i32
        %add3A_1302 = arith.constant 6 : i32
        %add3A_1303 = arith.addi %mul3A_1301, %add3A_1302 : i32
        %get3A_1304 = arith.index_cast %add3A_1303 : i32 to index
        %get3A_1305 = arith.constant 64 : index
        %get3A_1306 = tpu.vector_load %arg7[%get3A_1304, %get3A_1305] {strides = array<i32>} : memref<128x128xi32, #tpu.memory_space<vmem>>, vector<1x16xi32>,
        %get3A_1307 = vector.shape_cast %get3A_1306 : vector<1x16xi32> to vector<16xi32>
        %mul3A_1308 = arith.constant 16 : i32
        %mul3A_1309 = arith.muli %scan3A_72, %mul3A_1308 : i32
        %add3A_1310 = arith.constant 7 : i32
        %add3A_1311 = arith.addi %mul3A_1309, %add3A_1310 : i32
        %get3A_1312 = arith.index_cast %add3A_1311 : i32 to index
        %get3A_1313 = arith.constant 64 : index
        %get3A_1314 = tpu.vector_load %arg7[%get3A_1312, %get3A_1313] {strides = array<i32>} : memref<128x128xi32, #tpu.memory_space<vmem>>, vector<1x16xi32>,
        %get3A_1315 = vector.shape_cast %get3A_1314 : vector<1x16xi32> to vector<16xi32>
        %mul3A_1316 = arith.constant 16 : i32
        %mul3A_1317 = arith.muli %scan3A_72, %mul3A_1316 : i32
        %add3A_1318 = arith.constant 8 : i32
        %add3A_1319 = arith.addi %mul3A_1317, %add3A_1318 : i32
        %get3A_1320 = arith.index_cast %add3A_1319 : i32 to index
        %get3A_1321 = arith.constant 64 : index
        %get3A_1322 = tpu.vector_load %arg7[%get3A_1320, %get3A_1321] {strides = array<i32>} : memref<128x128xi32, #tpu.memory_space<vmem>>, vector<1x16xi32>,
        %get3A_1323 = vector.shape_cast %get3A_1322 : vector<1x16xi32> to vector<16xi32>
        %mul3A_1324 = arith.constant 16 : i32
        %mul3A_1325 = arith.muli %scan3A_72, %mul3A_1324 : i32
        %add3A_1326 = arith.constant 9 : i32
        %add3A_1327 = arith.addi %mul3A_1325, %add3A_1326 : i32
        %get3A_1328 = arith.index_cast %add3A_1327 : i32 to index
        %get3A_1329 = arith.constant 64 : index
        %get3A_1330 = tpu.vector_load %arg7[%get3A_1328, %get3A_1329] {strides = array<i32>} : memref<128x128xi32, #tpu.memory_space<vmem>>, vector<1x16xi32>,
        %get3A_1331 = vector.shape_cast %get3A_1330 : vector<1x16xi32> to vector<16xi32>
        %mul3A_1332 = arith.constant 16 : i32
        %mul3A_1333 = arith.muli %scan3A_72, %mul3A_1332 : i32
        %add3A_1334 = arith.constant 10 : i32
        %add3A_1335 = arith.addi %mul3A_1333, %add3A_1334 : i32
        %get3A_1336 = arith.index_cast %add3A_1335 : i32 to index
        %get3A_1337 = arith.constant 64 : index
        %get3A_1338 = tpu.vector_load %arg7[%get3A_1336, %get3A_1337] {strides = array<i32>} : memref<128x128xi32, #tpu.memory_space<vmem>>, vector<1x16xi32>,
        %get3A_1339 = vector.shape_cast %get3A_1338 : vector<1x16xi32> to vector<16xi32>
        %mul3A_1340 = arith.constant 16 : i32
        %mul3A_1341 = arith.muli %scan3A_72, %mul3A_1340 : i32
        %add3A_1342 = arith.constant 11 : i32
        %add3A_1343 = arith.addi %mul3A_1341, %add3A_1342 : i32
        %get3A_1344 = arith.index_cast %add3A_1343 : i32 to index
        %get3A_1345 = arith.constant 64 : index
        %get3A_1346 = tpu.vector_load %arg7[%get3A_1344, %get3A_1345] {strides = array<i32>} : memref<128x128xi32, #tpu.memory_space<vmem>>, vector<1x16xi32>,
        %get3A_1347 = vector.shape_cast %get3A_1346 : vector<1x16xi32> to vector<16xi32>
        %mul3A_1348 = arith.constant 16 : i32
        %mul3A_1349 = arith.muli %scan3A_72, %mul3A_1348 : i32
        %add3A_1350 = arith.constant 12 : i32
        %add3A_1351 = arith.addi %mul3A_1349, %add3A_1350 : i32
        %get3A_1352 = arith.index_cast %add3A_1351 : i32 to index
        %get3A_1353 = arith.constant 64 : index
        %get3A_1354 = tpu.vector_load %arg7[%get3A_1352, %get3A_1353] {strides = array<i32>} : memref<128x128xi32, #tpu.memory_space<vmem>>, vector<1x16xi32>,
        %get3A_1355 = vector.shape_cast %get3A_1354 : vector<1x16xi32> to vector<16xi32>
        %mul3A_1356 = arith.constant 16 : i32
        %mul3A_1357 = arith.muli %scan3A_72, %mul3A_1356 : i32
        %add3A_1358 = arith.constant 13 : i32
        %add3A_1359 = arith.addi %mul3A_1357, %add3A_1358 : i32
        %get3A_1360 = arith.index_cast %add3A_1359 : i32 to index
        %get3A_1361 = arith.constant 64 : index
        %get3A_1362 = tpu.vector_load %arg7[%get3A_1360, %get3A_1361] {strides = array<i32>} : memref<128x128xi32, #tpu.memory_space<vmem>>, vector<1x16xi32>,
        %get3A_1363 = vector.shape_cast %get3A_1362 : vector<1x16xi32> to vector<16xi32>
        %mul3A_1364 = arith.constant 16 : i32
        %mul3A_1365 = arith.muli %scan3A_72, %mul3A_1364 : i32
        %add3A_1366 = arith.constant 14 : i32
        %add3A_1367 = arith.addi %mul3A_1365, %add3A_1366 : i32
        %get3A_1368 = arith.index_cast %add3A_1367 : i32 to index
        %get3A_1369 = arith.constant 64 : index
        %get3A_1370 = tpu.vector_load %arg7[%get3A_1368, %get3A_1369] {strides = array<i32>} : memref<128x128xi32, #tpu.memory_space<vmem>>, vector<1x16xi32>,
        %get3A_1371 = vector.shape_cast %get3A_1370 : vector<1x16xi32> to vector<16xi32>
        %mul3A_1372 = arith.constant 16 : i32
        %mul3A_1373 = arith.muli %scan3A_72, %mul3A_1372 : i32
        %add3A_1374 = arith.constant 15 : i32
        %add3A_1375 = arith.addi %mul3A_1373, %add3A_1374 : i32
        %get3A_1376 = arith.index_cast %add3A_1375 : i32 to index
        %get3A_1377 = arith.constant 64 : index
        %get3A_1378 = tpu.vector_load %arg7[%get3A_1376, %get3A_1377] {strides = array<i32>} : memref<128x128xi32, #tpu.memory_space<vmem>>, vector<1x16xi32>,
        %get3A_1379 = vector.shape_cast %get3A_1378 : vector<1x16xi32> to vector<16xi32>
        %shift_left3A_1380 = arith.constant 16 : i32
        %shift_left3A_1381 = vector.broadcast %shift_left3A_1380 : i32 to vector<16xi32>
        %shift_left3A_1382 = arith.shli %get3A_1259, %shift_left3A_1381 : vector<16xi32>
        %bitcast_convert_type3A_1383 = tpu.bitcast %shift_left3A_1382 : vector<16xi32> -> vector<16xf32>
        %shift_left3A_1384 = arith.constant 16 : i32
        %shift_left3A_1385 = vector.broadcast %shift_left3A_1384 : i32 to vector<16xi32>
        %shift_left3A_1386 = arith.shli %get3A_1267, %shift_left3A_1385 : vector<16xi32>
        %bitcast_convert_type3A_1387 = tpu.bitcast %shift_left3A_1386 : vector<16xi32> -> vector<16xf32>
        %shift_left3A_1388 = arith.constant 16 : i32
        %shift_left3A_1389 = vector.broadcast %shift_left3A_1388 : i32 to vector<16xi32>
        %shift_left3A_1390 = arith.shli %get3A_1275, %shift_left3A_1389 : vector<16xi32>
        %bitcast_convert_type3A_1391 = tpu.bitcast %shift_left3A_1390 : vector<16xi32> -> vector<16xf32>
        %shift_left3A_1392 = arith.constant 16 : i32
        %shift_left3A_1393 = vector.broadcast %shift_left3A_1392 : i32 to vector<16xi32>
        %shift_left3A_1394 = arith.shli %get3A_1283, %shift_left3A_1393 : vector<16xi32>
        %bitcast_convert_type3A_1395 = tpu.bitcast %shift_left3A_1394 : vector<16xi32> -> vector<16xf32>
        %shift_left3A_1396 = arith.constant 16 : i32
        %shift_left3A_1397 = vector.broadcast %shift_left3A_1396 : i32 to vector<16xi32>
        %shift_left3A_1398 = arith.shli %get3A_1291, %shift_left3A_1397 : vector<16xi32>
        %bitcast_convert_type3A_1399 = tpu.bitcast %shift_left3A_1398 : vector<16xi32> -> vector<16xf32>
        %shift_left3A_1400 = arith.constant 16 : i32
        %shift_left3A_1401 = vector.broadcast %shift_left3A_1400 : i32 to vector<16xi32>
        %shift_left3A_1402 = arith.shli %get3A_1299, %shift_left3A_1401 : vector<16xi32>
        %bitcast_convert_type3A_1403 = tpu.bitcast %shift_left3A_1402 : vector<16xi32> -> vector<16xf32>
        %shift_left3A_1404 = arith.constant 16 : i32
        %shift_left3A_1405 = vector.broadcast %shift_left3A_1404 : i32 to vector<16xi32>
        %shift_left3A_1406 = arith.shli %get3A_1307, %shift_left3A_1405 : vector<16xi32>
        %bitcast_convert_type3A_1407 = tpu.bitcast %shift_left3A_1406 : vector<16xi32> -> vector<16xf32>
        %shift_left3A_1408 = arith.constant 16 : i32
        %shift_left3A_1409 = vector.broadcast %shift_left3A_1408 : i32 to vector<16xi32>
        %shift_left3A_1410 = arith.shli %get3A_1315, %shift_left3A_1409 : vector<16xi32>
        %bitcast_convert_type3A_1411 = tpu.bitcast %shift_left3A_1410 : vector<16xi32> -> vector<16xf32>
        %shift_left3A_1412 = arith.constant 16 : i32
        %shift_left3A_1413 = vector.broadcast %shift_left3A_1412 : i32 to vector<16xi32>
        %shift_left3A_1414 = arith.shli %get3A_1323, %shift_left3A_1413 : vector<16xi32>
        %bitcast_convert_type3A_1415 = tpu.bitcast %shift_left3A_1414 : vector<16xi32> -> vector<16xf32>
        %shift_left3A_1416 = arith.constant 16 : i32
        %shift_left3A_1417 = vector.broadcast %shift_left3A_1416 : i32 to vector<16xi32>
        %shift_left3A_1418 = arith.shli %get3A_1331, %shift_left3A_1417 : vector<16xi32>
        %bitcast_convert_type3A_1419 = tpu.bitcast %shift_left3A_1418 : vector<16xi32> -> vector<16xf32>
        %shift_left3A_1420 = arith.constant 16 : i32
        %shift_left3A_1421 = vector.broadcast %shift_left3A_1420 : i32 to vector<16xi32>
        %shift_left3A_1422 = arith.shli %get3A_1339, %shift_left3A_1421 : vector<16xi32>
        %bitcast_convert_type3A_1423 = tpu.bitcast %shift_left3A_1422 : vector<16xi32> -> vector<16xf32>
        %shift_left3A_1424 = arith.constant 16 : i32
        %shift_left3A_1425 = vector.broadcast %shift_left3A_1424 : i32 to vector<16xi32>
        %shift_left3A_1426 = arith.shli %get3A_1347, %shift_left3A_1425 : vector<16xi32>
        %bitcast_convert_type3A_1427 = tpu.bitcast %shift_left3A_1426 : vector<16xi32> -> vector<16xf32>
        %shift_left3A_1428 = arith.constant 16 : i32
        %shift_left3A_1429 = vector.broadcast %shift_left3A_1428 : i32 to vector<16xi32>
        %shift_left3A_1430 = arith.shli %get3A_1355, %shift_left3A_1429 : vector<16xi32>
        %bitcast_convert_type3A_1431 = tpu.bitcast %shift_left3A_1430 : vector<16xi32> -> vector<16xf32>
        %shift_left3A_1432 = arith.constant 16 : i32
        %shift_left3A_1433 = vector.broadcast %shift_left3A_1432 : i32 to vector<16xi32>
        %shift_left3A_1434 = arith.shli %get3A_1363, %shift_left3A_1433 : vector<16xi32>
        %bitcast_convert_type3A_1435 = tpu.bitcast %shift_left3A_1434 : vector<16xi32> -> vector<16xf32>
        %shift_left3A_1436 = arith.constant 16 : i32
        %shift_left3A_1437 = vector.broadcast %shift_left3A_1436 : i32 to vector<16xi32>
        %shift_left3A_1438 = arith.shli %get3A_1371, %shift_left3A_1437 : vector<16xi32>
        %bitcast_convert_type3A_1439 = tpu.bitcast %shift_left3A_1438 : vector<16xi32> -> vector<16xf32>
        %shift_left3A_1440 = arith.constant 16 : i32
        %shift_left3A_1441 = vector.broadcast %shift_left3A_1440 : i32 to vector<16xi32>
        %shift_left3A_1442 = arith.shli %get3A_1379, %shift_left3A_1441 : vector<16xi32>
        %bitcast_convert_type3A_1443 = tpu.bitcast %shift_left3A_1442 : vector<16xi32> -> vector<16xf32>
        %and3A_1444 = arith.constant -65536 : i32
        %and3A_1445 = vector.broadcast %and3A_1444 : i32 to vector<16xi32>
        %and3A_1446 = arith.andi %get3A_1259, %and3A_1445 : vector<16xi32>
        %bitcast_convert_type3A_1447 = tpu.bitcast %and3A_1446 : vector<16xi32> -> vector<16xf32>
        %and3A_1448 = arith.constant -65536 : i32
        %and3A_1449 = vector.broadcast %and3A_1448 : i32 to vector<16xi32>
        %and3A_1450 = arith.andi %get3A_1267, %and3A_1449 : vector<16xi32>
        %bitcast_convert_type3A_1451 = tpu.bitcast %and3A_1450 : vector<16xi32> -> vector<16xf32>
        %and3A_1452 = arith.constant -65536 : i32
        %and3A_1453 = vector.broadcast %and3A_1452 : i32 to vector<16xi32>
        %and3A_1454 = arith.andi %get3A_1275, %and3A_1453 : vector<16xi32>
        %bitcast_convert_type3A_1455 = tpu.bitcast %and3A_1454 : vector<16xi32> -> vector<16xf32>
        %and3A_1456 = arith.constant -65536 : i32
        %and3A_1457 = vector.broadcast %and3A_1456 : i32 to vector<16xi32>
        %and3A_1458 = arith.andi %get3A_1283, %and3A_1457 : vector<16xi32>
        %bitcast_convert_type3A_1459 = tpu.bitcast %and3A_1458 : vector<16xi32> -> vector<16xf32>
        %and3A_1460 = arith.constant -65536 : i32
        %and3A_1461 = vector.broadcast %and3A_1460 : i32 to vector<16xi32>
        %and3A_1462 = arith.andi %get3A_1291, %and3A_1461 : vector<16xi32>
        %bitcast_convert_type3A_1463 = tpu.bitcast %and3A_1462 : vector<16xi32> -> vector<16xf32>
        %and3A_1464 = arith.constant -65536 : i32
        %and3A_1465 = vector.broadcast %and3A_1464 : i32 to vector<16xi32>
        %and3A_1466 = arith.andi %get3A_1299, %and3A_1465 : vector<16xi32>
        %bitcast_convert_type3A_1467 = tpu.bitcast %and3A_1466 : vector<16xi32> -> vector<16xf32>
        %and3A_1468 = arith.constant -65536 : i32
        %and3A_1469 = vector.broadcast %and3A_1468 : i32 to vector<16xi32>
        %and3A_1470 = arith.andi %get3A_1307, %and3A_1469 : vector<16xi32>
        %bitcast_convert_type3A_1471 = tpu.bitcast %and3A_1470 : vector<16xi32> -> vector<16xf32>
        %and3A_1472 = arith.constant -65536 : i32
        %and3A_1473 = vector.broadcast %and3A_1472 : i32 to vector<16xi32>
        %and3A_1474 = arith.andi %get3A_1315, %and3A_1473 : vector<16xi32>
        %bitcast_convert_type3A_1475 = tpu.bitcast %and3A_1474 : vector<16xi32> -> vector<16xf32>
        %and3A_1476 = arith.constant -65536 : i32
        %and3A_1477 = vector.broadcast %and3A_1476 : i32 to vector<16xi32>
        %and3A_1478 = arith.andi %get3A_1323, %and3A_1477 : vector<16xi32>
        %bitcast_convert_type3A_1479 = tpu.bitcast %and3A_1478 : vector<16xi32> -> vector<16xf32>
        %and3A_1480 = arith.constant -65536 : i32
        %and3A_1481 = vector.broadcast %and3A_1480 : i32 to vector<16xi32>
        %and3A_1482 = arith.andi %get3A_1331, %and3A_1481 : vector<16xi32>
        %bitcast_convert_type3A_1483 = tpu.bitcast %and3A_1482 : vector<16xi32> -> vector<16xf32>
        %and3A_1484 = arith.constant -65536 : i32
        %and3A_1485 = vector.broadcast %and3A_1484 : i32 to vector<16xi32>
        %and3A_1486 = arith.andi %get3A_1339, %and3A_1485 : vector<16xi32>
        %bitcast_convert_type3A_1487 = tpu.bitcast %and3A_1486 : vector<16xi32> -> vector<16xf32>
        %and3A_1488 = arith.constant -65536 : i32
        %and3A_1489 = vector.broadcast %and3A_1488 : i32 to vector<16xi32>
        %and3A_1490 = arith.andi %get3A_1347, %and3A_1489 : vector<16xi32>
        %bitcast_convert_type3A_1491 = tpu.bitcast %and3A_1490 : vector<16xi32> -> vector<16xf32>
        %and3A_1492 = arith.constant -65536 : i32
        %and3A_1493 = vector.broadcast %and3A_1492 : i32 to vector<16xi32>
        %and3A_1494 = arith.andi %get3A_1355, %and3A_1493 : vector<16xi32>
        %bitcast_convert_type3A_1495 = tpu.bitcast %and3A_1494 : vector<16xi32> -> vector<16xf32>
        %and3A_1496 = arith.constant -65536 : i32
        %and3A_1497 = vector.broadcast %and3A_1496 : i32 to vector<16xi32>
        %and3A_1498 = arith.andi %get3A_1363, %and3A_1497 : vector<16xi32>
        %bitcast_convert_type3A_1499 = tpu.bitcast %and3A_1498 : vector<16xi32> -> vector<16xf32>
        %and3A_1500 = arith.constant -65536 : i32
        %and3A_1501 = vector.broadcast %and3A_1500 : i32 to vector<16xi32>
        %and3A_1502 = arith.andi %get3A_1371, %and3A_1501 : vector<16xi32>
        %bitcast_convert_type3A_1503 = tpu.bitcast %and3A_1502 : vector<16xi32> -> vector<16xf32>
        %and3A_1504 = arith.constant -65536 : i32
        %and3A_1505 = vector.broadcast %and3A_1504 : i32 to vector<16xi32>
        %and3A_1506 = arith.andi %get3A_1379, %and3A_1505 : vector<16xi32>
        %bitcast_convert_type3A_1507 = tpu.bitcast %and3A_1506 : vector<16xi32> -> vector<16xf32>
        %max3A_1508 = arith.maximumf %bitcast_convert_type3A_1383, %bitcast_convert_type3A_1387 : vector<16xf32>
        %max3A_1509 = arith.maximumf %bitcast_convert_type3A_1391, %bitcast_convert_type3A_1395 : vector<16xf32>
        %max3A_1510 = arith.maximumf %bitcast_convert_type3A_1399, %bitcast_convert_type3A_1403 : vector<16xf32>
        %max3A_1511 = arith.maximumf %bitcast_convert_type3A_1407, %bitcast_convert_type3A_1411 : vector<16xf32>
        %max3A_1512 = arith.maximumf %bitcast_convert_type3A_1415, %bitcast_convert_type3A_1419 : vector<16xf32>
        %max3A_1513 = arith.maximumf %bitcast_convert_type3A_1423, %bitcast_convert_type3A_1427 : vector<16xf32>
        %max3A_1514 = arith.maximumf %bitcast_convert_type3A_1431, %bitcast_convert_type3A_1435 : vector<16xf32>
        %max3A_1515 = arith.maximumf %bitcast_convert_type3A_1439, %bitcast_convert_type3A_1443 : vector<16xf32>
        %max3A_1516 = arith.maximumf %max3A_1508, %max3A_1509 : vector<16xf32>
        %max3A_1517 = arith.maximumf %max3A_1510, %max3A_1511 : vector<16xf32>
        %max3A_1518 = arith.maximumf %max3A_1512, %max3A_1513 : vector<16xf32>
        %max3A_1519 = arith.maximumf %max3A_1514, %max3A_1515 : vector<16xf32>
        %max3A_1520 = arith.maximumf %max3A_1516, %max3A_1517 : vector<16xf32>
        %max3A_1521 = arith.maximumf %max3A_1518, %max3A_1519 : vector<16xf32>
        %max3A_1522 = arith.maximumf %max3A_1520, %max3A_1521 : vector<16xf32>
        %swap3A_1523 = arith.index_cast %scan3A_72 : i32 to index
        %swap3A_1524 = arith.constant 128 : index
        %swap3A_1525 = tpu.vector_load %arg8[%swap3A_1523, %swap3A_1524] {strides = array<i32>} : memref<8x256xf32, #tpu.memory_space<vmem>>, vector<1x16xf32>,
        %swap3A_1526 = vector.shape_cast %swap3A_1525 : vector<1x16xf32> to vector<16xf32>
        %swap3A_1527 = vector.shape_cast %max3A_1522 : vector<16xf32> to vector<1x16xf32>
        tpu.vector_store %arg8[%swap3A_1523, %swap3A_1524], %swap3A_1527 {strides = array<i32>} : memref<8x256xf32, #tpu.memory_space<vmem>>, vector<1x16xf32>,
        %max3A_1528 = arith.maximumf %bitcast_convert_type3A_1447, %bitcast_convert_type3A_1451 : vector<16xf32>
        %max3A_1529 = arith.maximumf %bitcast_convert_type3A_1455, %bitcast_convert_type3A_1459 : vector<16xf32>
        %max3A_1530 = arith.maximumf %bitcast_convert_type3A_1463, %bitcast_convert_type3A_1467 : vector<16xf32>
        %max3A_1531 = arith.maximumf %bitcast_convert_type3A_1471, %bitcast_convert_type3A_1475 : vector<16xf32>
        %max3A_1532 = arith.maximumf %bitcast_convert_type3A_1479, %bitcast_convert_type3A_1483 : vector<16xf32>
        %max3A_1533 = arith.maximumf %bitcast_convert_type3A_1487, %bitcast_convert_type3A_1491 : vector<16xf32>
        %max3A_1534 = arith.maximumf %bitcast_convert_type3A_1495, %bitcast_convert_type3A_1499 : vector<16xf32>
        %max3A_1535 = arith.maximumf %bitcast_convert_type3A_1503, %bitcast_convert_type3A_1507 : vector<16xf32>
        %max3A_1536 = arith.maximumf %max3A_1528, %max3A_1529 : vector<16xf32>
        %max3A_1537 = arith.maximumf %max3A_1530, %max3A_1531 : vector<16xf32>
        %max3A_1538 = arith.maximumf %max3A_1532, %max3A_1533 : vector<16xf32>
        %max3A_1539 = arith.maximumf %max3A_1534, %max3A_1535 : vector<16xf32>
        %max3A_1540 = arith.maximumf %max3A_1536, %max3A_1537 : vector<16xf32>
        %max3A_1541 = arith.maximumf %max3A_1538, %max3A_1539 : vector<16xf32>
        %max3A_1542 = arith.maximumf %max3A_1540, %max3A_1541 : vector<16xf32>
        %swap3A_1543 = arith.index_cast %scan3A_72 : i32 to index
        %swap3A_1544 = arith.constant 144 : index
        %swap3A_1545 = tpu.vector_load %arg8[%swap3A_1543, %swap3A_1544] {strides = array<i32>} : memref<8x256xf32, #tpu.memory_space<vmem>>, vector<1x16xf32>,
        %swap3A_1546 = vector.shape_cast %swap3A_1545 : vector<1x16xf32> to vector<16xf32>
        %swap3A_1547 = vector.shape_cast %max3A_1542 : vector<16xf32> to vector<1x16xf32>
        tpu.vector_store %arg8[%swap3A_1543, %swap3A_1544], %swap3A_1547 {strides = array<i32>} : memref<8x256xf32, #tpu.memory_space<vmem>>, vector<1x16xf32>,
        %mul3A_1548 = arith.constant 16 : i32
        %mul3A_1549 = arith.muli %scan3A_72, %mul3A_1548 : i32
        %add3A_1550 = arith.constant 0 : i32
        %add3A_1551 = arith.addi %mul3A_1549, %add3A_1550 : i32
        %get3A_1552 = arith.index_cast %add3A_1551 : i32 to index
        %get3A_1553 = arith.constant 80 : index
        %get3A_1554 = tpu.vector_load %arg7[%get3A_1552, %get3A_1553] {strides = array<i32>} : memref<128x128xi32, #tpu.memory_space<vmem>>, vector<1x16xi32>,
        %get3A_1555 = vector.shape_cast %get3A_1554 : vector<1x16xi32> to vector<16xi32>
        %mul3A_1556 = arith.constant 16 : i32
        %mul3A_1557 = arith.muli %scan3A_72, %mul3A_1556 : i32
        %add3A_1558 = arith.constant 1 : i32
        %add3A_1559 = arith.addi %mul3A_1557, %add3A_1558 : i32
        %get3A_1560 = arith.index_cast %add3A_1559 : i32 to index
        %get3A_1561 = arith.constant 80 : index
        %get3A_1562 = tpu.vector_load %arg7[%get3A_1560, %get3A_1561] {strides = array<i32>} : memref<128x128xi32, #tpu.memory_space<vmem>>, vector<1x16xi32>,
        %get3A_1563 = vector.shape_cast %get3A_1562 : vector<1x16xi32> to vector<16xi32>
        %mul3A_1564 = arith.constant 16 : i32
        %mul3A_1565 = arith.muli %scan3A_72, %mul3A_1564 : i32
        %add3A_1566 = arith.constant 2 : i32
        %add3A_1567 = arith.addi %mul3A_1565, %add3A_1566 : i32
        %get3A_1568 = arith.index_cast %add3A_1567 : i32 to index
        %get3A_1569 = arith.constant 80 : index
        %get3A_1570 = tpu.vector_load %arg7[%get3A_1568, %get3A_1569] {strides = array<i32>} : memref<128x128xi32, #tpu.memory_space<vmem>>, vector<1x16xi32>,
        %get3A_1571 = vector.shape_cast %get3A_1570 : vector<1x16xi32> to vector<16xi32>
        %mul3A_1572 = arith.constant 16 : i32
        %mul3A_1573 = arith.muli %scan3A_72, %mul3A_1572 : i32
        %add3A_1574 = arith.constant 3 : i32
        %add3A_1575 = arith.addi %mul3A_1573, %add3A_1574 : i32
        %get3A_1576 = arith.index_cast %add3A_1575 : i32 to index
        %get3A_1577 = arith.constant 80 : index
        %get3A_1578 = tpu.vector_load %arg7[%get3A_1576, %get3A_1577] {strides = array<i32>} : memref<128x128xi32, #tpu.memory_space<vmem>>, vector<1x16xi32>,
        %get3A_1579 = vector.shape_cast %get3A_1578 : vector<1x16xi32> to vector<16xi32>
        %mul3A_1580 = arith.constant 16 : i32
        %mul3A_1581 = arith.muli %scan3A_72, %mul3A_1580 : i32
        %add3A_1582 = arith.constant 4 : i32
        %add3A_1583 = arith.addi %mul3A_1581, %add3A_1582 : i32
        %get3A_1584 = arith.index_cast %add3A_1583 : i32 to index
        %get3A_1585 = arith.constant 80 : index
        %get3A_1586 = tpu.vector_load %arg7[%get3A_1584, %get3A_1585] {strides = array<i32>} : memref<128x128xi32, #tpu.memory_space<vmem>>, vector<1x16xi32>,
        %get3A_1587 = vector.shape_cast %get3A_1586 : vector<1x16xi32> to vector<16xi32>
        %mul3A_1588 = arith.constant 16 : i32
        %mul3A_1589 = arith.muli %scan3A_72, %mul3A_1588 : i32
        %add3A_1590 = arith.constant 5 : i32
        %add3A_1591 = arith.addi %mul3A_1589, %add3A_1590 : i32
        %get3A_1592 = arith.index_cast %add3A_1591 : i32 to index
        %get3A_1593 = arith.constant 80 : index
        %get3A_1594 = tpu.vector_load %arg7[%get3A_1592, %get3A_1593] {strides = array<i32>} : memref<128x128xi32, #tpu.memory_space<vmem>>, vector<1x16xi32>,
        %get3A_1595 = vector.shape_cast %get3A_1594 : vector<1x16xi32> to vector<16xi32>
        %mul3A_1596 = arith.constant 16 : i32
        %mul3A_1597 = arith.muli %scan3A_72, %mul3A_1596 : i32
        %add3A_1598 = arith.constant 6 : i32
        %add3A_1599 = arith.addi %mul3A_1597, %add3A_1598 : i32
        %get3A_1600 = arith.index_cast %add3A_1599 : i32 to index
        %get3A_1601 = arith.constant 80 : index
        %get3A_1602 = tpu.vector_load %arg7[%get3A_1600, %get3A_1601] {strides = array<i32>} : memref<128x128xi32, #tpu.memory_space<vmem>>, vector<1x16xi32>,
        %get3A_1603 = vector.shape_cast %get3A_1602 : vector<1x16xi32> to vector<16xi32>
        %mul3A_1604 = arith.constant 16 : i32
        %mul3A_1605 = arith.muli %scan3A_72, %mul3A_1604 : i32
        %add3A_1606 = arith.constant 7 : i32
        %add3A_1607 = arith.addi %mul3A_1605, %add3A_1606 : i32
        %get3A_1608 = arith.index_cast %add3A_1607 : i32 to index
        %get3A_1609 = arith.constant 80 : index
        %get3A_1610 = tpu.vector_load %arg7[%get3A_1608, %get3A_1609] {strides = array<i32>} : memref<128x128xi32, #tpu.memory_space<vmem>>, vector<1x16xi32>,
        %get3A_1611 = vector.shape_cast %get3A_1610 : vector<1x16xi32> to vector<16xi32>
        %mul3A_1612 = arith.constant 16 : i32
        %mul3A_1613 = arith.muli %scan3A_72, %mul3A_1612 : i32
        %add3A_1614 = arith.constant 8 : i32
        %add3A_1615 = arith.addi %mul3A_1613, %add3A_1614 : i32
        %get3A_1616 = arith.index_cast %add3A_1615 : i32 to index
        %get3A_1617 = arith.constant 80 : index
        %get3A_1618 = tpu.vector_load %arg7[%get3A_1616, %get3A_1617] {strides = array<i32>} : memref<128x128xi32, #tpu.memory_space<vmem>>, vector<1x16xi32>,
        %get3A_1619 = vector.shape_cast %get3A_1618 : vector<1x16xi32> to vector<16xi32>
        %mul3A_1620 = arith.constant 16 : i32
        %mul3A_1621 = arith.muli %scan3A_72, %mul3A_1620 : i32
        %add3A_1622 = arith.constant 9 : i32
        %add3A_1623 = arith.addi %mul3A_1621, %add3A_1622 : i32
        %get3A_1624 = arith.index_cast %add3A_1623 : i32 to index
        %get3A_1625 = arith.constant 80 : index
        %get3A_1626 = tpu.vector_load %arg7[%get3A_1624, %get3A_1625] {strides = array<i32>} : memref<128x128xi32, #tpu.memory_space<vmem>>, vector<1x16xi32>,
        %get3A_1627 = vector.shape_cast %get3A_1626 : vector<1x16xi32> to vector<16xi32>
        %mul3A_1628 = arith.constant 16 : i32
        %mul3A_1629 = arith.muli %scan3A_72, %mul3A_1628 : i32
        %add3A_1630 = arith.constant 10 : i32
        %add3A_1631 = arith.addi %mul3A_1629, %add3A_1630 : i32
        %get3A_1632 = arith.index_cast %add3A_1631 : i32 to index
        %get3A_1633 = arith.constant 80 : index
        %get3A_1634 = tpu.vector_load %arg7[%get3A_1632, %get3A_1633] {strides = array<i32>} : memref<128x128xi32, #tpu.memory_space<vmem>>, vector<1x16xi32>,
        %get3A_1635 = vector.shape_cast %get3A_1634 : vector<1x16xi32> to vector<16xi32>
        %mul3A_1636 = arith.constant 16 : i32
        %mul3A_1637 = arith.muli %scan3A_72, %mul3A_1636 : i32
        %add3A_1638 = arith.constant 11 : i32
        %add3A_1639 = arith.addi %mul3A_1637, %add3A_1638 : i32
        %get3A_1640 = arith.index_cast %add3A_1639 : i32 to index
        %get3A_1641 = arith.constant 80 : index
        %get3A_1642 = tpu.vector_load %arg7[%get3A_1640, %get3A_1641] {strides = array<i32>} : memref<128x128xi32, #tpu.memory_space<vmem>>, vector<1x16xi32>,
        %get3A_1643 = vector.shape_cast %get3A_1642 : vector<1x16xi32> to vector<16xi32>
        %mul3A_1644 = arith.constant 16 : i32
        %mul3A_1645 = arith.muli %scan3A_72, %mul3A_1644 : i32
        %add3A_1646 = arith.constant 12 : i32
        %add3A_1647 = arith.addi %mul3A_1645, %add3A_1646 : i32
        %get3A_1648 = arith.index_cast %add3A_1647 : i32 to index
        %get3A_1649 = arith.constant 80 : index
        %get3A_1650 = tpu.vector_load %arg7[%get3A_1648, %get3A_1649] {strides = array<i32>} : memref<128x128xi32, #tpu.memory_space<vmem>>, vector<1x16xi32>,
        %get3A_1651 = vector.shape_cast %get3A_1650 : vector<1x16xi32> to vector<16xi32>
        %mul3A_1652 = arith.constant 16 : i32
        %mul3A_1653 = arith.muli %scan3A_72, %mul3A_1652 : i32
        %add3A_1654 = arith.constant 13 : i32
        %add3A_1655 = arith.addi %mul3A_1653, %add3A_1654 : i32
        %get3A_1656 = arith.index_cast %add3A_1655 : i32 to index
        %get3A_1657 = arith.constant 80 : index
        %get3A_1658 = tpu.vector_load %arg7[%get3A_1656, %get3A_1657] {strides = array<i32>} : memref<128x128xi32, #tpu.memory_space<vmem>>, vector<1x16xi32>,
        %get3A_1659 = vector.shape_cast %get3A_1658 : vector<1x16xi32> to vector<16xi32>
        %mul3A_1660 = arith.constant 16 : i32
        %mul3A_1661 = arith.muli %scan3A_72, %mul3A_1660 : i32
        %add3A_1662 = arith.constant 14 : i32
        %add3A_1663 = arith.addi %mul3A_1661, %add3A_1662 : i32
        %get3A_1664 = arith.index_cast %add3A_1663 : i32 to index
        %get3A_1665 = arith.constant 80 : index
        %get3A_1666 = tpu.vector_load %arg7[%get3A_1664, %get3A_1665] {strides = array<i32>} : memref<128x128xi32, #tpu.memory_space<vmem>>, vector<1x16xi32>,
        %get3A_1667 = vector.shape_cast %get3A_1666 : vector<1x16xi32> to vector<16xi32>
        %mul3A_1668 = arith.constant 16 : i32
        %mul3A_1669 = arith.muli %scan3A_72, %mul3A_1668 : i32
        %add3A_1670 = arith.constant 15 : i32
        %add3A_1671 = arith.addi %mul3A_1669, %add3A_1670 : i32
        %get3A_1672 = arith.index_cast %add3A_1671 : i32 to index
        %get3A_1673 = arith.constant 80 : index
        %get3A_1674 = tpu.vector_load %arg7[%get3A_1672, %get3A_1673] {strides = array<i32>} : memref<128x128xi32, #tpu.memory_space<vmem>>, vector<1x16xi32>,
        %get3A_1675 = vector.shape_cast %get3A_1674 : vector<1x16xi32> to vector<16xi32>
        %shift_left3A_1676 = arith.constant 16 : i32
        %shift_left3A_1677 = vector.broadcast %shift_left3A_1676 : i32 to vector<16xi32>
        %shift_left3A_1678 = arith.shli %get3A_1555, %shift_left3A_1677 : vector<16xi32>
        %bitcast_convert_type3A_1679 = tpu.bitcast %shift_left3A_1678 : vector<16xi32> -> vector<16xf32>
        %shift_left3A_1680 = arith.constant 16 : i32
        %shift_left3A_1681 = vector.broadcast %shift_left3A_1680 : i32 to vector<16xi32>
        %shift_left3A_1682 = arith.shli %get3A_1563, %shift_left3A_1681 : vector<16xi32>
        %bitcast_convert_type3A_1683 = tpu.bitcast %shift_left3A_1682 : vector<16xi32> -> vector<16xf32>
        %shift_left3A_1684 = arith.constant 16 : i32
        %shift_left3A_1685 = vector.broadcast %shift_left3A_1684 : i32 to vector<16xi32>
        %shift_left3A_1686 = arith.shli %get3A_1571, %shift_left3A_1685 : vector<16xi32>
        %bitcast_convert_type3A_1687 = tpu.bitcast %shift_left3A_1686 : vector<16xi32> -> vector<16xf32>
        %shift_left3A_1688 = arith.constant 16 : i32
        %shift_left3A_1689 = vector.broadcast %shift_left3A_1688 : i32 to vector<16xi32>
        %shift_left3A_1690 = arith.shli %get3A_1579, %shift_left3A_1689 : vector<16xi32>
        %bitcast_convert_type3A_1691 = tpu.bitcast %shift_left3A_1690 : vector<16xi32> -> vector<16xf32>
        %shift_left3A_1692 = arith.constant 16 : i32
        %shift_left3A_1693 = vector.broadcast %shift_left3A_1692 : i32 to vector<16xi32>
        %shift_left3A_1694 = arith.shli %get3A_1587, %shift_left3A_1693 : vector<16xi32>
        %bitcast_convert_type3A_1695 = tpu.bitcast %shift_left3A_1694 : vector<16xi32> -> vector<16xf32>
        %shift_left3A_1696 = arith.constant 16 : i32
        %shift_left3A_1697 = vector.broadcast %shift_left3A_1696 : i32 to vector<16xi32>
        %shift_left3A_1698 = arith.shli %get3A_1595, %shift_left3A_1697 : vector<16xi32>
        %bitcast_convert_type3A_1699 = tpu.bitcast %shift_left3A_1698 : vector<16xi32> -> vector<16xf32>
        %shift_left3A_1700 = arith.constant 16 : i32
        %shift_left3A_1701 = vector.broadcast %shift_left3A_1700 : i32 to vector<16xi32>
        %shift_left3A_1702 = arith.shli %get3A_1603, %shift_left3A_1701 : vector<16xi32>
        %bitcast_convert_type3A_1703 = tpu.bitcast %shift_left3A_1702 : vector<16xi32> -> vector<16xf32>
        %shift_left3A_1704 = arith.constant 16 : i32
        %shift_left3A_1705 = vector.broadcast %shift_left3A_1704 : i32 to vector<16xi32>
        %shift_left3A_1706 = arith.shli %get3A_1611, %shift_left3A_1705 : vector<16xi32>
        %bitcast_convert_type3A_1707 = tpu.bitcast %shift_left3A_1706 : vector<16xi32> -> vector<16xf32>
        %shift_left3A_1708 = arith.constant 16 : i32
        %shift_left3A_1709 = vector.broadcast %shift_left3A_1708 : i32 to vector<16xi32>
        %shift_left3A_1710 = arith.shli %get3A_1619, %shift_left3A_1709 : vector<16xi32>
        %bitcast_convert_type3A_1711 = tpu.bitcast %shift_left3A_1710 : vector<16xi32> -> vector<16xf32>
        %shift_left3A_1712 = arith.constant 16 : i32
        %shift_left3A_1713 = vector.broadcast %shift_left3A_1712 : i32 to vector<16xi32>
        %shift_left3A_1714 = arith.shli %get3A_1627, %shift_left3A_1713 : vector<16xi32>
        %bitcast_convert_type3A_1715 = tpu.bitcast %shift_left3A_1714 : vector<16xi32> -> vector<16xf32>
        %shift_left3A_1716 = arith.constant 16 : i32
        %shift_left3A_1717 = vector.broadcast %shift_left3A_1716 : i32 to vector<16xi32>
        %shift_left3A_1718 = arith.shli %get3A_1635, %shift_left3A_1717 : vector<16xi32>
        %bitcast_convert_type3A_1719 = tpu.bitcast %shift_left3A_1718 : vector<16xi32> -> vector<16xf32>
        %shift_left3A_1720 = arith.constant 16 : i32
        %shift_left3A_1721 = vector.broadcast %shift_left3A_1720 : i32 to vector<16xi32>
        %shift_left3A_1722 = arith.shli %get3A_1643, %shift_left3A_1721 : vector<16xi32>
        %bitcast_convert_type3A_1723 = tpu.bitcast %shift_left3A_1722 : vector<16xi32> -> vector<16xf32>
        %shift_left3A_1724 = arith.constant 16 : i32
        %shift_left3A_1725 = vector.broadcast %shift_left3A_1724 : i32 to vector<16xi32>
        %shift_left3A_1726 = arith.shli %get3A_1651, %shift_left3A_1725 : vector<16xi32>
        %bitcast_convert_type3A_1727 = tpu.bitcast %shift_left3A_1726 : vector<16xi32> -> vector<16xf32>
        %shift_left3A_1728 = arith.constant 16 : i32
        %shift_left3A_1729 = vector.broadcast %shift_left3A_1728 : i32 to vector<16xi32>
        %shift_left3A_1730 = arith.shli %get3A_1659, %shift_left3A_1729 : vector<16xi32>
        %bitcast_convert_type3A_1731 = tpu.bitcast %shift_left3A_1730 : vector<16xi32> -> vector<16xf32>
        %shift_left3A_1732 = arith.constant 16 : i32
        %shift_left3A_1733 = vector.broadcast %shift_left3A_1732 : i32 to vector<16xi32>
        %shift_left3A_1734 = arith.shli %get3A_1667, %shift_left3A_1733 : vector<16xi32>
        %bitcast_convert_type3A_1735 = tpu.bitcast %shift_left3A_1734 : vector<16xi32> -> vector<16xf32>
        %shift_left3A_1736 = arith.constant 16 : i32
        %shift_left3A_1737 = vector.broadcast %shift_left3A_1736 : i32 to vector<16xi32>
        %shift_left3A_1738 = arith.shli %get3A_1675, %shift_left3A_1737 : vector<16xi32>
        %bitcast_convert_type3A_1739 = tpu.bitcast %shift_left3A_1738 : vector<16xi32> -> vector<16xf32>
        %and3A_1740 = arith.constant -65536 : i32
        %and3A_1741 = vector.broadcast %and3A_1740 : i32 to vector<16xi32>
        %and3A_1742 = arith.andi %get3A_1555, %and3A_1741 : vector<16xi32>
        %bitcast_convert_type3A_1743 = tpu.bitcast %and3A_1742 : vector<16xi32> -> vector<16xf32>
        %and3A_1744 = arith.constant -65536 : i32
        %and3A_1745 = vector.broadcast %and3A_1744 : i32 to vector<16xi32>
        %and3A_1746 = arith.andi %get3A_1563, %and3A_1745 : vector<16xi32>
        %bitcast_convert_type3A_1747 = tpu.bitcast %and3A_1746 : vector<16xi32> -> vector<16xf32>
        %and3A_1748 = arith.constant -65536 : i32
        %and3A_1749 = vector.broadcast %and3A_1748 : i32 to vector<16xi32>
        %and3A_1750 = arith.andi %get3A_1571, %and3A_1749 : vector<16xi32>
        %bitcast_convert_type3A_1751 = tpu.bitcast %and3A_1750 : vector<16xi32> -> vector<16xf32>
        %and3A_1752 = arith.constant -65536 : i32
        %and3A_1753 = vector.broadcast %and3A_1752 : i32 to vector<16xi32>
        %and3A_1754 = arith.andi %get3A_1579, %and3A_1753 : vector<16xi32>
        %bitcast_convert_type3A_1755 = tpu.bitcast %and3A_1754 : vector<16xi32> -> vector<16xf32>
        %and3A_1756 = arith.constant -65536 : i32
        %and3A_1757 = vector.broadcast %and3A_1756 : i32 to vector<16xi32>
        %and3A_1758 = arith.andi %get3A_1587, %and3A_1757 : vector<16xi32>
        %bitcast_convert_type3A_1759 = tpu.bitcast %and3A_1758 : vector<16xi32> -> vector<16xf32>
        %and3A_1760 = arith.constant -65536 : i32
        %and3A_1761 = vector.broadcast %and3A_1760 : i32 to vector<16xi32>
        %and3A_1762 = arith.andi %get3A_1595, %and3A_1761 : vector<16xi32>
        %bitcast_convert_type3A_1763 = tpu.bitcast %and3A_1762 : vector<16xi32> -> vector<16xf32>
        %and3A_1764 = arith.constant -65536 : i32
        %and3A_1765 = vector.broadcast %and3A_1764 : i32 to vector<16xi32>
        %and3A_1766 = arith.andi %get3A_1603, %and3A_1765 : vector<16xi32>
        %bitcast_convert_type3A_1767 = tpu.bitcast %and3A_1766 : vector<16xi32> -> vector<16xf32>
        %and3A_1768 = arith.constant -65536 : i32
        %and3A_1769 = vector.broadcast %and3A_1768 : i32 to vector<16xi32>
        %and3A_1770 = arith.andi %get3A_1611, %and3A_1769 : vector<16xi32>
        %bitcast_convert_type3A_1771 = tpu.bitcast %and3A_1770 : vector<16xi32> -> vector<16xf32>
        %and3A_1772 = arith.constant -65536 : i32
        %and3A_1773 = vector.broadcast %and3A_1772 : i32 to vector<16xi32>
        %and3A_1774 = arith.andi %get3A_1619, %and3A_1773 : vector<16xi32>
        %bitcast_convert_type3A_1775 = tpu.bitcast %and3A_1774 : vector<16xi32> -> vector<16xf32>
        %and3A_1776 = arith.constant -65536 : i32
        %and3A_1777 = vector.broadcast %and3A_1776 : i32 to vector<16xi32>
        %and3A_1778 = arith.andi %get3A_1627, %and3A_1777 : vector<16xi32>
        %bitcast_convert_type3A_1779 = tpu.bitcast %and3A_1778 : vector<16xi32> -> vector<16xf32>
        %and3A_1780 = arith.constant -65536 : i32
        %and3A_1781 = vector.broadcast %and3A_1780 : i32 to vector<16xi32>
        %and3A_1782 = arith.andi %get3A_1635, %and3A_1781 : vector<16xi32>
        %bitcast_convert_type3A_1783 = tpu.bitcast %and3A_1782 : vector<16xi32> -> vector<16xf32>
        %and3A_1784 = arith.constant -65536 : i32
        %and3A_1785 = vector.broadcast %and3A_1784 : i32 to vector<16xi32>
        %and3A_1786 = arith.andi %get3A_1643, %and3A_1785 : vector<16xi32>
        %bitcast_convert_type3A_1787 = tpu.bitcast %and3A_1786 : vector<16xi32> -> vector<16xf32>
        %and3A_1788 = arith.constant -65536 : i32
        %and3A_1789 = vector.broadcast %and3A_1788 : i32 to vector<16xi32>
        %and3A_1790 = arith.andi %get3A_1651, %and3A_1789 : vector<16xi32>
        %bitcast_convert_type3A_1791 = tpu.bitcast %and3A_1790 : vector<16xi32> -> vector<16xf32>
        %and3A_1792 = arith.constant -65536 : i32
        %and3A_1793 = vector.broadcast %and3A_1792 : i32 to vector<16xi32>
        %and3A_1794 = arith.andi %get3A_1659, %and3A_1793 : vector<16xi32>
        %bitcast_convert_type3A_1795 = tpu.bitcast %and3A_1794 : vector<16xi32> -> vector<16xf32>
        %and3A_1796 = arith.constant -65536 : i32
        %and3A_1797 = vector.broadcast %and3A_1796 : i32 to vector<16xi32>
        %and3A_1798 = arith.andi %get3A_1667, %and3A_1797 : vector<16xi32>
        %bitcast_convert_type3A_1799 = tpu.bitcast %and3A_1798 : vector<16xi32> -> vector<16xf32>
        %and3A_1800 = arith.constant -65536 : i32
        %and3A_1801 = vector.broadcast %and3A_1800 : i32 to vector<16xi32>
        %and3A_1802 = arith.andi %get3A_1675, %and3A_1801 : vector<16xi32>
        %bitcast_convert_type3A_1803 = tpu.bitcast %and3A_1802 : vector<16xi32> -> vector<16xf32>
        %max3A_1804 = arith.maximumf %bitcast_convert_type3A_1679, %bitcast_convert_type3A_1683 : vector<16xf32>
        %max3A_1805 = arith.maximumf %bitcast_convert_type3A_1687, %bitcast_convert_type3A_1691 : vector<16xf32>
        %max3A_1806 = arith.maximumf %bitcast_convert_type3A_1695, %bitcast_convert_type3A_1699 : vector<16xf32>
        %max3A_1807 = arith.maximumf %bitcast_convert_type3A_1703, %bitcast_convert_type3A_1707 : vector<16xf32>
        %max3A_1808 = arith.maximumf %bitcast_convert_type3A_1711, %bitcast_convert_type3A_1715 : vector<16xf32>
        %max3A_1809 = arith.maximumf %bitcast_convert_type3A_1719, %bitcast_convert_type3A_1723 : vector<16xf32>
        %max3A_1810 = arith.maximumf %bitcast_convert_type3A_1727, %bitcast_convert_type3A_1731 : vector<16xf32>
        %max3A_1811 = arith.maximumf %bitcast_convert_type3A_1735, %bitcast_convert_type3A_1739 : vector<16xf32>
        %max3A_1812 = arith.maximumf %max3A_1804, %max3A_1805 : vector<16xf32>
        %max3A_1813 = arith.maximumf %max3A_1806, %max3A_1807 : vector<16xf32>
        %max3A_1814 = arith.maximumf %max3A_1808, %max3A_1809 : vector<16xf32>
        %max3A_1815 = arith.maximumf %max3A_1810, %max3A_1811 : vector<16xf32>
        %max3A_1816 = arith.maximumf %max3A_1812, %max3A_1813 : vector<16xf32>
        %max3A_1817 = arith.maximumf %max3A_1814, %max3A_1815 : vector<16xf32>
        %max3A_1818 = arith.maximumf %max3A_1816, %max3A_1817 : vector<16xf32>
        %swap3A_1819 = arith.index_cast %scan3A_72 : i32 to index
        %swap3A_1820 = arith.constant 160 : index
        %swap3A_1821 = tpu.vector_load %arg8[%swap3A_1819, %swap3A_1820] {strides = array<i32>} : memref<8x256xf32, #tpu.memory_space<vmem>>, vector<1x16xf32>,
        %swap3A_1822 = vector.shape_cast %swap3A_1821 : vector<1x16xf32> to vector<16xf32>
        %swap3A_1823 = vector.shape_cast %max3A_1818 : vector<16xf32> to vector<1x16xf32>
        tpu.vector_store %arg8[%swap3A_1819, %swap3A_1820], %swap3A_1823 {strides = array<i32>} : memref<8x256xf32, #tpu.memory_space<vmem>>, vector<1x16xf32>,
        %max3A_1824 = arith.maximumf %bitcast_convert_type3A_1743, %bitcast_convert_type3A_1747 : vector<16xf32>
        %max3A_1825 = arith.maximumf %bitcast_convert_type3A_1751, %bitcast_convert_type3A_1755 : vector<16xf32>
        %max3A_1826 = arith.maximumf %bitcast_convert_type3A_1759, %bitcast_convert_type3A_1763 : vector<16xf32>
        %max3A_1827 = arith.maximumf %bitcast_convert_type3A_1767, %bitcast_convert_type3A_1771 : vector<16xf32>
        %max3A_1828 = arith.maximumf %bitcast_convert_type3A_1775, %bitcast_convert_type3A_1779 : vector<16xf32>
        %max3A_1829 = arith.maximumf %bitcast_convert_type3A_1783, %bitcast_convert_type3A_1787 : vector<16xf32>
        %max3A_1830 = arith.maximumf %bitcast_convert_type3A_1791, %bitcast_convert_type3A_1795 : vector<16xf32>
        %max3A_1831 = arith.maximumf %bitcast_convert_type3A_1799, %bitcast_convert_type3A_1803 : vector<16xf32>
        %max3A_1832 = arith.maximumf %max3A_1824, %max3A_1825 : vector<16xf32>
        %max3A_1833 = arith.maximumf %max3A_1826, %max3A_1827 : vector<16xf32>
        %max3A_1834 = arith.maximumf %max3A_1828, %max3A_1829 : vector<16xf32>
        %max3A_1835 = arith.maximumf %max3A_1830, %max3A_1831 : vector<16xf32>
        %max3A_1836 = arith.maximumf %max3A_1832, %max3A_1833 : vector<16xf32>
        %max3A_1837 = arith.maximumf %max3A_1834, %max3A_1835 : vector<16xf32>
        %max3A_1838 = arith.maximumf %max3A_1836, %max3A_1837 : vector<16xf32>
        %swap3A_1839 = arith.index_cast %scan3A_72 : i32 to index
        %swap3A_1840 = arith.constant 176 : index
        %swap3A_1841 = tpu.vector_load %arg8[%swap3A_1839, %swap3A_1840] {strides = array<i32>} : memref<8x256xf32, #tpu.memory_space<vmem>>, vector<1x16xf32>,
        %swap3A_1842 = vector.shape_cast %swap3A_1841 : vector<1x16xf32> to vector<16xf32>
        %swap3A_1843 = vector.shape_cast %max3A_1838 : vector<16xf32> to vector<1x16xf32>
        tpu.vector_store %arg8[%swap3A_1839, %swap3A_1840], %swap3A_1843 {strides = array<i32>} : memref<8x256xf32, #tpu.memory_space<vmem>>, vector<1x16xf32>,
        %mul3A_1844 = arith.constant 16 : i32
        %mul3A_1845 = arith.muli %scan3A_72, %mul3A_1844 : i32
        %add3A_1846 = arith.constant 0 : i32
        %add3A_1847 = arith.addi %mul3A_1845, %add3A_1846 : i32
        %get3A_1848 = arith.index_cast %add3A_1847 : i32 to index
        %get3A_1849 = arith.constant 96 : index
        %get3A_1850 = tpu.vector_load %arg7[%get3A_1848, %get3A_1849] {strides = array<i32>} : memref<128x128xi32, #tpu.memory_space<vmem>>, vector<1x16xi32>,
        %get3A_1851 = vector.shape_cast %get3A_1850 : vector<1x16xi32> to vector<16xi32>
        %mul3A_1852 = arith.constant 16 : i32
        %mul3A_1853 = arith.muli %scan3A_72, %mul3A_1852 : i32
        %add3A_1854 = arith.constant 1 : i32
        %add3A_1855 = arith.addi %mul3A_1853, %add3A_1854 : i32
        %get3A_1856 = arith.index_cast %add3A_1855 : i32 to index
        %get3A_1857 = arith.constant 96 : index
        %get3A_1858 = tpu.vector_load %arg7[%get3A_1856, %get3A_1857] {strides = array<i32>} : memref<128x128xi32, #tpu.memory_space<vmem>>, vector<1x16xi32>,
        %get3A_1859 = vector.shape_cast %get3A_1858 : vector<1x16xi32> to vector<16xi32>
        %mul3A_1860 = arith.constant 16 : i32
        %mul3A_1861 = arith.muli %scan3A_72, %mul3A_1860 : i32
        %add3A_1862 = arith.constant 2 : i32
        %add3A_1863 = arith.addi %mul3A_1861, %add3A_1862 : i32
        %get3A_1864 = arith.index_cast %add3A_1863 : i32 to index
        %get3A_1865 = arith.constant 96 : index
        %get3A_1866 = tpu.vector_load %arg7[%get3A_1864, %get3A_1865] {strides = array<i32>} : memref<128x128xi32, #tpu.memory_space<vmem>>, vector<1x16xi32>,
        %get3A_1867 = vector.shape_cast %get3A_1866 : vector<1x16xi32> to vector<16xi32>
        %mul3A_1868 = arith.constant 16 : i32
        %mul3A_1869 = arith.muli %scan3A_72, %mul3A_1868 : i32
        %add3A_1870 = arith.constant 3 : i32
        %add3A_1871 = arith.addi %mul3A_1869, %add3A_1870 : i32
        %get3A_1872 = arith.index_cast %add3A_1871 : i32 to index
        %get3A_1873 = arith.constant 96 : index
        %get3A_1874 = tpu.vector_load %arg7[%get3A_1872, %get3A_1873] {strides = array<i32>} : memref<128x128xi32, #tpu.memory_space<vmem>>, vector<1x16xi32>,
        %get3A_1875 = vector.shape_cast %get3A_1874 : vector<1x16xi32> to vector<16xi32>
        %mul3A_1876 = arith.constant 16 : i32
        %mul3A_1877 = arith.muli %scan3A_72, %mul3A_1876 : i32
        %add3A_1878 = arith.constant 4 : i32
        %add3A_1879 = arith.addi %mul3A_1877, %add3A_1878 : i32
        %get3A_1880 = arith.index_cast %add3A_1879 : i32 to index
        %get3A_1881 = arith.constant 96 : index
        %get3A_1882 = tpu.vector_load %arg7[%get3A_1880, %get3A_1881] {strides = array<i32>} : memref<128x128xi32, #tpu.memory_space<vmem>>, vector<1x16xi32>,
        %get3A_1883 = vector.shape_cast %get3A_1882 : vector<1x16xi32> to vector<16xi32>
        %mul3A_1884 = arith.constant 16 : i32
        %mul3A_1885 = arith.muli %scan3A_72, %mul3A_1884 : i32
        %add3A_1886 = arith.constant 5 : i32
        %add3A_1887 = arith.addi %mul3A_1885, %add3A_1886 : i32
        %get3A_1888 = arith.index_cast %add3A_1887 : i32 to index
        %get3A_1889 = arith.constant 96 : index
        %get3A_1890 = tpu.vector_load %arg7[%get3A_1888, %get3A_1889] {strides = array<i32>} : memref<128x128xi32, #tpu.memory_space<vmem>>, vector<1x16xi32>,
        %get3A_1891 = vector.shape_cast %get3A_1890 : vector<1x16xi32> to vector<16xi32>
        %mul3A_1892 = arith.constant 16 : i32
        %mul3A_1893 = arith.muli %scan3A_72, %mul3A_1892 : i32
        %add3A_1894 = arith.constant 6 : i32
        %add3A_1895 = arith.addi %mul3A_1893, %add3A_1894 : i32
        %get3A_1896 = arith.index_cast %add3A_1895 : i32 to index
        %get3A_1897 = arith.constant 96 : index
        %get3A_1898 = tpu.vector_load %arg7[%get3A_1896, %get3A_1897] {strides = array<i32>} : memref<128x128xi32, #tpu.memory_space<vmem>>, vector<1x16xi32>,
        %get3A_1899 = vector.shape_cast %get3A_1898 : vector<1x16xi32> to vector<16xi32>
        %mul3A_1900 = arith.constant 16 : i32
        %mul3A_1901 = arith.muli %scan3A_72, %mul3A_1900 : i32
        %add3A_1902 = arith.constant 7 : i32
        %add3A_1903 = arith.addi %mul3A_1901, %add3A_1902 : i32
        %get3A_1904 = arith.index_cast %add3A_1903 : i32 to index
        %get3A_1905 = arith.constant 96 : index
        %get3A_1906 = tpu.vector_load %arg7[%get3A_1904, %get3A_1905] {strides = array<i32>} : memref<128x128xi32, #tpu.memory_space<vmem>>, vector<1x16xi32>,
        %get3A_1907 = vector.shape_cast %get3A_1906 : vector<1x16xi32> to vector<16xi32>
        %mul3A_1908 = arith.constant 16 : i32
        %mul3A_1909 = arith.muli %scan3A_72, %mul3A_1908 : i32
        %add3A_1910 = arith.constant 8 : i32
        %add3A_1911 = arith.addi %mul3A_1909, %add3A_1910 : i32
        %get3A_1912 = arith.index_cast %add3A_1911 : i32 to index
        %get3A_1913 = arith.constant 96 : index
        %get3A_1914 = tpu.vector_load %arg7[%get3A_1912, %get3A_1913] {strides = array<i32>} : memref<128x128xi32, #tpu.memory_space<vmem>>, vector<1x16xi32>,
        %get3A_1915 = vector.shape_cast %get3A_1914 : vector<1x16xi32> to vector<16xi32>
        %mul3A_1916 = arith.constant 16 : i32
        %mul3A_1917 = arith.muli %scan3A_72, %mul3A_1916 : i32
        %add3A_1918 = arith.constant 9 : i32
        %add3A_1919 = arith.addi %mul3A_1917, %add3A_1918 : i32
        %get3A_1920 = arith.index_cast %add3A_1919 : i32 to index
        %get3A_1921 = arith.constant 96 : index
        %get3A_1922 = tpu.vector_load %arg7[%get3A_1920, %get3A_1921] {strides = array<i32>} : memref<128x128xi32, #tpu.memory_space<vmem>>, vector<1x16xi32>,
        %get3A_1923 = vector.shape_cast %get3A_1922 : vector<1x16xi32> to vector<16xi32>
        %mul3A_1924 = arith.constant 16 : i32
        %mul3A_1925 = arith.muli %scan3A_72, %mul3A_1924 : i32
        %add3A_1926 = arith.constant 10 : i32
        %add3A_1927 = arith.addi %mul3A_1925, %add3A_1926 : i32
        %get3A_1928 = arith.index_cast %add3A_1927 : i32 to index
        %get3A_1929 = arith.constant 96 : index
        %get3A_1930 = tpu.vector_load %arg7[%get3A_1928, %get3A_1929] {strides = array<i32>} : memref<128x128xi32, #tpu.memory_space<vmem>>, vector<1x16xi32>,
        %get3A_1931 = vector.shape_cast %get3A_1930 : vector<1x16xi32> to vector<16xi32>
        %mul3A_1932 = arith.constant 16 : i32
        %mul3A_1933 = arith.muli %scan3A_72, %mul3A_1932 : i32
        %add3A_1934 = arith.constant 11 : i32
        %add3A_1935 = arith.addi %mul3A_1933, %add3A_1934 : i32
        %get3A_1936 = arith.index_cast %add3A_1935 : i32 to index
        %get3A_1937 = arith.constant 96 : index
        %get3A_1938 = tpu.vector_load %arg7[%get3A_1936, %get3A_1937] {strides = array<i32>} : memref<128x128xi32, #tpu.memory_space<vmem>>, vector<1x16xi32>,
        %get3A_1939 = vector.shape_cast %get3A_1938 : vector<1x16xi32> to vector<16xi32>
        %mul3A_1940 = arith.constant 16 : i32
        %mul3A_1941 = arith.muli %scan3A_72, %mul3A_1940 : i32
        %add3A_1942 = arith.constant 12 : i32
        %add3A_1943 = arith.addi %mul3A_1941, %add3A_1942 : i32
        %get3A_1944 = arith.index_cast %add3A_1943 : i32 to index
        %get3A_1945 = arith.constant 96 : index
        %get3A_1946 = tpu.vector_load %arg7[%get3A_1944, %get3A_1945] {strides = array<i32>} : memref<128x128xi32, #tpu.memory_space<vmem>>, vector<1x16xi32>,
        %get3A_1947 = vector.shape_cast %get3A_1946 : vector<1x16xi32> to vector<16xi32>
        %mul3A_1948 = arith.constant 16 : i32
        %mul3A_1949 = arith.muli %scan3A_72, %mul3A_1948 : i32
        %add3A_1950 = arith.constant 13 : i32
        %add3A_1951 = arith.addi %mul3A_1949, %add3A_1950 : i32
        %get3A_1952 = arith.index_cast %add3A_1951 : i32 to index
        %get3A_1953 = arith.constant 96 : index
        %get3A_1954 = tpu.vector_load %arg7[%get3A_1952, %get3A_1953] {strides = array<i32>} : memref<128x128xi32, #tpu.memory_space<vmem>>, vector<1x16xi32>,
        %get3A_1955 = vector.shape_cast %get3A_1954 : vector<1x16xi32> to vector<16xi32>
        %mul3A_1956 = arith.constant 16 : i32
        %mul3A_1957 = arith.muli %scan3A_72, %mul3A_1956 : i32
        %add3A_1958 = arith.constant 14 : i32
        %add3A_1959 = arith.addi %mul3A_1957, %add3A_1958 : i32
        %get3A_1960 = arith.index_cast %add3A_1959 : i32 to index
        %get3A_1961 = arith.constant 96 : index
        %get3A_1962 = tpu.vector_load %arg7[%get3A_1960, %get3A_1961] {strides = array<i32>} : memref<128x128xi32, #tpu.memory_space<vmem>>, vector<1x16xi32>,
        %get3A_1963 = vector.shape_cast %get3A_1962 : vector<1x16xi32> to vector<16xi32>
        %mul3A_1964 = arith.constant 16 : i32
        %mul3A_1965 = arith.muli %scan3A_72, %mul3A_1964 : i32
        %add3A_1966 = arith.constant 15 : i32
        %add3A_1967 = arith.addi %mul3A_1965, %add3A_1966 : i32
        %get3A_1968 = arith.index_cast %add3A_1967 : i32 to index
        %get3A_1969 = arith.constant 96 : index
        %get3A_1970 = tpu.vector_load %arg7[%get3A_1968, %get3A_1969] {strides = array<i32>} : memref<128x128xi32, #tpu.memory_space<vmem>>, vector<1x16xi32>,
        %get3A_1971 = vector.shape_cast %get3A_1970 : vector<1x16xi32> to vector<16xi32>
        %shift_left3A_1972 = arith.constant 16 : i32
        %shift_left3A_1973 = vector.broadcast %shift_left3A_1972 : i32 to vector<16xi32>
        %shift_left3A_1974 = arith.shli %get3A_1851, %shift_left3A_1973 : vector<16xi32>
        %bitcast_convert_type3A_1975 = tpu.bitcast %shift_left3A_1974 : vector<16xi32> -> vector<16xf32>
        %shift_left3A_1976 = arith.constant 16 : i32
        %shift_left3A_1977 = vector.broadcast %shift_left3A_1976 : i32 to vector<16xi32>
        %shift_left3A_1978 = arith.shli %get3A_1859, %shift_left3A_1977 : vector<16xi32>
        %bitcast_convert_type3A_1979 = tpu.bitcast %shift_left3A_1978 : vector<16xi32> -> vector<16xf32>
        %shift_left3A_1980 = arith.constant 16 : i32
        %shift_left3A_1981 = vector.broadcast %shift_left3A_1980 : i32 to vector<16xi32>
        %shift_left3A_1982 = arith.shli %get3A_1867, %shift_left3A_1981 : vector<16xi32>
        %bitcast_convert_type3A_1983 = tpu.bitcast %shift_left3A_1982 : vector<16xi32> -> vector<16xf32>
        %shift_left3A_1984 = arith.constant 16 : i32
        %shift_left3A_1985 = vector.broadcast %shift_left3A_1984 : i32 to vector<16xi32>
        %shift_left3A_1986 = arith.shli %get3A_1875, %shift_left3A_1985 : vector<16xi32>
        %bitcast_convert_type3A_1987 = tpu.bitcast %shift_left3A_1986 : vector<16xi32> -> vector<16xf32>
        %shift_left3A_1988 = arith.constant 16 : i32
        %shift_left3A_1989 = vector.broadcast %shift_left3A_1988 : i32 to vector<16xi32>
        %shift_left3A_1990 = arith.shli %get3A_1883, %shift_left3A_1989 : vector<16xi32>
        %bitcast_convert_type3A_1991 = tpu.bitcast %shift_left3A_1990 : vector<16xi32> -> vector<16xf32>
        %shift_left3A_1992 = arith.constant 16 : i32
        %shift_left3A_1993 = vector.broadcast %shift_left3A_1992 : i32 to vector<16xi32>
        %shift_left3A_1994 = arith.shli %get3A_1891, %shift_left3A_1993 : vector<16xi32>
        %bitcast_convert_type3A_1995 = tpu.bitcast %shift_left3A_1994 : vector<16xi32> -> vector<16xf32>
        %shift_left3A_1996 = arith.constant 16 : i32
        %shift_left3A_1997 = vector.broadcast %shift_left3A_1996 : i32 to vector<16xi32>
        %shift_left3A_1998 = arith.shli %get3A_1899, %shift_left3A_1997 : vector<16xi32>
        %bitcast_convert_type3A_1999 = tpu.bitcast %shift_left3A_1998 : vector<16xi32> -> vector<16xf32>
        %shift_left3A_2000 = arith.constant 16 : i32
        %shift_left3A_2001 = vector.broadcast %shift_left3A_2000 : i32 to vector<16xi32>
        %shift_left3A_2002 = arith.shli %get3A_1907, %shift_left3A_2001 : vector<16xi32>
        %bitcast_convert_type3A_2003 = tpu.bitcast %shift_left3A_2002 : vector<16xi32> -> vector<16xf32>
        %shift_left3A_2004 = arith.constant 16 : i32
        %shift_left3A_2005 = vector.broadcast %shift_left3A_2004 : i32 to vector<16xi32>
        %shift_left3A_2006 = arith.shli %get3A_1915, %shift_left3A_2005 : vector<16xi32>
        %bitcast_convert_type3A_2007 = tpu.bitcast %shift_left3A_2006 : vector<16xi32> -> vector<16xf32>
        %shift_left3A_2008 = arith.constant 16 : i32
        %shift_left3A_2009 = vector.broadcast %shift_left3A_2008 : i32 to vector<16xi32>
        %shift_left3A_2010 = arith.shli %get3A_1923, %shift_left3A_2009 : vector<16xi32>
        %bitcast_convert_type3A_2011 = tpu.bitcast %shift_left3A_2010 : vector<16xi32> -> vector<16xf32>
        %shift_left3A_2012 = arith.constant 16 : i32
        %shift_left3A_2013 = vector.broadcast %shift_left3A_2012 : i32 to vector<16xi32>
        %shift_left3A_2014 = arith.shli %get3A_1931, %shift_left3A_2013 : vector<16xi32>
        %bitcast_convert_type3A_2015 = tpu.bitcast %shift_left3A_2014 : vector<16xi32> -> vector<16xf32>
        %shift_left3A_2016 = arith.constant 16 : i32
        %shift_left3A_2017 = vector.broadcast %shift_left3A_2016 : i32 to vector<16xi32>
        %shift_left3A_2018 = arith.shli %get3A_1939, %shift_left3A_2017 : vector<16xi32>
        %bitcast_convert_type3A_2019 = tpu.bitcast %shift_left3A_2018 : vector<16xi32> -> vector<16xf32>
        %shift_left3A_2020 = arith.constant 16 : i32
        %shift_left3A_2021 = vector.broadcast %shift_left3A_2020 : i32 to vector<16xi32>
        %shift_left3A_2022 = arith.shli %get3A_1947, %shift_left3A_2021 : vector<16xi32>
        %bitcast_convert_type3A_2023 = tpu.bitcast %shift_left3A_2022 : vector<16xi32> -> vector<16xf32>
        %shift_left3A_2024 = arith.constant 16 : i32
        %shift_left3A_2025 = vector.broadcast %shift_left3A_2024 : i32 to vector<16xi32>
        %shift_left3A_2026 = arith.shli %get3A_1955, %shift_left3A_2025 : vector<16xi32>
        %bitcast_convert_type3A_2027 = tpu.bitcast %shift_left3A_2026 : vector<16xi32> -> vector<16xf32>
        %shift_left3A_2028 = arith.constant 16 : i32
        %shift_left3A_2029 = vector.broadcast %shift_left3A_2028 : i32 to vector<16xi32>
        %shift_left3A_2030 = arith.shli %get3A_1963, %shift_left3A_2029 : vector<16xi32>
        %bitcast_convert_type3A_2031 = tpu.bitcast %shift_left3A_2030 : vector<16xi32> -> vector<16xf32>
        %shift_left3A_2032 = arith.constant 16 : i32
        %shift_left3A_2033 = vector.broadcast %shift_left3A_2032 : i32 to vector<16xi32>
        %shift_left3A_2034 = arith.shli %get3A_1971, %shift_left3A_2033 : vector<16xi32>
        %bitcast_convert_type3A_2035 = tpu.bitcast %shift_left3A_2034 : vector<16xi32> -> vector<16xf32>
        %and3A_2036 = arith.constant -65536 : i32
        %and3A_2037 = vector.broadcast %and3A_2036 : i32 to vector<16xi32>
        %and3A_2038 = arith.andi %get3A_1851, %and3A_2037 : vector<16xi32>
        %bitcast_convert_type3A_2039 = tpu.bitcast %and3A_2038 : vector<16xi32> -> vector<16xf32>
        %and3A_2040 = arith.constant -65536 : i32
        %and3A_2041 = vector.broadcast %and3A_2040 : i32 to vector<16xi32>
        %and3A_2042 = arith.andi %get3A_1859, %and3A_2041 : vector<16xi32>
        %bitcast_convert_type3A_2043 = tpu.bitcast %and3A_2042 : vector<16xi32> -> vector<16xf32>
        %and3A_2044 = arith.constant -65536 : i32
        %and3A_2045 = vector.broadcast %and3A_2044 : i32 to vector<16xi32>
        %and3A_2046 = arith.andi %get3A_1867, %and3A_2045 : vector<16xi32>
        %bitcast_convert_type3A_2047 = tpu.bitcast %and3A_2046 : vector<16xi32> -> vector<16xf32>
        %and3A_2048 = arith.constant -65536 : i32
        %and3A_2049 = vector.broadcast %and3A_2048 : i32 to vector<16xi32>
        %and3A_2050 = arith.andi %get3A_1875, %and3A_2049 : vector<16xi32>
        %bitcast_convert_type3A_2051 = tpu.bitcast %and3A_2050 : vector<16xi32> -> vector<16xf32>
        %and3A_2052 = arith.constant -65536 : i32
        %and3A_2053 = vector.broadcast %and3A_2052 : i32 to vector<16xi32>
        %and3A_2054 = arith.andi %get3A_1883, %and3A_2053 : vector<16xi32>
        %bitcast_convert_type3A_2055 = tpu.bitcast %and3A_2054 : vector<16xi32> -> vector<16xf32>
        %and3A_2056 = arith.constant -65536 : i32
        %and3A_2057 = vector.broadcast %and3A_2056 : i32 to vector<16xi32>
        %and3A_2058 = arith.andi %get3A_1891, %and3A_2057 : vector<16xi32>
        %bitcast_convert_type3A_2059 = tpu.bitcast %and3A_2058 : vector<16xi32> -> vector<16xf32>
        %and3A_2060 = arith.constant -65536 : i32
        %and3A_2061 = vector.broadcast %and3A_2060 : i32 to vector<16xi32>
        %and3A_2062 = arith.andi %get3A_1899, %and3A_2061 : vector<16xi32>
        %bitcast_convert_type3A_2063 = tpu.bitcast %and3A_2062 : vector<16xi32> -> vector<16xf32>
        %and3A_2064 = arith.constant -65536 : i32
        %and3A_2065 = vector.broadcast %and3A_2064 : i32 to vector<16xi32>
        %and3A_2066 = arith.andi %get3A_1907, %and3A_2065 : vector<16xi32>
        %bitcast_convert_type3A_2067 = tpu.bitcast %and3A_2066 : vector<16xi32> -> vector<16xf32>
        %and3A_2068 = arith.constant -65536 : i32
        %and3A_2069 = vector.broadcast %and3A_2068 : i32 to vector<16xi32>
        %and3A_2070 = arith.andi %get3A_1915, %and3A_2069 : vector<16xi32>
        %bitcast_convert_type3A_2071 = tpu.bitcast %and3A_2070 : vector<16xi32> -> vector<16xf32>
        %and3A_2072 = arith.constant -65536 : i32
        %and3A_2073 = vector.broadcast %and3A_2072 : i32 to vector<16xi32>
        %and3A_2074 = arith.andi %get3A_1923, %and3A_2073 : vector<16xi32>
        %bitcast_convert_type3A_2075 = tpu.bitcast %and3A_2074 : vector<16xi32> -> vector<16xf32>
        %and3A_2076 = arith.constant -65536 : i32
        %and3A_2077 = vector.broadcast %and3A_2076 : i32 to vector<16xi32>
        %and3A_2078 = arith.andi %get3A_1931, %and3A_2077 : vector<16xi32>
        %bitcast_convert_type3A_2079 = tpu.bitcast %and3A_2078 : vector<16xi32> -> vector<16xf32>
        %and3A_2080 = arith.constant -65536 : i32
        %and3A_2081 = vector.broadcast %and3A_2080 : i32 to vector<16xi32>
        %and3A_2082 = arith.andi %get3A_1939, %and3A_2081 : vector<16xi32>
        %bitcast_convert_type3A_2083 = tpu.bitcast %and3A_2082 : vector<16xi32> -> vector<16xf32>
        %and3A_2084 = arith.constant -65536 : i32
        %and3A_2085 = vector.broadcast %and3A_2084 : i32 to vector<16xi32>
        %and3A_2086 = arith.andi %get3A_1947, %and3A_2085 : vector<16xi32>
        %bitcast_convert_type3A_2087 = tpu.bitcast %and3A_2086 : vector<16xi32> -> vector<16xf32>
        %and3A_2088 = arith.constant -65536 : i32
        %and3A_2089 = vector.broadcast %and3A_2088 : i32 to vector<16xi32>
        %and3A_2090 = arith.andi %get3A_1955, %and3A_2089 : vector<16xi32>
        %bitcast_convert_type3A_2091 = tpu.bitcast %and3A_2090 : vector<16xi32> -> vector<16xf32>
        %and3A_2092 = arith.constant -65536 : i32
        %and3A_2093 = vector.broadcast %and3A_2092 : i32 to vector<16xi32>
        %and3A_2094 = arith.andi %get3A_1963, %and3A_2093 : vector<16xi32>
        %bitcast_convert_type3A_2095 = tpu.bitcast %and3A_2094 : vector<16xi32> -> vector<16xf32>
        %and3A_2096 = arith.constant -65536 : i32
        %and3A_2097 = vector.broadcast %and3A_2096 : i32 to vector<16xi32>
        %and3A_2098 = arith.andi %get3A_1971, %and3A_2097 : vector<16xi32>
        %bitcast_convert_type3A_2099 = tpu.bitcast %and3A_2098 : vector<16xi32> -> vector<16xf32>
        %max3A_2100 = arith.maximumf %bitcast_convert_type3A_1975, %bitcast_convert_type3A_1979 : vector<16xf32>
        %max3A_2101 = arith.maximumf %bitcast_convert_type3A_1983, %bitcast_convert_type3A_1987 : vector<16xf32>
        %max3A_2102 = arith.maximumf %bitcast_convert_type3A_1991, %bitcast_convert_type3A_1995 : vector<16xf32>
        %max3A_2103 = arith.maximumf %bitcast_convert_type3A_1999, %bitcast_convert_type3A_2003 : vector<16xf32>
        %max3A_2104 = arith.maximumf %bitcast_convert_type3A_2007, %bitcast_convert_type3A_2011 : vector<16xf32>
        %max3A_2105 = arith.maximumf %bitcast_convert_type3A_2015, %bitcast_convert_type3A_2019 : vector<16xf32>
        %max3A_2106 = arith.maximumf %bitcast_convert_type3A_2023, %bitcast_convert_type3A_2027 : vector<16xf32>
        %max3A_2107 = arith.maximumf %bitcast_convert_type3A_2031, %bitcast_convert_type3A_2035 : vector<16xf32>
        %max3A_2108 = arith.maximumf %max3A_2100, %max3A_2101 : vector<16xf32>
        %max3A_2109 = arith.maximumf %max3A_2102, %max3A_2103 : vector<16xf32>
        %max3A_2110 = arith.maximumf %max3A_2104, %max3A_2105 : vector<16xf32>
        %max3A_2111 = arith.maximumf %max3A_2106, %max3A_2107 : vector<16xf32>
        %max3A_2112 = arith.maximumf %max3A_2108, %max3A_2109 : vector<16xf32>
        %max3A_2113 = arith.maximumf %max3A_2110, %max3A_2111 : vector<16xf32>
        %max3A_2114 = arith.maximumf %max3A_2112, %max3A_2113 : vector<16xf32>
        %swap3A_2115 = arith.index_cast %scan3A_72 : i32 to index
        %swap3A_2116 = arith.constant 192 : index
        %swap3A_2117 = tpu.vector_load %arg8[%swap3A_2115, %swap3A_2116] {strides = array<i32>} : memref<8x256xf32, #tpu.memory_space<vmem>>, vector<1x16xf32>,
        %swap3A_2118 = vector.shape_cast %swap3A_2117 : vector<1x16xf32> to vector<16xf32>
        %swap3A_2119 = vector.shape_cast %max3A_2114 : vector<16xf32> to vector<1x16xf32>
        tpu.vector_store %arg8[%swap3A_2115, %swap3A_2116], %swap3A_2119 {strides = array<i32>} : memref<8x256xf32, #tpu.memory_space<vmem>>, vector<1x16xf32>,
        %max3A_2120 = arith.maximumf %bitcast_convert_type3A_2039, %bitcast_convert_type3A_2043 : vector<16xf32>
        %max3A_2121 = arith.maximumf %bitcast_convert_type3A_2047, %bitcast_convert_type3A_2051 : vector<16xf32>
        %max3A_2122 = arith.maximumf %bitcast_convert_type3A_2055, %bitcast_convert_type3A_2059 : vector<16xf32>
        %max3A_2123 = arith.maximumf %bitcast_convert_type3A_2063, %bitcast_convert_type3A_2067 : vector<16xf32>
        %max3A_2124 = arith.maximumf %bitcast_convert_type3A_2071, %bitcast_convert_type3A_2075 : vector<16xf32>
        %max3A_2125 = arith.maximumf %bitcast_convert_type3A_2079, %bitcast_convert_type3A_2083 : vector<16xf32>
        %max3A_2126 = arith.maximumf %bitcast_convert_type3A_2087, %bitcast_convert_type3A_2091 : vector<16xf32>
        %max3A_2127 = arith.maximumf %bitcast_convert_type3A_2095, %bitcast_convert_type3A_2099 : vector<16xf32>
        %max3A_2128 = arith.maximumf %max3A_2120, %max3A_2121 : vector<16xf32>
        %max3A_2129 = arith.maximumf %max3A_2122, %max3A_2123 : vector<16xf32>
        %max3A_2130 = arith.maximumf %max3A_2124, %max3A_2125 : vector<16xf32>
        %max3A_2131 = arith.maximumf %max3A_2126, %max3A_2127 : vector<16xf32>
        %max3A_2132 = arith.maximumf %max3A_2128, %max3A_2129 : vector<16xf32>
        %max3A_2133 = arith.maximumf %max3A_2130, %max3A_2131 : vector<16xf32>
        %max3A_2134 = arith.maximumf %max3A_2132, %max3A_2133 : vector<16xf32>
        %swap3A_2135 = arith.index_cast %scan3A_72 : i32 to index
        %swap3A_2136 = arith.constant 208 : index
        %swap3A_2137 = tpu.vector_load %arg8[%swap3A_2135, %swap3A_2136] {strides = array<i32>} : memref<8x256xf32, #tpu.memory_space<vmem>>, vector<1x16xf32>,
        %swap3A_2138 = vector.shape_cast %swap3A_2137 : vector<1x16xf32> to vector<16xf32>
        %swap3A_2139 = vector.shape_cast %max3A_2134 : vector<16xf32> to vector<1x16xf32>
        tpu.vector_store %arg8[%swap3A_2135, %swap3A_2136], %swap3A_2139 {strides = array<i32>} : memref<8x256xf32, #tpu.memory_space<vmem>>, vector<1x16xf32>,
        %mul3A_2140 = arith.constant 16 : i32
        %mul3A_2141 = arith.muli %scan3A_72, %mul3A_2140 : i32
        %add3A_2142 = arith.constant 0 : i32
        %add3A_2143 = arith.addi %mul3A_2141, %add3A_2142 : i32
        %get3A_2144 = arith.index_cast %add3A_2143 : i32 to index
        %get3A_2145 = arith.constant 112 : index
        %get3A_2146 = tpu.vector_load %arg7[%get3A_2144, %get3A_2145] {strides = array<i32>} : memref<128x128xi32, #tpu.memory_space<vmem>>, vector<1x16xi32>,
        %get3A_2147 = vector.shape_cast %get3A_2146 : vector<1x16xi32> to vector<16xi32>
        %mul3A_2148 = arith.constant 16 : i32
        %mul3A_2149 = arith.muli %scan3A_72, %mul3A_2148 : i32
        %add3A_2150 = arith.constant 1 : i32
        %add3A_2151 = arith.addi %mul3A_2149, %add3A_2150 : i32
        %get3A_2152 = arith.index_cast %add3A_2151 : i32 to index
        %get3A_2153 = arith.constant 112 : index
        %get3A_2154 = tpu.vector_load %arg7[%get3A_2152, %get3A_2153] {strides = array<i32>} : memref<128x128xi32, #tpu.memory_space<vmem>>, vector<1x16xi32>,
        %get3A_2155 = vector.shape_cast %get3A_2154 : vector<1x16xi32> to vector<16xi32>
        %mul3A_2156 = arith.constant 16 : i32
        %mul3A_2157 = arith.muli %scan3A_72, %mul3A_2156 : i32
        %add3A_2158 = arith.constant 2 : i32
        %add3A_2159 = arith.addi %mul3A_2157, %add3A_2158 : i32
        %get3A_2160 = arith.index_cast %add3A_2159 : i32 to index
        %get3A_2161 = arith.constant 112 : index
        %get3A_2162 = tpu.vector_load %arg7[%get3A_2160, %get3A_2161] {strides = array<i32>} : memref<128x128xi32, #tpu.memory_space<vmem>>, vector<1x16xi32>,
        %get3A_2163 = vector.shape_cast %get3A_2162 : vector<1x16xi32> to vector<16xi32>
        %mul3A_2164 = arith.constant 16 : i32
        %mul3A_2165 = arith.muli %scan3A_72, %mul3A_2164 : i32
        %add3A_2166 = arith.constant 3 : i32
        %add3A_2167 = arith.addi %mul3A_2165, %add3A_2166 : i32
        %get3A_2168 = arith.index_cast %add3A_2167 : i32 to index
        %get3A_2169 = arith.constant 112 : index
        %get3A_2170 = tpu.vector_load %arg7[%get3A_2168, %get3A_2169] {strides = array<i32>} : memref<128x128xi32, #tpu.memory_space<vmem>>, vector<1x16xi32>,
        %get3A_2171 = vector.shape_cast %get3A_2170 : vector<1x16xi32> to vector<16xi32>
        %mul3A_2172 = arith.constant 16 : i32
        %mul3A_2173 = arith.muli %scan3A_72, %mul3A_2172 : i32
        %add3A_2174 = arith.constant 4 : i32
        %add3A_2175 = arith.addi %mul3A_2173, %add3A_2174 : i32
        %get3A_2176 = arith.index_cast %add3A_2175 : i32 to index
        %get3A_2177 = arith.constant 112 : index
        %get3A_2178 = tpu.vector_load %arg7[%get3A_2176, %get3A_2177] {strides = array<i32>} : memref<128x128xi32, #tpu.memory_space<vmem>>, vector<1x16xi32>,
        %get3A_2179 = vector.shape_cast %get3A_2178 : vector<1x16xi32> to vector<16xi32>
        %mul3A_2180 = arith.constant 16 : i32
        %mul3A_2181 = arith.muli %scan3A_72, %mul3A_2180 : i32
        %add3A_2182 = arith.constant 5 : i32
        %add3A_2183 = arith.addi %mul3A_2181, %add3A_2182 : i32
        %get3A_2184 = arith.index_cast %add3A_2183 : i32 to index
        %get3A_2185 = arith.constant 112 : index
        %get3A_2186 = tpu.vector_load %arg7[%get3A_2184, %get3A_2185] {strides = array<i32>} : memref<128x128xi32, #tpu.memory_space<vmem>>, vector<1x16xi32>,
        %get3A_2187 = vector.shape_cast %get3A_2186 : vector<1x16xi32> to vector<16xi32>
        %mul3A_2188 = arith.constant 16 : i32
        %mul3A_2189 = arith.muli %scan3A_72, %mul3A_2188 : i32
        %add3A_2190 = arith.constant 6 : i32
        %add3A_2191 = arith.addi %mul3A_2189, %add3A_2190 : i32
        %get3A_2192 = arith.index_cast %add3A_2191 : i32 to index
        %get3A_2193 = arith.constant 112 : index
        %get3A_2194 = tpu.vector_load %arg7[%get3A_2192, %get3A_2193] {strides = array<i32>} : memref<128x128xi32, #tpu.memory_space<vmem>>, vector<1x16xi32>,
        %get3A_2195 = vector.shape_cast %get3A_2194 : vector<1x16xi32> to vector<16xi32>
        %mul3A_2196 = arith.constant 16 : i32
        %mul3A_2197 = arith.muli %scan3A_72, %mul3A_2196 : i32
        %add3A_2198 = arith.constant 7 : i32
        %add3A_2199 = arith.addi %mul3A_2197, %add3A_2198 : i32
        %get3A_2200 = arith.index_cast %add3A_2199 : i32 to index
        %get3A_2201 = arith.constant 112 : index
        %get3A_2202 = tpu.vector_load %arg7[%get3A_2200, %get3A_2201] {strides = array<i32>} : memref<128x128xi32, #tpu.memory_space<vmem>>, vector<1x16xi32>,
        %get3A_2203 = vector.shape_cast %get3A_2202 : vector<1x16xi32> to vector<16xi32>
        %mul3A_2204 = arith.constant 16 : i32
        %mul3A_2205 = arith.muli %scan3A_72, %mul3A_2204 : i32
        %add3A_2206 = arith.constant 8 : i32
        %add3A_2207 = arith.addi %mul3A_2205, %add3A_2206 : i32
        %get3A_2208 = arith.index_cast %add3A_2207 : i32 to index
        %get3A_2209 = arith.constant 112 : index
        %get3A_2210 = tpu.vector_load %arg7[%get3A_2208, %get3A_2209] {strides = array<i32>} : memref<128x128xi32, #tpu.memory_space<vmem>>, vector<1x16xi32>,
        %get3A_2211 = vector.shape_cast %get3A_2210 : vector<1x16xi32> to vector<16xi32>
        %mul3A_2212 = arith.constant 16 : i32
        %mul3A_2213 = arith.muli %scan3A_72, %mul3A_2212 : i32
        %add3A_2214 = arith.constant 9 : i32
        %add3A_2215 = arith.addi %mul3A_2213, %add3A_2214 : i32
        %get3A_2216 = arith.index_cast %add3A_2215 : i32 to index
        %get3A_2217 = arith.constant 112 : index
        %get3A_2218 = tpu.vector_load %arg7[%get3A_2216, %get3A_2217] {strides = array<i32>} : memref<128x128xi32, #tpu.memory_space<vmem>>, vector<1x16xi32>,
        %get3A_2219 = vector.shape_cast %get3A_2218 : vector<1x16xi32> to vector<16xi32>
        %mul3A_2220 = arith.constant 16 : i32
        %mul3A_2221 = arith.muli %scan3A_72, %mul3A_2220 : i32
        %add3A_2222 = arith.constant 10 : i32
        %add3A_2223 = arith.addi %mul3A_2221, %add3A_2222 : i32
        %get3A_2224 = arith.index_cast %add3A_2223 : i32 to index
        %get3A_2225 = arith.constant 112 : index
        %get3A_2226 = tpu.vector_load %arg7[%get3A_2224, %get3A_2225] {strides = array<i32>} : memref<128x128xi32, #tpu.memory_space<vmem>>, vector<1x16xi32>,
        %get3A_2227 = vector.shape_cast %get3A_2226 : vector<1x16xi32> to vector<16xi32>
        %mul3A_2228 = arith.constant 16 : i32
        %mul3A_2229 = arith.muli %scan3A_72, %mul3A_2228 : i32
        %add3A_2230 = arith.constant 11 : i32
        %add3A_2231 = arith.addi %mul3A_2229, %add3A_2230 : i32
        %get3A_2232 = arith.index_cast %add3A_2231 : i32 to index
        %get3A_2233 = arith.constant 112 : index
        %get3A_2234 = tpu.vector_load %arg7[%get3A_2232, %get3A_2233] {strides = array<i32>} : memref<128x128xi32, #tpu.memory_space<vmem>>, vector<1x16xi32>,
        %get3A_2235 = vector.shape_cast %get3A_2234 : vector<1x16xi32> to vector<16xi32>
        %mul3A_2236 = arith.constant 16 : i32
        %mul3A_2237 = arith.muli %scan3A_72, %mul3A_2236 : i32
        %add3A_2238 = arith.constant 12 : i32
        %add3A_2239 = arith.addi %mul3A_2237, %add3A_2238 : i32
        %get3A_2240 = arith.index_cast %add3A_2239 : i32 to index
        %get3A_2241 = arith.constant 112 : index
        %get3A_2242 = tpu.vector_load %arg7[%get3A_2240, %get3A_2241] {strides = array<i32>} : memref<128x128xi32, #tpu.memory_space<vmem>>, vector<1x16xi32>,
        %get3A_2243 = vector.shape_cast %get3A_2242 : vector<1x16xi32> to vector<16xi32>
        %mul3A_2244 = arith.constant 16 : i32
        %mul3A_2245 = arith.muli %scan3A_72, %mul3A_2244 : i32
        %add3A_2246 = arith.constant 13 : i32
        %add3A_2247 = arith.addi %mul3A_2245, %add3A_2246 : i32
        %get3A_2248 = arith.index_cast %add3A_2247 : i32 to index
        %get3A_2249 = arith.constant 112 : index
        %get3A_2250 = tpu.vector_load %arg7[%get3A_2248, %get3A_2249] {strides = array<i32>} : memref<128x128xi32, #tpu.memory_space<vmem>>, vector<1x16xi32>,
        %get3A_2251 = vector.shape_cast %get3A_2250 : vector<1x16xi32> to vector<16xi32>
        %mul3A_2252 = arith.constant 16 : i32
        %mul3A_2253 = arith.muli %scan3A_72, %mul3A_2252 : i32
        %add3A_2254 = arith.constant 14 : i32
        %add3A_2255 = arith.addi %mul3A_2253, %add3A_2254 : i32
        %get3A_2256 = arith.index_cast %add3A_2255 : i32 to index
        %get3A_2257 = arith.constant 112 : index
        %get3A_2258 = tpu.vector_load %arg7[%get3A_2256, %get3A_2257] {strides = array<i32>} : memref<128x128xi32, #tpu.memory_space<vmem>>, vector<1x16xi32>,
        %get3A_2259 = vector.shape_cast %get3A_2258 : vector<1x16xi32> to vector<16xi32>
        %mul3A_2260 = arith.constant 16 : i32
        %mul3A_2261 = arith.muli %scan3A_72, %mul3A_2260 : i32
        %add3A_2262 = arith.constant 15 : i32
        %add3A_2263 = arith.addi %mul3A_2261, %add3A_2262 : i32
        %get3A_2264 = arith.index_cast %add3A_2263 : i32 to index
        %get3A_2265 = arith.constant 112 : index
        %get3A_2266 = tpu.vector_load %arg7[%get3A_2264, %get3A_2265] {strides = array<i32>} : memref<128x128xi32, #tpu.memory_space<vmem>>, vector<1x16xi32>,
        %get3A_2267 = vector.shape_cast %get3A_2266 : vector<1x16xi32> to vector<16xi32>
        %shift_left3A_2268 = arith.constant 16 : i32
        %shift_left3A_2269 = vector.broadcast %shift_left3A_2268 : i32 to vector<16xi32>
        %shift_left3A_2270 = arith.shli %get3A_2147, %shift_left3A_2269 : vector<16xi32>
        %bitcast_convert_type3A_2271 = tpu.bitcast %shift_left3A_2270 : vector<16xi32> -> vector<16xf32>
        %shift_left3A_2272 = arith.constant 16 : i32
        %shift_left3A_2273 = vector.broadcast %shift_left3A_2272 : i32 to vector<16xi32>
        %shift_left3A_2274 = arith.shli %get3A_2155, %shift_left3A_2273 : vector<16xi32>
        %bitcast_convert_type3A_2275 = tpu.bitcast %shift_left3A_2274 : vector<16xi32> -> vector<16xf32>
        %shift_left3A_2276 = arith.constant 16 : i32
        %shift_left3A_2277 = vector.broadcast %shift_left3A_2276 : i32 to vector<16xi32>
        %shift_left3A_2278 = arith.shli %get3A_2163, %shift_left3A_2277 : vector<16xi32>
        %bitcast_convert_type3A_2279 = tpu.bitcast %shift_left3A_2278 : vector<16xi32> -> vector<16xf32>
        %shift_left3A_2280 = arith.constant 16 : i32
        %shift_left3A_2281 = vector.broadcast %shift_left3A_2280 : i32 to vector<16xi32>
        %shift_left3A_2282 = arith.shli %get3A_2171, %shift_left3A_2281 : vector<16xi32>
        %bitcast_convert_type3A_2283 = tpu.bitcast %shift_left3A_2282 : vector<16xi32> -> vector<16xf32>
        %shift_left3A_2284 = arith.constant 16 : i32
        %shift_left3A_2285 = vector.broadcast %shift_left3A_2284 : i32 to vector<16xi32>
        %shift_left3A_2286 = arith.shli %get3A_2179, %shift_left3A_2285 : vector<16xi32>
        %bitcast_convert_type3A_2287 = tpu.bitcast %shift_left3A_2286 : vector<16xi32> -> vector<16xf32>
        %shift_left3A_2288 = arith.constant 16 : i32
        %shift_left3A_2289 = vector.broadcast %shift_left3A_2288 : i32 to vector<16xi32>
        %shift_left3A_2290 = arith.shli %get3A_2187, %shift_left3A_2289 : vector<16xi32>
        %bitcast_convert_type3A_2291 = tpu.bitcast %shift_left3A_2290 : vector<16xi32> -> vector<16xf32>
        %shift_left3A_2292 = arith.constant 16 : i32
        %shift_left3A_2293 = vector.broadcast %shift_left3A_2292 : i32 to vector<16xi32>
        %shift_left3A_2294 = arith.shli %get3A_2195, %shift_left3A_2293 : vector<16xi32>
        %bitcast_convert_type3A_2295 = tpu.bitcast %shift_left3A_2294 : vector<16xi32> -> vector<16xf32>
        %shift_left3A_2296 = arith.constant 16 : i32
        %shift_left3A_2297 = vector.broadcast %shift_left3A_2296 : i32 to vector<16xi32>
        %shift_left3A_2298 = arith.shli %get3A_2203, %shift_left3A_2297 : vector<16xi32>
        %bitcast_convert_type3A_2299 = tpu.bitcast %shift_left3A_2298 : vector<16xi32> -> vector<16xf32>
        %shift_left3A_2300 = arith.constant 16 : i32
        %shift_left3A_2301 = vector.broadcast %shift_left3A_2300 : i32 to vector<16xi32>
        %shift_left3A_2302 = arith.shli %get3A_2211, %shift_left3A_2301 : vector<16xi32>
        %bitcast_convert_type3A_2303 = tpu.bitcast %shift_left3A_2302 : vector<16xi32> -> vector<16xf32>
        %shift_left3A_2304 = arith.constant 16 : i32
        %shift_left3A_2305 = vector.broadcast %shift_left3A_2304 : i32 to vector<16xi32>
        %shift_left3A_2306 = arith.shli %get3A_2219, %shift_left3A_2305 : vector<16xi32>
        %bitcast_convert_type3A_2307 = tpu.bitcast %shift_left3A_2306 : vector<16xi32> -> vector<16xf32>
        %shift_left3A_2308 = arith.constant 16 : i32
        %shift_left3A_2309 = vector.broadcast %shift_left3A_2308 : i32 to vector<16xi32>
        %shift_left3A_2310 = arith.shli %get3A_2227, %shift_left3A_2309 : vector<16xi32>
        %bitcast_convert_type3A_2311 = tpu.bitcast %shift_left3A_2310 : vector<16xi32> -> vector<16xf32>
        %shift_left3A_2312 = arith.constant 16 : i32
        %shift_left3A_2313 = vector.broadcast %shift_left3A_2312 : i32 to vector<16xi32>
        %shift_left3A_2314 = arith.shli %get3A_2235, %shift_left3A_2313 : vector<16xi32>
        %bitcast_convert_type3A_2315 = tpu.bitcast %shift_left3A_2314 : vector<16xi32> -> vector<16xf32>
        %shift_left3A_2316 = arith.constant 16 : i32
        %shift_left3A_2317 = vector.broadcast %shift_left3A_2316 : i32 to vector<16xi32>
        %shift_left3A_2318 = arith.shli %get3A_2243, %shift_left3A_2317 : vector<16xi32>
        %bitcast_convert_type3A_2319 = tpu.bitcast %shift_left3A_2318 : vector<16xi32> -> vector<16xf32>
        %shift_left3A_2320 = arith.constant 16 : i32
        %shift_left3A_2321 = vector.broadcast %shift_left3A_2320 : i32 to vector<16xi32>
        %shift_left3A_2322 = arith.shli %get3A_2251, %shift_left3A_2321 : vector<16xi32>
        %bitcast_convert_type3A_2323 = tpu.bitcast %shift_left3A_2322 : vector<16xi32> -> vector<16xf32>
        %shift_left3A_2324 = arith.constant 16 : i32
        %shift_left3A_2325 = vector.broadcast %shift_left3A_2324 : i32 to vector<16xi32>
        %shift_left3A_2326 = arith.shli %get3A_2259, %shift_left3A_2325 : vector<16xi32>
        %bitcast_convert_type3A_2327 = tpu.bitcast %shift_left3A_2326 : vector<16xi32> -> vector<16xf32>
        %shift_left3A_2328 = arith.constant 16 : i32
        %shift_left3A_2329 = vector.broadcast %shift_left3A_2328 : i32 to vector<16xi32>
        %shift_left3A_2330 = arith.shli %get3A_2267, %shift_left3A_2329 : vector<16xi32>
        %bitcast_convert_type3A_2331 = tpu.bitcast %shift_left3A_2330 : vector<16xi32> -> vector<16xf32>
        %and3A_2332 = arith.constant -65536 : i32
        %and3A_2333 = vector.broadcast %and3A_2332 : i32 to vector<16xi32>
        %and3A_2334 = arith.andi %get3A_2147, %and3A_2333 : vector<16xi32>
        %bitcast_convert_type3A_2335 = tpu.bitcast %and3A_2334 : vector<16xi32> -> vector<16xf32>
        %and3A_2336 = arith.constant -65536 : i32
        %and3A_2337 = vector.broadcast %and3A_2336 : i32 to vector<16xi32>
        %and3A_2338 = arith.andi %get3A_2155, %and3A_2337 : vector<16xi32>
        %bitcast_convert_type3A_2339 = tpu.bitcast %and3A_2338 : vector<16xi32> -> vector<16xf32>
        %and3A_2340 = arith.constant -65536 : i32
        %and3A_2341 = vector.broadcast %and3A_2340 : i32 to vector<16xi32>
        %and3A_2342 = arith.andi %get3A_2163, %and3A_2341 : vector<16xi32>
        %bitcast_convert_type3A_2343 = tpu.bitcast %and3A_2342 : vector<16xi32> -> vector<16xf32>
        %and3A_2344 = arith.constant -65536 : i32
        %and3A_2345 = vector.broadcast %and3A_2344 : i32 to vector<16xi32>
        %and3A_2346 = arith.andi %get3A_2171, %and3A_2345 : vector<16xi32>
        %bitcast_convert_type3A_2347 = tpu.bitcast %and3A_2346 : vector<16xi32> -> vector<16xf32>
        %and3A_2348 = arith.constant -65536 : i32
        %and3A_2349 = vector.broadcast %and3A_2348 : i32 to vector<16xi32>
        %and3A_2350 = arith.andi %get3A_2179, %and3A_2349 : vector<16xi32>
        %bitcast_convert_type3A_2351 = tpu.bitcast %and3A_2350 : vector<16xi32> -> vector<16xf32>
        %and3A_2352 = arith.constant -65536 : i32
        %and3A_2353 = vector.broadcast %and3A_2352 : i32 to vector<16xi32>
        %and3A_2354 = arith.andi %get3A_2187, %and3A_2353 : vector<16xi32>
        %bitcast_convert_type3A_2355 = tpu.bitcast %and3A_2354 : vector<16xi32> -> vector<16xf32>
        %and3A_2356 = arith.constant -65536 : i32
        %and3A_2357 = vector.broadcast %and3A_2356 : i32 to vector<16xi32>
        %and3A_2358 = arith.andi %get3A_2195, %and3A_2357 : vector<16xi32>
        %bitcast_convert_type3A_2359 = tpu.bitcast %and3A_2358 : vector<16xi32> -> vector<16xf32>
        %and3A_2360 = arith.constant -65536 : i32
        %and3A_2361 = vector.broadcast %and3A_2360 : i32 to vector<16xi32>
        %and3A_2362 = arith.andi %get3A_2203, %and3A_2361 : vector<16xi32>
        %bitcast_convert_type3A_2363 = tpu.bitcast %and3A_2362 : vector<16xi32> -> vector<16xf32>
        %and3A_2364 = arith.constant -65536 : i32
        %and3A_2365 = vector.broadcast %and3A_2364 : i32 to vector<16xi32>
        %and3A_2366 = arith.andi %get3A_2211, %and3A_2365 : vector<16xi32>
        %bitcast_convert_type3A_2367 = tpu.bitcast %and3A_2366 : vector<16xi32> -> vector<16xf32>
        %and3A_2368 = arith.constant -65536 : i32
        %and3A_2369 = vector.broadcast %and3A_2368 : i32 to vector<16xi32>
        %and3A_2370 = arith.andi %get3A_2219, %and3A_2369 : vector<16xi32>
        %bitcast_convert_type3A_2371 = tpu.bitcast %and3A_2370 : vector<16xi32> -> vector<16xf32>
        %and3A_2372 = arith.constant -65536 : i32
        %and3A_2373 = vector.broadcast %and3A_2372 : i32 to vector<16xi32>
        %and3A_2374 = arith.andi %get3A_2227, %and3A_2373 : vector<16xi32>
        %bitcast_convert_type3A_2375 = tpu.bitcast %and3A_2374 : vector<16xi32> -> vector<16xf32>
        %and3A_2376 = arith.constant -65536 : i32
        %and3A_2377 = vector.broadcast %and3A_2376 : i32 to vector<16xi32>
        %and3A_2378 = arith.andi %get3A_2235, %and3A_2377 : vector<16xi32>
        %bitcast_convert_type3A_2379 = tpu.bitcast %and3A_2378 : vector<16xi32> -> vector<16xf32>
        %and3A_2380 = arith.constant -65536 : i32
        %and3A_2381 = vector.broadcast %and3A_2380 : i32 to vector<16xi32>
        %and3A_2382 = arith.andi %get3A_2243, %and3A_2381 : vector<16xi32>
        %bitcast_convert_type3A_2383 = tpu.bitcast %and3A_2382 : vector<16xi32> -> vector<16xf32>
        %and3A_2384 = arith.constant -65536 : i32
        %and3A_2385 = vector.broadcast %and3A_2384 : i32 to vector<16xi32>
        %and3A_2386 = arith.andi %get3A_2251, %and3A_2385 : vector<16xi32>
        %bitcast_convert_type3A_2387 = tpu.bitcast %and3A_2386 : vector<16xi32> -> vector<16xf32>
        %and3A_2388 = arith.constant -65536 : i32
        %and3A_2389 = vector.broadcast %and3A_2388 : i32 to vector<16xi32>
        %and3A_2390 = arith.andi %get3A_2259, %and3A_2389 : vector<16xi32>
        %bitcast_convert_type3A_2391 = tpu.bitcast %and3A_2390 : vector<16xi32> -> vector<16xf32>
        %and3A_2392 = arith.constant -65536 : i32
        %and3A_2393 = vector.broadcast %and3A_2392 : i32 to vector<16xi32>
        %and3A_2394 = arith.andi %get3A_2267, %and3A_2393 : vector<16xi32>
        %bitcast_convert_type3A_2395 = tpu.bitcast %and3A_2394 : vector<16xi32> -> vector<16xf32>
        %max3A_2396 = arith.maximumf %bitcast_convert_type3A_2271, %bitcast_convert_type3A_2275 : vector<16xf32>
        %max3A_2397 = arith.maximumf %bitcast_convert_type3A_2279, %bitcast_convert_type3A_2283 : vector<16xf32>
        %max3A_2398 = arith.maximumf %bitcast_convert_type3A_2287, %bitcast_convert_type3A_2291 : vector<16xf32>
        %max3A_2399 = arith.maximumf %bitcast_convert_type3A_2295, %bitcast_convert_type3A_2299 : vector<16xf32>
        %max3A_2400 = arith.maximumf %bitcast_convert_type3A_2303, %bitcast_convert_type3A_2307 : vector<16xf32>
        %max3A_2401 = arith.maximumf %bitcast_convert_type3A_2311, %bitcast_convert_type3A_2315 : vector<16xf32>
        %max3A_2402 = arith.maximumf %bitcast_convert_type3A_2319, %bitcast_convert_type3A_2323 : vector<16xf32>
        %max3A_2403 = arith.maximumf %bitcast_convert_type3A_2327, %bitcast_convert_type3A_2331 : vector<16xf32>
        %max3A_2404 = arith.maximumf %max3A_2396, %max3A_2397 : vector<16xf32>
        %max3A_2405 = arith.maximumf %max3A_2398, %max3A_2399 : vector<16xf32>
        %max3A_2406 = arith.maximumf %max3A_2400, %max3A_2401 : vector<16xf32>
        %max3A_2407 = arith.maximumf %max3A_2402, %max3A_2403 : vector<16xf32>
        %max3A_2408 = arith.maximumf %max3A_2404, %max3A_2405 : vector<16xf32>
        %max3A_2409 = arith.maximumf %max3A_2406, %max3A_2407 : vector<16xf32>
        %max3A_2410 = arith.maximumf %max3A_2408, %max3A_2409 : vector<16xf32>
        %swap3A_2411 = arith.index_cast %scan3A_72 : i32 to index
        %swap3A_2412 = arith.constant 224 : index
        %swap3A_2413 = tpu.vector_load %arg8[%swap3A_2411, %swap3A_2412] {strides = array<i32>} : memref<8x256xf32, #tpu.memory_space<vmem>>, vector<1x16xf32>,
        %swap3A_2414 = vector.shape_cast %swap3A_2413 : vector<1x16xf32> to vector<16xf32>
        %swap3A_2415 = vector.shape_cast %max3A_2410 : vector<16xf32> to vector<1x16xf32>
        tpu.vector_store %arg8[%swap3A_2411, %swap3A_2412], %swap3A_2415 {strides = array<i32>} : memref<8x256xf32, #tpu.memory_space<vmem>>, vector<1x16xf32>,
        %max3A_2416 = arith.maximumf %bitcast_convert_type3A_2335, %bitcast_convert_type3A_2339 : vector<16xf32>
        %max3A_2417 = arith.maximumf %bitcast_convert_type3A_2343, %bitcast_convert_type3A_2347 : vector<16xf32>
        %max3A_2418 = arith.maximumf %bitcast_convert_type3A_2351, %bitcast_convert_type3A_2355 : vector<16xf32>
        %max3A_2419 = arith.maximumf %bitcast_convert_type3A_2359, %bitcast_convert_type3A_2363 : vector<16xf32>
        %max3A_2420 = arith.maximumf %bitcast_convert_type3A_2367, %bitcast_convert_type3A_2371 : vector<16xf32>
        %max3A_2421 = arith.maximumf %bitcast_convert_type3A_2375, %bitcast_convert_type3A_2379 : vector<16xf32>
        %max3A_2422 = arith.maximumf %bitcast_convert_type3A_2383, %bitcast_convert_type3A_2387 : vector<16xf32>
        %max3A_2423 = arith.maximumf %bitcast_convert_type3A_2391, %bitcast_convert_type3A_2395 : vector<16xf32>
        %max3A_2424 = arith.maximumf %max3A_2416, %max3A_2417 : vector<16xf32>
        %max3A_2425 = arith.maximumf %max3A_2418, %max3A_2419 : vector<16xf32>
        %max3A_2426 = arith.maximumf %max3A_2420, %max3A_2421 : vector<16xf32>
        %max3A_2427 = arith.maximumf %max3A_2422, %max3A_2423 : vector<16xf32>
        %max3A_2428 = arith.maximumf %max3A_2424, %max3A_2425 : vector<16xf32>
        %max3A_2429 = arith.maximumf %max3A_2426, %max3A_2427 : vector<16xf32>
        %max3A_2430 = arith.maximumf %max3A_2428, %max3A_2429 : vector<16xf32>
        %swap3A_2431 = arith.index_cast %scan3A_72 : i32 to index
        %swap3A_2432 = arith.constant 240 : index
        %swap3A_2433 = tpu.vector_load %arg8[%swap3A_2431, %swap3A_2432] {strides = array<i32>} : memref<8x256xf32, #tpu.memory_space<vmem>>, vector<1x16xf32>,
        %swap3A_2434 = vector.shape_cast %swap3A_2433 : vector<1x16xf32> to vector<16xf32>
        %swap3A_2435 = vector.shape_cast %max3A_2430 : vector<16xf32> to vector<1x16xf32>
        tpu.vector_store %arg8[%swap3A_2431, %swap3A_2432], %swap3A_2435 {strides = array<i32>} : memref<8x256xf32, #tpu.memory_space<vmem>>, vector<1x16xf32>,
        %scan3A_2436 = arith.constant 0 : i32
        scf.yield %scan3A_2436 : i32
      }
      %scan3A_65 = arith.constant 8 : i32
      %mul3A_66 = arith.constant 64 : i32
      %mul3A_67 = arith.muli %add3A, %mul3A_66 : i32
      %mul3A_68 = arith.constant 8 : i32
      %mul3A_69 = arith.muli %add3A_45, %mul3A_68 : i32
      %add3A_70 = arith.addi %mul3A_67, %mul3A_69 : i32
      "tpu.region"() ({
        %run_scoped3A = tpu.sem_alloc : memref<!tpu.dma_semaphore, #tpu.memory_space<semaphore_mem>>
        %dma_start3A_72 = arith.constant 0 : i32
        %dma_start3A_73 = tpu.memref_slice %arg4[%add3A_70, %dma_start3A_72] : memref<2048x256xf32, #tpu.memory_space<hbm>> -> memref<8x256xf32, #tpu.memory_space<hbm>>
        %dma_start3A_74 = arith.constant 0 : i32
        %dma_start3A_75 = tpu.memref_slice %arg4[%add3A_70, %dma_start3A_74] : memref<2048x256xf32, #tpu.memory_space<hbm>> -> memref<8x256xf32, #tpu.memory_space<hbm>>
        tpu.enqueue_dma source(%arg8 : memref<8x256xf32, #tpu.memory_space<vmem>>) target(%dma_start3A_75 : memref<8x256xf32, #tpu.memory_space<hbm>>) target_semaphore(%run_scoped3A : memref<!tpu.dma_semaphore, #tpu.memory_space<semaphore_mem>>)
        %dma_wait3A_76 = arith.constant 0 : i32
        %dma_wait3A_77 = tpu.memref_slice %arg4[%add3A_70, %dma_wait3A_76] : memref<2048x256xf32, #tpu.memory_space<hbm>> -> memref<8x256xf32, #tpu.memory_space<hbm>>
        %dma_wait3A_78 = arith.constant 0 : i32
        %dma_wait3A_79 = tpu.memref_slice %arg4[%add3A_70, %dma_wait3A_78] : memref<2048x256xf32, #tpu.memory_space<hbm>> -> memref<8x256xf32, #tpu.memory_space<hbm>>
        tpu.wait_dma2 semaphore(%run_scoped3A : memref<!tpu.dma_semaphore, #tpu.memory_space<semaphore_mem>>) src(%arg8 : memref<8x256xf32, #tpu.memory_space<vmem>>) dst(%dma_wait3A_79 : memref<8x256xf32, #tpu.memory_space<hbm>>)
        tpu.yield
      }) : () -> ()
      %scan3A_71 = arith.constant 0 : i32
      scf.yield %scan3A_71 : i32
    }
    %scan3A_14 = arith.constant 4 : i32
    return
  }
}

module attributes {stable_mosaic.version = 14 : i64} {
  func.func @_tc_body(%arg0: memref<2048x256xf32, #tpu.memory_space<vmem>>, %arg1: memref<2x256x1024xf32, #tpu.memory_space<vmem>>, %arg2: memref<2x1024xf32, #tpu.memory_space<vmem>>, %arg3: memref<1024x512xf32, #tpu.memory_space<vmem>>, %arg4: memref<256x512xf32, #tpu.memory_space<vmem>>, %arg5: memref<512x256xf32, #tpu.memory_space<vmem>>, %arg6: memref<1x512xf32, #tpu.memory_space<vmem>>, %arg7: memref<1x256xf32, #tpu.memory_space<vmem>>, %arg8: memref<2048x256xf32, #tpu.memory_space<vmem>>, %arg9: memref<2048x16xi32, #tpu.memory_space<vmem>>) attributes {dimension_semantics = [], scalar_prefetch = 0 : i64, scratch_operands = 0 : i64, tpu.core_type = #tpu.core_type<tc>} {
    %get3A = arith.constant 0 : index
    %get3A_0 = arith.constant 0 : index
    %get3A_1 = vector.load %arg0[%get3A, %get3A_0] : memref<2048x256xf32, #tpu.memory_space<vmem>>, vector<2048x256xf32>
    %get3A_2 = arith.constant 0 : index
    %get3A_3 = arith.constant 0 : index
    %get3A_4 = arith.constant 0 : index
    %get3A_5 = vector.load %arg1[%get3A_2, %get3A_3, %get3A_4] : memref<2x256x1024xf32, #tpu.memory_space<vmem>>, vector<1x256x1024xf32>
    %get3A_6 = vector.shape_cast %get3A_5 : vector<1x256x1024xf32> to vector<256x1024xf32>
    %slice3A = vector.extract_strided_slice %get3A_1 {offsets = [0, 0], sizes = [1024, 256], strides = [1, 1]} : vector<2048x256xf32> to vector<1024x256xf32>
    %dot_general3A = arith.constant dense<0.000000e+00> : vector<1024x1024xf32>
    %dot_general3A_7 = tpu.matmul %slice3A, %get3A_6, %dot_general3A {dimension_numbers = #tpu.dot_dimension_numbers<[1], [0], [0], [1], [0, 0, 1, 1], [], []>, transpose_lhs_hint = false} : vector<1024x256xf32>, vector<256x1024xf32>, vector<1024x1024xf32> -> vector<1024x1024xf32>
    %mul3A = arith.mulf %slice3A, %slice3A : vector<1024x256xf32>
    %reduce_sum3A = arith.constant dense<0.000000e+00> : vector<1024xf32>
    %reduce_sum3A_8 = vector.multi_reduction <add>, %mul3A, %reduce_sum3A [1] : vector<1024x256xf32> to vector<1024xf32>
    %broadcast_in_dim3A = vector.shape_cast %reduce_sum3A_8 : vector<1024xf32> to vector<1024x1xf32>
    %mul3A_9 = arith.mulf %get3A_6, %get3A_6 : vector<256x1024xf32>
    %reduce_sum3A_10 = arith.constant dense<0.000000e+00> : vector<1024xf32>
    %reduce_sum3A_11 = vector.multi_reduction <add>, %mul3A_9, %reduce_sum3A_10 [0] : vector<256x1024xf32> to vector<1024xf32>
    %broadcast_in_dim3A_12 = vector.shape_cast %reduce_sum3A_11 : vector<1024xf32> to vector<1x1024xf32>
    %add3A = vector.broadcast %broadcast_in_dim3A : vector<1024x1xf32> to vector<1024x1024xf32>
    %add3A_13 = vector.broadcast %broadcast_in_dim3A_12 : vector<1x1024xf32> to vector<1024x1024xf32>
    %add3A_14 = arith.addf %add3A, %add3A_13 : vector<1024x1024xf32>
    %mul3A_15 = arith.constant 2.000000e+00 : f32
    %mul3A_16 = vector.broadcast %mul3A_15 : f32 to vector<1024x1024xf32>
    %mul3A_17 = arith.mulf %mul3A_16, %dot_general3A_7 : vector<1024x1024xf32>
    %sub3A = arith.subf %add3A_14, %mul3A_17 : vector<1024x1024xf32>
    %get3A_18 = arith.constant 1 : index
    %get3A_19 = arith.constant 0 : index
    %get3A_20 = arith.constant 0 : index
    %get3A_21 = vector.load %arg1[%get3A_18, %get3A_19, %get3A_20] : memref<2x256x1024xf32, #tpu.memory_space<vmem>>, vector<1x256x1024xf32>
    %get3A_22 = vector.shape_cast %get3A_21 : vector<1x256x1024xf32> to vector<256x1024xf32>
    %slice3A_23 = vector.extract_strided_slice %get3A_1 {offsets = [1024, 0], sizes = [1024, 256], strides = [1, 1]} : vector<2048x256xf32> to vector<1024x256xf32>
    %dot_general3A_24 = arith.constant dense<0.000000e+00> : vector<1024x1024xf32>
    %dot_general3A_25 = tpu.matmul %slice3A_23, %get3A_22, %dot_general3A_24 {dimension_numbers = #tpu.dot_dimension_numbers<[1], [0], [0], [1], [0, 0, 1, 1], [], []>, transpose_lhs_hint = false} : vector<1024x256xf32>, vector<256x1024xf32>, vector<1024x1024xf32> -> vector<1024x1024xf32>
    %mul3A_26 = arith.mulf %slice3A_23, %slice3A_23 : vector<1024x256xf32>
    %reduce_sum3A_27 = arith.constant dense<0.000000e+00> : vector<1024xf32>
    %reduce_sum3A_28 = vector.multi_reduction <add>, %mul3A_26, %reduce_sum3A_27 [1] : vector<1024x256xf32> to vector<1024xf32>
    %broadcast_in_dim3A_29 = vector.shape_cast %reduce_sum3A_28 : vector<1024xf32> to vector<1024x1xf32>
    %mul3A_30 = arith.mulf %get3A_22, %get3A_22 : vector<256x1024xf32>
    %reduce_sum3A_31 = arith.constant dense<0.000000e+00> : vector<1024xf32>
    %reduce_sum3A_32 = vector.multi_reduction <add>, %mul3A_30, %reduce_sum3A_31 [0] : vector<256x1024xf32> to vector<1024xf32>
    %broadcast_in_dim3A_33 = vector.shape_cast %reduce_sum3A_32 : vector<1024xf32> to vector<1x1024xf32>
    %add3A_34 = vector.broadcast %broadcast_in_dim3A_29 : vector<1024x1xf32> to vector<1024x1024xf32>
    %add3A_35 = vector.broadcast %broadcast_in_dim3A_33 : vector<1x1024xf32> to vector<1024x1024xf32>
    %add3A_36 = arith.addf %add3A_34, %add3A_35 : vector<1024x1024xf32>
    %mul3A_37 = arith.constant 2.000000e+00 : f32
    %mul3A_38 = vector.broadcast %mul3A_37 : f32 to vector<1024x1024xf32>
    %mul3A_39 = arith.mulf %mul3A_38, %dot_general3A_25 : vector<1024x1024xf32>
    %sub3A_40 = arith.subf %add3A_36, %mul3A_39 : vector<1024x1024xf32>
    %concatenate3A = tpu.concatenate %sub3A, %sub3A_40 in 0 : vector<1024x1024xf32>, vector<1024x1024xf32> -> vector<2048x1024xf32>
    %broadcast_in_dim3A_41 = arith.constant 0 : i32
    %broadcast_in_dim3A_42 = vector.broadcast %broadcast_in_dim3A_41 : i32 to vector<2048x16xi32>
    %scan3A = arith.constant 0 : i32
    %scan3A_43 = arith.constant 15 : i32
    %scan3A_44 = arith.addi %scan3A, %scan3A_43 : i32
    %scan3A_45 = arith.constant 1 : i32
    %scan3A_46:2 = scf.for %scan3A_138 = %scan3A to %scan3A_44 step %scan3A_45 iter_args(%scan3A_139 = %concatenate3A, %scan3A_140 = %broadcast_in_dim3A_42) -> (vector<2048x1024xf32>, vector<2048x16xi32>)  : i32 {
      %iota3A_141 = tpu.iota {dimensions = array<i32: 1>} : vector<2048x1024xi32>
      %iota3A_142 = tpu.iota {dimensions = array<i32: 1>} : vector<2048x16xi32>
      %reduce_min3A_143 = arith.constant dense<0x7F800000> : vector<2048xf32>
      %reduce_min3A_144 = vector.multi_reduction <minimumf>, %scan3A_139, %reduce_min3A_143 [1] : vector<2048x1024xf32> to vector<2048xf32>
      %broadcast_in_dim3A_145 = vector.shape_cast %reduce_min3A_144 : vector<2048xf32> to vector<2048x1xf32>
      %le3A_146 = vector.broadcast %broadcast_in_dim3A_145 : vector<2048x1xf32> to vector<2048x1024xf32>
      %le3A_147 = arith.cmpf ole, %scan3A_139, %le3A_146 : vector<2048x1024xf32>
      %jit3A_148 = arith.constant 1024 : i32
      %broadcast_in_dim3A_149 = vector.broadcast %jit3A_148 : i32 to vector<2048x1024xi32>
      %select_n3A_150 = arith.select %le3A_147, %iota3A_141, %broadcast_in_dim3A_149 : vector<2048x1024xi1>, vector<2048x1024xi32>
      %reduce_min3A_151 = arith.constant dense<2147483647> : vector<2048xi32>
      %reduce_min3A_152 = vector.multi_reduction <minsi>, %select_n3A_150, %reduce_min3A_151 [1] : vector<2048x1024xi32> to vector<2048xi32>
      %broadcast_in_dim3A_153 = vector.shape_cast %reduce_min3A_152 : vector<2048xi32> to vector<2048x1xi32>
      %eq3A_154 = vector.broadcast %scan3A_138 : i32 to vector<2048x16xi32>
      %eq3A_155 = arith.cmpi eq, %iota3A_142, %eq3A_154 : vector<2048x16xi32>
      %broadcast_in_dim3A_156 = vector.shape_cast %broadcast_in_dim3A_153 : vector<2048x1xi32> to vector<2048x1xi32>
      %broadcast_in_dim3A_157 = vector.broadcast %broadcast_in_dim3A_156 : vector<2048x1xi32> to vector<2048x16xi32>
      %select_n3A_158 = arith.select %eq3A_155, %broadcast_in_dim3A_157, %scan3A_140 : vector<2048x16xi1>, vector<2048x16xi32>
      %eq3A_159 = vector.broadcast %broadcast_in_dim3A_153 : vector<2048x1xi32> to vector<2048x1024xi32>
      %eq3A_160 = arith.cmpi eq, %iota3A_141, %eq3A_159 : vector<2048x1024xi32>
      %jit3A_161 = arith.constant 0x7F800000 : f32
      %broadcast_in_dim3A_162 = vector.broadcast %jit3A_161 : f32 to vector<2048x1024xf32>
      %select_n3A_163 = arith.select %eq3A_160, %broadcast_in_dim3A_162, %scan3A_139 : vector<2048x1024xi1>, vector<2048x1024xf32>
      scf.yield %select_n3A_163, %select_n3A_158 : vector<2048x1024xf32>, vector<2048x16xi32>
    }
    %scan3A_47 = arith.constant 15 : i32
    %iota3A = tpu.iota {dimensions = array<i32: 1>} : vector<2048x1024xi32>
    %iota3A_48 = tpu.iota {dimensions = array<i32: 1>} : vector<2048x16xi32>
    %reduce_min3A = arith.constant dense<0x7F800000> : vector<2048xf32>
    %reduce_min3A_49 = vector.multi_reduction <minimumf>, %scan3A_46#0, %reduce_min3A [1] : vector<2048x1024xf32> to vector<2048xf32>
    %broadcast_in_dim3A_50 = vector.shape_cast %reduce_min3A_49 : vector<2048xf32> to vector<2048x1xf32>
    %le3A = vector.broadcast %broadcast_in_dim3A_50 : vector<2048x1xf32> to vector<2048x1024xf32>
    %le3A_51 = arith.cmpf ole, %scan3A_46#0, %le3A : vector<2048x1024xf32>
    %jit3A = arith.constant 1024 : i32
    %broadcast_in_dim3A_52 = vector.broadcast %jit3A : i32 to vector<2048x1024xi32>
    %select_n3A = arith.select %le3A_51, %iota3A, %broadcast_in_dim3A_52 : vector<2048x1024xi1>, vector<2048x1024xi32>
    %reduce_min3A_53 = arith.constant dense<2147483647> : vector<2048xi32>
    %reduce_min3A_54 = vector.multi_reduction <minsi>, %select_n3A, %reduce_min3A_53 [1] : vector<2048x1024xi32> to vector<2048xi32>
    %broadcast_in_dim3A_55 = vector.shape_cast %reduce_min3A_54 : vector<2048xi32> to vector<2048x1xi32>
    %eq3A = arith.constant 15 : i32
    %eq3A_56 = vector.broadcast %eq3A : i32 to vector<2048x16xi32>
    %eq3A_57 = arith.cmpi eq, %iota3A_48, %eq3A_56 : vector<2048x16xi32>
    %broadcast_in_dim3A_58 = vector.shape_cast %broadcast_in_dim3A_55 : vector<2048x1xi32> to vector<2048x1xi32>
    %broadcast_in_dim3A_59 = vector.broadcast %broadcast_in_dim3A_58 : vector<2048x1xi32> to vector<2048x16xi32>
    %select_n3A_60 = arith.select %eq3A_57, %broadcast_in_dim3A_59, %scan3A_46#1 : vector<2048x16xi1>, vector<2048x16xi32>
    %iota3A_61 = tpu.iota {dimensions = array<i32: 0>} : vector<2048x16xi32>
    %jit3A_62 = arith.constant 1024 : i32
    %div3A = vector.broadcast %jit3A_62 : i32 to vector<2048x16xi32>
    %div3A_63 = arith.divsi %iota3A_61, %div3A : vector<2048x16xi32>
    %sign3A = arith.constant 0 : i32
    %sign3A_64 = vector.broadcast %sign3A : i32 to vector<2048x16xi32>
    %sign3A_65 = arith.cmpi sgt, %iota3A_61, %sign3A_64 : vector<2048x16xi32>
    %sign3A_66 = arith.extui %sign3A_65 : vector<2048x16xi1> to vector<2048x16xi32>
    %sign3A_67 = arith.constant 0 : i32
    %sign3A_68 = vector.broadcast %sign3A_67 : i32 to vector<2048x16xi32>
    %sign3A_69 = arith.cmpi slt, %iota3A_61, %sign3A_68 : vector<2048x16xi32>
    %sign3A_70 = arith.extui %sign3A_69 : vector<2048x16xi1> to vector<2048x16xi32>
    %sign3A_71 = arith.subi %sign3A_66, %sign3A_70 : vector<2048x16xi32>
    %sign3A_72 = arith.constant 0 : i32
    %sign3A_73 = arith.cmpi sgt, %jit3A_62, %sign3A_72 : i32
    %sign3A_74 = arith.extui %sign3A_73 : i1 to i32
    %sign3A_75 = arith.constant 0 : i32
    %sign3A_76 = arith.cmpi slt, %jit3A_62, %sign3A_75 : i32
    %sign3A_77 = arith.extui %sign3A_76 : i1 to i32
    %sign3A_78 = arith.subi %sign3A_74, %sign3A_77 : i32
    %ne3A = vector.broadcast %sign3A_78 : i32 to vector<2048x16xi32>
    %ne3A_79 = arith.cmpi ne, %sign3A_71, %ne3A : vector<2048x16xi32>
    %rem3A = vector.broadcast %jit3A_62 : i32 to vector<2048x16xi32>
    %rem3A_80 = arith.remsi %iota3A_61, %rem3A : vector<2048x16xi32>
    %ne3A_81 = arith.constant 0 : i32
    %ne3A_82 = vector.broadcast %ne3A_81 : i32 to vector<2048x16xi32>
    %ne3A_83 = arith.cmpi ne, %rem3A_80, %ne3A_82 : vector<2048x16xi32>
    %and3A = arith.andi %ne3A_79, %ne3A_83 : vector<2048x16xi1>
    %sub3A_84 = arith.constant 1 : i32
    %sub3A_85 = vector.broadcast %sub3A_84 : i32 to vector<2048x16xi32>
    %sub3A_86 = arith.subi %div3A_63, %sub3A_85 : vector<2048x16xi32>
    %select_n3A_87 = arith.select %and3A, %sub3A_86, %div3A_63 : vector<2048x16xi1>, vector<2048x16xi32>
    %mul3A_88 = arith.constant 1024 : i32
    %mul3A_89 = vector.broadcast %mul3A_88 : i32 to vector<2048x16xi32>
    %mul3A_90 = arith.muli %select_n3A_87, %mul3A_89 : vector<2048x16xi32>
    %add3A_91 = arith.addi %select_n3A_60, %mul3A_90 : vector<2048x16xi32>
    %swap3A = arith.constant 0 : index
    %swap3A_92 = arith.constant 0 : index
    %swap3A_93 = vector.load %arg9[%swap3A, %swap3A_92] : memref<2048x16xi32, #tpu.memory_space<vmem>>, vector<2048x16xi32>
    tpu.vector_store %arg9[%swap3A, %swap3A_92], %add3A_91 {strides = array<i32>} : memref<2048x16xi32, #tpu.memory_space<vmem>>, vector<2048x16xi32>,
    %get3A_94 = arith.constant 0 : index
    %get3A_95 = arith.constant 0 : index
    %get3A_96 = vector.load %arg2[%get3A_94, %get3A_95] : memref<2x1024xf32, #tpu.memory_space<vmem>>, vector<2x1024xf32>
    %get3A_97 = arith.constant 0 : index
    %get3A_98 = arith.constant 0 : index
    %get3A_99 = vector.load %arg3[%get3A_97, %get3A_98] : memref<1024x512xf32, #tpu.memory_space<vmem>>, vector<1024x512xf32>
    %dot_general3A_100 = arith.constant dense<0.000000e+00> : vector<2x512xf32>
    %dot_general3A_101 = tpu.matmul %get3A_96, %get3A_99, %dot_general3A_100 {dimension_numbers = #tpu.dot_dimension_numbers<[1], [0], [0], [1], [0, 0, 1, 1], [], []>, transpose_lhs_hint = false} : vector<2x1024xf32>, vector<1024x512xf32>, vector<2x512xf32> -> vector<2x512xf32>
    %slice3A_102 = vector.extract_strided_slice %dot_general3A_101 {offsets = [0, 0], sizes = [1, 512], strides = [1, 1]} : vector<2x512xf32> to vector<1x512xf32>
    %broadcast_in_dim3A_103 = vector.shape_cast %slice3A_102 : vector<1x512xf32> to vector<1x512xf32>
    %broadcast_in_dim3A_104 = vector.broadcast %broadcast_in_dim3A_103 : vector<1x512xf32> to vector<1024x512xf32>
    %slice3A_105 = vector.extract_strided_slice %dot_general3A_101 {offsets = [1, 0], sizes = [1, 512], strides = [1, 1]} : vector<2x512xf32> to vector<1x512xf32>
    %broadcast_in_dim3A_106 = vector.shape_cast %slice3A_105 : vector<1x512xf32> to vector<1x512xf32>
    %broadcast_in_dim3A_107 = vector.broadcast %broadcast_in_dim3A_106 : vector<1x512xf32> to vector<1024x512xf32>
    %concatenate3A_108 = tpu.concatenate %broadcast_in_dim3A_104, %broadcast_in_dim3A_107 in 0 : vector<1024x512xf32>, vector<1024x512xf32> -> vector<2048x512xf32>
    %get3A_109 = arith.constant 0 : index
    %get3A_110 = arith.constant 0 : index
    %get3A_111 = vector.load %arg4[%get3A_109, %get3A_110] : memref<256x512xf32, #tpu.memory_space<vmem>>, vector<256x512xf32>
    %dot_general3A_112 = arith.constant dense<0.000000e+00> : vector<2048x512xf32>
    %dot_general3A_113 = tpu.matmul %get3A_1, %get3A_111, %dot_general3A_112 {dimension_numbers = #tpu.dot_dimension_numbers<[1], [0], [0], [1], [0, 0, 1, 1], [], []>, transpose_lhs_hint = false} : vector<2048x256xf32>, vector<256x512xf32>, vector<2048x512xf32> -> vector<2048x512xf32>
    %add3A_114 = arith.addf %dot_general3A_113, %concatenate3A_108 : vector<2048x512xf32>
    %get3A_115 = arith.constant 0 : index
    %get3A_116 = arith.constant 0 : index
    %get3A_117 = vector.load %arg6[%get3A_115, %get3A_116] : memref<1x512xf32, #tpu.memory_space<vmem>>, vector<1x512xf32>
    %add3A_118 = vector.broadcast %get3A_117 : vector<1x512xf32> to vector<2048x512xf32>
    %add3A_119 = arith.addf %add3A_114, %add3A_118 : vector<2048x512xf32>
    %max3A = arith.constant 0.000000e+00 : f32
    %max3A_120 = vector.broadcast %max3A : f32 to vector<2048x512xf32>
    %max3A_121 = arith.maximumf %add3A_119, %max3A_120 : vector<2048x512xf32>
    %get3A_122 = arith.constant 0 : index
    %get3A_123 = arith.constant 0 : index
    %get3A_124 = vector.load %arg5[%get3A_122, %get3A_123] : memref<512x256xf32, #tpu.memory_space<vmem>>, vector<512x256xf32>
    %dot_general3A_125 = arith.constant dense<0.000000e+00> : vector<2048x256xf32>
    %dot_general3A_126 = tpu.matmul %max3A_121, %get3A_124, %dot_general3A_125 {dimension_numbers = #tpu.dot_dimension_numbers<[1], [0], [0], [1], [0, 0, 1, 1], [], []>, transpose_lhs_hint = false} : vector<2048x512xf32>, vector<512x256xf32>, vector<2048x256xf32> -> vector<2048x256xf32>
    %get3A_127 = arith.constant 0 : index
    %get3A_128 = arith.constant 0 : index
    %get3A_129 = vector.load %arg7[%get3A_127, %get3A_128] : memref<1x256xf32, #tpu.memory_space<vmem>>, vector<1x256xf32>
    %add3A_130 = vector.broadcast %get3A_129 : vector<1x256xf32> to vector<2048x256xf32>
    %add3A_131 = arith.addf %dot_general3A_126, %add3A_130 : vector<2048x256xf32>
    %max3A_132 = arith.constant 0.000000e+00 : f32
    %max3A_133 = vector.broadcast %max3A_132 : f32 to vector<2048x256xf32>
    %max3A_134 = arith.maximumf %add3A_131, %max3A_133 : vector<2048x256xf32>
    %swap3A_135 = arith.constant 0 : index
    %swap3A_136 = arith.constant 0 : index
    %swap3A_137 = vector.load %arg8[%swap3A_135, %swap3A_136] : memref<2048x256xf32, #tpu.memory_space<vmem>>, vector<2048x256xf32>
    tpu.vector_store %arg8[%swap3A_135, %swap3A_136], %max3A_134 {strides = array<i32>} : memref<2048x256xf32, #tpu.memory_space<vmem>>, vector<2048x256xf32>,
    return
  }
}

</mosaic_0001>

<sc_bundles>
// kernel: kernel.4.cloned.1.call-start
scs
__scs_entry_jumppad:
0x0: {  	(pc) =	sbr.rel $0x88, $3  }
0x1: {  	(tag) =	ssettag $0x0;
	lr =	simm.s32 $0x1  }
0x2: {  	[smem:$0x3F9B] =	sst lr;
	_ =	strace $0xD0000000  }
0x3: {  	_ = 	snop  }
0x4: {  	_ = 	snop  }
0x5: {  	_ = 	snop  }
0x6: {  	_ = 	snop  }
0x7: {  	_ = 	snop  }
__scs_overlays_trampoline_lowered:
0x8: {  	[smem:$0x3FAA] =	sst s0  }
0x9: {  	[smem:$0x3FAB] =	sst s1  }
0xa: {  	[smem:$0x3FAC] =	sst s2  }
0xb: {  	[smem:$0x3FAD] =	sst s3  }
0xc: {  	[smem:$0x3FAE] =	sst s4  }
0xd: {  	[smem:$0x3FAF] =	sst s5  }
0xe: {  	[smem:$0x3FB0] =	sst s6  }
0xf: {  	[smem:$0x3FB1] =	sst s7  }
0x10: {  	[smem:$0x3FB2] =	sst s8  }
0x11: {  	[smem:$0x3FB3] =	sst s9;
	s0 =	simm.s32 @!p0 $0x0  }
0x12: {  	s1 =	sld [smem:$0x3F99];
	s0 =	simm.s32 @p0 $0x1  }
0x13: {  	[smem:$0x3FB4] =	sst s0;
	s0 =	simm.s32 @!p1 $0x0  }
0x14: {  	s2 =	sld [smem:$0x3F98];
	s0 =	simm.s32 @p1 $0x1  }
0x15: {  	[smem:$0x3FB5] =	sst s0;
	s0 =	simm.s32 @!p2 $0x0  }
0x16: {  	s3 =	sld [smem:$0x3FDB];
	s0 =	simm.s32 @p2 $0x1  }
0x17: {  	s4 =	simm.s32 $0x1BF5;
	[smem:$0x3FB7] =	sst s0  }
0x18: {  	s0 =	sld [smem:$0x3F9A];
	_ =	swait.ge [sflag:s4], $0x0  }
0x19: {  	s7 =	sld [smem:$0x3F9B]  }
0x1a: {  	s8 =	sadd.s32 $0xFFFFE003, lr  }
0x1b: {  	s9 =	sadd.s32 $0xFFFFFEF7, lr;
	s5 =	simm.s32 $0xFFFFFFFF;
	p2 =	slt.u32 s8, $0xFFFFF086  }
0x1c: {  	p1 =	slt.u32 s9, $0xF7A;
	s5 =	simm.s32 @!p2 $0x0  }
0x1d: {  	s5 =	simm.s32 @p1 $0x1;
	p0 =	seq.s32 s7, s2  }
0x1e: {  	s7 =	smul.u32 @!p0 $0xF7A, s2;
	p2 =	seq.s32 @!p0 s5, $0x0  }
0x1f: {  	s9 =	smul.u32 $0xF7A, s1;
	s8 =	simm.s32 @!p0 $0x1BF5;
	p2 =	por !p2, p0  }
0x20: {  	[sflag:s8] =	ssyncset.s32 @!p0 $0xFFFFF086;
	s6 =	sadd.s32 @!p0 s3, s7;
	s7 =	simm.s32 @!p0 $0x108  }
0x21: {  	s3 =	sadd.s32 s3, s9;
	s6 =	sadd.s32 @!p0 $0x88, s6;
	s7 =	simm.s32 @p2 $0x1082  }
0x22: {  	[simem:s7], [sflag:s8] =	dma.local @!p0 [hbm:s6], $0xF7A  }
0x23: {  	s9 =	sor.u32 $0xD0000000, s2;
	s6 =	simm.s32 $0x108;
	_ =	swait.ge @!p0 [sflag:s8], $0x0  }
0x24: {  	s3 =	sadd.s32 $0x88, s3;
	s6 =	simm.s32 @!p1 $0x1082;
	[sflag:s4] =	ssyncset.s32 $0xFFFFF086  }
0x25: {  	[simem:s6], [sflag:s4] =	dma.local [hbm:s3], $0xF7A  }
0x26: {  	[smem:$0x3F9B] =	sst s1;
	(tag) =	ssettag s2;
	_ =	strace s9  }
0x27: {  	s1 =	sld [smem:$0x3FAB]  }
0x28: {  	s2 =	sld [smem:$0x3FAC]  }
0x29: {  	s4 =	sld [smem:$0x3FAE]  }
0x2a: {  	p0 =	seq.s32 s5, $0x0;
	s5 =	sld [smem:$0x3FAF]  }
0x2b: {  	s6 =	sld [smem:$0x3FB0]  }
0x2c: {  	s7 =	sld [smem:$0x3FB1]  }
0x2d: {  	s3 =	simm.s32 $0x108;
	s8 =	sld [smem:$0x3FB2]  }
0x2e: {  	s3 =	simm.s32 @!p0 $0x1082;
	s9 =	sld [smem:$0x3FB3]  }
0x2f: {  	lr =	sadd.s32 s0, s3;
	s0 =	sld [smem:$0x3FAA]  }
0x30: {  	s3 =	sld [smem:$0x3FAD]  }
0x31: {  	[smem:$0x3FB6] =	sst s10  }
0x32: {  	s10 =	sld [smem:$0x3FB4];
	_ =	sdelay $0x3  }
0x33: {  	p0 =	seq.s32 s10, $0x1;
	s10 =	sld [smem:$0x3FB6];
	_ =	sdelay $0x3  }
0x34: {  	[smem:$0x3FB6] =	sst s10  }
0x35: {  	s10 =	sld [smem:$0x3FB5];
	_ =	sdelay $0x3  }
0x36: {  	p1 =	seq.s32 s10, $0x1;
	s10 =	sld [smem:$0x3FB6];
	_ =	sdelay $0x3  }
0x37: {  	[smem:$0x3FB6] =	sst s10  }
0x38: {  	s10 =	sld [smem:$0x3FB7]  }
0x39: {  	_ = 	snop;
	(pc) =	sbr.ind lr, $3  }
0x3a: {  	_ = 	snop  }
0x3b: {  	_ = 	snop  }
0x3c: {  	p2 =	seq.s32 s10, $0x1;
	s10 =	sld [smem:$0x3FB6]  }
0x3d: {  	_ =	shalt  }
0x3e: {  	_ =	shalt  }
0x3f: {  	_ =	shalt  }
0x40: {  	_ =	shalt  }
0x41: {  	_ =	shalt  }
0x42: {  	_ =	shalt  }
0x43: {  	_ =	shalt  }
0x44: {  	_ =	shalt  }
0x45: {  	_ =	shalt  }
0x46: {  	_ =	shalt  }
0x47: {  	_ =	shalt  }
0x48: {  	_ =	shalt  }
0x49: {  	_ =	shalt  }
0x4a: {  	_ =	shalt  }
0x4b: {  	_ =	shalt  }
0x4c: {  	_ =	shalt  }
0x4d: {  	_ =	shalt  }
0x4e: {  	_ =	shalt  }
0x4f: {  	_ =	shalt  }
0x50: {  	_ =	shalt  }
0x51: {  	_ =	shalt  }
0x52: {  	_ =	shalt  }
0x53: {  	_ =	shalt  }
0x54: {  	_ =	shalt  }
0x55: {  	_ =	shalt  }
0x56: {  	_ =	shalt  }
0x57: {  	_ =	shalt  }
0x58: {  	_ =	shalt  }
0x59: {  	_ =	shalt  }
0x5a: {  	_ =	shalt  }
0x5b: {  	_ =	shalt  }
0x5c: {  	_ =	shalt  }
0x5d: {  	_ =	shalt  }
0x5e: {  	_ =	shalt  }
0x5f: {  	_ =	shalt  }
0x60: {  	_ =	shalt  }
0x61: {  	_ =	shalt  }
0x62: {  	_ =	shalt  }
0x63: {  	_ =	shalt  }
0x64: {  	_ =	shalt  }
0x65: {  	_ =	shalt  }
0x66: {  	_ =	shalt  }
0x67: {  	_ =	shalt  }
0x68: {  	_ =	shalt  }
0x69: {  	_ =	shalt  }
0x6a: {  	_ =	shalt  }
0x6b: {  	_ =	shalt  }
0x6c: {  	_ =	shalt  }
0x6d: {  	_ =	shalt  }
0x6e: {  	_ =	shalt  }
0x6f: {  	_ =	shalt  }
0x70: {  	_ =	shalt  }
0x71: {  	_ =	shalt  }
0x72: {  	_ =	shalt  }
0x73: {  	_ =	shalt  }
0x74: {  	_ =	shalt  }
0x75: {  	_ =	shalt  }
0x76: {  	_ =	shalt  }
0x77: {  	_ =	shalt  }
0x78: {  	_ =	shalt  }
0x79: {  	_ =	shalt  }
0x7a: {  	_ =	shalt  }
0x7b: {  	_ =	shalt  }
0x7c: {  	_ =	shalt  }
0x7d: {  	_ =	shalt  }
0x7e: {  	_ =	shalt  }
0x7f: {  	_ =	shalt  }
0x80: {  	_ =	shalt  }
0x81: {  	_ =	shalt  }
0x82: {  	_ =	shalt  }
0x83: {  	_ =	shalt  }
0x84: {  	_ =	shalt  }
0x85: {  	_ =	shalt  }
0x86: {  	_ =	shalt  }
0x87: {  	_ =	shalt  }
.Lfunc_end0:
.L_simem_size_0:
called_computation_lowered:
.L_overlay_start_0:
0x88: {  	s2 =	sld [smem:$0x3FD9]  }
0x89: {  	s3 =	sld [smem:$0x3FFE];
	_ =	sdelay $0x1  }
0x8a: {  	s1 =	srdreg.scid  }
0x8b: {  	s0 =	sand.u32 $0x1, s1  }
0x8c: {  	s17 =	sshll.u32 s0, $0xA;
	s2 =	sadd.s32 s3, s2  }
0x8d: {  	s2 =	sadd.s32 s2, s17  }
0x8e: {  	[smem:$0x3FC2] =	sst s2  }
0x8f: {  	_ = 	snop  }
0x90: {  	s2 =	sld [smem:$0x3FD0];
	(tm) =	ssettm $0x1  }
0x91: {  	s18 =	sld [smem:$0x3FFB];
	_ =	sdelay $0x3  }
0x92: {  	_ =	strace s18  }
0x93: {  	s3 =	sld [smem:$0x3FFC];
	_ =	sdelay $0x3  }
0x94: {  	_ =	strace s3  }
0x95: {  	s3 =	sld [smem:$0x3FFD];
	_ =	sdelay $0x3  }
0x96: {  	_ =	strace s3  }
0x97: {  	_ =	strace $0x8FFFFFFF  }
0x98: {  	s19 =	sld [smem:$0x3FDB];
	_ =	sdelay $0x1  }
0x99: {  	s4 =	simm.s32 $_scs_section_size  }
0x9a: {  	s5 =	simm.s32 $_size__tile_overlayer_lowered;
	s6 =	simm.s32 $_tile_overlayer_lowered  }
0x9b: {  	s22 =	simm.s32 $0x1BFF;
	s21 =	sshll.u32 s6, $0x1;
	s3 =	sadd.s32 s4, s19  }
0x9c: {  	s7 =	simm.s32 $0x0;
	s20 =	sshll.u32 s5, $0x1;
	s5 =	sadd.s32 s21, s3  }
0x9d: {  	[timem:s7], [sflag:s22] =	dma.local [hbm:s5], s20  }
0x9e: {  	_ =	swait.ge [sflag:s22], s20  }
0x9f: {  	s4 =	ssub.s32 $0x0, s20;
	[sflag:s22] =	ssyncset.done $0x0  }
0xa0: {  	[sflag:s22] =	ssyncadd.s32 s4;
	_ =	sdelay $0x1  }
0xa1: {  	s23 =	simm.s32 $0x1B8B  }
0xa2: {  	_ =	swait.ge [sflag:s23], $0x1  }
0xa3: {  	[sflag:s23] =	ssyncset.done $0x0  }
0xa4: {  	s25 =	simm.s32 $0x1B8E;
	s24 =	sld [smem:$0x3FFE];
	[sflag:s23] =	ssyncadd.s32 $0xFFFFFFFF  }
0xa5: {  	s26 =	simm.s32 $execute0_lowered;
	[smem:$0x3FD2] =	sst s25  }
0xa6: {  	s5 =	sshll.u32 s26, $0x1;
	_ =	strace $0x80000046;
	[dreg:$0x1] =	wrdreg $0xFFFFFFFF  }
0xa7: {  	s28 =	simm.s32 $_size_execute0_lowered;
	s3 =	sadd.s32 s3, s5;
	[dreg:$0x0] =	wrdreg $0x0  }
0xa8: {  	s5 =	sshll.u32 s28, $0x1;
	[dreg:$0x2] =	wrdreg s3  }
0xa9: {  	[dreg:$0x3] =	wrdreg s5  }
0xaa: {  	[dreg:$0x4] =	wrdreg $0xC0  }
0xab: {  	_ =	task [dreg:s7], $0x5FFFF  }
0xac: {  	[dreg:$0x1] =	wrdreg $0xFFFFFFFF  }
0xad: {  	[dreg:$0x0] =	wrdreg $0x60  }
0xae: {  	[dreg:$0x2] =	wrdreg s24  }
0xaf: {  	[dreg:$0x3] =	wrdreg s2  }
0xb0: {  	[dreg:$0x4] =	wrdreg $0x9  }
0xb1: {  	_ =	task.clear_ibuf [dreg:s7], $0x5FFFF;
	_ =	strace $0x90000046  }
0xb2: {  	s29 =	simm.s32 $0x9;
	_ =	strace $0x80000048  }
0xb3: {  	_ =	swait.ge [sflag:s29], $0x1  }
0xb4: {  	[sflag:s29] =	ssyncadd.s32 $0xFFFFFFFF  }
0xb5: {  	_ =	strace $0x90000048  }
0xb6: {  	_ =	sfence  }
0xb7: {  	s30 =	sld [smem:$0x0];
	_ =	sdelay $0x2  }
0xb8: {  	s31 =	sshll.u32 s1, $0xD;
	s1 =	sshrl.u32 s1, $0x2  }
0xb9: {  	s3 =	sand.u32 $0x4000, s31;
	s1 =	sadd.s32 s1, s30  }
0xba: {  	s0 =	sor.u32 s3, s0;
	s1 =	sshll.u32 s1, $0x11  }
0xbb: {  	s0 =	sor.u32 s1, s0  }
0xbc: {  	s0 =	sadd.s32 $0x8F2B, s0  }
0xbd: {  	[sflag:s0] =	ssyncadd.remote.s32 $0x1  }
0xbe: {  	_ =	sfence.sel $0xFFFF  }
0xbf: {  	[dreg:$0x0] =	wrdreg $0xFFFFFFFF;
	(pc) =	sbr.abs _section_cstart, $3  }
0xc0: {  	[dreg:$0x1] =	wrdreg $0xFFFFFFFF  }
0xc1: {  	_ =	task.clear_ibuf [dreg:s7], $0x2FFFF;
	_ =	strace $0x9FFFFFFF  }
0xc2: {  	(tm) =	ssettm $0x7FFFFFFF  }
0xc3: {  	_ =	shalt  }
tec
execute0_lowered:
.L_overlay_start_1:
0x0: {  	(tag) =	ssettag $0x1  }
0x1: {  	s4 =	rddreg [dreg:$0x0]  }
0x2: {  	s2 =	rddreg [dreg:$0x1]  }
0x3: {  	s0 =	rddreg [dreg:$0x2];
	s3 =	simm.s32 $0x0;
	s5 =	srdreg.scid  }
0x4: {  	s1 =	stileid.u32;
	s9 =	simm.s32 $0x400;
	s10 =	simm.s32 $0x4400  }
0x5: {  	s11 =	simm.s32 $0x1;
	s12 =	simm.s32 $0x8400;
	s13 =	simm.s32 $0x2  }
0x6: {  	[smem:$0x7FF] =	sst s3;
	s5 =	sand.u32 $0x1, s5;
	s6 =	sshll.u32 s1, $0x1  }
0x7: {  	s14 =	simm.s32 $0x0;
	_ =	strace $0x80000047;
	s6 =	sor.u32 s5, s6  }
0x8: {  	s5 =	ssub.s32 $0x2, s5;
	s7 =	sshll.u32 s6, $0x7;
	s6 =	sshll.u32 s6, $0xB  }
0x9: {  	s31 =	sshrl.u32 s5, $0x1;
	s7 =	sadd.s32 s7, s4;
	s6 =	sadd.s32 s6, s4  }
0xa: {  	s8 =	ssub.s32 s5, s31;
	s4 =	sadd.s32 $0x1400, s7;
	s5 =	sadd.s32 $0x2400, s6  }
0xb: {  	s6 =	smax.u32 s8, $0x1;
	s7 =	simm.s32 $0x3;
	s8 =	simm.s32 $0x80  }
.LBB2_1:
0xc: {  	[tilespmem:s3], [sflag:$0x3] =	stream.linear.gather [hbm4b:s4+s3], $0x400, $0x38;
	[tilespmem:$0x8C00] =	vst v63  }
0xd: {  	_ =	swait.ge [sflag:s7], $0x400  }
0xe: {  	[sflag:s7] =	ssyncset.done $0x0  }
0xf: {  	s15 =	simm.s32 $0x0;
	[sflag:s7] =	ssyncadd.s32 $0xFFFFFC00  }
0x10: {  	[tilespmem:s9], [sflag:$0x1] =	stream.indirect.gather [hbm4b:s2+s8], $0x80, s3, s8, $0xb8;
	[tilespmem:$0x8C00] =	vst v63  }
.LBB2_2:
0x11: {  	s16 =	sshllo.u32 s15, $0x1  }
0x12: {  	s17 =	sshll.u32 s16, $0x7  }
0x13: {  	s17 =	sand.u32 $0x3FFFFF80, s17  }
0x14: {  	[tilespmem:s10], [sflag:$0x2] =	stream.indirect.gather [hbm4b:s2+s8], $0x80, s17, s8, $0xb8;
	[tilespmem:$0x8C00] =	vst v63  }
0x15: {  	_ =	swait.ge [sflag:s11], $0x4000  }
0x16: {  	[sflag:s11] =	ssyncset.done $0x0  }
0x17: {  	s18 =	simm.s32 $0x800;
	s17 =	simm.s32 $0x100;
	[sflag:s11] =	ssyncadd.s32 $0xFFFFC000  }
.LBB2_3:
0x18: {  	v0 =	vld [tilespmem:s18+$0xFFFFFC00]  }
0x19: {  	v1 =	vld [tilespmem:s18+$0xFFFFFC80]  }
0x1a: {  	v2 =	vld [tilespmem:s18+$0xFFFFFD00]  }
0x1b: {  	v3 =	vld [tilespmem:s18+$0xFFFFFD80]  }
0x1c: {  	v4 =	vld [tilespmem:s18+$0xFFFFFE00]  }
0x1d: {  	v5 =	vld [tilespmem:s18+$0xFFFFFE80]  }
0x1e: {  	v6 =	vld [tilespmem:s18+$0xFFFFFF00]  }
0x1f: {  	v7 =	vld [tilespmem:s18+$0xFFFFFF80]  }
0x20: {  	v8 =	vld [tilespmem:s18+$0x0]  }
0x21: {  	v9 =	vld [tilespmem:s18+$0x80]  }
0x22: {  	v10 =	vld [tilespmem:s18+$0x100]  }
0x23: {  	v11 =	vld [tilespmem:s18+$0x180]  }
0x24: {  	v12 =	vld [tilespmem:s18+$0x200]  }
0x25: {  	v13 =	vld [tilespmem:s18+$0x280]  }
0x26: {  	v14 =	vld [tilespmem:s18+$0x300]  }
0x27: {  	v15 =	vld [tilespmem:s18+$0x380];
	v16 =	vshll.u32 v0, $0x10  }
0x28: {  	v17 =	vshll.u32 v1, $0x10;
	v18 =	vshll.u32 v2, $0x10;
	v19 =	vshll.u32 v3, $0x10  }
0x29: {  	v20 =	vshll.u32 v4, $0x10;
	v21 =	vshll.u32 v5, $0x10;
	v22 =	vshll.u32 v6, $0x10  }
0x2a: {  	v23 =	vshll.u32 v7, $0x10;
	v24 =	vshll.u32 v8, $0x10;
	v25 =	vshll.u32 v9, $0x10  }
0x2b: {  	v26 =	vshll.u32 v10, $0x10;
	v27 =	vshll.u32 v11, $0x10;
	v28 =	vshll.u32 v12, $0x10  }
0x2c: {  	v29 =	vshll.u32 v13, $0x10;
	v30 =	vshll.u32 v14, $0x10;
	v31 =	vshll.u32 v15, $0x10  }
0x2d: {  	v0 =	vand.u32 $0xFFFF0000, v0;
	v1 =	vand.u32 $0xFFFF0000, v1;
	v2 =	vand.u32 $0xFFFF0000, v2  }
0x2e: {  	v3 =	vand.u32 $0xFFFF0000, v3;
	v4 =	vand.u32 $0xFFFF0000, v4;
	v5 =	vand.u32 $0xFFFF0000, v5  }
0x2f: {  	v6 =	vand.u32 $0xFFFF0000, v6;
	v7 =	vand.u32 $0xFFFF0000, v7;
	v8 =	vand.u32 $0xFFFF0000, v8  }
0x30: {  	v9 =	vand.u32 $0xFFFF0000, v9;
	v10 =	vand.u32 $0xFFFF0000, v10;
	v11 =	vand.u32 $0xFFFF0000, v11  }
0x31: {  	v12 =	vand.u32 $0xFFFF0000, v12;
	v13 =	vand.u32 $0xFFFF0000, v13;
	v14 =	vand.u32 $0xFFFF0000, v14  }
0x32: {  	v15 =	vand.u32 $0xFFFF0000, v15;
	v16 =	vmax.f32 v16, v17;
	v54 =	vmax.f32 v18, v19  }
0x33: {  	v55 =	vmax.f32 v20, v21;
	v56 =	vmax.f32 v22, v23;
	v57 =	vmax.f32 v24, v25  }
0x34: {  	v58 =	vmax.f32 v26, v27;
	v59 =	vmax.f32 v28, v29;
	v60 =	vmax.f32 v30, v31  }
0x35: {  	v0 =	vmax.f32 v0, v1;
	v22 =	vmax.f32 v2, v3;
	v23 =	vmax.f32 v4, v5  }
0x36: {  	v24 =	vmax.f32 v6, v7;
	v25 =	vmax.f32 v8, v9;
	v26 =	vmax.f32 v10, v11  }
0x37: {  	v27 =	vmax.f32 v12, v13;
	v28 =	vmax.f32 v14, v15;
	v16 =	vmax.f32 v16, v54  }
0x38: {  	v61 =	vmax.f32 v55, v56;
	v62 =	vmax.f32 v57, v58;
	v63 =	vmax.f32 v59, v60  }
0x39: {  	v0 =	vmax.f32 v0, v22;
	v29 =	vmax.f32 v23, v24;
	v30 =	vmax.f32 v25, v26  }
0x3a: {  	v31 =	vmax.f32 v27, v28;
	v16 =	vmax.f32 v16, v61;
	v21 =	vmax.f32 v62, v63  }
0x3b: {  	s19 =	sshra.s32 s17, $0x2;
	v0 =	vmax.f32 v0, v29;
	v33 =	vmax.f32 v30, v31;
	v32 =	vmax.f32 v16, v21  }
0x3c: {  	v0 =	vmax.f32 v0, v33;
	[tilespmem:s19+$0x83C0] =	vst v32  }
0x3d: {  	[tilespmem:s19+$0x83D0] =	vst v0  }
0x3e: {  	v0 =	vld [tilespmem:s18+$0xFFFFFC10]  }
0x3f: {  	v34 =	vld [tilespmem:s18+$0xFFFFFC90]  }
0x40: {  	v35 =	vld [tilespmem:s18+$0xFFFFFD10]  }
0x41: {  	v36 =	vld [tilespmem:s18+$0xFFFFFD90]  }
0x42: {  	v4 =	vld [tilespmem:s18+$0xFFFFFE10]  }
0x43: {  	v37 =	vld [tilespmem:s18+$0xFFFFFE90]  }
0x44: {  	v38 =	vld [tilespmem:s18+$0xFFFFFF10]  }
0x45: {  	v39 =	vld [tilespmem:s18+$0xFFFFFF90]  }
0x46: {  	v40 =	vld [tilespmem:s18+$0x10]  }
0x47: {  	v41 =	vld [tilespmem:s18+$0x90]  }
0x48: {  	v42 =	vld [tilespmem:s18+$0x110]  }
0x49: {  	v43 =	vld [tilespmem:s18+$0x190]  }
0x4a: {  	v44 =	vld [tilespmem:s18+$0x210]  }
0x4b: {  	v45 =	vld [tilespmem:s18+$0x290]  }
0x4c: {  	v46 =	vld [tilespmem:s18+$0x310]  }
0x4d: {  	v47 =	vld [tilespmem:s18+$0x390];
	v48 =	vshll.u32 v0, $0x10  }
0x4e: {  	v49 =	vshll.u32 v34, $0x10;
	v50 =	vshll.u32 v35, $0x10;
	v51 =	vshll.u32 v36, $0x10  }
0x4f: {  	v52 =	vshll.u32 v4, $0x10;
	v53 =	vshll.u32 v37, $0x10;
	v54 =	vshll.u32 v38, $0x10  }
0x50: {  	v55 =	vshll.u32 v39, $0x10;
	v56 =	vshll.u32 v40, $0x10;
	v57 =	vshll.u32 v41, $0x10  }
0x51: {  	v58 =	vshll.u32 v42, $0x10;
	v59 =	vshll.u32 v43, $0x10;
	v60 =	vshll.u32 v44, $0x10  }
0x52: {  	v61 =	vshll.u32 v45, $0x10;
	v62 =	vshll.u32 v46, $0x10;
	v63 =	vshll.u32 v47, $0x10  }
0x53: {  	v0 =	vand.u32 $0xFFFF0000, v0;
	v1 =	vand.u32 $0xFFFF0000, v34;
	v2 =	vand.u32 $0xFFFF0000, v35  }
0x54: {  	v3 =	vand.u32 $0xFFFF0000, v36;
	v4 =	vand.u32 $0xFFFF0000, v4;
	v5 =	vand.u32 $0xFFFF0000, v37  }
0x55: {  	v6 =	vand.u32 $0xFFFF0000, v38;
	v7 =	vand.u32 $0xFFFF0000, v39;
	v8 =	vand.u32 $0xFFFF0000, v40  }
0x56: {  	v9 =	vand.u32 $0xFFFF0000, v41;
	v10 =	vand.u32 $0xFFFF0000, v42;
	v11 =	vand.u32 $0xFFFF0000, v43  }
0x57: {  	v12 =	vand.u32 $0xFFFF0000, v44;
	v13 =	vand.u32 $0xFFFF0000, v45;
	v14 =	vand.u32 $0xFFFF0000, v46  }
0x58: {  	v15 =	vand.u32 $0xFFFF0000, v47;
	v16 =	vmax.f32 v48, v49;
	v33 =	vmax.f32 v50, v51  }
0x59: {  	v34 =	vmax.f32 v52, v53;
	v35 =	vmax.f32 v54, v55;
	v36 =	vmax.f32 v56, v57  }
0x5a: {  	v37 =	vmax.f32 v58, v59;
	v38 =	vmax.f32 v60, v61;
	v39 =	vmax.f32 v62, v63  }
0x5b: {  	v0 =	vmax.f32 v0, v1;
	v44 =	vmax.f32 v2, v3;
	v45 =	vmax.f32 v4, v5  }
0x5c: {  	v46 =	vmax.f32 v6, v7;
	v47 =	vmax.f32 v8, v9;
	v48 =	vmax.f32 v10, v11  }
0x5d: {  	v49 =	vmax.f32 v12, v13;
	v50 =	vmax.f32 v14, v15;
	v16 =	vmax.f32 v16, v33  }
0x5e: {  	v40 =	vmax.f32 v34, v35;
	v41 =	vmax.f32 v36, v37;
	v42 =	vmax.f32 v38, v39  }
0x5f: {  	v0 =	vmax.f32 v0, v44;
	v51 =	vmax.f32 v45, v46;
	v52 =	vmax.f32 v47, v48  }
0x60: {  	v53 =	vmax.f32 v49, v50;
	v16 =	vmax.f32 v16, v40;
	v43 =	vmax.f32 v41, v42  }
0x61: {  	v0 =	vmax.f32 v0, v51;
	v55 =	vmax.f32 v52, v53;
	v54 =	vmax.f32 v16, v43  }
0x62: {  	v0 =	vmax.f32 v0, v55;
	[tilespmem:s19+$0x83E0] =	vst v54  }
0x63: {  	[tilespmem:s19+$0x83F0] =	vst v0  }
0x64: {  	v0 =	vld [tilespmem:s18+$0xFFFFFC20]  }
0x65: {  	v56 =	vld [tilespmem:s18+$0xFFFFFCA0]  }
0x66: {  	v57 =	vld [tilespmem:s18+$0xFFFFFD20]  }
0x67: {  	v58 =	vld [tilespmem:s18+$0xFFFFFDA0]  }
0x68: {  	v4 =	vld [tilespmem:s18+$0xFFFFFE20]  }
0x69: {  	v59 =	vld [tilespmem:s18+$0xFFFFFEA0]  }
0x6a: {  	v60 =	vld [tilespmem:s18+$0xFFFFFF20]  }
0x6b: {  	v61 =	vld [tilespmem:s18+$0xFFFFFFA0]  }
0x6c: {  	v62 =	vld [tilespmem:s18+$0x20]  }
0x6d: {  	v63 =	vld [tilespmem:s18+$0xA0]  }
0x6e: {  	v33 =	vld [tilespmem:s18+$0x120]  }
0x6f: {  	v34 =	vld [tilespmem:s18+$0x1A0]  }
0x70: {  	v35 =	vld [tilespmem:s18+$0x220]  }
0x71: {  	v36 =	vld [tilespmem:s18+$0x2A0]  }
0x72: {  	v37 =	vld [tilespmem:s18+$0x320]  }
0x73: {  	v38 =	vld [tilespmem:s18+$0x3A0];
	v39 =	vshll.u32 v0, $0x10  }
0x74: {  	v40 =	vshll.u32 v56, $0x10;
	v41 =	vshll.u32 v57, $0x10;
	v42 =	vshll.u32 v58, $0x10  }
0x75: {  	v43 =	vshll.u32 v4, $0x10;
	v44 =	vshll.u32 v59, $0x10;
	v45 =	vshll.u32 v60, $0x10  }
0x76: {  	v46 =	vshll.u32 v61, $0x10;
	v47 =	vshll.u32 v62, $0x10;
	v48 =	vshll.u32 v63, $0x10  }
0x77: {  	v49 =	vshll.u32 v33, $0x10;
	v50 =	vshll.u32 v34, $0x10;
	v51 =	vshll.u32 v35, $0x10  }
0x78: {  	v52 =	vshll.u32 v36, $0x10;
	v53 =	vshll.u32 v37, $0x10;
	v54 =	vshll.u32 v38, $0x10  }
0x79: {  	v0 =	vand.u32 $0xFFFF0000, v0;
	v1 =	vand.u32 $0xFFFF0000, v56;
	v2 =	vand.u32 $0xFFFF0000, v57  }
0x7a: {  	v3 =	vand.u32 $0xFFFF0000, v58;
	v4 =	vand.u32 $0xFFFF0000, v4;
	v5 =	vand.u32 $0xFFFF0000, v59  }
0x7b: {  	v6 =	vand.u32 $0xFFFF0000, v60;
	v7 =	vand.u32 $0xFFFF0000, v61;
	v8 =	vand.u32 $0xFFFF0000, v62  }
0x7c: {  	v9 =	vand.u32 $0xFFFF0000, v63;
	v10 =	vand.u32 $0xFFFF0000, v33;
	v11 =	vand.u32 $0xFFFF0000, v34  }
0x7d: {  	v12 =	vand.u32 $0xFFFF0000, v35;
	v13 =	vand.u32 $0xFFFF0000, v36;
	v14 =	vand.u32 $0xFFFF0000, v37  }
0x7e: {  	v15 =	vand.u32 $0xFFFF0000, v38;
	v16 =	vmax.f32 v39, v40;
	v55 =	vmax.f32 v41, v42  }
0x7f: {  	v56 =	vmax.f32 v43, v44;
	v57 =	vmax.f32 v45, v46;
	v58 =	vmax.f32 v47, v48  }
0x80: {  	v59 =	vmax.f32 v49, v50;
	v60 =	vmax.f32 v51, v52;
	v61 =	vmax.f32 v53, v54  }
0x81: {  	v0 =	vmax.f32 v0, v1;
	v23 =	vmax.f32 v2, v3;
	v24 =	vmax.f32 v4, v5  }
0x82: {  	v25 =	vmax.f32 v6, v7;
	v26 =	vmax.f32 v8, v9;
	v27 =	vmax.f32 v10, v11  }
0x83: {  	v28 =	vmax.f32 v12, v13;
	v29 =	vmax.f32 v14, v15;
	v16 =	vmax.f32 v16, v55  }
0x84: {  	v62 =	vmax.f32 v56, v57;
	v63 =	vmax.f32 v58, v59;
	v21 =	vmax.f32 v60, v61  }
0x85: {  	v0 =	vmax.f32 v0, v23;
	v30 =	vmax.f32 v24, v25;
	v31 =	vmax.f32 v26, v27  }
0x86: {  	v32 =	vmax.f32 v28, v29;
	v16 =	vmax.f32 v16, v62;
	v22 =	vmax.f32 v63, v21  }
0x87: {  	v0 =	vmax.f32 v0, v30;
	v34 =	vmax.f32 v31, v32;
	v33 =	vmax.f32 v16, v22  }
0x88: {  	v0 =	vmax.f32 v0, v34;
	[tilespmem:s19+$0x8400] =	vst v33  }
0x89: {  	[tilespmem:s19+$0x8410] =	vst v0  }
0x8a: {  	v0 =	vld [tilespmem:s18+$0xFFFFFC30]  }
0x8b: {  	v35 =	vld [tilespmem:s18+$0xFFFFFCB0]  }
0x8c: {  	v36 =	vld [tilespmem:s18+$0xFFFFFD30]  }
0x8d: {  	v37 =	vld [tilespmem:s18+$0xFFFFFDB0]  }
0x8e: {  	v4 =	vld [tilespmem:s18+$0xFFFFFE30]  }
0x8f: {  	v38 =	vld [tilespmem:s18+$0xFFFFFEB0]  }
0x90: {  	v39 =	vld [tilespmem:s18+$0xFFFFFF30]  }
0x91: {  	v40 =	vld [tilespmem:s18+$0xFFFFFFB0]  }
0x92: {  	v41 =	vld [tilespmem:s18+$0x30]  }
0x93: {  	v42 =	vld [tilespmem:s18+$0xB0]  }
0x94: {  	v43 =	vld [tilespmem:s18+$0x130]  }
0x95: {  	v44 =	vld [tilespmem:s18+$0x1B0]  }
0x96: {  	v45 =	vld [tilespmem:s18+$0x230]  }
0x97: {  	v46 =	vld [tilespmem:s18+$0x2B0]  }
0x98: {  	v47 =	vld [tilespmem:s18+$0x330]  }
0x99: {  	v48 =	vld [tilespmem:s18+$0x3B0];
	v49 =	vshll.u32 v0, $0x10  }
0x9a: {  	v50 =	vshll.u32 v35, $0x10;
	v51 =	vshll.u32 v36, $0x10;
	v52 =	vshll.u32 v37, $0x10  }
0x9b: {  	v53 =	vshll.u32 v4, $0x10;
	v54 =	vshll.u32 v38, $0x10;
	v55 =	vshll.u32 v39, $0x10  }
0x9c: {  	v56 =	vshll.u32 v40, $0x10;
	v57 =	vshll.u32 v41, $0x10;
	v58 =	vshll.u32 v42, $0x10  }
0x9d: {  	v59 =	vshll.u32 v43, $0x10;
	v60 =	vshll.u32 v44, $0x10;
	v61 =	vshll.u32 v45, $0x10  }
0x9e: {  	v62 =	vshll.u32 v46, $0x10;
	v63 =	vshll.u32 v47, $0x10;
	v33 =	vshll.u32 v48, $0x10  }
0x9f: {  	v0 =	vand.u32 $0xFFFF0000, v0;
	v1 =	vand.u32 $0xFFFF0000, v35;
	v2 =	vand.u32 $0xFFFF0000, v36  }
0xa0: {  	v3 =	vand.u32 $0xFFFF0000, v37;
	v4 =	vand.u32 $0xFFFF0000, v4;
	v5 =	vand.u32 $0xFFFF0000, v38  }
0xa1: {  	v6 =	vand.u32 $0xFFFF0000, v39;
	v7 =	vand.u32 $0xFFFF0000, v40;
	v8 =	vand.u32 $0xFFFF0000, v41  }
0xa2: {  	v9 =	vand.u32 $0xFFFF0000, v42;
	v10 =	vand.u32 $0xFFFF0000, v43;
	v11 =	vand.u32 $0xFFFF0000, v44  }
0xa3: {  	v12 =	vand.u32 $0xFFFF0000, v45;
	v13 =	vand.u32 $0xFFFF0000, v46;
	v14 =	vand.u32 $0xFFFF0000, v47  }
0xa4: {  	v15 =	vand.u32 $0xFFFF0000, v48;
	v16 =	vmax.f32 v49, v50;
	v34 =	vmax.f32 v51, v52  }
0xa5: {  	v35 =	vmax.f32 v53, v54;
	v36 =	vmax.f32 v55, v56;
	v37 =	vmax.f32 v57, v58  }
0xa6: {  	v38 =	vmax.f32 v59, v60;
	v39 =	vmax.f32 v61, v62;
	v40 =	vmax.f32 v63, v33  }
0xa7: {  	v0 =	vmax.f32 v0, v1;
	v45 =	vmax.f32 v2, v3;
	v46 =	vmax.f32 v4, v5  }
0xa8: {  	v47 =	vmax.f32 v6, v7;
	v48 =	vmax.f32 v8, v9;
	v49 =	vmax.f32 v10, v11  }
0xa9: {  	v50 =	vmax.f32 v12, v13;
	v51 =	vmax.f32 v14, v15;
	v16 =	vmax.f32 v16, v34  }
0xaa: {  	v41 =	vmax.f32 v35, v36;
	v42 =	vmax.f32 v37, v38;
	v43 =	vmax.f32 v39, v40  }
0xab: {  	v0 =	vmax.f32 v0, v45;
	v52 =	vmax.f32 v46, v47;
	v53 =	vmax.f32 v48, v49  }
0xac: {  	v54 =	vmax.f32 v50, v51;
	v16 =	vmax.f32 v16, v41;
	v44 =	vmax.f32 v42, v43  }
0xad: {  	v0 =	vmax.f32 v0, v52;
	v56 =	vmax.f32 v53, v54;
	v55 =	vmax.f32 v16, v44  }
0xae: {  	v0 =	vmax.f32 v0, v56;
	[tilespmem:s19+$0x8420] =	vst v55  }
0xaf: {  	[tilespmem:s19+$0x8430] =	vst v0  }
0xb0: {  	v0 =	vld [tilespmem:s18+$0xFFFFFC40]  }
0xb1: {  	v57 =	vld [tilespmem:s18+$0xFFFFFCC0]  }
0xb2: {  	v58 =	vld [tilespmem:s18+$0xFFFFFD40]  }
0xb3: {  	v59 =	vld [tilespmem:s18+$0xFFFFFDC0]  }
0xb4: {  	v4 =	vld [tilespmem:s18+$0xFFFFFE40]  }
0xb5: {  	v60 =	vld [tilespmem:s18+$0xFFFFFEC0]  }
0xb6: {  	v61 =	vld [tilespmem:s18+$0xFFFFFF40]  }
0xb7: {  	v62 =	vld [tilespmem:s18+$0xFFFFFFC0]  }
0xb8: {  	v63 =	vld [tilespmem:s18+$0x40]  }
0xb9: {  	v33 =	vld [tilespmem:s18+$0xC0]  }
0xba: {  	v34 =	vld [tilespmem:s18+$0x140]  }
0xbb: {  	v35 =	vld [tilespmem:s18+$0x1C0]  }
0xbc: {  	v36 =	vld [tilespmem:s18+$0x240]  }
0xbd: {  	v37 =	vld [tilespmem:s18+$0x2C0]  }
0xbe: {  	v38 =	vld [tilespmem:s18+$0x340]  }
0xbf: {  	v39 =	vld [tilespmem:s18+$0x3C0];
	v40 =	vshll.u32 v0, $0x10  }
0xc0: {  	v41 =	vshll.u32 v57, $0x10;
	v42 =	vshll.u32 v58, $0x10;
	v43 =	vshll.u32 v59, $0x10  }
0xc1: {  	v44 =	vshll.u32 v4, $0x10;
	v45 =	vshll.u32 v60, $0x10;
	v46 =	vshll.u32 v61, $0x10  }
0xc2: {  	v47 =	vshll.u32 v62, $0x10;
	v48 =	vshll.u32 v63, $0x10;
	v49 =	vshll.u32 v33, $0x10  }
0xc3: {  	v50 =	vshll.u32 v34, $0x10;
	v51 =	vshll.u32 v35, $0x10;
	v52 =	vshll.u32 v36, $0x10  }
0xc4: {  	v53 =	vshll.u32 v37, $0x10;
	v54 =	vshll.u32 v38, $0x10;
	v55 =	vshll.u32 v39, $0x10  }
0xc5: {  	v0 =	vand.u32 $0xFFFF0000, v0;
	v1 =	vand.u32 $0xFFFF0000, v57;
	v2 =	vand.u32 $0xFFFF0000, v58  }
0xc6: {  	v3 =	vand.u32 $0xFFFF0000, v59;
	v4 =	vand.u32 $0xFFFF0000, v4;
	v5 =	vand.u32 $0xFFFF0000, v60  }
0xc7: {  	v6 =	vand.u32 $0xFFFF0000, v61;
	v7 =	vand.u32 $0xFFFF0000, v62;
	v8 =	vand.u32 $0xFFFF0000, v63  }
0xc8: {  	v9 =	vand.u32 $0xFFFF0000, v33;
	v10 =	vand.u32 $0xFFFF0000, v34;
	v11 =	vand.u32 $0xFFFF0000, v35  }
0xc9: {  	v12 =	vand.u32 $0xFFFF0000, v36;
	v13 =	vand.u32 $0xFFFF0000, v37;
	v14 =	vand.u32 $0xFFFF0000, v38  }
0xca: {  	v15 =	vand.u32 $0xFFFF0000, v39;
	v16 =	vmax.f32 v40, v41;
	v56 =	vmax.f32 v42, v43  }
0xcb: {  	v57 =	vmax.f32 v44, v45;
	v58 =	vmax.f32 v46, v47;
	v59 =	vmax.f32 v48, v49  }
0xcc: {  	v60 =	vmax.f32 v50, v51;
	v61 =	vmax.f32 v52, v53;
	v62 =	vmax.f32 v54, v55  }
0xcd: {  	v0 =	vmax.f32 v0, v1;
	v26 =	vmax.f32 v2, v3;
	v27 =	vmax.f32 v4, v5  }
0xce: {  	v28 =	vmax.f32 v6, v7;
	v29 =	vmax.f32 v8, v9;
	v30 =	vmax.f32 v10, v11  }
0xcf: {  	v31 =	vmax.f32 v12, v13;
	v32 =	vmax.f32 v14, v15;
	v16 =	vmax.f32 v16, v56  }
0xd0: {  	v63 =	vmax.f32 v57, v58;
	v21 =	vmax.f32 v59, v60;
	v24 =	vmax.f32 v61, v62  }
0xd1: {  	v0 =	vmax.f32 v0, v26;
	v33 =	vmax.f32 v27, v28;
	v34 =	vmax.f32 v29, v30  }
0xd2: {  	v35 =	vmax.f32 v31, v32;
	v16 =	vmax.f32 v16, v63;
	v25 =	vmax.f32 v21, v24  }
0xd3: {  	v0 =	vmax.f32 v0, v33;
	v37 =	vmax.f32 v34, v35;
	v36 =	vmax.f32 v16, v25  }
0xd4: {  	v0 =	vmax.f32 v0, v37;
	[tilespmem:s19+$0x87C0] =	vst v36  }
0xd5: {  	[tilespmem:s19+$0x87D0] =	vst v0  }
0xd6: {  	v0 =	vld [tilespmem:s18+$0xFFFFFC50]  }
0xd7: {  	v38 =	vld [tilespmem:s18+$0xFFFFFCD0]  }
0xd8: {  	v39 =	vld [tilespmem:s18+$0xFFFFFD50]  }
0xd9: {  	v40 =	vld [tilespmem:s18+$0xFFFFFDD0]  }
0xda: {  	v4 =	vld [tilespmem:s18+$0xFFFFFE50]  }
0xdb: {  	v41 =	vld [tilespmem:s18+$0xFFFFFED0]  }
0xdc: {  	v42 =	vld [tilespmem:s18+$0xFFFFFF50]  }
0xdd: {  	v43 =	vld [tilespmem:s18+$0xFFFFFFD0]  }
0xde: {  	v44 =	vld [tilespmem:s18+$0x50]  }
0xdf: {  	v45 =	vld [tilespmem:s18+$0xD0]  }
0xe0: {  	v46 =	vld [tilespmem:s18+$0x150]  }
0xe1: {  	v47 =	vld [tilespmem:s18+$0x1D0]  }
0xe2: {  	v48 =	vld [tilespmem:s18+$0x250]  }
0xe3: {  	v49 =	vld [tilespmem:s18+$0x2D0]  }
0xe4: {  	v50 =	vld [tilespmem:s18+$0x350]  }
0xe5: {  	v51 =	vld [tilespmem:s18+$0x3D0];
	v52 =	vshll.u32 v0, $0x10  }
0xe6: {  	v53 =	vshll.u32 v38, $0x10;
	v54 =	vshll.u32 v39, $0x10;
	v55 =	vshll.u32 v40, $0x10  }
0xe7: {  	v56 =	vshll.u32 v4, $0x10;
	v57 =	vshll.u32 v41, $0x10;
	v58 =	vshll.u32 v42, $0x10  }
0xe8: {  	v59 =	vshll.u32 v43, $0x10;
	v60 =	vshll.u32 v44, $0x10;
	v61 =	vshll.u32 v45, $0x10  }
0xe9: {  	v62 =	vshll.u32 v46, $0x10;
	v63 =	vshll.u32 v47, $0x10;
	v33 =	vshll.u32 v48, $0x10  }
0xea: {  	v34 =	vshll.u32 v49, $0x10;
	v35 =	vshll.u32 v50, $0x10;
	v36 =	vshll.u32 v51, $0x10  }
0xeb: {  	v0 =	vand.u32 $0xFFFF0000, v0;
	v1 =	vand.u32 $0xFFFF0000, v38;
	v2 =	vand.u32 $0xFFFF0000, v39  }
0xec: {  	v3 =	vand.u32 $0xFFFF0000, v40;
	v4 =	vand.u32 $0xFFFF0000, v4;
	v5 =	vand.u32 $0xFFFF0000, v41  }
0xed: {  	v6 =	vand.u32 $0xFFFF0000, v42;
	v7 =	vand.u32 $0xFFFF0000, v43;
	v8 =	vand.u32 $0xFFFF0000, v44  }
0xee: {  	v9 =	vand.u32 $0xFFFF0000, v45;
	v10 =	vand.u32 $0xFFFF0000, v46;
	v11 =	vand.u32 $0xFFFF0000, v47  }
0xef: {  	v12 =	vand.u32 $0xFFFF0000, v48;
	v13 =	vand.u32 $0xFFFF0000, v49;
	v14 =	vand.u32 $0xFFFF0000, v50  }
0xf0: {  	v15 =	vand.u32 $0xFFFF0000, v51;
	v16 =	vmax.f32 v52, v53;
	v37 =	vmax.f32 v54, v55  }
0xf1: {  	v38 =	vmax.f32 v56, v57;
	v39 =	vmax.f32 v58, v59;
	v40 =	vmax.f32 v60, v61  }
0xf2: {  	v41 =	vmax.f32 v62, v63;
	v42 =	vmax.f32 v33, v34;
	v43 =	vmax.f32 v35, v36  }
0xf3: {  	v0 =	vmax.f32 v0, v1;
	v48 =	vmax.f32 v2, v3;
	v49 =	vmax.f32 v4, v5  }
0xf4: {  	v50 =	vmax.f32 v6, v7;
	v51 =	vmax.f32 v8, v9;
	v52 =	vmax.f32 v10, v11  }
0xf5: {  	v53 =	vmax.f32 v12, v13;
	v54 =	vmax.f32 v14, v15;
	v16 =	vmax.f32 v16, v37  }
0xf6: {  	v44 =	vmax.f32 v38, v39;
	v45 =	vmax.f32 v40, v41;
	v46 =	vmax.f32 v42, v43  }
0xf7: {  	v0 =	vmax.f32 v0, v48;
	v55 =	vmax.f32 v49, v50;
	v56 =	vmax.f32 v51, v52  }
0xf8: {  	v57 =	vmax.f32 v53, v54;
	v16 =	vmax.f32 v16, v44;
	v47 =	vmax.f32 v45, v46  }
0xf9: {  	v0 =	vmax.f32 v0, v55;
	v59 =	vmax.f32 v56, v57;
	v58 =	vmax.f32 v16, v47  }
0xfa: {  	v0 =	vmax.f32 v0, v59;
	[tilespmem:s19+$0x87E0] =	vst v58  }
0xfb: {  	[tilespmem:s19+$0x87F0] =	vst v0  }
0xfc: {  	v0 =	vld [tilespmem:s18+$0xFFFFFC60]  }
0xfd: {  	v60 =	vld [tilespmem:s18+$0xFFFFFCE0]  }
0xfe: {  	v61 =	vld [tilespmem:s18+$0xFFFFFD60]  }
0xff: {  	v62 =	vld [tilespmem:s18+$0xFFFFFDE0]  }
0x100: {  	v4 =	vld [tilespmem:s18+$0xFFFFFE60]  }
0x101: {  	v63 =	vld [tilespmem:s18+$0xFFFFFEE0]  }
0x102: {  	v33 =	vld [tilespmem:s18+$0xFFFFFF60]  }
0x103: {  	v34 =	vld [tilespmem:s18+$0xFFFFFFE0]  }
0x104: {  	v35 =	vld [tilespmem:s18+$0x60]  }
0x105: {  	v36 =	vld [tilespmem:s18+$0xE0]  }
0x106: {  	v37 =	vld [tilespmem:s18+$0x160]  }
0x107: {  	v38 =	vld [tilespmem:s18+$0x1E0]  }
0x108: {  	v39 =	vld [tilespmem:s18+$0x260]  }
0x109: {  	v40 =	vld [tilespmem:s18+$0x2E0]  }
0x10a: {  	v41 =	vld [tilespmem:s18+$0x360]  }
0x10b: {  	v42 =	vld [tilespmem:s18+$0x3E0];
	v43 =	vshll.u32 v0, $0x10  }
0x10c: {  	v44 =	vshll.u32 v60, $0x10;
	v45 =	vshll.u32 v61, $0x10;
	v46 =	vshll.u32 v62, $0x10  }
0x10d: {  	v47 =	vshll.u32 v4, $0x10;
	v48 =	vshll.u32 v63, $0x10;
	v49 =	vshll.u32 v33, $0x10  }
0x10e: {  	v50 =	vshll.u32 v34, $0x10;
	v51 =	vshll.u32 v35, $0x10;
	v52 =	vshll.u32 v36, $0x10  }
0x10f: {  	v53 =	vshll.u32 v37, $0x10;
	v54 =	vshll.u32 v38, $0x10;
	v55 =	vshll.u32 v39, $0x10  }
0x110: {  	v56 =	vshll.u32 v40, $0x10;
	v57 =	vshll.u32 v41, $0x10;
	v58 =	vshll.u32 v42, $0x10  }
0x111: {  	v0 =	vand.u32 $0xFFFF0000, v0;
	v1 =	vand.u32 $0xFFFF0000, v60;
	v2 =	vand.u32 $0xFFFF0000, v61  }
0x112: {  	v3 =	vand.u32 $0xFFFF0000, v62;
	v4 =	vand.u32 $0xFFFF0000, v4;
	v5 =	vand.u32 $0xFFFF0000, v63  }
0x113: {  	v6 =	vand.u32 $0xFFFF0000, v33;
	v7 =	vand.u32 $0xFFFF0000, v34;
	v8 =	vand.u32 $0xFFFF0000, v35  }
0x114: {  	v9 =	vand.u32 $0xFFFF0000, v36;
	v10 =	vand.u32 $0xFFFF0000, v37;
	v11 =	vand.u32 $0xFFFF0000, v38  }
0x115: {  	v12 =	vand.u32 $0xFFFF0000, v39;
	v13 =	vand.u32 $0xFFFF0000, v40;
	v14 =	vand.u32 $0xFFFF0000, v41  }
0x116: {  	v15 =	vand.u32 $0xFFFF0000, v42;
	v16 =	vmax.f32 v43, v44;
	v59 =	vmax.f32 v45, v46  }
0x117: {  	v60 =	vmax.f32 v47, v48;
	v61 =	vmax.f32 v49, v50;
	v62 =	vmax.f32 v51, v52  }
0x118: {  	v63 =	vmax.f32 v53, v54;
	v24 =	vmax.f32 v55, v56;
	v25 =	vmax.f32 v57, v58  }
0x119: {  	v0 =	vmax.f32 v0, v1;
	v30 =	vmax.f32 v2, v3;
	v31 =	vmax.f32 v4, v5  }
0x11a: {  	v32 =	vmax.f32 v6, v7;
	v33 =	vmax.f32 v8, v9;
	v34 =	vmax.f32 v10, v11  }
0x11b: {  	v35 =	vmax.f32 v12, v13;
	v36 =	vmax.f32 v14, v15;
	v16 =	vmax.f32 v16, v59  }
0x11c: {  	v26 =	vmax.f32 v60, v61;
	v27 =	vmax.f32 v62, v63;
	v28 =	vmax.f32 v24, v25  }
0x11d: {  	v0 =	vmax.f32 v0, v30;
	v37 =	vmax.f32 v31, v32;
	v38 =	vmax.f32 v33, v34  }
0x11e: {  	v39 =	vmax.f32 v35, v36;
	v16 =	vmax.f32 v16, v26;
	v29 =	vmax.f32 v27, v28  }
0x11f: {  	v0 =	vmax.f32 v0, v37;
	v41 =	vmax.f32 v38, v39;
	v40 =	vmax.f32 v16, v29  }
0x120: {  	v0 =	vmax.f32 v0, v41;
	[tilespmem:s19+$0x8800] =	vst v40  }
0x121: {  	[tilespmem:s19+$0x8810] =	vst v0  }
0x122: {  	v0 =	vld [tilespmem:s18+$0xFFFFFC70]  }
0x123: {  	v42 =	vld [tilespmem:s18+$0xFFFFFCF0]  }
0x124: {  	v43 =	vld [tilespmem:s18+$0xFFFFFD70]  }
0x125: {  	v44 =	vld [tilespmem:s18+$0xFFFFFDF0]  }
0x126: {  	v4 =	vld [tilespmem:s18+$0xFFFFFE70]  }
0x127: {  	v45 =	vld [tilespmem:s18+$0xFFFFFEF0]  }
0x128: {  	v46 =	vld [tilespmem:s18+$0xFFFFFF70]  }
0x129: {  	v47 =	vld [tilespmem:s18+$0xFFFFFFF0]  }
0x12a: {  	v48 =	vld [tilespmem:s18+$0x70]  }
0x12b: {  	v49 =	vld [tilespmem:s18+$0xF0]  }
0x12c: {  	v50 =	vld [tilespmem:s18+$0x170]  }
0x12d: {  	v51 =	vld [tilespmem:s18+$0x1F0]  }
0x12e: {  	v52 =	vld [tilespmem:s18+$0x270]  }
0x12f: {  	v53 =	vld [tilespmem:s18+$0x2F0]  }
0x130: {  	v54 =	vld [tilespmem:s18+$0x370]  }
0x131: {  	v55 =	vld [tilespmem:s18+$0x3F0];
	v56 =	vshll.u32 v0, $0x10  }
0x132: {  	v57 =	vshll.u32 v42, $0x10;
	v58 =	vshll.u32 v43, $0x10;
	v59 =	vshll.u32 v44, $0x10  }
0x133: {  	v60 =	vshll.u32 v4, $0x10;
	v61 =	vshll.u32 v45, $0x10;
	v62 =	vshll.u32 v46, $0x10  }
0x134: {  	v63 =	vshll.u32 v47, $0x10;
	v33 =	vshll.u32 v48, $0x10;
	v34 =	vshll.u32 v49, $0x10  }
0x135: {  	v35 =	vshll.u32 v50, $0x10;
	v36 =	vshll.u32 v51, $0x10;
	v37 =	vshll.u32 v52, $0x10  }
0x136: {  	v38 =	vshll.u32 v53, $0x10;
	v39 =	vshll.u32 v54, $0x10;
	v40 =	vshll.u32 v55, $0x10  }
0x137: {  	v0 =	vand.u32 $0xFFFF0000, v0;
	v1 =	vand.u32 $0xFFFF0000, v42;
	v2 =	vand.u32 $0xFFFF0000, v43  }
0x138: {  	v3 =	vand.u32 $0xFFFF0000, v44;
	v4 =	vand.u32 $0xFFFF0000, v4;
	v5 =	vand.u32 $0xFFFF0000, v45  }
0x139: {  	v6 =	vand.u32 $0xFFFF0000, v46;
	v7 =	vand.u32 $0xFFFF0000, v47;
	v8 =	vand.u32 $0xFFFF0000, v48  }
0x13a: {  	v9 =	vand.u32 $0xFFFF0000, v49;
	v10 =	vand.u32 $0xFFFF0000, v50;
	v11 =	vand.u32 $0xFFFF0000, v51  }
0x13b: {  	v12 =	vand.u32 $0xFFFF0000, v52;
	v13 =	vand.u32 $0xFFFF0000, v53;
	v14 =	vand.u32 $0xFFFF0000, v54  }
0x13c: {  	v15 =	vand.u32 $0xFFFF0000, v55;
	v16 =	vmax.f32 v56, v57;
	v41 =	vmax.f32 v58, v59  }
0x13d: {  	v42 =	vmax.f32 v60, v61;
	v43 =	vmax.f32 v62, v63;
	v44 =	vmax.f32 v33, v34  }
0x13e: {  	v45 =	vmax.f32 v35, v36;
	v46 =	vmax.f32 v37, v38;
	v47 =	vmax.f32 v39, v40  }
0x13f: {  	v0 =	vmax.f32 v0, v1;
	v52 =	vmax.f32 v2, v3;
	v53 =	vmax.f32 v4, v5  }
0x140: {  	v54 =	vmax.f32 v6, v7;
	v55 =	vmax.f32 v8, v9;
	v56 =	vmax.f32 v10, v11  }
0x141: {  	v57 =	vmax.f32 v12, v13;
	v58 =	vmax.f32 v14, v15;
	v16 =	vmax.f32 v16, v41  }
0x142: {  	p0 =	sne.s32 s17, $0xF00;
	v48 =	vmax.f32 v42, v43;
	v49 =	vmax.f32 v44, v45;
	v50 =	vmax.f32 v46, v47  }
.Ltmp0:
0x143: {  	v0 =	vmax.f32 v0, v52;
	v59 =	vmax.f32 v53, v54;
	v60 =	vmax.f32 v55, v56;
	(pc) =	sbr.rel @p0 .LBB2_3-.Ltmp0, $4  }
0x144: {  	v61 =	vmax.f32 v57, v58;
	v16 =	vmax.f32 v16, v48;
	v51 =	vmax.f32 v49, v50  }
0x145: {  	v0 =	vmax.f32 v0, v59;
	v63 =	vmax.f32 v60, v61;
	v62 =	vmax.f32 v16, v51  }
0x146: {  	v0 =	vmax.f32 v0, v63;
	[tilespmem:s19+$0x8820] =	vst v62  }
0x147: {  	s17 =	sadd.s32 $0x200, s17;
	s18 =	sadd.s32 $0x800, s18;
	[tilespmem:s19+$0x8830] =	vst v0  }
0x148: {  	s17 =	sshll.u32 s15, $0x9  }
0x149: {  	p0 =	seq.s32 s15, $0x3;
	s17 =	sadd.s32 s17, s5  }
0x14a: {  	[hbm4b:s17+s3] =	stream.linear.scatter [tilespmem:s12], [sflag:$0x3], $0x800, $0x38;
	[tilespmem:$0x8C00] =	vst v63  }
0x14b: {  	s17 =	sshll.u32 @!p0 s15, $0x8;
	_ =	swait.ge [sflag:s7], $0x800  }
0x14c: {  	s18 =	simm.s32 @!p0 $0x80;
	s17 =	sand.u32 @!p0 $0x3FFFFF00, s17;
	[sflag:s7] =	ssyncset.done $0x0  }
0x14d: {  	s19 =	simm.s32 @!p0 $0x400;
	s17 =	sadd.s32 @!p0 $0x100, s17;
	[sflag:s7] =	ssyncadd.s32 $0xFFFFF800  }
0x14e: {  	[tilespmem:s19], [sflag:$0x1] =	stream.indirect.gather @!p0 [hbm4b:s2+s18], $0x80, s17, s18, $0xb8;
	[tilespmem:$0x8C00] =	vst v63  }
0x14f: {  	_ =	swait.ge [sflag:s13], $0x4000  }
0x150: {  	[sflag:s13] =	ssyncset.done $0x0  }
0x151: {  	s17 =	simm.s32 $0x100;
	s18 =	simm.s32 $0x4800;
	[sflag:s13] =	ssyncadd.s32 $0xFFFFC000  }
.LBB2_5:
0x152: {  	v0 =	vld [tilespmem:s18+$0xFFFFFC00]  }
0x153: {  	v1 =	vld [tilespmem:s18+$0xFFFFFC80]  }
0x154: {  	v2 =	vld [tilespmem:s18+$0xFFFFFD00]  }
0x155: {  	v3 =	vld [tilespmem:s18+$0xFFFFFD80]  }
0x156: {  	v4 =	vld [tilespmem:s18+$0xFFFFFE00]  }
0x157: {  	v5 =	vld [tilespmem:s18+$0xFFFFFE80]  }
0x158: {  	v6 =	vld [tilespmem:s18+$0xFFFFFF00]  }
0x159: {  	v7 =	vld [tilespmem:s18+$0xFFFFFF80]  }
0x15a: {  	v8 =	vld [tilespmem:s18+$0x0]  }
0x15b: {  	v9 =	vld [tilespmem:s18+$0x80]  }
0x15c: {  	v10 =	vld [tilespmem:s18+$0x100]  }
0x15d: {  	v11 =	vld [tilespmem:s18+$0x180]  }
0x15e: {  	v12 =	vld [tilespmem:s18+$0x200]  }
0x15f: {  	v13 =	vld [tilespmem:s18+$0x280]  }
0x160: {  	v14 =	vld [tilespmem:s18+$0x300]  }
0x161: {  	v15 =	vld [tilespmem:s18+$0x380];
	v16 =	vshll.u32 v0, $0x10  }
0x162: {  	v17 =	vshll.u32 v1, $0x10;
	v18 =	vshll.u32 v2, $0x10;
	v19 =	vshll.u32 v3, $0x10  }
0x163: {  	v20 =	vshll.u32 v4, $0x10;
	v21 =	vshll.u32 v5, $0x10;
	v22 =	vshll.u32 v6, $0x10  }
0x164: {  	v23 =	vshll.u32 v7, $0x10;
	v24 =	vshll.u32 v8, $0x10;
	v25 =	vshll.u32 v9, $0x10  }
0x165: {  	v26 =	vshll.u32 v10, $0x10;
	v27 =	vshll.u32 v11, $0x10;
	v28 =	vshll.u32 v12, $0x10  }
0x166: {  	v29 =	vshll.u32 v13, $0x10;
	v30 =	vshll.u32 v14, $0x10;
	v31 =	vshll.u32 v15, $0x10  }
0x167: {  	v0 =	vand.u32 $0xFFFF0000, v0;
	v1 =	vand.u32 $0xFFFF0000, v1;
	v2 =	vand.u32 $0xFFFF0000, v2  }
0x168: {  	v3 =	vand.u32 $0xFFFF0000, v3;
	v4 =	vand.u32 $0xFFFF0000, v4;
	v5 =	vand.u32 $0xFFFF0000, v5  }
0x169: {  	v6 =	vand.u32 $0xFFFF0000, v6;
	v7 =	vand.u32 $0xFFFF0000, v7;
	v8 =	vand.u32 $0xFFFF0000, v8  }
0x16a: {  	v9 =	vand.u32 $0xFFFF0000, v9;
	v10 =	vand.u32 $0xFFFF0000, v10;
	v11 =	vand.u32 $0xFFFF0000, v11  }
0x16b: {  	v12 =	vand.u32 $0xFFFF0000, v12;
	v13 =	vand.u32 $0xFFFF0000, v13;
	v14 =	vand.u32 $0xFFFF0000, v14  }
0x16c: {  	v15 =	vand.u32 $0xFFFF0000, v15;
	v16 =	vmax.f32 v16, v17;
	v54 =	vmax.f32 v18, v19  }
0x16d: {  	v55 =	vmax.f32 v20, v21;
	v56 =	vmax.f32 v22, v23;
	v57 =	vmax.f32 v24, v25  }
0x16e: {  	v58 =	vmax.f32 v26, v27;
	v59 =	vmax.f32 v28, v29;
	v60 =	vmax.f32 v30, v31  }
0x16f: {  	v0 =	vmax.f32 v0, v1;
	v22 =	vmax.f32 v2, v3;
	v23 =	vmax.f32 v4, v5  }
0x170: {  	v24 =	vmax.f32 v6, v7;
	v25 =	vmax.f32 v8, v9;
	v26 =	vmax.f32 v10, v11  }
0x171: {  	v27 =	vmax.f32 v12, v13;
	v28 =	vmax.f32 v14, v15;
	v16 =	vmax.f32 v16, v54  }
0x172: {  	v61 =	vmax.f32 v55, v56;
	v62 =	vmax.f32 v57, v58;
	v63 =	vmax.f32 v59, v60  }
0x173: {  	v0 =	vmax.f32 v0, v22;
	v29 =	vmax.f32 v23, v24;
	v30 =	vmax.f32 v25, v26  }
0x174: {  	v31 =	vmax.f32 v27, v28;
	v16 =	vmax.f32 v16, v61;
	v21 =	vmax.f32 v62, v63  }
0x175: {  	s19 =	sshra.s32 s17, $0x2;
	v0 =	vmax.f32 v0, v29;
	v33 =	vmax.f32 v30, v31;
	v32 =	vmax.f32 v16, v21  }
0x176: {  	v0 =	vmax.f32 v0, v33;
	[tilespmem:s19+$0x83C0] =	vst v32  }
0x177: {  	[tilespmem:s19+$0x83D0] =	vst v0  }
0x178: {  	v0 =	vld [tilespmem:s18+$0xFFFFFC10]  }
0x179: {  	v34 =	vld [tilespmem:s18+$0xFFFFFC90]  }
0x17a: {  	v35 =	vld [tilespmem:s18+$0xFFFFFD10]  }
0x17b: {  	v36 =	vld [tilespmem:s18+$0xFFFFFD90]  }
0x17c: {  	v4 =	vld [tilespmem:s18+$0xFFFFFE10]  }
0x17d: {  	v37 =	vld [tilespmem:s18+$0xFFFFFE90]  }
0x17e: {  	v38 =	vld [tilespmem:s18+$0xFFFFFF10]  }
0x17f: {  	v39 =	vld [tilespmem:s18+$0xFFFFFF90]  }
0x180: {  	v40 =	vld [tilespmem:s18+$0x10]  }
0x181: {  	v41 =	vld [tilespmem:s18+$0x90]  }
0x182: {  	v42 =	vld [tilespmem:s18+$0x110]  }
0x183: {  	v43 =	vld [tilespmem:s18+$0x190]  }
0x184: {  	v44 =	vld [tilespmem:s18+$0x210]  }
0x185: {  	v45 =	vld [tilespmem:s18+$0x290]  }
0x186: {  	v46 =	vld [tilespmem:s18+$0x310]  }
0x187: {  	v47 =	vld [tilespmem:s18+$0x390];
	v48 =	vshll.u32 v0, $0x10  }
0x188: {  	v49 =	vshll.u32 v34, $0x10;
	v50 =	vshll.u32 v35, $0x10;
	v51 =	vshll.u32 v36, $0x10  }
0x189: {  	v52 =	vshll.u32 v4, $0x10;
	v53 =	vshll.u32 v37, $0x10;
	v54 =	vshll.u32 v38, $0x10  }
0x18a: {  	v55 =	vshll.u32 v39, $0x10;
	v56 =	vshll.u32 v40, $0x10;
	v57 =	vshll.u32 v41, $0x10  }
0x18b: {  	v58 =	vshll.u32 v42, $0x10;
	v59 =	vshll.u32 v43, $0x10;
	v60 =	vshll.u32 v44, $0x10  }
0x18c: {  	v61 =	vshll.u32 v45, $0x10;
	v62 =	vshll.u32 v46, $0x10;
	v63 =	vshll.u32 v47, $0x10  }
0x18d: {  	v0 =	vand.u32 $0xFFFF0000, v0;
	v1 =	vand.u32 $0xFFFF0000, v34;
	v2 =	vand.u32 $0xFFFF0000, v35  }
0x18e: {  	v3 =	vand.u32 $0xFFFF0000, v36;
	v4 =	vand.u32 $0xFFFF0000, v4;
	v5 =	vand.u32 $0xFFFF0000, v37  }
0x18f: {  	v6 =	vand.u32 $0xFFFF0000, v38;
	v7 =	vand.u32 $0xFFFF0000, v39;
	v8 =	vand.u32 $0xFFFF0000, v40  }
0x190: {  	v9 =	vand.u32 $0xFFFF0000, v41;
	v10 =	vand.u32 $0xFFFF0000, v42;
	v11 =	vand.u32 $0xFFFF0000, v43  }
0x191: {  	v12 =	vand.u32 $0xFFFF0000, v44;
	v13 =	vand.u32 $0xFFFF0000, v45;
	v14 =	vand.u32 $0xFFFF0000, v46  }
0x192: {  	v15 =	vand.u32 $0xFFFF0000, v47;
	v16 =	vmax.f32 v48, v49;
	v33 =	vmax.f32 v50, v51  }
0x193: {  	v34 =	vmax.f32 v52, v53;
	v35 =	vmax.f32 v54, v55;
	v36 =	vmax.f32 v56, v57  }
0x194: {  	v37 =	vmax.f32 v58, v59;
	v38 =	vmax.f32 v60, v61;
	v39 =	vmax.f32 v62, v63  }
0x195: {  	v0 =	vmax.f32 v0, v1;
	v44 =	vmax.f32 v2, v3;
	v45 =	vmax.f32 v4, v5  }
0x196: {  	v46 =	vmax.f32 v6, v7;
	v47 =	vmax.f32 v8, v9;
	v48 =	vmax.f32 v10, v11  }
0x197: {  	v49 =	vmax.f32 v12, v13;
	v50 =	vmax.f32 v14, v15;
	v16 =	vmax.f32 v16, v33  }
0x198: {  	v40 =	vmax.f32 v34, v35;
	v41 =	vmax.f32 v36, v37;
	v42 =	vmax.f32 v38, v39  }
0x199: {  	v0 =	vmax.f32 v0, v44;
	v51 =	vmax.f32 v45, v46;
	v52 =	vmax.f32 v47, v48  }
0x19a: {  	v53 =	vmax.f32 v49, v50;
	v16 =	vmax.f32 v16, v40;
	v43 =	vmax.f32 v41, v42  }
0x19b: {  	v0 =	vmax.f32 v0, v51;
	v55 =	vmax.f32 v52, v53;
	v54 =	vmax.f32 v16, v43  }
0x19c: {  	v0 =	vmax.f32 v0, v55;
	[tilespmem:s19+$0x83E0] =	vst v54  }
0x19d: {  	[tilespmem:s19+$0x83F0] =	vst v0  }
0x19e: {  	v0 =	vld [tilespmem:s18+$0xFFFFFC20]  }
0x19f: {  	v56 =	vld [tilespmem:s18+$0xFFFFFCA0]  }
0x1a0: {  	v57 =	vld [tilespmem:s18+$0xFFFFFD20]  }
0x1a1: {  	v58 =	vld [tilespmem:s18+$0xFFFFFDA0]  }
0x1a2: {  	v4 =	vld [tilespmem:s18+$0xFFFFFE20]  }
0x1a3: {  	v59 =	vld [tilespmem:s18+$0xFFFFFEA0]  }
0x1a4: {  	v60 =	vld [tilespmem:s18+$0xFFFFFF20]  }
0x1a5: {  	v61 =	vld [tilespmem:s18+$0xFFFFFFA0]  }
0x1a6: {  	v62 =	vld [tilespmem:s18+$0x20]  }
0x1a7: {  	v63 =	vld [tilespmem:s18+$0xA0]  }
0x1a8: {  	v33 =	vld [tilespmem:s18+$0x120]  }
0x1a9: {  	v34 =	vld [tilespmem:s18+$0x1A0]  }
0x1aa: {  	v35 =	vld [tilespmem:s18+$0x220]  }
0x1ab: {  	v36 =	vld [tilespmem:s18+$0x2A0]  }
0x1ac: {  	v37 =	vld [tilespmem:s18+$0x320]  }
0x1ad: {  	v38 =	vld [tilespmem:s18+$0x3A0];
	v39 =	vshll.u32 v0, $0x10  }
0x1ae: {  	v40 =	vshll.u32 v56, $0x10;
	v41 =	vshll.u32 v57, $0x10;
	v42 =	vshll.u32 v58, $0x10  }
0x1af: {  	v43 =	vshll.u32 v4, $0x10;
	v44 =	vshll.u32 v59, $0x10;
	v45 =	vshll.u32 v60, $0x10  }
0x1b0: {  	v46 =	vshll.u32 v61, $0x10;
	v47 =	vshll.u32 v62, $0x10;
	v48 =	vshll.u32 v63, $0x10  }
0x1b1: {  	v49 =	vshll.u32 v33, $0x10;
	v50 =	vshll.u32 v34, $0x10;
	v51 =	vshll.u32 v35, $0x10  }
0x1b2: {  	v52 =	vshll.u32 v36, $0x10;
	v53 =	vshll.u32 v37, $0x10;
	v54 =	vshll.u32 v38, $0x10  }
0x1b3: {  	v0 =	vand.u32 $0xFFFF0000, v0;
	v1 =	vand.u32 $0xFFFF0000, v56;
	v2 =	vand.u32 $0xFFFF0000, v57  }
0x1b4: {  	v3 =	vand.u32 $0xFFFF0000, v58;
	v4 =	vand.u32 $0xFFFF0000, v4;
	v5 =	vand.u32 $0xFFFF0000, v59  }
0x1b5: {  	v6 =	vand.u32 $0xFFFF0000, v60;
	v7 =	vand.u32 $0xFFFF0000, v61;
	v8 =	vand.u32 $0xFFFF0000, v62  }
0x1b6: {  	v9 =	vand.u32 $0xFFFF0000, v63;
	v10 =	vand.u32 $0xFFFF0000, v33;
	v11 =	vand.u32 $0xFFFF0000, v34  }
0x1b7: {  	v12 =	vand.u32 $0xFFFF0000, v35;
	v13 =	vand.u32 $0xFFFF0000, v36;
	v14 =	vand.u32 $0xFFFF0000, v37  }
0x1b8: {  	v15 =	vand.u32 $0xFFFF0000, v38;
	v16 =	vmax.f32 v39, v40;
	v55 =	vmax.f32 v41, v42  }
0x1b9: {  	v56 =	vmax.f32 v43, v44;
	v57 =	vmax.f32 v45, v46;
	v58 =	vmax.f32 v47, v48  }
0x1ba: {  	v59 =	vmax.f32 v49, v50;
	v60 =	vmax.f32 v51, v52;
	v61 =	vmax.f32 v53, v54  }
0x1bb: {  	v0 =	vmax.f32 v0, v1;
	v23 =	vmax.f32 v2, v3;
	v24 =	vmax.f32 v4, v5  }
0x1bc: {  	v25 =	vmax.f32 v6, v7;
	v26 =	vmax.f32 v8, v9;
	v27 =	vmax.f32 v10, v11  }
0x1bd: {  	v28 =	vmax.f32 v12, v13;
	v29 =	vmax.f32 v14, v15;
	v16 =	vmax.f32 v16, v55  }
0x1be: {  	v62 =	vmax.f32 v56, v57;
	v63 =	vmax.f32 v58, v59;
	v21 =	vmax.f32 v60, v61  }
0x1bf: {  	v0 =	vmax.f32 v0, v23;
	v30 =	vmax.f32 v24, v25;
	v31 =	vmax.f32 v26, v27  }
0x1c0: {  	v32 =	vmax.f32 v28, v29;
	v16 =	vmax.f32 v16, v62;
	v22 =	vmax.f32 v63, v21  }
0x1c1: {  	v0 =	vmax.f32 v0, v30;
	v34 =	vmax.f32 v31, v32;
	v33 =	vmax.f32 v16, v22  }
0x1c2: {  	v0 =	vmax.f32 v0, v34;
	[tilespmem:s19+$0x8400] =	vst v33  }
0x1c3: {  	[tilespmem:s19+$0x8410] =	vst v0  }
0x1c4: {  	v0 =	vld [tilespmem:s18+$0xFFFFFC30]  }
0x1c5: {  	v35 =	vld [tilespmem:s18+$0xFFFFFCB0]  }
0x1c6: {  	v36 =	vld [tilespmem:s18+$0xFFFFFD30]  }
0x1c7: {  	v37 =	vld [tilespmem:s18+$0xFFFFFDB0]  }
0x1c8: {  	v4 =	vld [tilespmem:s18+$0xFFFFFE30]  }
0x1c9: {  	v38 =	vld [tilespmem:s18+$0xFFFFFEB0]  }
0x1ca: {  	v39 =	vld [tilespmem:s18+$0xFFFFFF30]  }
0x1cb: {  	v40 =	vld [tilespmem:s18+$0xFFFFFFB0]  }
0x1cc: {  	v41 =	vld [tilespmem:s18+$0x30]  }
0x1cd: {  	v42 =	vld [tilespmem:s18+$0xB0]  }
0x1ce: {  	v43 =	vld [tilespmem:s18+$0x130]  }
0x1cf: {  	v44 =	vld [tilespmem:s18+$0x1B0]  }
0x1d0: {  	v45 =	vld [tilespmem:s18+$0x230]  }
0x1d1: {  	v46 =	vld [tilespmem:s18+$0x2B0]  }
0x1d2: {  	v47 =	vld [tilespmem:s18+$0x330]  }
0x1d3: {  	v48 =	vld [tilespmem:s18+$0x3B0];
	v49 =	vshll.u32 v0, $0x10  }
0x1d4: {  	v50 =	vshll.u32 v35, $0x10;
	v51 =	vshll.u32 v36, $0x10;
	v52 =	vshll.u32 v37, $0x10  }
0x1d5: {  	v53 =	vshll.u32 v4, $0x10;
	v54 =	vshll.u32 v38, $0x10;
	v55 =	vshll.u32 v39, $0x10  }
0x1d6: {  	v56 =	vshll.u32 v40, $0x10;
	v57 =	vshll.u32 v41, $0x10;
	v58 =	vshll.u32 v42, $0x10  }
0x1d7: {  	v59 =	vshll.u32 v43, $0x10;
	v60 =	vshll.u32 v44, $0x10;
	v61 =	vshll.u32 v45, $0x10  }
0x1d8: {  	v62 =	vshll.u32 v46, $0x10;
	v63 =	vshll.u32 v47, $0x10;
	v33 =	vshll.u32 v48, $0x10  }
0x1d9: {  	v0 =	vand.u32 $0xFFFF0000, v0;
	v1 =	vand.u32 $0xFFFF0000, v35;
	v2 =	vand.u32 $0xFFFF0000, v36  }
0x1da: {  	v3 =	vand.u32 $0xFFFF0000, v37;
	v4 =	vand.u32 $0xFFFF0000, v4;
	v5 =	vand.u32 $0xFFFF0000, v38  }
0x1db: {  	v6 =	vand.u32 $0xFFFF0000, v39;
	v7 =	vand.u32 $0xFFFF0000, v40;
	v8 =	vand.u32 $0xFFFF0000, v41  }
0x1dc: {  	v9 =	vand.u32 $0xFFFF0000, v42;
	v10 =	vand.u32 $0xFFFF0000, v43;
	v11 =	vand.u32 $0xFFFF0000, v44  }
0x1dd: {  	v12 =	vand.u32 $0xFFFF0000, v45;
	v13 =	vand.u32 $0xFFFF0000, v46;
	v14 =	vand.u32 $0xFFFF0000, v47  }
0x1de: {  	v15 =	vand.u32 $0xFFFF0000, v48;
	v16 =	vmax.f32 v49, v50;
	v34 =	vmax.f32 v51, v52  }
0x1df: {  	v35 =	vmax.f32 v53, v54;
	v36 =	vmax.f32 v55, v56;
	v37 =	vmax.f32 v57, v58  }
0x1e0: {  	v38 =	vmax.f32 v59, v60;
	v39 =	vmax.f32 v61, v62;
	v40 =	vmax.f32 v63, v33  }
0x1e1: {  	v0 =	vmax.f32 v0, v1;
	v45 =	vmax.f32 v2, v3;
	v46 =	vmax.f32 v4, v5  }
0x1e2: {  	v47 =	vmax.f32 v6, v7;
	v48 =	vmax.f32 v8, v9;
	v49 =	vmax.f32 v10, v11  }
0x1e3: {  	v50 =	vmax.f32 v12, v13;
	v51 =	vmax.f32 v14, v15;
	v16 =	vmax.f32 v16, v34  }
0x1e4: {  	v41 =	vmax.f32 v35, v36;
	v42 =	vmax.f32 v37, v38;
	v43 =	vmax.f32 v39, v40  }
0x1e5: {  	v0 =	vmax.f32 v0, v45;
	v52 =	vmax.f32 v46, v47;
	v53 =	vmax.f32 v48, v49  }
0x1e6: {  	v54 =	vmax.f32 v50, v51;
	v16 =	vmax.f32 v16, v41;
	v44 =	vmax.f32 v42, v43  }
0x1e7: {  	v0 =	vmax.f32 v0, v52;
	v56 =	vmax.f32 v53, v54;
	v55 =	vmax.f32 v16, v44  }
0x1e8: {  	v0 =	vmax.f32 v0, v56;
	[tilespmem:s19+$0x8420] =	vst v55  }
0x1e9: {  	[tilespmem:s19+$0x8430] =	vst v0  }
0x1ea: {  	v0 =	vld [tilespmem:s18+$0xFFFFFC40]  }
0x1eb: {  	v57 =	vld [tilespmem:s18+$0xFFFFFCC0]  }
0x1ec: {  	v58 =	vld [tilespmem:s18+$0xFFFFFD40]  }
0x1ed: {  	v59 =	vld [tilespmem:s18+$0xFFFFFDC0]  }
0x1ee: {  	v4 =	vld [tilespmem:s18+$0xFFFFFE40]  }
0x1ef: {  	v60 =	vld [tilespmem:s18+$0xFFFFFEC0]  }
0x1f0: {  	v61 =	vld [tilespmem:s18+$0xFFFFFF40]  }
0x1f1: {  	v62 =	vld [tilespmem:s18+$0xFFFFFFC0]  }
0x1f2: {  	v63 =	vld [tilespmem:s18+$0x40]  }
0x1f3: {  	v33 =	vld [tilespmem:s18+$0xC0]  }
0x1f4: {  	v34 =	vld [tilespmem:s18+$0x140]  }
0x1f5: {  	v35 =	vld [tilespmem:s18+$0x1C0]  }
0x1f6: {  	v36 =	vld [tilespmem:s18+$0x240]  }
0x1f7: {  	v37 =	vld [tilespmem:s18+$0x2C0]  }
0x1f8: {  	v38 =	vld [tilespmem:s18+$0x340]  }
0x1f9: {  	v39 =	vld [tilespmem:s18+$0x3C0];
	v40 =	vshll.u32 v0, $0x10  }
0x1fa: {  	v41 =	vshll.u32 v57, $0x10;
	v42 =	vshll.u32 v58, $0x10;
	v43 =	vshll.u32 v59, $0x10  }
0x1fb: {  	v44 =	vshll.u32 v4, $0x10;
	v45 =	vshll.u32 v60, $0x10;
	v46 =	vshll.u32 v61, $0x10  }
0x1fc: {  	v47 =	vshll.u32 v62, $0x10;
	v48 =	vshll.u32 v63, $0x10;
	v49 =	vshll.u32 v33, $0x10  }
0x1fd: {  	v50 =	vshll.u32 v34, $0x10;
	v51 =	vshll.u32 v35, $0x10;
	v52 =	vshll.u32 v36, $0x10  }
0x1fe: {  	v53 =	vshll.u32 v37, $0x10;
	v54 =	vshll.u32 v38, $0x10;
	v55 =	vshll.u32 v39, $0x10  }
0x1ff: {  	v0 =	vand.u32 $0xFFFF0000, v0;
	v1 =	vand.u32 $0xFFFF0000, v57;
	v2 =	vand.u32 $0xFFFF0000, v58  }
0x200: {  	v3 =	vand.u32 $0xFFFF0000, v59;
	v4 =	vand.u32 $0xFFFF0000, v4;
	v5 =	vand.u32 $0xFFFF0000, v60  }
0x201: {  	v6 =	vand.u32 $0xFFFF0000, v61;
	v7 =	vand.u32 $0xFFFF0000, v62;
	v8 =	vand.u32 $0xFFFF0000, v63  }
0x202: {  	v9 =	vand.u32 $0xFFFF0000, v33;
	v10 =	vand.u32 $0xFFFF0000, v34;
	v11 =	vand.u32 $0xFFFF0000, v35  }
0x203: {  	v12 =	vand.u32 $0xFFFF0000, v36;
	v13 =	vand.u32 $0xFFFF0000, v37;
	v14 =	vand.u32 $0xFFFF0000, v38  }
0x204: {  	v15 =	vand.u32 $0xFFFF0000, v39;
	v16 =	vmax.f32 v40, v41;
	v56 =	vmax.f32 v42, v43  }
0x205: {  	v57 =	vmax.f32 v44, v45;
	v58 =	vmax.f32 v46, v47;
	v59 =	vmax.f32 v48, v49  }
0x206: {  	v60 =	vmax.f32 v50, v51;
	v61 =	vmax.f32 v52, v53;
	v62 =	vmax.f32 v54, v55  }
0x207: {  	v0 =	vmax.f32 v0, v1;
	v26 =	vmax.f32 v2, v3;
	v27 =	vmax.f32 v4, v5  }
0x208: {  	v28 =	vmax.f32 v6, v7;
	v29 =	vmax.f32 v8, v9;
	v30 =	vmax.f32 v10, v11  }
0x209: {  	v31 =	vmax.f32 v12, v13;
	v32 =	vmax.f32 v14, v15;
	v16 =	vmax.f32 v16, v56  }
0x20a: {  	v63 =	vmax.f32 v57, v58;
	v21 =	vmax.f32 v59, v60;
	v24 =	vmax.f32 v61, v62  }
0x20b: {  	v0 =	vmax.f32 v0, v26;
	v33 =	vmax.f32 v27, v28;
	v34 =	vmax.f32 v29, v30  }
0x20c: {  	v35 =	vmax.f32 v31, v32;
	v16 =	vmax.f32 v16, v63;
	v25 =	vmax.f32 v21, v24  }
0x20d: {  	v0 =	vmax.f32 v0, v33;
	v37 =	vmax.f32 v34, v35;
	v36 =	vmax.f32 v16, v25  }
0x20e: {  	v0 =	vmax.f32 v0, v37;
	[tilespmem:s19+$0x87C0] =	vst v36  }
0x20f: {  	[tilespmem:s19+$0x87D0] =	vst v0  }
0x210: {  	v0 =	vld [tilespmem:s18+$0xFFFFFC50]  }
0x211: {  	v38 =	vld [tilespmem:s18+$0xFFFFFCD0]  }
0x212: {  	v39 =	vld [tilespmem:s18+$0xFFFFFD50]  }
0x213: {  	v40 =	vld [tilespmem:s18+$0xFFFFFDD0]  }
0x214: {  	v4 =	vld [tilespmem:s18+$0xFFFFFE50]  }
0x215: {  	v41 =	vld [tilespmem:s18+$0xFFFFFED0]  }
0x216: {  	v42 =	vld [tilespmem:s18+$0xFFFFFF50]  }
0x217: {  	v43 =	vld [tilespmem:s18+$0xFFFFFFD0]  }
0x218: {  	v44 =	vld [tilespmem:s18+$0x50]  }
0x219: {  	v45 =	vld [tilespmem:s18+$0xD0]  }
0x21a: {  	v46 =	vld [tilespmem:s18+$0x150]  }
0x21b: {  	v47 =	vld [tilespmem:s18+$0x1D0]  }
0x21c: {  	v48 =	vld [tilespmem:s18+$0x250]  }
0x21d: {  	v49 =	vld [tilespmem:s18+$0x2D0]  }
0x21e: {  	v50 =	vld [tilespmem:s18+$0x350]  }
0x21f: {  	v51 =	vld [tilespmem:s18+$0x3D0];
	v52 =	vshll.u32 v0, $0x10  }
0x220: {  	v53 =	vshll.u32 v38, $0x10;
	v54 =	vshll.u32 v39, $0x10;
	v55 =	vshll.u32 v40, $0x10  }
0x221: {  	v56 =	vshll.u32 v4, $0x10;
	v57 =	vshll.u32 v41, $0x10;
	v58 =	vshll.u32 v42, $0x10  }
0x222: {  	v59 =	vshll.u32 v43, $0x10;
	v60 =	vshll.u32 v44, $0x10;
	v61 =	vshll.u32 v45, $0x10  }
0x223: {  	v62 =	vshll.u32 v46, $0x10;
	v63 =	vshll.u32 v47, $0x10;
	v33 =	vshll.u32 v48, $0x10  }
0x224: {  	v34 =	vshll.u32 v49, $0x10;
	v35 =	vshll.u32 v50, $0x10;
	v36 =	vshll.u32 v51, $0x10  }
0x225: {  	v0 =	vand.u32 $0xFFFF0000, v0;
	v1 =	vand.u32 $0xFFFF0000, v38;
	v2 =	vand.u32 $0xFFFF0000, v39  }
0x226: {  	v3 =	vand.u32 $0xFFFF0000, v40;
	v4 =	vand.u32 $0xFFFF0000, v4;
	v5 =	vand.u32 $0xFFFF0000, v41  }
0x227: {  	v6 =	vand.u32 $0xFFFF0000, v42;
	v7 =	vand.u32 $0xFFFF0000, v43;
	v8 =	vand.u32 $0xFFFF0000, v44  }
0x228: {  	v9 =	vand.u32 $0xFFFF0000, v45;
	v10 =	vand.u32 $0xFFFF0000, v46;
	v11 =	vand.u32 $0xFFFF0000, v47  }
0x229: {  	v12 =	vand.u32 $0xFFFF0000, v48;
	v13 =	vand.u32 $0xFFFF0000, v49;
	v14 =	vand.u32 $0xFFFF0000, v50  }
0x22a: {  	v15 =	vand.u32 $0xFFFF0000, v51;
	v16 =	vmax.f32 v52, v53;
	v37 =	vmax.f32 v54, v55  }
0x22b: {  	v38 =	vmax.f32 v56, v57;
	v39 =	vmax.f32 v58, v59;
	v40 =	vmax.f32 v60, v61  }
0x22c: {  	v41 =	vmax.f32 v62, v63;
	v42 =	vmax.f32 v33, v34;
	v43 =	vmax.f32 v35, v36  }
0x22d: {  	v0 =	vmax.f32 v0, v1;
	v48 =	vmax.f32 v2, v3;
	v49 =	vmax.f32 v4, v5  }
0x22e: {  	v50 =	vmax.f32 v6, v7;
	v51 =	vmax.f32 v8, v9;
	v52 =	vmax.f32 v10, v11  }
0x22f: {  	v53 =	vmax.f32 v12, v13;
	v54 =	vmax.f32 v14, v15;
	v16 =	vmax.f32 v16, v37  }
0x230: {  	v44 =	vmax.f32 v38, v39;
	v45 =	vmax.f32 v40, v41;
	v46 =	vmax.f32 v42, v43  }
0x231: {  	v0 =	vmax.f32 v0, v48;
	v55 =	vmax.f32 v49, v50;
	v56 =	vmax.f32 v51, v52  }
0x232: {  	v57 =	vmax.f32 v53, v54;
	v16 =	vmax.f32 v16, v44;
	v47 =	vmax.f32 v45, v46  }
0x233: {  	v0 =	vmax.f32 v0, v55;
	v59 =	vmax.f32 v56, v57;
	v58 =	vmax.f32 v16, v47  }
0x234: {  	v0 =	vmax.f32 v0, v59;
	[tilespmem:s19+$0x87E0] =	vst v58  }
0x235: {  	[tilespmem:s19+$0x87F0] =	vst v0  }
0x236: {  	v0 =	vld [tilespmem:s18+$0xFFFFFC60]  }
0x237: {  	v60 =	vld [tilespmem:s18+$0xFFFFFCE0]  }
0x238: {  	v61 =	vld [tilespmem:s18+$0xFFFFFD60]  }
0x239: {  	v62 =	vld [tilespmem:s18+$0xFFFFFDE0]  }
0x23a: {  	v4 =	vld [tilespmem:s18+$0xFFFFFE60]  }
0x23b: {  	v63 =	vld [tilespmem:s18+$0xFFFFFEE0]  }
0x23c: {  	v33 =	vld [tilespmem:s18+$0xFFFFFF60]  }
0x23d: {  	v34 =	vld [tilespmem:s18+$0xFFFFFFE0]  }
0x23e: {  	v35 =	vld [tilespmem:s18+$0x60]  }
0x23f: {  	v36 =	vld [tilespmem:s18+$0xE0]  }
0x240: {  	v37 =	vld [tilespmem:s18+$0x160]  }
0x241: {  	v38 =	vld [tilespmem:s18+$0x1E0]  }
0x242: {  	v39 =	vld [tilespmem:s18+$0x260]  }
0x243: {  	v40 =	vld [tilespmem:s18+$0x2E0]  }
0x244: {  	v41 =	vld [tilespmem:s18+$0x360]  }
0x245: {  	v42 =	vld [tilespmem:s18+$0x3E0];
	v43 =	vshll.u32 v0, $0x10  }
0x246: {  	v44 =	vshll.u32 v60, $0x10;
	v45 =	vshll.u32 v61, $0x10;
	v46 =	vshll.u32 v62, $0x10  }
0x247: {  	v47 =	vshll.u32 v4, $0x10;
	v48 =	vshll.u32 v63, $0x10;
	v49 =	vshll.u32 v33, $0x10  }
0x248: {  	v50 =	vshll.u32 v34, $0x10;
	v51 =	vshll.u32 v35, $0x10;
	v52 =	vshll.u32 v36, $0x10  }
0x249: {  	v53 =	vshll.u32 v37, $0x10;
	v54 =	vshll.u32 v38, $0x10;
	v55 =	vshll.u32 v39, $0x10  }
0x24a: {  	v56 =	vshll.u32 v40, $0x10;
	v57 =	vshll.u32 v41, $0x10;
	v58 =	vshll.u32 v42, $0x10  }
0x24b: {  	v0 =	vand.u32 $0xFFFF0000, v0;
	v1 =	vand.u32 $0xFFFF0000, v60;
	v2 =	vand.u32 $0xFFFF0000, v61  }
0x24c: {  	v3 =	vand.u32 $0xFFFF0000, v62;
	v4 =	vand.u32 $0xFFFF0000, v4;
	v5 =	vand.u32 $0xFFFF0000, v63  }
0x24d: {  	v6 =	vand.u32 $0xFFFF0000, v33;
	v7 =	vand.u32 $0xFFFF0000, v34;
	v8 =	vand.u32 $0xFFFF0000, v35  }
0x24e: {  	v9 =	vand.u32 $0xFFFF0000, v36;
	v10 =	vand.u32 $0xFFFF0000, v37;
	v11 =	vand.u32 $0xFFFF0000, v38  }
0x24f: {  	v12 =	vand.u32 $0xFFFF0000, v39;
	v13 =	vand.u32 $0xFFFF0000, v40;
	v14 =	vand.u32 $0xFFFF0000, v41  }
0x250: {  	v15 =	vand.u32 $0xFFFF0000, v42;
	v16 =	vmax.f32 v43, v44;
	v59 =	vmax.f32 v45, v46  }
0x251: {  	v60 =	vmax.f32 v47, v48;
	v61 =	vmax.f32 v49, v50;
	v62 =	vmax.f32 v51, v52  }
0x252: {  	v63 =	vmax.f32 v53, v54;
	v24 =	vmax.f32 v55, v56;
	v25 =	vmax.f32 v57, v58  }
0x253: {  	v0 =	vmax.f32 v0, v1;
	v30 =	vmax.f32 v2, v3;
	v31 =	vmax.f32 v4, v5  }
0x254: {  	v32 =	vmax.f32 v6, v7;
	v33 =	vmax.f32 v8, v9;
	v34 =	vmax.f32 v10, v11  }
0x255: {  	v35 =	vmax.f32 v12, v13;
	v36 =	vmax.f32 v14, v15;
	v16 =	vmax.f32 v16, v59  }
0x256: {  	v26 =	vmax.f32 v60, v61;
	v27 =	vmax.f32 v62, v63;
	v28 =	vmax.f32 v24, v25  }
0x257: {  	v0 =	vmax.f32 v0, v30;
	v37 =	vmax.f32 v31, v32;
	v38 =	vmax.f32 v33, v34  }
0x258: {  	v39 =	vmax.f32 v35, v36;
	v16 =	vmax.f32 v16, v26;
	v29 =	vmax.f32 v27, v28  }
0x259: {  	v0 =	vmax.f32 v0, v37;
	v41 =	vmax.f32 v38, v39;
	v40 =	vmax.f32 v16, v29  }
0x25a: {  	v0 =	vmax.f32 v0, v41;
	[tilespmem:s19+$0x8800] =	vst v40  }
0x25b: {  	[tilespmem:s19+$0x8810] =	vst v0  }
0x25c: {  	v0 =	vld [tilespmem:s18+$0xFFFFFC70]  }
0x25d: {  	v42 =	vld [tilespmem:s18+$0xFFFFFCF0]  }
0x25e: {  	v43 =	vld [tilespmem:s18+$0xFFFFFD70]  }
0x25f: {  	v44 =	vld [tilespmem:s18+$0xFFFFFDF0]  }
0x260: {  	v4 =	vld [tilespmem:s18+$0xFFFFFE70]  }
0x261: {  	v45 =	vld [tilespmem:s18+$0xFFFFFEF0]  }
0x262: {  	v46 =	vld [tilespmem:s18+$0xFFFFFF70]  }
0x263: {  	v47 =	vld [tilespmem:s18+$0xFFFFFFF0]  }
0x264: {  	v48 =	vld [tilespmem:s18+$0x70]  }
0x265: {  	v49 =	vld [tilespmem:s18+$0xF0]  }
0x266: {  	v50 =	vld [tilespmem:s18+$0x170]  }
0x267: {  	v51 =	vld [tilespmem:s18+$0x1F0]  }
0x268: {  	v52 =	vld [tilespmem:s18+$0x270]  }
0x269: {  	v53 =	vld [tilespmem:s18+$0x2F0]  }
0x26a: {  	v54 =	vld [tilespmem:s18+$0x370]  }
0x26b: {  	v55 =	vld [tilespmem:s18+$0x3F0];
	v56 =	vshll.u32 v0, $0x10  }
0x26c: {  	v57 =	vshll.u32 v42, $0x10;
	v58 =	vshll.u32 v43, $0x10;
	v59 =	vshll.u32 v44, $0x10  }
0x26d: {  	v60 =	vshll.u32 v4, $0x10;
	v61 =	vshll.u32 v45, $0x10;
	v62 =	vshll.u32 v46, $0x10  }
0x26e: {  	v63 =	vshll.u32 v47, $0x10;
	v33 =	vshll.u32 v48, $0x10;
	v34 =	vshll.u32 v49, $0x10  }
0x26f: {  	v35 =	vshll.u32 v50, $0x10;
	v36 =	vshll.u32 v51, $0x10;
	v37 =	vshll.u32 v52, $0x10  }
0x270: {  	v38 =	vshll.u32 v53, $0x10;
	v39 =	vshll.u32 v54, $0x10;
	v40 =	vshll.u32 v55, $0x10  }
0x271: {  	v0 =	vand.u32 $0xFFFF0000, v0;
	v1 =	vand.u32 $0xFFFF0000, v42;
	v2 =	vand.u32 $0xFFFF0000, v43  }
0x272: {  	v3 =	vand.u32 $0xFFFF0000, v44;
	v4 =	vand.u32 $0xFFFF0000, v4;
	v5 =	vand.u32 $0xFFFF0000, v45  }
0x273: {  	v6 =	vand.u32 $0xFFFF0000, v46;
	v7 =	vand.u32 $0xFFFF0000, v47;
	v8 =	vand.u32 $0xFFFF0000, v48  }
0x274: {  	v9 =	vand.u32 $0xFFFF0000, v49;
	v10 =	vand.u32 $0xFFFF0000, v50;
	v11 =	vand.u32 $0xFFFF0000, v51  }
0x275: {  	v12 =	vand.u32 $0xFFFF0000, v52;
	v13 =	vand.u32 $0xFFFF0000, v53;
	v14 =	vand.u32 $0xFFFF0000, v54  }
0x276: {  	v15 =	vand.u32 $0xFFFF0000, v55;
	v16 =	vmax.f32 v56, v57;
	v41 =	vmax.f32 v58, v59  }
0x277: {  	v42 =	vmax.f32 v60, v61;
	v43 =	vmax.f32 v62, v63;
	v44 =	vmax.f32 v33, v34  }
0x278: {  	v45 =	vmax.f32 v35, v36;
	v46 =	vmax.f32 v37, v38;
	v47 =	vmax.f32 v39, v40  }
0x279: {  	v0 =	vmax.f32 v0, v1;
	v52 =	vmax.f32 v2, v3;
	v53 =	vmax.f32 v4, v5  }
0x27a: {  	v54 =	vmax.f32 v6, v7;
	v55 =	vmax.f32 v8, v9;
	v56 =	vmax.f32 v10, v11  }
0x27b: {  	v57 =	vmax.f32 v12, v13;
	v58 =	vmax.f32 v14, v15;
	v16 =	vmax.f32 v16, v41  }
0x27c: {  	p0 =	sne.s32 s17, $0xF00;
	v48 =	vmax.f32 v42, v43;
	v49 =	vmax.f32 v44, v45;
	v50 =	vmax.f32 v46, v47  }
.Ltmp1:
0x27d: {  	v0 =	vmax.f32 v0, v52;
	v59 =	vmax.f32 v53, v54;
	v60 =	vmax.f32 v55, v56;
	(pc) =	sbr.rel @p0 .LBB2_5-.Ltmp1, $4  }
0x27e: {  	v61 =	vmax.f32 v57, v58;
	v16 =	vmax.f32 v16, v48;
	v51 =	vmax.f32 v49, v50  }
0x27f: {  	v0 =	vmax.f32 v0, v59;
	v63 =	vmax.f32 v60, v61;
	v62 =	vmax.f32 v16, v51  }
0x280: {  	v0 =	vmax.f32 v0, v63;
	[tilespmem:s19+$0x8820] =	vst v62  }
0x281: {  	s17 =	sadd.s32 $0x200, s17;
	s18 =	sadd.s32 $0x800, s18;
	[tilespmem:s19+$0x8830] =	vst v0  }
0x282: {  	s15 =	sadd.s32 $0x1, s15  }
0x283: {  	s16 =	sshll.u32 s16, $0x8;
	p0 =	sne.s32 s15, $0x4  }
.Ltmp2:
0x284: {  	s16 =	sadd.s32 s16, s5;
	(pc) =	sbr.rel @p0 .LBB2_2-.Ltmp2, $4  }
0x285: {  	[hbm4b:s16+s3] =	stream.linear.scatter [tilespmem:s12], [sflag:$0x3], $0x800, $0x38;
	[tilespmem:$0x8C00] =	vst v63  }
0x286: {  	_ =	swait.ge [sflag:s7], $0x800  }
0x287: {  	[sflag:s7] =	ssyncset.done $0x0  }
0x288: {  	[sflag:s7] =	ssyncadd.s32 $0xFFFFF800  }
0x289: {  	s14 =	sadd.s32 $0x1, s14  }
0x28a: {  	p0 =	sne.s32 s14, s6  }
.Ltmp3:
0x28b: {  	_ = 	snop;
	(pc) =	sbr.rel @p0 .LBB2_1-.Ltmp3, $1  }
0x28c: {  	_ =	sdelay $0x3  }
0x28d: {  	_ =	sfence.sel $0x180000  }
0x28e: {  	[bflag:$0x0] =	sbarrier.arrive $0xFFFF  }
0x28f: {  	p0 =	sne.s32 s1, $0x0;
	_ =	strace $0x90000047  }
0x290: {  	s0 =	sadd.s32 @!p0 $0x100000, s0;
	[bflag:$0x2] =	sbarrier.arrive $0xFFFF  }
0x291: {  	[sflag:s0] =	ssyncadd.tile.s32 @!p0 $0x1;
	_ =	shalt  }
.Lfunc_end2:
_tile_overlayer_lowered:
.L_overlay_start_2:
0x292: {  	(tag) =	ssettag $0x2  }
0x293: {  	s0 =	rddreg [dreg:$0x0];
	s2 =	stileid.u32  }
0x294: {  	s1 =	rddreg [dreg:$0x1];
	p0 =	sne.s32 s2, $0x0  }
0x295: {  	s3 =	rddreg [dreg:$0x2];
	[bflag:$0x3] =	sbarrier.arrive $0xFFFF;
	s2 =	simm.s32 @!p0 $0x1C03  }
0x296: {  	[timem:s3], [sflag:s2] =	dma.local @!p0 [hbm:s0], s1  }
0x297: {  	s0 =	simm.s32 @!p0 $0x3  }
0x298: {  	_ =	swait.ge @!p0 [sflag:s0], s1  }
0x299: {  	s1 =	ssub.s32 @!p0 $0x0, s1;
	[sflag:s0] =	ssyncset.done @!p0 $0x0  }
0x29a: {  	[sflag:s0] =	ssyncadd.s32 @!p0 s1  }
0x29b: {  	[bflag:$0x3] =	sbarrier.arrive $0xFFFF  }
0x29c: {  	_ =	shalt  }

</sc_bundles>
